<compile_context>
chip_gen: v7x
topology: tpu7x:2x2x1
jax: 0.10.2.dev20260603
libtpu: 0.0.44.dev20260713+nightly
codegen_flags: <defaults>
</compile_context>

<pallas_src>
import jax
import jax.numpy as jnp
from jax import lax
from jax.experimental import pallas as pl
from jax.experimental.pallas import tpu as pltpu
from jax.experimental.pallas import tpu_sc as plsc

_L = 16
_NC = 2
_NS = 16
_NW = _NC * _NS
_ROWS = 128
_N = 32768
_NH = _N // 2
_NV = _N // _L
_NG = _NV // _L
_RPW = _ROWS // _NW
_T = 12
_PAD = 256
_NEG = -3.0e38


def _tree_max(vs):
    while len(vs) > 1:
        vs = [jnp.maximum(vs[i], vs[i + 1]) for i in range(0, len(vs) - 1, 2)] + (
            [vs[-1]] if len(vs) % 2 else []
        )
    return vs[0]


def _sc_body(x_hbm, out_hbm, xva, xvb, avov, gmax, clist,
             sia0, sia1, sib0, sib1, so0, so1):
    cid = lax.axis_index("c")
    sid = lax.axis_index("s")
    wid = sid * _NC + cid
    row0 = wid * _RPW
    lane = lax.iota(jnp.int32, _L)
    zero = jnp.zeros((_L,), jnp.float32)
    negv = jnp.full((_L,), _NEG, jnp.float32)

    def start_in(row, buf, s0, s1):
        return (
            pltpu.async_copy(x_hbm.at[row, pl.ds(0, _NH)],
                             buf.at[pl.ds(0, _NH)], s0),
            pltpu.async_copy(x_hbm.at[row, pl.ds(_NH, _NH)],
                             buf.at[pl.ds(_NH, _NH)], s1),
        )

    in_descs = [None] * _RPW
    in_descs[0] = start_in(row0, xva, sia0, sia1)
    for j in range(_PAD // _L):
        xva[pl.ds(_N + j * _L, _L)] = negv
        xvb[pl.ds(_N + j * _L, _L)] = negv

    out_descs = None
    for r in range(_RPW):
        xv = xva if r % 2 == 0 else xvb
        for d in in_descs[r]:
            d.wait()
        if r + 1 < _RPW:
            nxv = xvb if r % 2 == 0 else xva
            s0, s1 = (sib0, sib1) if r % 2 == 0 else (sia0, sia1)
            in_descs[r + 1] = start_in(row0 + r + 1, nxv, s0, s1)

        def p1(g, macc, xv=xv):
            vs = [xv[pl.ds(g * 256 + j * _L, _L)] for j in range(_L)]
            gm = _tree_max(vs)
            gmax[pl.ds(g * _L, _L)] = gm
            return jnp.maximum(macc, gm)

        macc = lax.fori_loop(0, _NG, p1, negv)
        mx = jnp.max(macc)
        thr = mx - 1.0

        def p2(g, base):
            gm = gmax[pl.ds(g * _L, _L)]
            m = gm > thr
            mi = jnp.where(m, 1, 0)
            pos = plsc.cumsum(mi) - mi
            plsc.store_scatter(clist, [pos + base], g * _L + lane, mask=m)
            return base + plsc.all_reduce_population_count(m)

        base = lax.fori_loop(0, _NG, p2, jnp.zeros((_L,), jnp.int32))
        nact = jnp.max(base)
        plsc.store_scatter(clist, [nact + lane], jnp.full((_L,), _NV, jnp.int32))
        ngr = lax.shift_right_logical(nact + (_L - 1), 4)

        if out_descs is not None:
            for d in out_descs:
                d.wait()

        def p3(q, c, xv=xv):
            cl = clist[pl.ds(q * _L, _L)]
            bv = lax.shift_right_logical(cl, 4) * 256 + jnp.bitwise_and(cl, 15)
            for j in range(_L):
                avov[pl.ds(q * 256 + j * _L, _L)] = plsc.load_gather(
                    xv, [bv + j * _L]
                )
            return c

        lax.fori_loop(0, ngr, p3, 0)

        lo0 = thr + zero
        hi0 = mx + zero

        def p4(_, carry):
            lo, hi, t = carry

            def ev(j, c):
                s, k = c
                for u in range(8):
                    v = avov[pl.ds(j * 128 + u * _L, _L)]
                    m = v > t
                    s = s + jnp.where(m, v, 0.0)
                    k = k + jnp.where(m, 1.0, 0.0)
                return s, k

            s_v, k_v = lax.fori_loop(0, ngr * 2, ev, (zero, zero))
            s = jnp.sum(s_v) + zero
            k = jnp.sum(k_v) + zero
            f = s - k * t
            ge = f >= 1.0
            lo = jnp.where(ge, t, lo)
            hi = jnp.where(ge, hi, t)
            nt = jnp.where(k > 0.5, (s - 1.0) / jnp.maximum(k, 1.0), lo)
            lo = jnp.maximum(lo, nt)
            return lo, hi, 0.5 * (lo + hi)

        tau, _hi, _t = lax.fori_loop(0, _T, p4, (lo0, hi0, lo0))

        def p5(i, c, xv=xv):
            for u in range(8):
                sl = pl.ds(i * 128 + u * _L, _L)
                avov[sl] = jnp.maximum(xv[sl] - tau, 0.0)
            return c

        lax.fori_loop(0, _NV // 8, p5, 0)
        out_descs = (
            pltpu.async_copy(avov.at[pl.ds(0, _NH)],
                             out_hbm.at[row0 + r, pl.ds(0, _NH)], so0),
            pltpu.async_copy(avov.at[pl.ds(_NH, _NH)],
                             out_hbm.at[row0 + r, pl.ds(_NH, _NH)], so1),
        )
    for d in out_descs:
        d.wait()


@jax.jit
def kernel(x):
    mesh = plsc.VectorSubcoreMesh(
        core_axis_name="c", subcore_axis_name="s",
        num_cores=_NC, num_subcores=_NS,
    )
    return pl.kernel(
        _sc_body,
        out_type=jax.ShapeDtypeStruct((_ROWS, _N), jnp.float32),
        mesh=mesh,
        scratch_types=[
            pltpu.VMEM((_N + _PAD,), jnp.float32),
            pltpu.VMEM((_N + _PAD,), jnp.float32),
            pltpu.VMEM((_N + _PAD,), jnp.float32),
            pltpu.VMEM((_NV,), jnp.float32),
            pltpu.VMEM((_NV + _L,), jnp.int32),
            pltpu.SemaphoreType.DMA,
            pltpu.SemaphoreType.DMA,
            pltpu.SemaphoreType.DMA,
            pltpu.SemaphoreType.DMA,
            pltpu.SemaphoreType.DMA,
            pltpu.SemaphoreType.DMA,
        ],
        compiler_params=pltpu.CompilerParams(needs_layout_passes=False),
    )(x)

# --- scband reference (transcript-rebuilt; emitter-appended) ---
"""Pipeline reference for scband-sparsemax-13580686590267 (READ-ONLY COPY).

The authoritative reference and input builder live on the scoring server;
editing this copy changes nothing except your own understanding.
"""

import jax, jax.numpy as jnp
import numpy as np

_DIM = -1


def sparsemax(x, dim=_DIM):
    dim = dim % x.ndim
    n = x.shape[dim]
    # sort descending along dim
    x_sorted = -jnp.sort(-x, axis=dim)
    x_cum = jnp.cumsum(x_sorted, axis=dim)
    k = jnp.arange(1, n + 1, dtype=x.dtype)
    k_shape = [1] * dim + [n] + [1] * (x.ndim - dim - 1)
    k_expanded = k.reshape(k_shape)
    constraint = (1 + k_expanded * x_sorted) > x_cum
    k_x = jnp.sum(constraint.astype(jnp.int32), axis=dim)
    k_x = jnp.maximum(k_x, jnp.array(1, dtype=k_x.dtype))
    idx = jnp.expand_dims(k_x - 1, axis=dim).astype(jnp.int32)
    tau_sum = jnp.take_along_axis(x_cum, idx, axis=dim)
    tau = (tau_sum - 1) / jnp.expand_dims(k_x, axis=dim).astype(x.dtype)
    out = jax.nn.relu(x - tau.astype(x.dtype))
    out = jnp.where(jnp.isfinite(out), out, jnp.array(float('nan'), dtype=x.dtype))
    return out


def setup_inputs(seed: int = 0) -> dict:
    key = jax.random.key(seed)
    x = jax.random.normal(key, (128, 32768), dtype=jnp.float32)
    return {"x": x}


def reference(x):
    return sparsemax(x, _DIM)

if __name__ == "__main__":
    import jax
    _d = setup_inputs()
    print(jax.jit(kernel)(*tuple(_d.values())))

</pallas_src>

<mosaic_0001>
#map = affine_map<(d0, d1) -> (0, 0)>
module attributes {stable_mosaic.version = 14 : i64} {
  func.func @_sc_body(%arg0: i32, %arg1: i32, %arg2: memref<128x32768xf32, #tpu.memory_space<hbm>>, %arg3: memref<128x32768xf32, #tpu.memory_space<hbm>>, %arg4: memref<33024xf32, #tpu.memory_space<vmem>>, %arg5: memref<33024xf32, #tpu.memory_space<vmem>>, %arg6: memref<33024xf32, #tpu.memory_space<vmem>>, %arg7: memref<2048xf32, #tpu.memory_space<vmem>>, %arg8: memref<2064xi32, #tpu.memory_space<vmem>>, %arg9: memref<!tpu.dma_semaphore, #tpu.memory_space<semaphore_mem>>, %arg10: memref<!tpu.dma_semaphore, #tpu.memory_space<semaphore_mem>>, %arg11: memref<!tpu.dma_semaphore, #tpu.memory_space<semaphore_mem>>, %arg12: memref<!tpu.dma_semaphore, #tpu.memory_space<semaphore_mem>>, %arg13: memref<!tpu.dma_semaphore, #tpu.memory_space<semaphore_mem>>, %arg14: memref<!tpu.dma_semaphore, #tpu.memory_space<semaphore_mem>>) attributes {dimension_semantics = [#tpu.dimension_semantics<core_parallel>, #tpu.dimension_semantics<subcore_parallel>], iteration_bounds = array<i64: 2, 16>, scalar_prefetch = 0 : i64, scratch_operands = 11 : i64, tpu.core_type = #tpu.core_type<sc_vector_subcore>, window_params = [{transform_indices = #map}, {transform_indices = #map}]} {
    %mul3A = arith.constant 2 : i32
    %mul3A_0 = arith.muli %arg1, %mul3A : i32
    %add3A = arith.addi %mul3A_0, %arg0 : i32
    %mul3A_1 = arith.constant 4 : i32
    %mul3A_2 = arith.muli %add3A, %mul3A_1 : i32
    %iota3A = tpu.iota {dimensions = array<i32: 0>} : vector<16xi32>
    %broadcast_in_dim3A = arith.constant 0.000000e+00 : f32
    %broadcast_in_dim3A_3 = vector.broadcast %broadcast_in_dim3A : f32 to vector<16xf32>
    %broadcast_in_dim3A_4 = arith.constant -3.000000e+38 : f32
    %broadcast_in_dim3A_5 = vector.broadcast %broadcast_in_dim3A_4 : f32 to vector<16xf32>
    %dma_start3A = arith.constant 0 : i32
    %dma_start3A_6 = tpu.memref_slice %arg4[%dma_start3A] : memref<33024xf32, #tpu.memory_space<vmem>> -> memref<16384xf32, #tpu.memory_space<vmem>>
    %dma_start3A_7 = arith.constant 0 : i32
    %dma_start3A_8 = tpu.memref_slice %arg2[%mul3A_2, %dma_start3A_7] : memref<128x32768xf32, #tpu.memory_space<hbm>> -> memref<1x16384xf32, #tpu.memory_space<hbm>>
    %dma_start3A_9 = tpu.memref_squeeze %dma_start3A_8 : memref<1x16384xf32, #tpu.memory_space<hbm>> -> memref<16384xf32, #tpu.memory_space<hbm>>
    %dma_start3A_10 = arith.constant 0 : i32
    %dma_start3A_11 = tpu.memref_slice %arg4[%dma_start3A_10] : memref<33024xf32, #tpu.memory_space<vmem>> -> memref<16384xf32, #tpu.memory_space<vmem>>
    %dma_start3A_12 = arith.constant 0 : i32
    %dma_start3A_13 = tpu.memref_slice %arg2[%mul3A_2, %dma_start3A_12] : memref<128x32768xf32, #tpu.memory_space<hbm>> -> memref<1x16384xf32, #tpu.memory_space<hbm>>
    %dma_start3A_14 = tpu.memref_squeeze %dma_start3A_13 : memref<1x16384xf32, #tpu.memory_space<hbm>> -> memref<16384xf32, #tpu.memory_space<hbm>>
    tpu.enqueue_dma source(%dma_start3A_14 : memref<16384xf32, #tpu.memory_space<hbm>>) target(%dma_start3A_11 : memref<16384xf32, #tpu.memory_space<vmem>>) target_semaphore(%arg9 : memref<!tpu.dma_semaphore, #tpu.memory_space<semaphore_mem>>)
    %dma_start3A_15 = arith.constant 16384 : i32
    %dma_start3A_16 = tpu.memref_slice %arg4[%dma_start3A_15] : memref<33024xf32, #tpu.memory_space<vmem>> -> memref<16384xf32, #tpu.memory_space<vmem>>
    %dma_start3A_17 = arith.constant 16384 : i32
    %dma_start3A_18 = tpu.memref_slice %arg2[%mul3A_2, %dma_start3A_17] : memref<128x32768xf32, #tpu.memory_space<hbm>> -> memref<1x16384xf32, #tpu.memory_space<hbm>>
    %dma_start3A_19 = tpu.memref_squeeze %dma_start3A_18 : memref<1x16384xf32, #tpu.memory_space<hbm>> -> memref<16384xf32, #tpu.memory_space<hbm>>
    %dma_start3A_20 = arith.constant 16384 : i32
    %dma_start3A_21 = tpu.memref_slice %arg4[%dma_start3A_20] : memref<33024xf32, #tpu.memory_space<vmem>> -> memref<16384xf32, #tpu.memory_space<vmem>>
    %dma_start3A_22 = arith.constant 16384 : i32
    %dma_start3A_23 = tpu.memref_slice %arg2[%mul3A_2, %dma_start3A_22] : memref<128x32768xf32, #tpu.memory_space<hbm>> -> memref<1x16384xf32, #tpu.memory_space<hbm>>
    %dma_start3A_24 = tpu.memref_squeeze %dma_start3A_23 : memref<1x16384xf32, #tpu.memory_space<hbm>> -> memref<16384xf32, #tpu.memory_space<hbm>>
    tpu.enqueue_dma source(%dma_start3A_24 : memref<16384xf32, #tpu.memory_space<hbm>>) target(%dma_start3A_21 : memref<16384xf32, #tpu.memory_space<vmem>>) target_semaphore(%arg10 : memref<!tpu.dma_semaphore, #tpu.memory_space<semaphore_mem>>)
    %swap3A = arith.constant 32768 : index
    %swap3A_25 = tpu.vector_load %arg4[%swap3A] {strides = array<i32>} : memref<33024xf32, #tpu.memory_space<vmem>>, vector<16xf32>,
    tpu.vector_store %arg4[%swap3A], %broadcast_in_dim3A_5 {strides = array<i32>} : memref<33024xf32, #tpu.memory_space<vmem>>, vector<16xf32>,
    %swap3A_26 = arith.constant 32768 : index
    %swap3A_27 = tpu.vector_load %arg5[%swap3A_26] {strides = array<i32>} : memref<33024xf32, #tpu.memory_space<vmem>>, vector<16xf32>,
    tpu.vector_store %arg5[%swap3A_26], %broadcast_in_dim3A_5 {strides = array<i32>} : memref<33024xf32, #tpu.memory_space<vmem>>, vector<16xf32>,
    %swap3A_28 = arith.constant 32784 : index
    %swap3A_29 = tpu.vector_load %arg4[%swap3A_28] {strides = array<i32>} : memref<33024xf32, #tpu.memory_space<vmem>>, vector<16xf32>,
    tpu.vector_store %arg4[%swap3A_28], %broadcast_in_dim3A_5 {strides = array<i32>} : memref<33024xf32, #tpu.memory_space<vmem>>, vector<16xf32>,
    %swap3A_30 = arith.constant 32784 : index
    %swap3A_31 = tpu.vector_load %arg5[%swap3A_30] {strides = array<i32>} : memref<33024xf32, #tpu.memory_space<vmem>>, vector<16xf32>,
    tpu.vector_store %arg5[%swap3A_30], %broadcast_in_dim3A_5 {strides = array<i32>} : memref<33024xf32, #tpu.memory_space<vmem>>, vector<16xf32>,
    %swap3A_32 = arith.constant 32800 : index
    %swap3A_33 = tpu.vector_load %arg4[%swap3A_32] {strides = array<i32>} : memref<33024xf32, #tpu.memory_space<vmem>>, vector<16xf32>,
    tpu.vector_store %arg4[%swap3A_32], %broadcast_in_dim3A_5 {strides = array<i32>} : memref<33024xf32, #tpu.memory_space<vmem>>, vector<16xf32>,
    %swap3A_34 = arith.constant 32800 : index
    %swap3A_35 = tpu.vector_load %arg5[%swap3A_34] {strides = array<i32>} : memref<33024xf32, #tpu.memory_space<vmem>>, vector<16xf32>,
    tpu.vector_store %arg5[%swap3A_34], %broadcast_in_dim3A_5 {strides = array<i32>} : memref<33024xf32, #tpu.memory_space<vmem>>, vector<16xf32>,
    %swap3A_36 = arith.constant 32816 : index
    %swap3A_37 = tpu.vector_load %arg4[%swap3A_36] {strides = array<i32>} : memref<33024xf32, #tpu.memory_space<vmem>>, vector<16xf32>,
    tpu.vector_store %arg4[%swap3A_36], %broadcast_in_dim3A_5 {strides = array<i32>} : memref<33024xf32, #tpu.memory_space<vmem>>, vector<16xf32>,
    %swap3A_38 = arith.constant 32816 : index
    %swap3A_39 = tpu.vector_load %arg5[%swap3A_38] {strides = array<i32>} : memref<33024xf32, #tpu.memory_space<vmem>>, vector<16xf32>,
    tpu.vector_store %arg5[%swap3A_38], %broadcast_in_dim3A_5 {strides = array<i32>} : memref<33024xf32, #tpu.memory_space<vmem>>, vector<16xf32>,
    %swap3A_40 = arith.constant 32832 : index
    %swap3A_41 = tpu.vector_load %arg4[%swap3A_40] {strides = array<i32>} : memref<33024xf32, #tpu.memory_space<vmem>>, vector<16xf32>,
    tpu.vector_store %arg4[%swap3A_40], %broadcast_in_dim3A_5 {strides = array<i32>} : memref<33024xf32, #tpu.memory_space<vmem>>, vector<16xf32>,
    %swap3A_42 = arith.constant 32832 : index
    %swap3A_43 = tpu.vector_load %arg5[%swap3A_42] {strides = array<i32>} : memref<33024xf32, #tpu.memory_space<vmem>>, vector<16xf32>,
    tpu.vector_store %arg5[%swap3A_42], %broadcast_in_dim3A_5 {strides = array<i32>} : memref<33024xf32, #tpu.memory_space<vmem>>, vector<16xf32>,
    %swap3A_44 = arith.constant 32848 : index
    %swap3A_45 = tpu.vector_load %arg4[%swap3A_44] {strides = array<i32>} : memref<33024xf32, #tpu.memory_space<vmem>>, vector<16xf32>,
    tpu.vector_store %arg4[%swap3A_44], %broadcast_in_dim3A_5 {strides = array<i32>} : memref<33024xf32, #tpu.memory_space<vmem>>, vector<16xf32>,
    %swap3A_46 = arith.constant 32848 : index
    %swap3A_47 = tpu.vector_load %arg5[%swap3A_46] {strides = array<i32>} : memref<33024xf32, #tpu.memory_space<vmem>>, vector<16xf32>,
    tpu.vector_store %arg5[%swap3A_46], %broadcast_in_dim3A_5 {strides = array<i32>} : memref<33024xf32, #tpu.memory_space<vmem>>, vector<16xf32>,
    %swap3A_48 = arith.constant 32864 : index
    %swap3A_49 = tpu.vector_load %arg4[%swap3A_48] {strides = array<i32>} : memref<33024xf32, #tpu.memory_space<vmem>>, vector<16xf32>,
    tpu.vector_store %arg4[%swap3A_48], %broadcast_in_dim3A_5 {strides = array<i32>} : memref<33024xf32, #tpu.memory_space<vmem>>, vector<16xf32>,
    %swap3A_50 = arith.constant 32864 : index
    %swap3A_51 = tpu.vector_load %arg5[%swap3A_50] {strides = array<i32>} : memref<33024xf32, #tpu.memory_space<vmem>>, vector<16xf32>,
    tpu.vector_store %arg5[%swap3A_50], %broadcast_in_dim3A_5 {strides = array<i32>} : memref<33024xf32, #tpu.memory_space<vmem>>, vector<16xf32>,
    %swap3A_52 = arith.constant 32880 : index
    %swap3A_53 = tpu.vector_load %arg4[%swap3A_52] {strides = array<i32>} : memref<33024xf32, #tpu.memory_space<vmem>>, vector<16xf32>,
    tpu.vector_store %arg4[%swap3A_52], %broadcast_in_dim3A_5 {strides = array<i32>} : memref<33024xf32, #tpu.memory_space<vmem>>, vector<16xf32>,
    %swap3A_54 = arith.constant 32880 : index
    %swap3A_55 = tpu.vector_load %arg5[%swap3A_54] {strides = array<i32>} : memref<33024xf32, #tpu.memory_space<vmem>>, vector<16xf32>,
    tpu.vector_store %arg5[%swap3A_54], %broadcast_in_dim3A_5 {strides = array<i32>} : memref<33024xf32, #tpu.memory_space<vmem>>, vector<16xf32>,
    %swap3A_56 = arith.constant 32896 : index
    %swap3A_57 = tpu.vector_load %arg4[%swap3A_56] {strides = array<i32>} : memref<33024xf32, #tpu.memory_space<vmem>>, vector<16xf32>,
    tpu.vector_store %arg4[%swap3A_56], %broadcast_in_dim3A_5 {strides = array<i32>} : memref<33024xf32, #tpu.memory_space<vmem>>, vector<16xf32>,
    %swap3A_58 = arith.constant 32896 : index
    %swap3A_59 = tpu.vector_load %arg5[%swap3A_58] {strides = array<i32>} : memref<33024xf32, #tpu.memory_space<vmem>>, vector<16xf32>,
    tpu.vector_store %arg5[%swap3A_58], %broadcast_in_dim3A_5 {strides = array<i32>} : memref<33024xf32, #tpu.memory_space<vmem>>, vector<16xf32>,
    %swap3A_60 = arith.constant 32912 : index
    %swap3A_61 = tpu.vector_load %arg4[%swap3A_60] {strides = array<i32>} : memref<33024xf32, #tpu.memory_space<vmem>>, vector<16xf32>,
    tpu.vector_store %arg4[%swap3A_60], %broadcast_in_dim3A_5 {strides = array<i32>} : memref<33024xf32, #tpu.memory_space<vmem>>, vector<16xf32>,
    %swap3A_62 = arith.constant 32912 : index
    %swap3A_63 = tpu.vector_load %arg5[%swap3A_62] {strides = array<i32>} : memref<33024xf32, #tpu.memory_space<vmem>>, vector<16xf32>,
    tpu.vector_store %arg5[%swap3A_62], %broadcast_in_dim3A_5 {strides = array<i32>} : memref<33024xf32, #tpu.memory_space<vmem>>, vector<16xf32>,
    %swap3A_64 = arith.constant 32928 : index
    %swap3A_65 = tpu.vector_load %arg4[%swap3A_64] {strides = array<i32>} : memref<33024xf32, #tpu.memory_space<vmem>>, vector<16xf32>,
    tpu.vector_store %arg4[%swap3A_64], %broadcast_in_dim3A_5 {strides = array<i32>} : memref<33024xf32, #tpu.memory_space<vmem>>, vector<16xf32>,
    %swap3A_66 = arith.constant 32928 : index
    %swap3A_67 = tpu.vector_load %arg5[%swap3A_66] {strides = array<i32>} : memref<33024xf32, #tpu.memory_space<vmem>>, vector<16xf32>,
    tpu.vector_store %arg5[%swap3A_66], %broadcast_in_dim3A_5 {strides = array<i32>} : memref<33024xf32, #tpu.memory_space<vmem>>, vector<16xf32>,
    %swap3A_68 = arith.constant 32944 : index
    %swap3A_69 = tpu.vector_load %arg4[%swap3A_68] {strides = array<i32>} : memref<33024xf32, #tpu.memory_space<vmem>>, vector<16xf32>,
    tpu.vector_store %arg4[%swap3A_68], %broadcast_in_dim3A_5 {strides = array<i32>} : memref<33024xf32, #tpu.memory_space<vmem>>, vector<16xf32>,
    %swap3A_70 = arith.constant 32944 : index
    %swap3A_71 = tpu.vector_load %arg5[%swap3A_70] {strides = array<i32>} : memref<33024xf32, #tpu.memory_space<vmem>>, vector<16xf32>,
    tpu.vector_store %arg5[%swap3A_70], %broadcast_in_dim3A_5 {strides = array<i32>} : memref<33024xf32, #tpu.memory_space<vmem>>, vector<16xf32>,
    %swap3A_72 = arith.constant 32960 : index
    %swap3A_73 = tpu.vector_load %arg4[%swap3A_72] {strides = array<i32>} : memref<33024xf32, #tpu.memory_space<vmem>>, vector<16xf32>,
    tpu.vector_store %arg4[%swap3A_72], %broadcast_in_dim3A_5 {strides = array<i32>} : memref<33024xf32, #tpu.memory_space<vmem>>, vector<16xf32>,
    %swap3A_74 = arith.constant 32960 : index
    %swap3A_75 = tpu.vector_load %arg5[%swap3A_74] {strides = array<i32>} : memref<33024xf32, #tpu.memory_space<vmem>>, vector<16xf32>,
    tpu.vector_store %arg5[%swap3A_74], %broadcast_in_dim3A_5 {strides = array<i32>} : memref<33024xf32, #tpu.memory_space<vmem>>, vector<16xf32>,
    %swap3A_76 = arith.constant 32976 : index
    %swap3A_77 = tpu.vector_load %arg4[%swap3A_76] {strides = array<i32>} : memref<33024xf32, #tpu.memory_space<vmem>>, vector<16xf32>,
    tpu.vector_store %arg4[%swap3A_76], %broadcast_in_dim3A_5 {strides = array<i32>} : memref<33024xf32, #tpu.memory_space<vmem>>, vector<16xf32>,
    %swap3A_78 = arith.constant 32976 : index
    %swap3A_79 = tpu.vector_load %arg5[%swap3A_78] {strides = array<i32>} : memref<33024xf32, #tpu.memory_space<vmem>>, vector<16xf32>,
    tpu.vector_store %arg5[%swap3A_78], %broadcast_in_dim3A_5 {strides = array<i32>} : memref<33024xf32, #tpu.memory_space<vmem>>, vector<16xf32>,
    %swap3A_80 = arith.constant 32992 : index
    %swap3A_81 = tpu.vector_load %arg4[%swap3A_80] {strides = array<i32>} : memref<33024xf32, #tpu.memory_space<vmem>>, vector<16xf32>,
    tpu.vector_store %arg4[%swap3A_80], %broadcast_in_dim3A_5 {strides = array<i32>} : memref<33024xf32, #tpu.memory_space<vmem>>, vector<16xf32>,
    %swap3A_82 = arith.constant 32992 : index
    %swap3A_83 = tpu.vector_load %arg5[%swap3A_82] {strides = array<i32>} : memref<33024xf32, #tpu.memory_space<vmem>>, vector<16xf32>,
    tpu.vector_store %arg5[%swap3A_82], %broadcast_in_dim3A_5 {strides = array<i32>} : memref<33024xf32, #tpu.memory_space<vmem>>, vector<16xf32>,
    %swap3A_84 = arith.constant 33008 : index
    %swap3A_85 = tpu.vector_load %arg4[%swap3A_84] {strides = array<i32>} : memref<33024xf32, #tpu.memory_space<vmem>>, vector<16xf32>,
    tpu.vector_store %arg4[%swap3A_84], %broadcast_in_dim3A_5 {strides = array<i32>} : memref<33024xf32, #tpu.memory_space<vmem>>, vector<16xf32>,
    %swap3A_86 = arith.constant 33008 : index
    %swap3A_87 = tpu.vector_load %arg5[%swap3A_86] {strides = array<i32>} : memref<33024xf32, #tpu.memory_space<vmem>>, vector<16xf32>,
    tpu.vector_store %arg5[%swap3A_86], %broadcast_in_dim3A_5 {strides = array<i32>} : memref<33024xf32, #tpu.memory_space<vmem>>, vector<16xf32>,
    %dma_wait3A = arith.constant 0 : i32
    %dma_wait3A_88 = tpu.memref_slice %arg4[%dma_wait3A] : memref<33024xf32, #tpu.memory_space<vmem>> -> memref<16384xf32, #tpu.memory_space<vmem>>
    %dma_wait3A_89 = arith.constant 0 : i32
    %dma_wait3A_90 = tpu.memref_slice %arg2[%mul3A_2, %dma_wait3A_89] : memref<128x32768xf32, #tpu.memory_space<hbm>> -> memref<1x16384xf32, #tpu.memory_space<hbm>>
    %dma_wait3A_91 = tpu.memref_squeeze %dma_wait3A_90 : memref<1x16384xf32, #tpu.memory_space<hbm>> -> memref<16384xf32, #tpu.memory_space<hbm>>
    %dma_wait3A_92 = arith.constant 0 : i32
    %dma_wait3A_93 = tpu.memref_slice %arg4[%dma_wait3A_92] : memref<33024xf32, #tpu.memory_space<vmem>> -> memref<16384xf32, #tpu.memory_space<vmem>>
    %dma_wait3A_94 = arith.constant 0 : i32
    %dma_wait3A_95 = tpu.memref_slice %arg2[%mul3A_2, %dma_wait3A_94] : memref<128x32768xf32, #tpu.memory_space<hbm>> -> memref<1x16384xf32, #tpu.memory_space<hbm>>
    %dma_wait3A_96 = tpu.memref_squeeze %dma_wait3A_95 : memref<1x16384xf32, #tpu.memory_space<hbm>> -> memref<16384xf32, #tpu.memory_space<hbm>>
    tpu.wait_dma2 semaphore(%arg9 : memref<!tpu.dma_semaphore, #tpu.memory_space<semaphore_mem>>) src(%dma_wait3A_96 : memref<16384xf32, #tpu.memory_space<hbm>>) dst(%dma_wait3A_93 : memref<16384xf32, #tpu.memory_space<vmem>>)
    %dma_wait3A_97 = arith.constant 16384 : i32
    %dma_wait3A_98 = tpu.memref_slice %arg4[%dma_wait3A_97] : memref<33024xf32, #tpu.memory_space<vmem>> -> memref<16384xf32, #tpu.memory_space<vmem>>
    %dma_wait3A_99 = arith.constant 16384 : i32
    %dma_wait3A_100 = tpu.memref_slice %arg2[%mul3A_2, %dma_wait3A_99] : memref<128x32768xf32, #tpu.memory_space<hbm>> -> memref<1x16384xf32, #tpu.memory_space<hbm>>
    %dma_wait3A_101 = tpu.memref_squeeze %dma_wait3A_100 : memref<1x16384xf32, #tpu.memory_space<hbm>> -> memref<16384xf32, #tpu.memory_space<hbm>>
    %dma_wait3A_102 = arith.constant 16384 : i32
    %dma_wait3A_103 = tpu.memref_slice %arg4[%dma_wait3A_102] : memref<33024xf32, #tpu.memory_space<vmem>> -> memref<16384xf32, #tpu.memory_space<vmem>>
    %dma_wait3A_104 = arith.constant 16384 : i32
    %dma_wait3A_105 = tpu.memref_slice %arg2[%mul3A_2, %dma_wait3A_104] : memref<128x32768xf32, #tpu.memory_space<hbm>> -> memref<1x16384xf32, #tpu.memory_space<hbm>>
    %dma_wait3A_106 = tpu.memref_squeeze %dma_wait3A_105 : memref<1x16384xf32, #tpu.memory_space<hbm>> -> memref<16384xf32, #tpu.memory_space<hbm>>
    tpu.wait_dma2 semaphore(%arg10 : memref<!tpu.dma_semaphore, #tpu.memory_space<semaphore_mem>>) src(%dma_wait3A_106 : memref<16384xf32, #tpu.memory_space<hbm>>) dst(%dma_wait3A_103 : memref<16384xf32, #tpu.memory_space<vmem>>)
    %add3A_107 = arith.constant 0 : i32
    %add3A_108 = arith.addi %mul3A_2, %add3A_107 : i32
    %add3A_109 = arith.constant 1 : i32
    %add3A_110 = arith.addi %add3A_108, %add3A_109 : i32
    %dma_start3A_111 = arith.constant 0 : i32
    %dma_start3A_112 = tpu.memref_slice %arg5[%dma_start3A_111] : memref<33024xf32, #tpu.memory_space<vmem>> -> memref<16384xf32, #tpu.memory_space<vmem>>
    %dma_start3A_113 = arith.constant 0 : i32
    %dma_start3A_114 = tpu.memref_slice %arg2[%add3A_110, %dma_start3A_113] : memref<128x32768xf32, #tpu.memory_space<hbm>> -> memref<1x16384xf32, #tpu.memory_space<hbm>>
    %dma_start3A_115 = tpu.memref_squeeze %dma_start3A_114 : memref<1x16384xf32, #tpu.memory_space<hbm>> -> memref<16384xf32, #tpu.memory_space<hbm>>
    %dma_start3A_116 = arith.constant 0 : i32
    %dma_start3A_117 = tpu.memref_slice %arg5[%dma_start3A_116] : memref<33024xf32, #tpu.memory_space<vmem>> -> memref<16384xf32, #tpu.memory_space<vmem>>
    %dma_start3A_118 = arith.constant 0 : i32
    %dma_start3A_119 = tpu.memref_slice %arg2[%add3A_110, %dma_start3A_118] : memref<128x32768xf32, #tpu.memory_space<hbm>> -> memref<1x16384xf32, #tpu.memory_space<hbm>>
    %dma_start3A_120 = tpu.memref_squeeze %dma_start3A_119 : memref<1x16384xf32, #tpu.memory_space<hbm>> -> memref<16384xf32, #tpu.memory_space<hbm>>
    tpu.enqueue_dma source(%dma_start3A_120 : memref<16384xf32, #tpu.memory_space<hbm>>) target(%dma_start3A_117 : memref<16384xf32, #tpu.memory_space<vmem>>) target_semaphore(%arg11 : memref<!tpu.dma_semaphore, #tpu.memory_space<semaphore_mem>>)
    %dma_start3A_121 = arith.constant 16384 : i32
    %dma_start3A_122 = tpu.memref_slice %arg5[%dma_start3A_121] : memref<33024xf32, #tpu.memory_space<vmem>> -> memref<16384xf32, #tpu.memory_space<vmem>>
    %dma_start3A_123 = arith.constant 16384 : i32
    %dma_start3A_124 = tpu.memref_slice %arg2[%add3A_110, %dma_start3A_123] : memref<128x32768xf32, #tpu.memory_space<hbm>> -> memref<1x16384xf32, #tpu.memory_space<hbm>>
    %dma_start3A_125 = tpu.memref_squeeze %dma_start3A_124 : memref<1x16384xf32, #tpu.memory_space<hbm>> -> memref<16384xf32, #tpu.memory_space<hbm>>
    %dma_start3A_126 = arith.constant 16384 : i32
    %dma_start3A_127 = tpu.memref_slice %arg5[%dma_start3A_126] : memref<33024xf32, #tpu.memory_space<vmem>> -> memref<16384xf32, #tpu.memory_space<vmem>>
    %dma_start3A_128 = arith.constant 16384 : i32
    %dma_start3A_129 = tpu.memref_slice %arg2[%add3A_110, %dma_start3A_128] : memref<128x32768xf32, #tpu.memory_space<hbm>> -> memref<1x16384xf32, #tpu.memory_space<hbm>>
    %dma_start3A_130 = tpu.memref_squeeze %dma_start3A_129 : memref<1x16384xf32, #tpu.memory_space<hbm>> -> memref<16384xf32, #tpu.memory_space<hbm>>
    tpu.enqueue_dma source(%dma_start3A_130 : memref<16384xf32, #tpu.memory_space<hbm>>) target(%dma_start3A_127 : memref<16384xf32, #tpu.memory_space<vmem>>) target_semaphore(%arg12 : memref<!tpu.dma_semaphore, #tpu.memory_space<semaphore_mem>>)
    %scan3A = arith.constant 0 : i32
    %scan3A_131 = arith.constant 128 : i32
    %scan3A_132 = arith.addi %scan3A, %scan3A_131 : i32
    %scan3A_133 = arith.constant 1 : i32
    %scan3A_134 = scf.for %scan3A_658 = %scan3A to %scan3A_132 step %scan3A_133 iter_args(%scan3A_659 = %broadcast_in_dim3A_5) -> (vector<16xf32>)  : i32 {
      %mul3A_660 = arith.constant 256 : i32
      %mul3A_661 = arith.muli %scan3A_658, %mul3A_660 : i32
      %add3A_662 = arith.constant 0 : i32
      %add3A_663 = arith.addi %mul3A_661, %add3A_662 : i32
      %get3A = arith.index_cast %add3A_663 : i32 to index
      %get3A_664 = tpu.vector_load %arg4[%get3A] {strides = array<i32>} : memref<33024xf32, #tpu.memory_space<vmem>>, vector<16xf32>,
      %mul3A_665 = arith.constant 256 : i32
      %mul3A_666 = arith.muli %scan3A_658, %mul3A_665 : i32
      %add3A_667 = arith.constant 16 : i32
      %add3A_668 = arith.addi %mul3A_666, %add3A_667 : i32
      %get3A_669 = arith.index_cast %add3A_668 : i32 to index
      %get3A_670 = tpu.vector_load %arg4[%get3A_669] {strides = array<i32>} : memref<33024xf32, #tpu.memory_space<vmem>>, vector<16xf32>,
      %mul3A_671 = arith.constant 256 : i32
      %mul3A_672 = arith.muli %scan3A_658, %mul3A_671 : i32
      %add3A_673 = arith.constant 32 : i32
      %add3A_674 = arith.addi %mul3A_672, %add3A_673 : i32
      %get3A_675 = arith.index_cast %add3A_674 : i32 to index
      %get3A_676 = tpu.vector_load %arg4[%get3A_675] {strides = array<i32>} : memref<33024xf32, #tpu.memory_space<vmem>>, vector<16xf32>,
      %mul3A_677 = arith.constant 256 : i32
      %mul3A_678 = arith.muli %scan3A_658, %mul3A_677 : i32
      %add3A_679 = arith.constant 48 : i32
      %add3A_680 = arith.addi %mul3A_678, %add3A_679 : i32
      %get3A_681 = arith.index_cast %add3A_680 : i32 to index
      %get3A_682 = tpu.vector_load %arg4[%get3A_681] {strides = array<i32>} : memref<33024xf32, #tpu.memory_space<vmem>>, vector<16xf32>,
      %mul3A_683 = arith.constant 256 : i32
      %mul3A_684 = arith.muli %scan3A_658, %mul3A_683 : i32
      %add3A_685 = arith.constant 64 : i32
      %add3A_686 = arith.addi %mul3A_684, %add3A_685 : i32
      %get3A_687 = arith.index_cast %add3A_686 : i32 to index
      %get3A_688 = tpu.vector_load %arg4[%get3A_687] {strides = array<i32>} : memref<33024xf32, #tpu.memory_space<vmem>>, vector<16xf32>,
      %mul3A_689 = arith.constant 256 : i32
      %mul3A_690 = arith.muli %scan3A_658, %mul3A_689 : i32
      %add3A_691 = arith.constant 80 : i32
      %add3A_692 = arith.addi %mul3A_690, %add3A_691 : i32
      %get3A_693 = arith.index_cast %add3A_692 : i32 to index
      %get3A_694 = tpu.vector_load %arg4[%get3A_693] {strides = array<i32>} : memref<33024xf32, #tpu.memory_space<vmem>>, vector<16xf32>,
      %mul3A_695 = arith.constant 256 : i32
      %mul3A_696 = arith.muli %scan3A_658, %mul3A_695 : i32
      %add3A_697 = arith.constant 96 : i32
      %add3A_698 = arith.addi %mul3A_696, %add3A_697 : i32
      %get3A_699 = arith.index_cast %add3A_698 : i32 to index
      %get3A_700 = tpu.vector_load %arg4[%get3A_699] {strides = array<i32>} : memref<33024xf32, #tpu.memory_space<vmem>>, vector<16xf32>,
      %mul3A_701 = arith.constant 256 : i32
      %mul3A_702 = arith.muli %scan3A_658, %mul3A_701 : i32
      %add3A_703 = arith.constant 112 : i32
      %add3A_704 = arith.addi %mul3A_702, %add3A_703 : i32
      %get3A_705 = arith.index_cast %add3A_704 : i32 to index
      %get3A_706 = tpu.vector_load %arg4[%get3A_705] {strides = array<i32>} : memref<33024xf32, #tpu.memory_space<vmem>>, vector<16xf32>,
      %mul3A_707 = arith.constant 256 : i32
      %mul3A_708 = arith.muli %scan3A_658, %mul3A_707 : i32
      %add3A_709 = arith.constant 128 : i32
      %add3A_710 = arith.addi %mul3A_708, %add3A_709 : i32
      %get3A_711 = arith.index_cast %add3A_710 : i32 to index
      %get3A_712 = tpu.vector_load %arg4[%get3A_711] {strides = array<i32>} : memref<33024xf32, #tpu.memory_space<vmem>>, vector<16xf32>,
      %mul3A_713 = arith.constant 256 : i32
      %mul3A_714 = arith.muli %scan3A_658, %mul3A_713 : i32
      %add3A_715 = arith.constant 144 : i32
      %add3A_716 = arith.addi %mul3A_714, %add3A_715 : i32
      %get3A_717 = arith.index_cast %add3A_716 : i32 to index
      %get3A_718 = tpu.vector_load %arg4[%get3A_717] {strides = array<i32>} : memref<33024xf32, #tpu.memory_space<vmem>>, vector<16xf32>,
      %mul3A_719 = arith.constant 256 : i32
      %mul3A_720 = arith.muli %scan3A_658, %mul3A_719 : i32
      %add3A_721 = arith.constant 160 : i32
      %add3A_722 = arith.addi %mul3A_720, %add3A_721 : i32
      %get3A_723 = arith.index_cast %add3A_722 : i32 to index
      %get3A_724 = tpu.vector_load %arg4[%get3A_723] {strides = array<i32>} : memref<33024xf32, #tpu.memory_space<vmem>>, vector<16xf32>,
      %mul3A_725 = arith.constant 256 : i32
      %mul3A_726 = arith.muli %scan3A_658, %mul3A_725 : i32
      %add3A_727 = arith.constant 176 : i32
      %add3A_728 = arith.addi %mul3A_726, %add3A_727 : i32
      %get3A_729 = arith.index_cast %add3A_728 : i32 to index
      %get3A_730 = tpu.vector_load %arg4[%get3A_729] {strides = array<i32>} : memref<33024xf32, #tpu.memory_space<vmem>>, vector<16xf32>,
      %mul3A_731 = arith.constant 256 : i32
      %mul3A_732 = arith.muli %scan3A_658, %mul3A_731 : i32
      %add3A_733 = arith.constant 192 : i32
      %add3A_734 = arith.addi %mul3A_732, %add3A_733 : i32
      %get3A_735 = arith.index_cast %add3A_734 : i32 to index
      %get3A_736 = tpu.vector_load %arg4[%get3A_735] {strides = array<i32>} : memref<33024xf32, #tpu.memory_space<vmem>>, vector<16xf32>,
      %mul3A_737 = arith.constant 256 : i32
      %mul3A_738 = arith.muli %scan3A_658, %mul3A_737 : i32
      %add3A_739 = arith.constant 208 : i32
      %add3A_740 = arith.addi %mul3A_738, %add3A_739 : i32
      %get3A_741 = arith.index_cast %add3A_740 : i32 to index
      %get3A_742 = tpu.vector_load %arg4[%get3A_741] {strides = array<i32>} : memref<33024xf32, #tpu.memory_space<vmem>>, vector<16xf32>,
      %mul3A_743 = arith.constant 256 : i32
      %mul3A_744 = arith.muli %scan3A_658, %mul3A_743 : i32
      %add3A_745 = arith.constant 224 : i32
      %add3A_746 = arith.addi %mul3A_744, %add3A_745 : i32
      %get3A_747 = arith.index_cast %add3A_746 : i32 to index
      %get3A_748 = tpu.vector_load %arg4[%get3A_747] {strides = array<i32>} : memref<33024xf32, #tpu.memory_space<vmem>>, vector<16xf32>,
      %mul3A_749 = arith.constant 256 : i32
      %mul3A_750 = arith.muli %scan3A_658, %mul3A_749 : i32
      %add3A_751 = arith.constant 240 : i32
      %add3A_752 = arith.addi %mul3A_750, %add3A_751 : i32
      %get3A_753 = arith.index_cast %add3A_752 : i32 to index
      %get3A_754 = tpu.vector_load %arg4[%get3A_753] {strides = array<i32>} : memref<33024xf32, #tpu.memory_space<vmem>>, vector<16xf32>,
      %max3A = arith.maximumf %get3A_664, %get3A_670 : vector<16xf32>
      %max3A_755 = arith.maximumf %get3A_676, %get3A_682 : vector<16xf32>
      %max3A_756 = arith.maximumf %get3A_688, %get3A_694 : vector<16xf32>
      %max3A_757 = arith.maximumf %get3A_700, %get3A_706 : vector<16xf32>
      %max3A_758 = arith.maximumf %get3A_712, %get3A_718 : vector<16xf32>
      %max3A_759 = arith.maximumf %get3A_724, %get3A_730 : vector<16xf32>
      %max3A_760 = arith.maximumf %get3A_736, %get3A_742 : vector<16xf32>
      %max3A_761 = arith.maximumf %get3A_748, %get3A_754 : vector<16xf32>
      %max3A_762 = arith.maximumf %max3A, %max3A_755 : vector<16xf32>
      %max3A_763 = arith.maximumf %max3A_756, %max3A_757 : vector<16xf32>
      %max3A_764 = arith.maximumf %max3A_758, %max3A_759 : vector<16xf32>
      %max3A_765 = arith.maximumf %max3A_760, %max3A_761 : vector<16xf32>
      %max3A_766 = arith.maximumf %max3A_762, %max3A_763 : vector<16xf32>
      %max3A_767 = arith.maximumf %max3A_764, %max3A_765 : vector<16xf32>
      %max3A_768 = arith.maximumf %max3A_766, %max3A_767 : vector<16xf32>
      %mul3A_769 = arith.constant 16 : i32
      %mul3A_770 = arith.muli %scan3A_658, %mul3A_769 : i32
      %swap3A_771 = arith.index_cast %mul3A_770 : i32 to index
      %swap3A_772 = tpu.vector_load %arg7[%swap3A_771] {strides = array<i32>} : memref<2048xf32, #tpu.memory_space<vmem>>, vector<16xf32>,
      tpu.vector_store %arg7[%swap3A_771], %max3A_768 {strides = array<i32>} : memref<2048xf32, #tpu.memory_space<vmem>>, vector<16xf32>,
      %max3A_773 = arith.maximumf %scan3A_659, %max3A_768 : vector<16xf32>
      scf.yield %max3A_773 : vector<16xf32>
    }
    %scan3A_135 = arith.constant 128 : i32
    %reduce_max3A = arith.constant true
    %reduce_max3A_136 = vector.broadcast %reduce_max3A : i1 to vector<16xi1>
    %reduce_max3A_137 = tpu.scan <max>, %scan3A_134 masked %reduce_max3A_136 : vector<16xf32>, vector<16xi1> -> vector<16xf32>
    %reduce_max3A_138 = vector.extract %reduce_max3A_137[15] : f32 from vector<16xf32>
    %sub3A = arith.constant 1.000000e+00 : f32
    %sub3A_139 = arith.subf %reduce_max3A_138, %sub3A : f32
    %broadcast_in_dim3A_140 = arith.constant 0 : i32
    %broadcast_in_dim3A_141 = vector.broadcast %broadcast_in_dim3A_140 : i32 to vector<16xi32>
    %scan3A_142 = arith.constant 0 : i32
    %scan3A_143 = arith.constant 128 : i32
    %scan3A_144 = arith.addi %scan3A_142, %scan3A_143 : i32
    %scan3A_145 = arith.constant 1 : i32
    %scan3A_146 = scf.for %scan3A_658 = %scan3A_142 to %scan3A_144 step %scan3A_145 iter_args(%scan3A_659 = %broadcast_in_dim3A_141) -> (vector<16xi32>)  : i32 {
      %mul3A_660 = arith.constant 16 : i32
      %mul3A_661 = arith.muli %scan3A_658, %mul3A_660 : i32
      %get3A = arith.index_cast %mul3A_661 : i32 to index
      %get3A_662 = tpu.vector_load %arg7[%get3A] {strides = array<i32>} : memref<2048xf32, #tpu.memory_space<vmem>>, vector<16xf32>,
      %gt3A = vector.broadcast %sub3A_139 : f32 to vector<16xf32>
      %gt3A_663 = arith.cmpf ogt, %get3A_662, %gt3A : vector<16xf32>
      %jit3A = arith.constant 1 : i32
      %jit3A_664 = arith.constant 0 : i32
      %broadcast_in_dim3A_665 = vector.broadcast %jit3A : i32 to vector<16xi32>
      %broadcast_in_dim3A_666 = vector.broadcast %jit3A_664 : i32 to vector<16xi32>
      %select_n3A = arith.select %gt3A_663, %broadcast_in_dim3A_665, %broadcast_in_dim3A_666 : vector<16xi1>, vector<16xi32>
      %broadcast_in_dim3A_667 = arith.constant true
      %broadcast_in_dim3A_668 = vector.broadcast %broadcast_in_dim3A_667 : i1 to vector<16xi1>
      %masked_cumsum3A = tpu.scan <sum>, %select_n3A masked %broadcast_in_dim3A_668 : vector<16xi32>, vector<16xi1> -> vector<16xi32>
      %sub3A_669 = arith.subi %masked_cumsum3A, %select_n3A : vector<16xi32>
      %add3A_670 = arith.addi %sub3A_669, %scan3A_659 : vector<16xi32>
      %mul3A_671 = arith.constant 16 : i32
      %mul3A_672 = arith.muli %scan3A_658, %mul3A_671 : i32
      %add3A_673 = vector.broadcast %mul3A_672 : i32 to vector<16xi32>
      %add3A_674 = arith.addi %add3A_673, %iota3A : vector<16xi32>
      tpu.vector_store_idx %arg8[%add3A_670], %add3A_674 masked %gt3A_663 : memref<2064xi32, #tpu.memory_space<vmem>>[vector<16xi32>], vector<16xi32>, vector<16xi1>
      %all_reduce_population_count3A = tpu.all_reduce %gt3A_663 {dim = 0 : i64, kind = #tpu.reduction_kind<sum>} : vector<16xi1> -> vector<16xi32>
      %add3A_675 = arith.addi %scan3A_659, %all_reduce_population_count3A : vector<16xi32>
      scf.yield %add3A_675 : vector<16xi32>
    }
    %scan3A_147 = arith.constant 128 : i32
    %reduce_max3A_148 = arith.constant true
    %reduce_max3A_149 = vector.broadcast %reduce_max3A_148 : i1 to vector<16xi1>
    %reduce_max3A_150 = arith.constant -2147483648 : i32
    %reduce_max3A_151 = vector.broadcast %reduce_max3A_150 : i32 to vector<16xi32>
    %reduce_max3A_152 = arith.xori %scan3A_146, %reduce_max3A_151 : vector<16xi32>
    %reduce_max3A_153 = tpu.scan <max>, %reduce_max3A_152 masked %reduce_max3A_149 : vector<16xi32>, vector<16xi1> -> vector<16xi32>
    %reduce_max3A_154 = arith.xori %reduce_max3A_153, %reduce_max3A_151 : vector<16xi32>
    %reduce_max3A_155 = vector.extract %reduce_max3A_154[15] : i32 from vector<16xi32>
    %add3A_156 = vector.broadcast %reduce_max3A_155 : i32 to vector<16xi32>
    %add3A_157 = arith.addi %add3A_156, %iota3A : vector<16xi32>
    %broadcast_in_dim3A_158 = arith.constant 2048 : i32
    %broadcast_in_dim3A_159 = vector.broadcast %broadcast_in_dim3A_158 : i32 to vector<16xi32>
    tpu.vector_store_idx %arg8[%add3A_157], %broadcast_in_dim3A_159 : memref<2064xi32, #tpu.memory_space<vmem>>[vector<16xi32>], vector<16xi32>,
    %add3A_160 = arith.constant 15 : i32
    %add3A_161 = arith.addi %reduce_max3A_155, %add3A_160 : i32
    %shift_right_logical3A = arith.constant 4 : i32
    %shift_right_logical3A_162 = arith.shrui %add3A_161, %shift_right_logical3A : i32
    %while3A = arith.constant 0 : i32
    %while3A_163 = arith.constant 0 : i32
    %while3A_164 = arith.subi %shift_right_logical3A_162, %while3A_163 : i32
    %while3A_165 = arith.addi %while3A_163, %while3A_164 : i32
    %while3A_166 = arith.constant 1 : i32
    %while3A_167 = arith.divsi %while3A_164, %while3A_166 : i32
    %while3A_168 = arith.muli %while3A_167, %while3A_166 : i32
    %while3A_169 = arith.addi %while3A_163, %while3A_168 : i32
    %while3A_170 = arith.constant 1 : i32
    scf.for %while3A_658 = %while3A_163 to %while3A_169 step %while3A_170  : i32 {
      %mul3A_659 = arith.constant 16 : i32
      %mul3A_660 = arith.muli %while3A_658, %mul3A_659 : i32
      %get3A = arith.index_cast %mul3A_660 : i32 to index
      %get3A_661 = tpu.vector_load %arg8[%get3A] {strides = array<i32>} : memref<2064xi32, #tpu.memory_space<vmem>>, vector<16xi32>,
      %shift_right_logical3A_662 = arith.constant 4 : i32
      %shift_right_logical3A_663 = vector.broadcast %shift_right_logical3A_662 : i32 to vector<16xi32>
      %shift_right_logical3A_664 = arith.shrui %get3A_661, %shift_right_logical3A_663 : vector<16xi32>
      %mul3A_665 = arith.constant 256 : i32
      %mul3A_666 = vector.broadcast %mul3A_665 : i32 to vector<16xi32>
      %mul3A_667 = arith.muli %shift_right_logical3A_664, %mul3A_666 : vector<16xi32>
      %and3A = arith.constant 15 : i32
      %and3A_668 = vector.broadcast %and3A : i32 to vector<16xi32>
      %and3A_669 = arith.andi %get3A_661, %and3A_668 : vector<16xi32>
      %add3A_670 = arith.addi %mul3A_667, %and3A_669 : vector<16xi32>
      %add3A_671 = arith.constant 0 : i32
      %add3A_672 = vector.broadcast %add3A_671 : i32 to vector<16xi32>
      %add3A_673 = arith.addi %add3A_670, %add3A_672 : vector<16xi32>
      %gather3A = tpu.vector_load_idx %arg4[%add3A_673] : memref<33024xf32, #tpu.memory_space<vmem>>[vector<16xi32>], vector<16xf32>,
      %mul3A_674 = arith.constant 256 : i32
      %mul3A_675 = arith.muli %while3A_658, %mul3A_674 : i32
      %add3A_676 = arith.constant 0 : i32
      %add3A_677 = arith.addi %mul3A_675, %add3A_676 : i32
      %swap3A_678 = arith.index_cast %add3A_677 : i32 to index
      %swap3A_679 = tpu.vector_load %arg6[%swap3A_678] {strides = array<i32>} : memref<33024xf32, #tpu.memory_space<vmem>>, vector<16xf32>,
      tpu.vector_store %arg6[%swap3A_678], %gather3A {strides = array<i32>} : memref<33024xf32, #tpu.memory_space<vmem>>, vector<16xf32>,
      %add3A_680 = arith.constant 16 : i32
      %add3A_681 = vector.broadcast %add3A_680 : i32 to vector<16xi32>
      %add3A_682 = arith.addi %add3A_670, %add3A_681 : vector<16xi32>
      %gather3A_683 = tpu.vector_load_idx %arg4[%add3A_682] : memref<33024xf32, #tpu.memory_space<vmem>>[vector<16xi32>], vector<16xf32>,
      %mul3A_684 = arith.constant 256 : i32
      %mul3A_685 = arith.muli %while3A_658, %mul3A_684 : i32
      %add3A_686 = arith.constant 16 : i32
      %add3A_687 = arith.addi %mul3A_685, %add3A_686 : i32
      %swap3A_688 = arith.index_cast %add3A_687 : i32 to index
      %swap3A_689 = tpu.vector_load %arg6[%swap3A_688] {strides = array<i32>} : memref<33024xf32, #tpu.memory_space<vmem>>, vector<16xf32>,
      tpu.vector_store %arg6[%swap3A_688], %gather3A_683 {strides = array<i32>} : memref<33024xf32, #tpu.memory_space<vmem>>, vector<16xf32>,
      %add3A_690 = arith.constant 32 : i32
      %add3A_691 = vector.broadcast %add3A_690 : i32 to vector<16xi32>
      %add3A_692 = arith.addi %add3A_670, %add3A_691 : vector<16xi32>
      %gather3A_693 = tpu.vector_load_idx %arg4[%add3A_692] : memref<33024xf32, #tpu.memory_space<vmem>>[vector<16xi32>], vector<16xf32>,
      %mul3A_694 = arith.constant 256 : i32
      %mul3A_695 = arith.muli %while3A_658, %mul3A_694 : i32
      %add3A_696 = arith.constant 32 : i32
      %add3A_697 = arith.addi %mul3A_695, %add3A_696 : i32
      %swap3A_698 = arith.index_cast %add3A_697 : i32 to index
      %swap3A_699 = tpu.vector_load %arg6[%swap3A_698] {strides = array<i32>} : memref<33024xf32, #tpu.memory_space<vmem>>, vector<16xf32>,
      tpu.vector_store %arg6[%swap3A_698], %gather3A_693 {strides = array<i32>} : memref<33024xf32, #tpu.memory_space<vmem>>, vector<16xf32>,
      %add3A_700 = arith.constant 48 : i32
      %add3A_701 = vector.broadcast %add3A_700 : i32 to vector<16xi32>
      %add3A_702 = arith.addi %add3A_670, %add3A_701 : vector<16xi32>
      %gather3A_703 = tpu.vector_load_idx %arg4[%add3A_702] : memref<33024xf32, #tpu.memory_space<vmem>>[vector<16xi32>], vector<16xf32>,
      %mul3A_704 = arith.constant 256 : i32
      %mul3A_705 = arith.muli %while3A_658, %mul3A_704 : i32
      %add3A_706 = arith.constant 48 : i32
      %add3A_707 = arith.addi %mul3A_705, %add3A_706 : i32
      %swap3A_708 = arith.index_cast %add3A_707 : i32 to index
      %swap3A_709 = tpu.vector_load %arg6[%swap3A_708] {strides = array<i32>} : memref<33024xf32, #tpu.memory_space<vmem>>, vector<16xf32>,
      tpu.vector_store %arg6[%swap3A_708], %gather3A_703 {strides = array<i32>} : memref<33024xf32, #tpu.memory_space<vmem>>, vector<16xf32>,
      %add3A_710 = arith.constant 64 : i32
      %add3A_711 = vector.broadcast %add3A_710 : i32 to vector<16xi32>
      %add3A_712 = arith.addi %add3A_670, %add3A_711 : vector<16xi32>
      %gather3A_713 = tpu.vector_load_idx %arg4[%add3A_712] : memref<33024xf32, #tpu.memory_space<vmem>>[vector<16xi32>], vector<16xf32>,
      %mul3A_714 = arith.constant 256 : i32
      %mul3A_715 = arith.muli %while3A_658, %mul3A_714 : i32
      %add3A_716 = arith.constant 64 : i32
      %add3A_717 = arith.addi %mul3A_715, %add3A_716 : i32
      %swap3A_718 = arith.index_cast %add3A_717 : i32 to index
      %swap3A_719 = tpu.vector_load %arg6[%swap3A_718] {strides = array<i32>} : memref<33024xf32, #tpu.memory_space<vmem>>, vector<16xf32>,
      tpu.vector_store %arg6[%swap3A_718], %gather3A_713 {strides = array<i32>} : memref<33024xf32, #tpu.memory_space<vmem>>, vector<16xf32>,
      %add3A_720 = arith.constant 80 : i32
      %add3A_721 = vector.broadcast %add3A_720 : i32 to vector<16xi32>
      %add3A_722 = arith.addi %add3A_670, %add3A_721 : vector<16xi32>
      %gather3A_723 = tpu.vector_load_idx %arg4[%add3A_722] : memref<33024xf32, #tpu.memory_space<vmem>>[vector<16xi32>], vector<16xf32>,
      %mul3A_724 = arith.constant 256 : i32
      %mul3A_725 = arith.muli %while3A_658, %mul3A_724 : i32
      %add3A_726 = arith.constant 80 : i32
      %add3A_727 = arith.addi %mul3A_725, %add3A_726 : i32
      %swap3A_728 = arith.index_cast %add3A_727 : i32 to index
      %swap3A_729 = tpu.vector_load %arg6[%swap3A_728] {strides = array<i32>} : memref<33024xf32, #tpu.memory_space<vmem>>, vector<16xf32>,
      tpu.vector_store %arg6[%swap3A_728], %gather3A_723 {strides = array<i32>} : memref<33024xf32, #tpu.memory_space<vmem>>, vector<16xf32>,
      %add3A_730 = arith.constant 96 : i32
      %add3A_731 = vector.broadcast %add3A_730 : i32 to vector<16xi32>
      %add3A_732 = arith.addi %add3A_670, %add3A_731 : vector<16xi32>
      %gather3A_733 = tpu.vector_load_idx %arg4[%add3A_732] : memref<33024xf32, #tpu.memory_space<vmem>>[vector<16xi32>], vector<16xf32>,
      %mul3A_734 = arith.constant 256 : i32
      %mul3A_735 = arith.muli %while3A_658, %mul3A_734 : i32
      %add3A_736 = arith.constant 96 : i32
      %add3A_737 = arith.addi %mul3A_735, %add3A_736 : i32
      %swap3A_738 = arith.index_cast %add3A_737 : i32 to index
      %swap3A_739 = tpu.vector_load %arg6[%swap3A_738] {strides = array<i32>} : memref<33024xf32, #tpu.memory_space<vmem>>, vector<16xf32>,
      tpu.vector_store %arg6[%swap3A_738], %gather3A_733 {strides = array<i32>} : memref<33024xf32, #tpu.memory_space<vmem>>, vector<16xf32>,
      %add3A_740 = arith.constant 112 : i32
      %add3A_741 = vector.broadcast %add3A_740 : i32 to vector<16xi32>
      %add3A_742 = arith.addi %add3A_670, %add3A_741 : vector<16xi32>
      %gather3A_743 = tpu.vector_load_idx %arg4[%add3A_742] : memref<33024xf32, #tpu.memory_space<vmem>>[vector<16xi32>], vector<16xf32>,
      %mul3A_744 = arith.constant 256 : i32
      %mul3A_745 = arith.muli %while3A_658, %mul3A_744 : i32
      %add3A_746 = arith.constant 112 : i32
      %add3A_747 = arith.addi %mul3A_745, %add3A_746 : i32
      %swap3A_748 = arith.index_cast %add3A_747 : i32 to index
      %swap3A_749 = tpu.vector_load %arg6[%swap3A_748] {strides = array<i32>} : memref<33024xf32, #tpu.memory_space<vmem>>, vector<16xf32>,
      tpu.vector_store %arg6[%swap3A_748], %gather3A_743 {strides = array<i32>} : memref<33024xf32, #tpu.memory_space<vmem>>, vector<16xf32>,
      %add3A_750 = arith.constant 128 : i32
      %add3A_751 = vector.broadcast %add3A_750 : i32 to vector<16xi32>
      %add3A_752 = arith.addi %add3A_670, %add3A_751 : vector<16xi32>
      %gather3A_753 = tpu.vector_load_idx %arg4[%add3A_752] : memref<33024xf32, #tpu.memory_space<vmem>>[vector<16xi32>], vector<16xf32>,
      %mul3A_754 = arith.constant 256 : i32
      %mul3A_755 = arith.muli %while3A_658, %mul3A_754 : i32
      %add3A_756 = arith.constant 128 : i32
      %add3A_757 = arith.addi %mul3A_755, %add3A_756 : i32
      %swap3A_758 = arith.index_cast %add3A_757 : i32 to index
      %swap3A_759 = tpu.vector_load %arg6[%swap3A_758] {strides = array<i32>} : memref<33024xf32, #tpu.memory_space<vmem>>, vector<16xf32>,
      tpu.vector_store %arg6[%swap3A_758], %gather3A_753 {strides = array<i32>} : memref<33024xf32, #tpu.memory_space<vmem>>, vector<16xf32>,
      %add3A_760 = arith.constant 144 : i32
      %add3A_761 = vector.broadcast %add3A_760 : i32 to vector<16xi32>
      %add3A_762 = arith.addi %add3A_670, %add3A_761 : vector<16xi32>
      %gather3A_763 = tpu.vector_load_idx %arg4[%add3A_762] : memref<33024xf32, #tpu.memory_space<vmem>>[vector<16xi32>], vector<16xf32>,
      %mul3A_764 = arith.constant 256 : i32
      %mul3A_765 = arith.muli %while3A_658, %mul3A_764 : i32
      %add3A_766 = arith.constant 144 : i32
      %add3A_767 = arith.addi %mul3A_765, %add3A_766 : i32
      %swap3A_768 = arith.index_cast %add3A_767 : i32 to index
      %swap3A_769 = tpu.vector_load %arg6[%swap3A_768] {strides = array<i32>} : memref<33024xf32, #tpu.memory_space<vmem>>, vector<16xf32>,
      tpu.vector_store %arg6[%swap3A_768], %gather3A_763 {strides = array<i32>} : memref<33024xf32, #tpu.memory_space<vmem>>, vector<16xf32>,
      %add3A_770 = arith.constant 160 : i32
      %add3A_771 = vector.broadcast %add3A_770 : i32 to vector<16xi32>
      %add3A_772 = arith.addi %add3A_670, %add3A_771 : vector<16xi32>
      %gather3A_773 = tpu.vector_load_idx %arg4[%add3A_772] : memref<33024xf32, #tpu.memory_space<vmem>>[vector<16xi32>], vector<16xf32>,
      %mul3A_774 = arith.constant 256 : i32
      %mul3A_775 = arith.muli %while3A_658, %mul3A_774 : i32
      %add3A_776 = arith.constant 160 : i32
      %add3A_777 = arith.addi %mul3A_775, %add3A_776 : i32
      %swap3A_778 = arith.index_cast %add3A_777 : i32 to index
      %swap3A_779 = tpu.vector_load %arg6[%swap3A_778] {strides = array<i32>} : memref<33024xf32, #tpu.memory_space<vmem>>, vector<16xf32>,
      tpu.vector_store %arg6[%swap3A_778], %gather3A_773 {strides = array<i32>} : memref<33024xf32, #tpu.memory_space<vmem>>, vector<16xf32>,
      %add3A_780 = arith.constant 176 : i32
      %add3A_781 = vector.broadcast %add3A_780 : i32 to vector<16xi32>
      %add3A_782 = arith.addi %add3A_670, %add3A_781 : vector<16xi32>
      %gather3A_783 = tpu.vector_load_idx %arg4[%add3A_782] : memref<33024xf32, #tpu.memory_space<vmem>>[vector<16xi32>], vector<16xf32>,
      %mul3A_784 = arith.constant 256 : i32
      %mul3A_785 = arith.muli %while3A_658, %mul3A_784 : i32
      %add3A_786 = arith.constant 176 : i32
      %add3A_787 = arith.addi %mul3A_785, %add3A_786 : i32
      %swap3A_788 = arith.index_cast %add3A_787 : i32 to index
      %swap3A_789 = tpu.vector_load %arg6[%swap3A_788] {strides = array<i32>} : memref<33024xf32, #tpu.memory_space<vmem>>, vector<16xf32>,
      tpu.vector_store %arg6[%swap3A_788], %gather3A_783 {strides = array<i32>} : memref<33024xf32, #tpu.memory_space<vmem>>, vector<16xf32>,
      %add3A_790 = arith.constant 192 : i32
      %add3A_791 = vector.broadcast %add3A_790 : i32 to vector<16xi32>
      %add3A_792 = arith.addi %add3A_670, %add3A_791 : vector<16xi32>
      %gather3A_793 = tpu.vector_load_idx %arg4[%add3A_792] : memref<33024xf32, #tpu.memory_space<vmem>>[vector<16xi32>], vector<16xf32>,
      %mul3A_794 = arith.constant 256 : i32
      %mul3A_795 = arith.muli %while3A_658, %mul3A_794 : i32
      %add3A_796 = arith.constant 192 : i32
      %add3A_797 = arith.addi %mul3A_795, %add3A_796 : i32
      %swap3A_798 = arith.index_cast %add3A_797 : i32 to index
      %swap3A_799 = tpu.vector_load %arg6[%swap3A_798] {strides = array<i32>} : memref<33024xf32, #tpu.memory_space<vmem>>, vector<16xf32>,
      tpu.vector_store %arg6[%swap3A_798], %gather3A_793 {strides = array<i32>} : memref<33024xf32, #tpu.memory_space<vmem>>, vector<16xf32>,
      %add3A_800 = arith.constant 208 : i32
      %add3A_801 = vector.broadcast %add3A_800 : i32 to vector<16xi32>
      %add3A_802 = arith.addi %add3A_670, %add3A_801 : vector<16xi32>
      %gather3A_803 = tpu.vector_load_idx %arg4[%add3A_802] : memref<33024xf32, #tpu.memory_space<vmem>>[vector<16xi32>], vector<16xf32>,
      %mul3A_804 = arith.constant 256 : i32
      %mul3A_805 = arith.muli %while3A_658, %mul3A_804 : i32
      %add3A_806 = arith.constant 208 : i32
      %add3A_807 = arith.addi %mul3A_805, %add3A_806 : i32
      %swap3A_808 = arith.index_cast %add3A_807 : i32 to index
      %swap3A_809 = tpu.vector_load %arg6[%swap3A_808] {strides = array<i32>} : memref<33024xf32, #tpu.memory_space<vmem>>, vector<16xf32>,
      tpu.vector_store %arg6[%swap3A_808], %gather3A_803 {strides = array<i32>} : memref<33024xf32, #tpu.memory_space<vmem>>, vector<16xf32>,
      %add3A_810 = arith.constant 224 : i32
      %add3A_811 = vector.broadcast %add3A_810 : i32 to vector<16xi32>
      %add3A_812 = arith.addi %add3A_670, %add3A_811 : vector<16xi32>
      %gather3A_813 = tpu.vector_load_idx %arg4[%add3A_812] : memref<33024xf32, #tpu.memory_space<vmem>>[vector<16xi32>], vector<16xf32>,
      %mul3A_814 = arith.constant 256 : i32
      %mul3A_815 = arith.muli %while3A_658, %mul3A_814 : i32
      %add3A_816 = arith.constant 224 : i32
      %add3A_817 = arith.addi %mul3A_815, %add3A_816 : i32
      %swap3A_818 = arith.index_cast %add3A_817 : i32 to index
      %swap3A_819 = tpu.vector_load %arg6[%swap3A_818] {strides = array<i32>} : memref<33024xf32, #tpu.memory_space<vmem>>, vector<16xf32>,
      tpu.vector_store %arg6[%swap3A_818], %gather3A_813 {strides = array<i32>} : memref<33024xf32, #tpu.memory_space<vmem>>, vector<16xf32>,
      %add3A_820 = arith.constant 240 : i32
      %add3A_821 = vector.broadcast %add3A_820 : i32 to vector<16xi32>
      %add3A_822 = arith.addi %add3A_670, %add3A_821 : vector<16xi32>
      %gather3A_823 = tpu.vector_load_idx %arg4[%add3A_822] : memref<33024xf32, #tpu.memory_space<vmem>>[vector<16xi32>], vector<16xf32>,
      %mul3A_824 = arith.constant 256 : i32
      %mul3A_825 = arith.muli %while3A_658, %mul3A_824 : i32
      %add3A_826 = arith.constant 240 : i32
      %add3A_827 = arith.addi %mul3A_825, %add3A_826 : i32
      %swap3A_828 = arith.index_cast %add3A_827 : i32 to index
      %swap3A_829 = tpu.vector_load %arg6[%swap3A_828] {strides = array<i32>} : memref<33024xf32, #tpu.memory_space<vmem>>, vector<16xf32>,
      tpu.vector_store %arg6[%swap3A_828], %gather3A_823 {strides = array<i32>} : memref<33024xf32, #tpu.memory_space<vmem>>, vector<16xf32>,
    }
    %while3A_171 = arith.constant 1 : i32
    scf.for %while3A_658 = %while3A_169 to %while3A_165 step %while3A_171  : i32 {
      %mul3A_659 = arith.constant 16 : i32
      %mul3A_660 = arith.muli %while3A_658, %mul3A_659 : i32
      %get3A = arith.index_cast %mul3A_660 : i32 to index
      %get3A_661 = tpu.vector_load %arg8[%get3A] {strides = array<i32>} : memref<2064xi32, #tpu.memory_space<vmem>>, vector<16xi32>,
      %shift_right_logical3A_662 = arith.constant 4 : i32
      %shift_right_logical3A_663 = vector.broadcast %shift_right_logical3A_662 : i32 to vector<16xi32>
      %shift_right_logical3A_664 = arith.shrui %get3A_661, %shift_right_logical3A_663 : vector<16xi32>
      %mul3A_665 = arith.constant 256 : i32
      %mul3A_666 = vector.broadcast %mul3A_665 : i32 to vector<16xi32>
      %mul3A_667 = arith.muli %shift_right_logical3A_664, %mul3A_666 : vector<16xi32>
      %and3A = arith.constant 15 : i32
      %and3A_668 = vector.broadcast %and3A : i32 to vector<16xi32>
      %and3A_669 = arith.andi %get3A_661, %and3A_668 : vector<16xi32>
      %add3A_670 = arith.addi %mul3A_667, %and3A_669 : vector<16xi32>
      %add3A_671 = arith.constant 0 : i32
      %add3A_672 = vector.broadcast %add3A_671 : i32 to vector<16xi32>
      %add3A_673 = arith.addi %add3A_670, %add3A_672 : vector<16xi32>
      %gather3A = tpu.vector_load_idx %arg4[%add3A_673] : memref<33024xf32, #tpu.memory_space<vmem>>[vector<16xi32>], vector<16xf32>,
      %mul3A_674 = arith.constant 256 : i32
      %mul3A_675 = arith.muli %while3A_658, %mul3A_674 : i32
      %add3A_676 = arith.constant 0 : i32
      %add3A_677 = arith.addi %mul3A_675, %add3A_676 : i32
      %swap3A_678 = arith.index_cast %add3A_677 : i32 to index
      %swap3A_679 = tpu.vector_load %arg6[%swap3A_678] {strides = array<i32>} : memref<33024xf32, #tpu.memory_space<vmem>>, vector<16xf32>,
      tpu.vector_store %arg6[%swap3A_678], %gather3A {strides = array<i32>} : memref<33024xf32, #tpu.memory_space<vmem>>, vector<16xf32>,
      %add3A_680 = arith.constant 16 : i32
      %add3A_681 = vector.broadcast %add3A_680 : i32 to vector<16xi32>
      %add3A_682 = arith.addi %add3A_670, %add3A_681 : vector<16xi32>
      %gather3A_683 = tpu.vector_load_idx %arg4[%add3A_682] : memref<33024xf32, #tpu.memory_space<vmem>>[vector<16xi32>], vector<16xf32>,
      %mul3A_684 = arith.constant 256 : i32
      %mul3A_685 = arith.muli %while3A_658, %mul3A_684 : i32
      %add3A_686 = arith.constant 16 : i32
      %add3A_687 = arith.addi %mul3A_685, %add3A_686 : i32
      %swap3A_688 = arith.index_cast %add3A_687 : i32 to index
      %swap3A_689 = tpu.vector_load %arg6[%swap3A_688] {strides = array<i32>} : memref<33024xf32, #tpu.memory_space<vmem>>, vector<16xf32>,
      tpu.vector_store %arg6[%swap3A_688], %gather3A_683 {strides = array<i32>} : memref<33024xf32, #tpu.memory_space<vmem>>, vector<16xf32>,
      %add3A_690 = arith.constant 32 : i32
      %add3A_691 = vector.broadcast %add3A_690 : i32 to vector<16xi32>
      %add3A_692 = arith.addi %add3A_670, %add3A_691 : vector<16xi32>
      %gather3A_693 = tpu.vector_load_idx %arg4[%add3A_692] : memref<33024xf32, #tpu.memory_space<vmem>>[vector<16xi32>], vector<16xf32>,
      %mul3A_694 = arith.constant 256 : i32
      %mul3A_695 = arith.muli %while3A_658, %mul3A_694 : i32
      %add3A_696 = arith.constant 32 : i32
      %add3A_697 = arith.addi %mul3A_695, %add3A_696 : i32
      %swap3A_698 = arith.index_cast %add3A_697 : i32 to index
      %swap3A_699 = tpu.vector_load %arg6[%swap3A_698] {strides = array<i32>} : memref<33024xf32, #tpu.memory_space<vmem>>, vector<16xf32>,
      tpu.vector_store %arg6[%swap3A_698], %gather3A_693 {strides = array<i32>} : memref<33024xf32, #tpu.memory_space<vmem>>, vector<16xf32>,
      %add3A_700 = arith.constant 48 : i32
      %add3A_701 = vector.broadcast %add3A_700 : i32 to vector<16xi32>
      %add3A_702 = arith.addi %add3A_670, %add3A_701 : vector<16xi32>
      %gather3A_703 = tpu.vector_load_idx %arg4[%add3A_702] : memref<33024xf32, #tpu.memory_space<vmem>>[vector<16xi32>], vector<16xf32>,
      %mul3A_704 = arith.constant 256 : i32
      %mul3A_705 = arith.muli %while3A_658, %mul3A_704 : i32
      %add3A_706 = arith.constant 48 : i32
      %add3A_707 = arith.addi %mul3A_705, %add3A_706 : i32
      %swap3A_708 = arith.index_cast %add3A_707 : i32 to index
      %swap3A_709 = tpu.vector_load %arg6[%swap3A_708] {strides = array<i32>} : memref<33024xf32, #tpu.memory_space<vmem>>, vector<16xf32>,
      tpu.vector_store %arg6[%swap3A_708], %gather3A_703 {strides = array<i32>} : memref<33024xf32, #tpu.memory_space<vmem>>, vector<16xf32>,
      %add3A_710 = arith.constant 64 : i32
      %add3A_711 = vector.broadcast %add3A_710 : i32 to vector<16xi32>
      %add3A_712 = arith.addi %add3A_670, %add3A_711 : vector<16xi32>
      %gather3A_713 = tpu.vector_load_idx %arg4[%add3A_712] : memref<33024xf32, #tpu.memory_space<vmem>>[vector<16xi32>], vector<16xf32>,
      %mul3A_714 = arith.constant 256 : i32
      %mul3A_715 = arith.muli %while3A_658, %mul3A_714 : i32
      %add3A_716 = arith.constant 64 : i32
      %add3A_717 = arith.addi %mul3A_715, %add3A_716 : i32
      %swap3A_718 = arith.index_cast %add3A_717 : i32 to index
      %swap3A_719 = tpu.vector_load %arg6[%swap3A_718] {strides = array<i32>} : memref<33024xf32, #tpu.memory_space<vmem>>, vector<16xf32>,
      tpu.vector_store %arg6[%swap3A_718], %gather3A_713 {strides = array<i32>} : memref<33024xf32, #tpu.memory_space<vmem>>, vector<16xf32>,
      %add3A_720 = arith.constant 80 : i32
      %add3A_721 = vector.broadcast %add3A_720 : i32 to vector<16xi32>
      %add3A_722 = arith.addi %add3A_670, %add3A_721 : vector<16xi32>
      %gather3A_723 = tpu.vector_load_idx %arg4[%add3A_722] : memref<33024xf32, #tpu.memory_space<vmem>>[vector<16xi32>], vector<16xf32>,
      %mul3A_724 = arith.constant 256 : i32
      %mul3A_725 = arith.muli %while3A_658, %mul3A_724 : i32
      %add3A_726 = arith.constant 80 : i32
      %add3A_727 = arith.addi %mul3A_725, %add3A_726 : i32
      %swap3A_728 = arith.index_cast %add3A_727 : i32 to index
      %swap3A_729 = tpu.vector_load %arg6[%swap3A_728] {strides = array<i32>} : memref<33024xf32, #tpu.memory_space<vmem>>, vector<16xf32>,
      tpu.vector_store %arg6[%swap3A_728], %gather3A_723 {strides = array<i32>} : memref<33024xf32, #tpu.memory_space<vmem>>, vector<16xf32>,
      %add3A_730 = arith.constant 96 : i32
      %add3A_731 = vector.broadcast %add3A_730 : i32 to vector<16xi32>
      %add3A_732 = arith.addi %add3A_670, %add3A_731 : vector<16xi32>
      %gather3A_733 = tpu.vector_load_idx %arg4[%add3A_732] : memref<33024xf32, #tpu.memory_space<vmem>>[vector<16xi32>], vector<16xf32>,
      %mul3A_734 = arith.constant 256 : i32
      %mul3A_735 = arith.muli %while3A_658, %mul3A_734 : i32
      %add3A_736 = arith.constant 96 : i32
      %add3A_737 = arith.addi %mul3A_735, %add3A_736 : i32
      %swap3A_738 = arith.index_cast %add3A_737 : i32 to index
      %swap3A_739 = tpu.vector_load %arg6[%swap3A_738] {strides = array<i32>} : memref<33024xf32, #tpu.memory_space<vmem>>, vector<16xf32>,
      tpu.vector_store %arg6[%swap3A_738], %gather3A_733 {strides = array<i32>} : memref<33024xf32, #tpu.memory_space<vmem>>, vector<16xf32>,
      %add3A_740 = arith.constant 112 : i32
      %add3A_741 = vector.broadcast %add3A_740 : i32 to vector<16xi32>
      %add3A_742 = arith.addi %add3A_670, %add3A_741 : vector<16xi32>
      %gather3A_743 = tpu.vector_load_idx %arg4[%add3A_742] : memref<33024xf32, #tpu.memory_space<vmem>>[vector<16xi32>], vector<16xf32>,
      %mul3A_744 = arith.constant 256 : i32
      %mul3A_745 = arith.muli %while3A_658, %mul3A_744 : i32
      %add3A_746 = arith.constant 112 : i32
      %add3A_747 = arith.addi %mul3A_745, %add3A_746 : i32
      %swap3A_748 = arith.index_cast %add3A_747 : i32 to index
      %swap3A_749 = tpu.vector_load %arg6[%swap3A_748] {strides = array<i32>} : memref<33024xf32, #tpu.memory_space<vmem>>, vector<16xf32>,
      tpu.vector_store %arg6[%swap3A_748], %gather3A_743 {strides = array<i32>} : memref<33024xf32, #tpu.memory_space<vmem>>, vector<16xf32>,
      %add3A_750 = arith.constant 128 : i32
      %add3A_751 = vector.broadcast %add3A_750 : i32 to vector<16xi32>
      %add3A_752 = arith.addi %add3A_670, %add3A_751 : vector<16xi32>
      %gather3A_753 = tpu.vector_load_idx %arg4[%add3A_752] : memref<33024xf32, #tpu.memory_space<vmem>>[vector<16xi32>], vector<16xf32>,
      %mul3A_754 = arith.constant 256 : i32
      %mul3A_755 = arith.muli %while3A_658, %mul3A_754 : i32
      %add3A_756 = arith.constant 128 : i32
      %add3A_757 = arith.addi %mul3A_755, %add3A_756 : i32
      %swap3A_758 = arith.index_cast %add3A_757 : i32 to index
      %swap3A_759 = tpu.vector_load %arg6[%swap3A_758] {strides = array<i32>} : memref<33024xf32, #tpu.memory_space<vmem>>, vector<16xf32>,
      tpu.vector_store %arg6[%swap3A_758], %gather3A_753 {strides = array<i32>} : memref<33024xf32, #tpu.memory_space<vmem>>, vector<16xf32>,
      %add3A_760 = arith.constant 144 : i32
      %add3A_761 = vector.broadcast %add3A_760 : i32 to vector<16xi32>
      %add3A_762 = arith.addi %add3A_670, %add3A_761 : vector<16xi32>
      %gather3A_763 = tpu.vector_load_idx %arg4[%add3A_762] : memref<33024xf32, #tpu.memory_space<vmem>>[vector<16xi32>], vector<16xf32>,
      %mul3A_764 = arith.constant 256 : i32
      %mul3A_765 = arith.muli %while3A_658, %mul3A_764 : i32
      %add3A_766 = arith.constant 144 : i32
      %add3A_767 = arith.addi %mul3A_765, %add3A_766 : i32
      %swap3A_768 = arith.index_cast %add3A_767 : i32 to index
      %swap3A_769 = tpu.vector_load %arg6[%swap3A_768] {strides = array<i32>} : memref<33024xf32, #tpu.memory_space<vmem>>, vector<16xf32>,
      tpu.vector_store %arg6[%swap3A_768], %gather3A_763 {strides = array<i32>} : memref<33024xf32, #tpu.memory_space<vmem>>, vector<16xf32>,
      %add3A_770 = arith.constant 160 : i32
      %add3A_771 = vector.broadcast %add3A_770 : i32 to vector<16xi32>
      %add3A_772 = arith.addi %add3A_670, %add3A_771 : vector<16xi32>
      %gather3A_773 = tpu.vector_load_idx %arg4[%add3A_772] : memref<33024xf32, #tpu.memory_space<vmem>>[vector<16xi32>], vector<16xf32>,
      %mul3A_774 = arith.constant 256 : i32
      %mul3A_775 = arith.muli %while3A_658, %mul3A_774 : i32
      %add3A_776 = arith.constant 160 : i32
      %add3A_777 = arith.addi %mul3A_775, %add3A_776 : i32
      %swap3A_778 = arith.index_cast %add3A_777 : i32 to index
      %swap3A_779 = tpu.vector_load %arg6[%swap3A_778] {strides = array<i32>} : memref<33024xf32, #tpu.memory_space<vmem>>, vector<16xf32>,
      tpu.vector_store %arg6[%swap3A_778], %gather3A_773 {strides = array<i32>} : memref<33024xf32, #tpu.memory_space<vmem>>, vector<16xf32>,
      %add3A_780 = arith.constant 176 : i32
      %add3A_781 = vector.broadcast %add3A_780 : i32 to vector<16xi32>
      %add3A_782 = arith.addi %add3A_670, %add3A_781 : vector<16xi32>
      %gather3A_783 = tpu.vector_load_idx %arg4[%add3A_782] : memref<33024xf32, #tpu.memory_space<vmem>>[vector<16xi32>], vector<16xf32>,
      %mul3A_784 = arith.constant 256 : i32
      %mul3A_785 = arith.muli %while3A_658, %mul3A_784 : i32
      %add3A_786 = arith.constant 176 : i32
      %add3A_787 = arith.addi %mul3A_785, %add3A_786 : i32
      %swap3A_788 = arith.index_cast %add3A_787 : i32 to index
      %swap3A_789 = tpu.vector_load %arg6[%swap3A_788] {strides = array<i32>} : memref<33024xf32, #tpu.memory_space<vmem>>, vector<16xf32>,
      tpu.vector_store %arg6[%swap3A_788], %gather3A_783 {strides = array<i32>} : memref<33024xf32, #tpu.memory_space<vmem>>, vector<16xf32>,
      %add3A_790 = arith.constant 192 : i32
      %add3A_791 = vector.broadcast %add3A_790 : i32 to vector<16xi32>
      %add3A_792 = arith.addi %add3A_670, %add3A_791 : vector<16xi32>
      %gather3A_793 = tpu.vector_load_idx %arg4[%add3A_792] : memref<33024xf32, #tpu.memory_space<vmem>>[vector<16xi32>], vector<16xf32>,
      %mul3A_794 = arith.constant 256 : i32
      %mul3A_795 = arith.muli %while3A_658, %mul3A_794 : i32
      %add3A_796 = arith.constant 192 : i32
      %add3A_797 = arith.addi %mul3A_795, %add3A_796 : i32
      %swap3A_798 = arith.index_cast %add3A_797 : i32 to index
      %swap3A_799 = tpu.vector_load %arg6[%swap3A_798] {strides = array<i32>} : memref<33024xf32, #tpu.memory_space<vmem>>, vector<16xf32>,
      tpu.vector_store %arg6[%swap3A_798], %gather3A_793 {strides = array<i32>} : memref<33024xf32, #tpu.memory_space<vmem>>, vector<16xf32>,
      %add3A_800 = arith.constant 208 : i32
      %add3A_801 = vector.broadcast %add3A_800 : i32 to vector<16xi32>
      %add3A_802 = arith.addi %add3A_670, %add3A_801 : vector<16xi32>
      %gather3A_803 = tpu.vector_load_idx %arg4[%add3A_802] : memref<33024xf32, #tpu.memory_space<vmem>>[vector<16xi32>], vector<16xf32>,
      %mul3A_804 = arith.constant 256 : i32
      %mul3A_805 = arith.muli %while3A_658, %mul3A_804 : i32
      %add3A_806 = arith.constant 208 : i32
      %add3A_807 = arith.addi %mul3A_805, %add3A_806 : i32
      %swap3A_808 = arith.index_cast %add3A_807 : i32 to index
      %swap3A_809 = tpu.vector_load %arg6[%swap3A_808] {strides = array<i32>} : memref<33024xf32, #tpu.memory_space<vmem>>, vector<16xf32>,
      tpu.vector_store %arg6[%swap3A_808], %gather3A_803 {strides = array<i32>} : memref<33024xf32, #tpu.memory_space<vmem>>, vector<16xf32>,
      %add3A_810 = arith.constant 224 : i32
      %add3A_811 = vector.broadcast %add3A_810 : i32 to vector<16xi32>
      %add3A_812 = arith.addi %add3A_670, %add3A_811 : vector<16xi32>
      %gather3A_813 = tpu.vector_load_idx %arg4[%add3A_812] : memref<33024xf32, #tpu.memory_space<vmem>>[vector<16xi32>], vector<16xf32>,
      %mul3A_814 = arith.constant 256 : i32
      %mul3A_815 = arith.muli %while3A_658, %mul3A_814 : i32
      %add3A_816 = arith.constant 224 : i32
      %add3A_817 = arith.addi %mul3A_815, %add3A_816 : i32
      %swap3A_818 = arith.index_cast %add3A_817 : i32 to index
      %swap3A_819 = tpu.vector_load %arg6[%swap3A_818] {strides = array<i32>} : memref<33024xf32, #tpu.memory_space<vmem>>, vector<16xf32>,
      tpu.vector_store %arg6[%swap3A_818], %gather3A_813 {strides = array<i32>} : memref<33024xf32, #tpu.memory_space<vmem>>, vector<16xf32>,
      %add3A_820 = arith.constant 240 : i32
      %add3A_821 = vector.broadcast %add3A_820 : i32 to vector<16xi32>
      %add3A_822 = arith.addi %add3A_670, %add3A_821 : vector<16xi32>
      %gather3A_823 = tpu.vector_load_idx %arg4[%add3A_822] : memref<33024xf32, #tpu.memory_space<vmem>>[vector<16xi32>], vector<16xf32>,
      %mul3A_824 = arith.constant 256 : i32
      %mul3A_825 = arith.muli %while3A_658, %mul3A_824 : i32
      %add3A_826 = arith.constant 240 : i32
      %add3A_827 = arith.addi %mul3A_825, %add3A_826 : i32
      %swap3A_828 = arith.index_cast %add3A_827 : i32 to index
      %swap3A_829 = tpu.vector_load %arg6[%swap3A_828] {strides = array<i32>} : memref<33024xf32, #tpu.memory_space<vmem>>, vector<16xf32>,
      tpu.vector_store %arg6[%swap3A_828], %gather3A_823 {strides = array<i32>} : memref<33024xf32, #tpu.memory_space<vmem>>, vector<16xf32>,
    }
    %add3A_172 = vector.broadcast %sub3A_139 : f32 to vector<16xf32>
    %add3A_173 = arith.addf %add3A_172, %broadcast_in_dim3A_3 : vector<16xf32>
    %add3A_174 = vector.broadcast %reduce_max3A_138 : f32 to vector<16xf32>
    %add3A_175 = arith.addf %add3A_174, %broadcast_in_dim3A_3 : vector<16xf32>
    %scan3A_176 = arith.constant 0 : i32
    %scan3A_177 = arith.constant 12 : i32
    %scan3A_178 = arith.addi %scan3A_176, %scan3A_177 : i32
    %scan3A_179 = arith.constant 1 : i32
    %scan3A_180:3 = scf.for %scan3A_658 = %scan3A_176 to %scan3A_178 step %scan3A_179 iter_args(%scan3A_659 = %add3A_173, %scan3A_660 = %add3A_175, %scan3A_661 = %add3A_173) -> (vector<16xf32>, vector<16xf32>, vector<16xf32>)  : i32 {
      %mul3A_662 = arith.constant 2 : i32
      %mul3A_663 = arith.muli %shift_right_logical3A_162, %mul3A_662 : i32
      %while3A_664 = arith.constant 0 : i32
      %while3A_665 = arith.subi %mul3A_663, %while3A_664 : i32
      %while3A_666 = arith.addi %while3A_664, %while3A_665 : i32
      %while3A_667 = arith.constant 1 : i32
      %while3A_668 = arith.divsi %while3A_665, %while3A_667 : i32
      %while3A_669 = arith.muli %while3A_668, %while3A_667 : i32
      %while3A_670 = arith.addi %while3A_664, %while3A_669 : i32
      %while3A_671 = arith.constant 1 : i32
      %while3A_672:2 = scf.for %while3A_704 = %while3A_664 to %while3A_670 step %while3A_671 iter_args(%while3A_705 = %broadcast_in_dim3A_3, %while3A_706 = %broadcast_in_dim3A_3) -> (vector<16xf32>, vector<16xf32>)  : i32 {
        %mul3A_707 = arith.constant 128 : i32
        %mul3A_708 = arith.muli %while3A_704, %mul3A_707 : i32
        %add3A_709 = arith.constant 0 : i32
        %add3A_710 = arith.addi %mul3A_708, %add3A_709 : i32
        %get3A = arith.index_cast %add3A_710 : i32 to index
        %get3A_711 = tpu.vector_load %arg6[%get3A] {strides = array<i32>} : memref<33024xf32, #tpu.memory_space<vmem>>, vector<16xf32>,
        %gt3A_712 = arith.cmpf ogt, %get3A_711, %scan3A_661 : vector<16xf32>
        %jit3A = arith.constant 0.000000e+00 : f32
        %broadcast_in_dim3A_713 = vector.broadcast %jit3A : f32 to vector<16xf32>
        %select_n3A_714 = arith.select %gt3A_712, %get3A_711, %broadcast_in_dim3A_713 : vector<16xi1>, vector<16xf32>
        %add3A_715 = arith.addf %while3A_705, %select_n3A_714 : vector<16xf32>
        %jit3A_716 = arith.constant 1.000000e+00 : f32
        %jit3A_717 = arith.constant 0.000000e+00 : f32
        %broadcast_in_dim3A_718 = vector.broadcast %jit3A_716 : f32 to vector<16xf32>
        %broadcast_in_dim3A_719 = vector.broadcast %jit3A_717 : f32 to vector<16xf32>
        %select_n3A_720 = arith.select %gt3A_712, %broadcast_in_dim3A_718, %broadcast_in_dim3A_719 : vector<16xi1>, vector<16xf32>
        %add3A_721 = arith.addf %while3A_706, %select_n3A_720 : vector<16xf32>
        %mul3A_722 = arith.constant 128 : i32
        %mul3A_723 = arith.muli %while3A_704, %mul3A_722 : i32
        %add3A_724 = arith.constant 16 : i32
        %add3A_725 = arith.addi %mul3A_723, %add3A_724 : i32
        %get3A_726 = arith.index_cast %add3A_725 : i32 to index
        %get3A_727 = tpu.vector_load %arg6[%get3A_726] {strides = array<i32>} : memref<33024xf32, #tpu.memory_space<vmem>>, vector<16xf32>,
        %gt3A_728 = arith.cmpf ogt, %get3A_727, %scan3A_661 : vector<16xf32>
        %jit3A_729 = arith.constant 0.000000e+00 : f32
        %broadcast_in_dim3A_730 = vector.broadcast %jit3A_729 : f32 to vector<16xf32>
        %select_n3A_731 = arith.select %gt3A_728, %get3A_727, %broadcast_in_dim3A_730 : vector<16xi1>, vector<16xf32>
        %add3A_732 = arith.addf %add3A_715, %select_n3A_731 : vector<16xf32>
        %jit3A_733 = arith.constant 1.000000e+00 : f32
        %jit3A_734 = arith.constant 0.000000e+00 : f32
        %broadcast_in_dim3A_735 = vector.broadcast %jit3A_733 : f32 to vector<16xf32>
        %broadcast_in_dim3A_736 = vector.broadcast %jit3A_734 : f32 to vector<16xf32>
        %select_n3A_737 = arith.select %gt3A_728, %broadcast_in_dim3A_735, %broadcast_in_dim3A_736 : vector<16xi1>, vector<16xf32>
        %add3A_738 = arith.addf %add3A_721, %select_n3A_737 : vector<16xf32>
        %mul3A_739 = arith.constant 128 : i32
        %mul3A_740 = arith.muli %while3A_704, %mul3A_739 : i32
        %add3A_741 = arith.constant 32 : i32
        %add3A_742 = arith.addi %mul3A_740, %add3A_741 : i32
        %get3A_743 = arith.index_cast %add3A_742 : i32 to index
        %get3A_744 = tpu.vector_load %arg6[%get3A_743] {strides = array<i32>} : memref<33024xf32, #tpu.memory_space<vmem>>, vector<16xf32>,
        %gt3A_745 = arith.cmpf ogt, %get3A_744, %scan3A_661 : vector<16xf32>
        %jit3A_746 = arith.constant 0.000000e+00 : f32
        %broadcast_in_dim3A_747 = vector.broadcast %jit3A_746 : f32 to vector<16xf32>
        %select_n3A_748 = arith.select %gt3A_745, %get3A_744, %broadcast_in_dim3A_747 : vector<16xi1>, vector<16xf32>
        %add3A_749 = arith.addf %add3A_732, %select_n3A_748 : vector<16xf32>
        %jit3A_750 = arith.constant 1.000000e+00 : f32
        %jit3A_751 = arith.constant 0.000000e+00 : f32
        %broadcast_in_dim3A_752 = vector.broadcast %jit3A_750 : f32 to vector<16xf32>
        %broadcast_in_dim3A_753 = vector.broadcast %jit3A_751 : f32 to vector<16xf32>
        %select_n3A_754 = arith.select %gt3A_745, %broadcast_in_dim3A_752, %broadcast_in_dim3A_753 : vector<16xi1>, vector<16xf32>
        %add3A_755 = arith.addf %add3A_738, %select_n3A_754 : vector<16xf32>
        %mul3A_756 = arith.constant 128 : i32
        %mul3A_757 = arith.muli %while3A_704, %mul3A_756 : i32
        %add3A_758 = arith.constant 48 : i32
        %add3A_759 = arith.addi %mul3A_757, %add3A_758 : i32
        %get3A_760 = arith.index_cast %add3A_759 : i32 to index
        %get3A_761 = tpu.vector_load %arg6[%get3A_760] {strides = array<i32>} : memref<33024xf32, #tpu.memory_space<vmem>>, vector<16xf32>,
        %gt3A_762 = arith.cmpf ogt, %get3A_761, %scan3A_661 : vector<16xf32>
        %jit3A_763 = arith.constant 0.000000e+00 : f32
        %broadcast_in_dim3A_764 = vector.broadcast %jit3A_763 : f32 to vector<16xf32>
        %select_n3A_765 = arith.select %gt3A_762, %get3A_761, %broadcast_in_dim3A_764 : vector<16xi1>, vector<16xf32>
        %add3A_766 = arith.addf %add3A_749, %select_n3A_765 : vector<16xf32>
        %jit3A_767 = arith.constant 1.000000e+00 : f32
        %jit3A_768 = arith.constant 0.000000e+00 : f32
        %broadcast_in_dim3A_769 = vector.broadcast %jit3A_767 : f32 to vector<16xf32>
        %broadcast_in_dim3A_770 = vector.broadcast %jit3A_768 : f32 to vector<16xf32>
        %select_n3A_771 = arith.select %gt3A_762, %broadcast_in_dim3A_769, %broadcast_in_dim3A_770 : vector<16xi1>, vector<16xf32>
        %add3A_772 = arith.addf %add3A_755, %select_n3A_771 : vector<16xf32>
        %mul3A_773 = arith.constant 128 : i32
        %mul3A_774 = arith.muli %while3A_704, %mul3A_773 : i32
        %add3A_775 = arith.constant 64 : i32
        %add3A_776 = arith.addi %mul3A_774, %add3A_775 : i32
        %get3A_777 = arith.index_cast %add3A_776 : i32 to index
        %get3A_778 = tpu.vector_load %arg6[%get3A_777] {strides = array<i32>} : memref<33024xf32, #tpu.memory_space<vmem>>, vector<16xf32>,
        %gt3A_779 = arith.cmpf ogt, %get3A_778, %scan3A_661 : vector<16xf32>
        %jit3A_780 = arith.constant 0.000000e+00 : f32
        %broadcast_in_dim3A_781 = vector.broadcast %jit3A_780 : f32 to vector<16xf32>
        %select_n3A_782 = arith.select %gt3A_779, %get3A_778, %broadcast_in_dim3A_781 : vector<16xi1>, vector<16xf32>
        %add3A_783 = arith.addf %add3A_766, %select_n3A_782 : vector<16xf32>
        %jit3A_784 = arith.constant 1.000000e+00 : f32
        %jit3A_785 = arith.constant 0.000000e+00 : f32
        %broadcast_in_dim3A_786 = vector.broadcast %jit3A_784 : f32 to vector<16xf32>
        %broadcast_in_dim3A_787 = vector.broadcast %jit3A_785 : f32 to vector<16xf32>
        %select_n3A_788 = arith.select %gt3A_779, %broadcast_in_dim3A_786, %broadcast_in_dim3A_787 : vector<16xi1>, vector<16xf32>
        %add3A_789 = arith.addf %add3A_772, %select_n3A_788 : vector<16xf32>
        %mul3A_790 = arith.constant 128 : i32
        %mul3A_791 = arith.muli %while3A_704, %mul3A_790 : i32
        %add3A_792 = arith.constant 80 : i32
        %add3A_793 = arith.addi %mul3A_791, %add3A_792 : i32
        %get3A_794 = arith.index_cast %add3A_793 : i32 to index
        %get3A_795 = tpu.vector_load %arg6[%get3A_794] {strides = array<i32>} : memref<33024xf32, #tpu.memory_space<vmem>>, vector<16xf32>,
        %gt3A_796 = arith.cmpf ogt, %get3A_795, %scan3A_661 : vector<16xf32>
        %jit3A_797 = arith.constant 0.000000e+00 : f32
        %broadcast_in_dim3A_798 = vector.broadcast %jit3A_797 : f32 to vector<16xf32>
        %select_n3A_799 = arith.select %gt3A_796, %get3A_795, %broadcast_in_dim3A_798 : vector<16xi1>, vector<16xf32>
        %add3A_800 = arith.addf %add3A_783, %select_n3A_799 : vector<16xf32>
        %jit3A_801 = arith.constant 1.000000e+00 : f32
        %jit3A_802 = arith.constant 0.000000e+00 : f32
        %broadcast_in_dim3A_803 = vector.broadcast %jit3A_801 : f32 to vector<16xf32>
        %broadcast_in_dim3A_804 = vector.broadcast %jit3A_802 : f32 to vector<16xf32>
        %select_n3A_805 = arith.select %gt3A_796, %broadcast_in_dim3A_803, %broadcast_in_dim3A_804 : vector<16xi1>, vector<16xf32>
        %add3A_806 = arith.addf %add3A_789, %select_n3A_805 : vector<16xf32>
        %mul3A_807 = arith.constant 128 : i32
        %mul3A_808 = arith.muli %while3A_704, %mul3A_807 : i32
        %add3A_809 = arith.constant 96 : i32
        %add3A_810 = arith.addi %mul3A_808, %add3A_809 : i32
        %get3A_811 = arith.index_cast %add3A_810 : i32 to index
        %get3A_812 = tpu.vector_load %arg6[%get3A_811] {strides = array<i32>} : memref<33024xf32, #tpu.memory_space<vmem>>, vector<16xf32>,
        %gt3A_813 = arith.cmpf ogt, %get3A_812, %scan3A_661 : vector<16xf32>
        %jit3A_814 = arith.constant 0.000000e+00 : f32
        %broadcast_in_dim3A_815 = vector.broadcast %jit3A_814 : f32 to vector<16xf32>
        %select_n3A_816 = arith.select %gt3A_813, %get3A_812, %broadcast_in_dim3A_815 : vector<16xi1>, vector<16xf32>
        %add3A_817 = arith.addf %add3A_800, %select_n3A_816 : vector<16xf32>
        %jit3A_818 = arith.constant 1.000000e+00 : f32
        %jit3A_819 = arith.constant 0.000000e+00 : f32
        %broadcast_in_dim3A_820 = vector.broadcast %jit3A_818 : f32 to vector<16xf32>
        %broadcast_in_dim3A_821 = vector.broadcast %jit3A_819 : f32 to vector<16xf32>
        %select_n3A_822 = arith.select %gt3A_813, %broadcast_in_dim3A_820, %broadcast_in_dim3A_821 : vector<16xi1>, vector<16xf32>
        %add3A_823 = arith.addf %add3A_806, %select_n3A_822 : vector<16xf32>
        %mul3A_824 = arith.constant 128 : i32
        %mul3A_825 = arith.muli %while3A_704, %mul3A_824 : i32
        %add3A_826 = arith.constant 112 : i32
        %add3A_827 = arith.addi %mul3A_825, %add3A_826 : i32
        %get3A_828 = arith.index_cast %add3A_827 : i32 to index
        %get3A_829 = tpu.vector_load %arg6[%get3A_828] {strides = array<i32>} : memref<33024xf32, #tpu.memory_space<vmem>>, vector<16xf32>,
        %gt3A_830 = arith.cmpf ogt, %get3A_829, %scan3A_661 : vector<16xf32>
        %jit3A_831 = arith.constant 0.000000e+00 : f32
        %broadcast_in_dim3A_832 = vector.broadcast %jit3A_831 : f32 to vector<16xf32>
        %select_n3A_833 = arith.select %gt3A_830, %get3A_829, %broadcast_in_dim3A_832 : vector<16xi1>, vector<16xf32>
        %add3A_834 = arith.addf %add3A_817, %select_n3A_833 : vector<16xf32>
        %jit3A_835 = arith.constant 1.000000e+00 : f32
        %jit3A_836 = arith.constant 0.000000e+00 : f32
        %broadcast_in_dim3A_837 = vector.broadcast %jit3A_835 : f32 to vector<16xf32>
        %broadcast_in_dim3A_838 = vector.broadcast %jit3A_836 : f32 to vector<16xf32>
        %select_n3A_839 = arith.select %gt3A_830, %broadcast_in_dim3A_837, %broadcast_in_dim3A_838 : vector<16xi1>, vector<16xf32>
        %add3A_840 = arith.addf %add3A_823, %select_n3A_839 : vector<16xf32>
        scf.yield %add3A_834, %add3A_840 : vector<16xf32>, vector<16xf32>
      }
      %while3A_673 = arith.constant 1 : i32
      %while3A_674:2 = scf.for %while3A_704 = %while3A_670 to %while3A_666 step %while3A_673 iter_args(%while3A_705 = %while3A_672#0, %while3A_706 = %while3A_672#1) -> (vector<16xf32>, vector<16xf32>)  : i32 {
        %mul3A_707 = arith.constant 128 : i32
        %mul3A_708 = arith.muli %while3A_704, %mul3A_707 : i32
        %add3A_709 = arith.constant 0 : i32
        %add3A_710 = arith.addi %mul3A_708, %add3A_709 : i32
        %get3A = arith.index_cast %add3A_710 : i32 to index
        %get3A_711 = tpu.vector_load %arg6[%get3A] {strides = array<i32>} : memref<33024xf32, #tpu.memory_space<vmem>>, vector<16xf32>,
        %gt3A_712 = arith.cmpf ogt, %get3A_711, %scan3A_661 : vector<16xf32>
        %jit3A = arith.constant 0.000000e+00 : f32
        %broadcast_in_dim3A_713 = vector.broadcast %jit3A : f32 to vector<16xf32>
        %select_n3A_714 = arith.select %gt3A_712, %get3A_711, %broadcast_in_dim3A_713 : vector<16xi1>, vector<16xf32>
        %add3A_715 = arith.addf %while3A_705, %select_n3A_714 : vector<16xf32>
        %jit3A_716 = arith.constant 1.000000e+00 : f32
        %jit3A_717 = arith.constant 0.000000e+00 : f32
        %broadcast_in_dim3A_718 = vector.broadcast %jit3A_716 : f32 to vector<16xf32>
        %broadcast_in_dim3A_719 = vector.broadcast %jit3A_717 : f32 to vector<16xf32>
        %select_n3A_720 = arith.select %gt3A_712, %broadcast_in_dim3A_718, %broadcast_in_dim3A_719 : vector<16xi1>, vector<16xf32>
        %add3A_721 = arith.addf %while3A_706, %select_n3A_720 : vector<16xf32>
        %mul3A_722 = arith.constant 128 : i32
        %mul3A_723 = arith.muli %while3A_704, %mul3A_722 : i32
        %add3A_724 = arith.constant 16 : i32
        %add3A_725 = arith.addi %mul3A_723, %add3A_724 : i32
        %get3A_726 = arith.index_cast %add3A_725 : i32 to index
        %get3A_727 = tpu.vector_load %arg6[%get3A_726] {strides = array<i32>} : memref<33024xf32, #tpu.memory_space<vmem>>, vector<16xf32>,
        %gt3A_728 = arith.cmpf ogt, %get3A_727, %scan3A_661 : vector<16xf32>
        %jit3A_729 = arith.constant 0.000000e+00 : f32
        %broadcast_in_dim3A_730 = vector.broadcast %jit3A_729 : f32 to vector<16xf32>
        %select_n3A_731 = arith.select %gt3A_728, %get3A_727, %broadcast_in_dim3A_730 : vector<16xi1>, vector<16xf32>
        %add3A_732 = arith.addf %add3A_715, %select_n3A_731 : vector<16xf32>
        %jit3A_733 = arith.constant 1.000000e+00 : f32
        %jit3A_734 = arith.constant 0.000000e+00 : f32
        %broadcast_in_dim3A_735 = vector.broadcast %jit3A_733 : f32 to vector<16xf32>
        %broadcast_in_dim3A_736 = vector.broadcast %jit3A_734 : f32 to vector<16xf32>
        %select_n3A_737 = arith.select %gt3A_728, %broadcast_in_dim3A_735, %broadcast_in_dim3A_736 : vector<16xi1>, vector<16xf32>
        %add3A_738 = arith.addf %add3A_721, %select_n3A_737 : vector<16xf32>
        %mul3A_739 = arith.constant 128 : i32
        %mul3A_740 = arith.muli %while3A_704, %mul3A_739 : i32
        %add3A_741 = arith.constant 32 : i32
        %add3A_742 = arith.addi %mul3A_740, %add3A_741 : i32
        %get3A_743 = arith.index_cast %add3A_742 : i32 to index
        %get3A_744 = tpu.vector_load %arg6[%get3A_743] {strides = array<i32>} : memref<33024xf32, #tpu.memory_space<vmem>>, vector<16xf32>,
        %gt3A_745 = arith.cmpf ogt, %get3A_744, %scan3A_661 : vector<16xf32>
        %jit3A_746 = arith.constant 0.000000e+00 : f32
        %broadcast_in_dim3A_747 = vector.broadcast %jit3A_746 : f32 to vector<16xf32>
        %select_n3A_748 = arith.select %gt3A_745, %get3A_744, %broadcast_in_dim3A_747 : vector<16xi1>, vector<16xf32>
        %add3A_749 = arith.addf %add3A_732, %select_n3A_748 : vector<16xf32>
        %jit3A_750 = arith.constant 1.000000e+00 : f32
        %jit3A_751 = arith.constant 0.000000e+00 : f32
        %broadcast_in_dim3A_752 = vector.broadcast %jit3A_750 : f32 to vector<16xf32>
        %broadcast_in_dim3A_753 = vector.broadcast %jit3A_751 : f32 to vector<16xf32>
        %select_n3A_754 = arith.select %gt3A_745, %broadcast_in_dim3A_752, %broadcast_in_dim3A_753 : vector<16xi1>, vector<16xf32>
        %add3A_755 = arith.addf %add3A_738, %select_n3A_754 : vector<16xf32>
        %mul3A_756 = arith.constant 128 : i32
        %mul3A_757 = arith.muli %while3A_704, %mul3A_756 : i32
        %add3A_758 = arith.constant 48 : i32
        %add3A_759 = arith.addi %mul3A_757, %add3A_758 : i32
        %get3A_760 = arith.index_cast %add3A_759 : i32 to index
        %get3A_761 = tpu.vector_load %arg6[%get3A_760] {strides = array<i32>} : memref<33024xf32, #tpu.memory_space<vmem>>, vector<16xf32>,
        %gt3A_762 = arith.cmpf ogt, %get3A_761, %scan3A_661 : vector<16xf32>
        %jit3A_763 = arith.constant 0.000000e+00 : f32
        %broadcast_in_dim3A_764 = vector.broadcast %jit3A_763 : f32 to vector<16xf32>
        %select_n3A_765 = arith.select %gt3A_762, %get3A_761, %broadcast_in_dim3A_764 : vector<16xi1>, vector<16xf32>
        %add3A_766 = arith.addf %add3A_749, %select_n3A_765 : vector<16xf32>
        %jit3A_767 = arith.constant 1.000000e+00 : f32
        %jit3A_768 = arith.constant 0.000000e+00 : f32
        %broadcast_in_dim3A_769 = vector.broadcast %jit3A_767 : f32 to vector<16xf32>
        %broadcast_in_dim3A_770 = vector.broadcast %jit3A_768 : f32 to vector<16xf32>
        %select_n3A_771 = arith.select %gt3A_762, %broadcast_in_dim3A_769, %broadcast_in_dim3A_770 : vector<16xi1>, vector<16xf32>
        %add3A_772 = arith.addf %add3A_755, %select_n3A_771 : vector<16xf32>
        %mul3A_773 = arith.constant 128 : i32
        %mul3A_774 = arith.muli %while3A_704, %mul3A_773 : i32
        %add3A_775 = arith.constant 64 : i32
        %add3A_776 = arith.addi %mul3A_774, %add3A_775 : i32
        %get3A_777 = arith.index_cast %add3A_776 : i32 to index
        %get3A_778 = tpu.vector_load %arg6[%get3A_777] {strides = array<i32>} : memref<33024xf32, #tpu.memory_space<vmem>>, vector<16xf32>,
        %gt3A_779 = arith.cmpf ogt, %get3A_778, %scan3A_661 : vector<16xf32>
        %jit3A_780 = arith.constant 0.000000e+00 : f32
        %broadcast_in_dim3A_781 = vector.broadcast %jit3A_780 : f32 to vector<16xf32>
        %select_n3A_782 = arith.select %gt3A_779, %get3A_778, %broadcast_in_dim3A_781 : vector<16xi1>, vector<16xf32>
        %add3A_783 = arith.addf %add3A_766, %select_n3A_782 : vector<16xf32>
        %jit3A_784 = arith.constant 1.000000e+00 : f32
        %jit3A_785 = arith.constant 0.000000e+00 : f32
        %broadcast_in_dim3A_786 = vector.broadcast %jit3A_784 : f32 to vector<16xf32>
        %broadcast_in_dim3A_787 = vector.broadcast %jit3A_785 : f32 to vector<16xf32>
        %select_n3A_788 = arith.select %gt3A_779, %broadcast_in_dim3A_786, %broadcast_in_dim3A_787 : vector<16xi1>, vector<16xf32>
        %add3A_789 = arith.addf %add3A_772, %select_n3A_788 : vector<16xf32>
        %mul3A_790 = arith.constant 128 : i32
        %mul3A_791 = arith.muli %while3A_704, %mul3A_790 : i32
        %add3A_792 = arith.constant 80 : i32
        %add3A_793 = arith.addi %mul3A_791, %add3A_792 : i32
        %get3A_794 = arith.index_cast %add3A_793 : i32 to index
        %get3A_795 = tpu.vector_load %arg6[%get3A_794] {strides = array<i32>} : memref<33024xf32, #tpu.memory_space<vmem>>, vector<16xf32>,
        %gt3A_796 = arith.cmpf ogt, %get3A_795, %scan3A_661 : vector<16xf32>
        %jit3A_797 = arith.constant 0.000000e+00 : f32
        %broadcast_in_dim3A_798 = vector.broadcast %jit3A_797 : f32 to vector<16xf32>
        %select_n3A_799 = arith.select %gt3A_796, %get3A_795, %broadcast_in_dim3A_798 : vector<16xi1>, vector<16xf32>
        %add3A_800 = arith.addf %add3A_783, %select_n3A_799 : vector<16xf32>
        %jit3A_801 = arith.constant 1.000000e+00 : f32
        %jit3A_802 = arith.constant 0.000000e+00 : f32
        %broadcast_in_dim3A_803 = vector.broadcast %jit3A_801 : f32 to vector<16xf32>
        %broadcast_in_dim3A_804 = vector.broadcast %jit3A_802 : f32 to vector<16xf32>
        %select_n3A_805 = arith.select %gt3A_796, %broadcast_in_dim3A_803, %broadcast_in_dim3A_804 : vector<16xi1>, vector<16xf32>
        %add3A_806 = arith.addf %add3A_789, %select_n3A_805 : vector<16xf32>
        %mul3A_807 = arith.constant 128 : i32
        %mul3A_808 = arith.muli %while3A_704, %mul3A_807 : i32
        %add3A_809 = arith.constant 96 : i32
        %add3A_810 = arith.addi %mul3A_808, %add3A_809 : i32
        %get3A_811 = arith.index_cast %add3A_810 : i32 to index
        %get3A_812 = tpu.vector_load %arg6[%get3A_811] {strides = array<i32>} : memref<33024xf32, #tpu.memory_space<vmem>>, vector<16xf32>,
        %gt3A_813 = arith.cmpf ogt, %get3A_812, %scan3A_661 : vector<16xf32>
        %jit3A_814 = arith.constant 0.000000e+00 : f32
        %broadcast_in_dim3A_815 = vector.broadcast %jit3A_814 : f32 to vector<16xf32>
        %select_n3A_816 = arith.select %gt3A_813, %get3A_812, %broadcast_in_dim3A_815 : vector<16xi1>, vector<16xf32>
        %add3A_817 = arith.addf %add3A_800, %select_n3A_816 : vector<16xf32>
        %jit3A_818 = arith.constant 1.000000e+00 : f32
        %jit3A_819 = arith.constant 0.000000e+00 : f32
        %broadcast_in_dim3A_820 = vector.broadcast %jit3A_818 : f32 to vector<16xf32>
        %broadcast_in_dim3A_821 = vector.broadcast %jit3A_819 : f32 to vector<16xf32>
        %select_n3A_822 = arith.select %gt3A_813, %broadcast_in_dim3A_820, %broadcast_in_dim3A_821 : vector<16xi1>, vector<16xf32>
        %add3A_823 = arith.addf %add3A_806, %select_n3A_822 : vector<16xf32>
        %mul3A_824 = arith.constant 128 : i32
        %mul3A_825 = arith.muli %while3A_704, %mul3A_824 : i32
        %add3A_826 = arith.constant 112 : i32
        %add3A_827 = arith.addi %mul3A_825, %add3A_826 : i32
        %get3A_828 = arith.index_cast %add3A_827 : i32 to index
        %get3A_829 = tpu.vector_load %arg6[%get3A_828] {strides = array<i32>} : memref<33024xf32, #tpu.memory_space<vmem>>, vector<16xf32>,
        %gt3A_830 = arith.cmpf ogt, %get3A_829, %scan3A_661 : vector<16xf32>
        %jit3A_831 = arith.constant 0.000000e+00 : f32
        %broadcast_in_dim3A_832 = vector.broadcast %jit3A_831 : f32 to vector<16xf32>
        %select_n3A_833 = arith.select %gt3A_830, %get3A_829, %broadcast_in_dim3A_832 : vector<16xi1>, vector<16xf32>
        %add3A_834 = arith.addf %add3A_817, %select_n3A_833 : vector<16xf32>
        %jit3A_835 = arith.constant 1.000000e+00 : f32
        %jit3A_836 = arith.constant 0.000000e+00 : f32
        %broadcast_in_dim3A_837 = vector.broadcast %jit3A_835 : f32 to vector<16xf32>
        %broadcast_in_dim3A_838 = vector.broadcast %jit3A_836 : f32 to vector<16xf32>
        %select_n3A_839 = arith.select %gt3A_830, %broadcast_in_dim3A_837, %broadcast_in_dim3A_838 : vector<16xi1>, vector<16xf32>
        %add3A_840 = arith.addf %add3A_823, %select_n3A_839 : vector<16xf32>
        scf.yield %add3A_834, %add3A_840 : vector<16xf32>, vector<16xf32>
      }
      %reduce_sum3A = arith.constant true
      %reduce_sum3A_675 = vector.broadcast %reduce_sum3A : i1 to vector<16xi1>
      %reduce_sum3A_676 = tpu.scan <sum>, %while3A_674#0 masked %reduce_sum3A_675 : vector<16xf32>, vector<16xi1> -> vector<16xf32>
      %reduce_sum3A_677 = vector.extract %reduce_sum3A_676[15] : f32 from vector<16xf32>
      %add3A_678 = vector.broadcast %reduce_sum3A_677 : f32 to vector<16xf32>
      %add3A_679 = arith.addf %add3A_678, %broadcast_in_dim3A_3 : vector<16xf32>
      %reduce_sum3A_680 = arith.constant true
      %reduce_sum3A_681 = vector.broadcast %reduce_sum3A_680 : i1 to vector<16xi1>
      %reduce_sum3A_682 = tpu.scan <sum>, %while3A_674#1 masked %reduce_sum3A_681 : vector<16xf32>, vector<16xi1> -> vector<16xf32>
      %reduce_sum3A_683 = vector.extract %reduce_sum3A_682[15] : f32 from vector<16xf32>
      %add3A_684 = vector.broadcast %reduce_sum3A_683 : f32 to vector<16xf32>
      %add3A_685 = arith.addf %add3A_684, %broadcast_in_dim3A_3 : vector<16xf32>
      %mul3A_686 = arith.mulf %add3A_685, %scan3A_661 : vector<16xf32>
      %sub3A_687 = arith.subf %add3A_679, %mul3A_686 : vector<16xf32>
      %ge3A = arith.constant 1.000000e+00 : f32
      %ge3A_688 = vector.broadcast %ge3A : f32 to vector<16xf32>
      %ge3A_689 = arith.cmpf oge, %sub3A_687, %ge3A_688 : vector<16xf32>
      %select_n3A = arith.select %ge3A_689, %scan3A_661, %scan3A_659 : vector<16xi1>, vector<16xf32>
      %select_n3A_690 = arith.select %ge3A_689, %scan3A_660, %scan3A_661 : vector<16xi1>, vector<16xf32>
      %gt3A = arith.constant 5.000000e-01 : f32
      %gt3A_691 = vector.broadcast %gt3A : f32 to vector<16xf32>
      %gt3A_692 = arith.cmpf ogt, %add3A_685, %gt3A_691 : vector<16xf32>
      %sub3A_693 = arith.constant 1.000000e+00 : f32
      %sub3A_694 = vector.broadcast %sub3A_693 : f32 to vector<16xf32>
      %sub3A_695 = arith.subf %add3A_679, %sub3A_694 : vector<16xf32>
      %max3A = arith.constant 1.000000e+00 : f32
      %max3A_696 = vector.broadcast %max3A : f32 to vector<16xf32>
      %max3A_697 = arith.maximumf %add3A_685, %max3A_696 : vector<16xf32>
      %div3A = arith.divf %sub3A_695, %max3A_697 : vector<16xf32>
      %select_n3A_698 = arith.select %gt3A_692, %div3A, %select_n3A : vector<16xi1>, vector<16xf32>
      %max3A_699 = arith.maximumf %select_n3A, %select_n3A_698 : vector<16xf32>
      %add3A_700 = arith.addf %max3A_699, %select_n3A_690 : vector<16xf32>
      %mul3A_701 = arith.constant 5.000000e-01 : f32
      %mul3A_702 = vector.broadcast %mul3A_701 : f32 to vector<16xf32>
      %mul3A_703 = arith.mulf %mul3A_702, %add3A_700 : vector<16xf32>
      scf.yield %max3A_699, %select_n3A_690, %mul3A_703 : vector<16xf32>, vector<16xf32>, vector<16xf32>
    }
    %scan3A_181 = arith.constant 12 : i32
    %scan3A_182 = arith.constant 0 : i32
    %scan3A_183 = arith.constant 0 : i32
    %scan3A_184 = arith.constant 256 : i32
    %scan3A_185 = arith.addi %scan3A_183, %scan3A_184 : i32
    %scan3A_186 = arith.constant 1 : i32
    scf.for %scan3A_658 = %scan3A_183 to %scan3A_185 step %scan3A_186  : i32 {
      %mul3A_659 = arith.constant 128 : i32
      %mul3A_660 = arith.muli %scan3A_658, %mul3A_659 : i32
      %add3A_661 = arith.constant 0 : i32
      %add3A_662 = arith.addi %mul3A_660, %add3A_661 : i32
      %get3A = arith.index_cast %add3A_662 : i32 to index
      %get3A_663 = tpu.vector_load %arg4[%get3A] {strides = array<i32>} : memref<33024xf32, #tpu.memory_space<vmem>>, vector<16xf32>,
      %sub3A_664 = arith.subf %get3A_663, %scan3A_180#0 : vector<16xf32>
      %max3A = arith.constant 0.000000e+00 : f32
      %max3A_665 = vector.broadcast %max3A : f32 to vector<16xf32>
      %max3A_666 = arith.maximumf %sub3A_664, %max3A_665 : vector<16xf32>
      %swap3A_667 = arith.index_cast %add3A_662 : i32 to index
      %swap3A_668 = tpu.vector_load %arg6[%swap3A_667] {strides = array<i32>} : memref<33024xf32, #tpu.memory_space<vmem>>, vector<16xf32>,
      tpu.vector_store %arg6[%swap3A_667], %max3A_666 {strides = array<i32>} : memref<33024xf32, #tpu.memory_space<vmem>>, vector<16xf32>,
      %mul3A_669 = arith.constant 128 : i32
      %mul3A_670 = arith.muli %scan3A_658, %mul3A_669 : i32
      %add3A_671 = arith.constant 16 : i32
      %add3A_672 = arith.addi %mul3A_670, %add3A_671 : i32
      %get3A_673 = arith.index_cast %add3A_672 : i32 to index
      %get3A_674 = tpu.vector_load %arg4[%get3A_673] {strides = array<i32>} : memref<33024xf32, #tpu.memory_space<vmem>>, vector<16xf32>,
      %sub3A_675 = arith.subf %get3A_674, %scan3A_180#0 : vector<16xf32>
      %max3A_676 = arith.constant 0.000000e+00 : f32
      %max3A_677 = vector.broadcast %max3A_676 : f32 to vector<16xf32>
      %max3A_678 = arith.maximumf %sub3A_675, %max3A_677 : vector<16xf32>
      %swap3A_679 = arith.index_cast %add3A_672 : i32 to index
      %swap3A_680 = tpu.vector_load %arg6[%swap3A_679] {strides = array<i32>} : memref<33024xf32, #tpu.memory_space<vmem>>, vector<16xf32>,
      tpu.vector_store %arg6[%swap3A_679], %max3A_678 {strides = array<i32>} : memref<33024xf32, #tpu.memory_space<vmem>>, vector<16xf32>,
      %mul3A_681 = arith.constant 128 : i32
      %mul3A_682 = arith.muli %scan3A_658, %mul3A_681 : i32
      %add3A_683 = arith.constant 32 : i32
      %add3A_684 = arith.addi %mul3A_682, %add3A_683 : i32
      %get3A_685 = arith.index_cast %add3A_684 : i32 to index
      %get3A_686 = tpu.vector_load %arg4[%get3A_685] {strides = array<i32>} : memref<33024xf32, #tpu.memory_space<vmem>>, vector<16xf32>,
      %sub3A_687 = arith.subf %get3A_686, %scan3A_180#0 : vector<16xf32>
      %max3A_688 = arith.constant 0.000000e+00 : f32
      %max3A_689 = vector.broadcast %max3A_688 : f32 to vector<16xf32>
      %max3A_690 = arith.maximumf %sub3A_687, %max3A_689 : vector<16xf32>
      %swap3A_691 = arith.index_cast %add3A_684 : i32 to index
      %swap3A_692 = tpu.vector_load %arg6[%swap3A_691] {strides = array<i32>} : memref<33024xf32, #tpu.memory_space<vmem>>, vector<16xf32>,
      tpu.vector_store %arg6[%swap3A_691], %max3A_690 {strides = array<i32>} : memref<33024xf32, #tpu.memory_space<vmem>>, vector<16xf32>,
      %mul3A_693 = arith.constant 128 : i32
      %mul3A_694 = arith.muli %scan3A_658, %mul3A_693 : i32
      %add3A_695 = arith.constant 48 : i32
      %add3A_696 = arith.addi %mul3A_694, %add3A_695 : i32
      %get3A_697 = arith.index_cast %add3A_696 : i32 to index
      %get3A_698 = tpu.vector_load %arg4[%get3A_697] {strides = array<i32>} : memref<33024xf32, #tpu.memory_space<vmem>>, vector<16xf32>,
      %sub3A_699 = arith.subf %get3A_698, %scan3A_180#0 : vector<16xf32>
      %max3A_700 = arith.constant 0.000000e+00 : f32
      %max3A_701 = vector.broadcast %max3A_700 : f32 to vector<16xf32>
      %max3A_702 = arith.maximumf %sub3A_699, %max3A_701 : vector<16xf32>
      %swap3A_703 = arith.index_cast %add3A_696 : i32 to index
      %swap3A_704 = tpu.vector_load %arg6[%swap3A_703] {strides = array<i32>} : memref<33024xf32, #tpu.memory_space<vmem>>, vector<16xf32>,
      tpu.vector_store %arg6[%swap3A_703], %max3A_702 {strides = array<i32>} : memref<33024xf32, #tpu.memory_space<vmem>>, vector<16xf32>,
      %mul3A_705 = arith.constant 128 : i32
      %mul3A_706 = arith.muli %scan3A_658, %mul3A_705 : i32
      %add3A_707 = arith.constant 64 : i32
      %add3A_708 = arith.addi %mul3A_706, %add3A_707 : i32
      %get3A_709 = arith.index_cast %add3A_708 : i32 to index
      %get3A_710 = tpu.vector_load %arg4[%get3A_709] {strides = array<i32>} : memref<33024xf32, #tpu.memory_space<vmem>>, vector<16xf32>,
      %sub3A_711 = arith.subf %get3A_710, %scan3A_180#0 : vector<16xf32>
      %max3A_712 = arith.constant 0.000000e+00 : f32
      %max3A_713 = vector.broadcast %max3A_712 : f32 to vector<16xf32>
      %max3A_714 = arith.maximumf %sub3A_711, %max3A_713 : vector<16xf32>
      %swap3A_715 = arith.index_cast %add3A_708 : i32 to index
      %swap3A_716 = tpu.vector_load %arg6[%swap3A_715] {strides = array<i32>} : memref<33024xf32, #tpu.memory_space<vmem>>, vector<16xf32>,
      tpu.vector_store %arg6[%swap3A_715], %max3A_714 {strides = array<i32>} : memref<33024xf32, #tpu.memory_space<vmem>>, vector<16xf32>,
      %mul3A_717 = arith.constant 128 : i32
      %mul3A_718 = arith.muli %scan3A_658, %mul3A_717 : i32
      %add3A_719 = arith.constant 80 : i32
      %add3A_720 = arith.addi %mul3A_718, %add3A_719 : i32
      %get3A_721 = arith.index_cast %add3A_720 : i32 to index
      %get3A_722 = tpu.vector_load %arg4[%get3A_721] {strides = array<i32>} : memref<33024xf32, #tpu.memory_space<vmem>>, vector<16xf32>,
      %sub3A_723 = arith.subf %get3A_722, %scan3A_180#0 : vector<16xf32>
      %max3A_724 = arith.constant 0.000000e+00 : f32
      %max3A_725 = vector.broadcast %max3A_724 : f32 to vector<16xf32>
      %max3A_726 = arith.maximumf %sub3A_723, %max3A_725 : vector<16xf32>
      %swap3A_727 = arith.index_cast %add3A_720 : i32 to index
      %swap3A_728 = tpu.vector_load %arg6[%swap3A_727] {strides = array<i32>} : memref<33024xf32, #tpu.memory_space<vmem>>, vector<16xf32>,
      tpu.vector_store %arg6[%swap3A_727], %max3A_726 {strides = array<i32>} : memref<33024xf32, #tpu.memory_space<vmem>>, vector<16xf32>,
      %mul3A_729 = arith.constant 128 : i32
      %mul3A_730 = arith.muli %scan3A_658, %mul3A_729 : i32
      %add3A_731 = arith.constant 96 : i32
      %add3A_732 = arith.addi %mul3A_730, %add3A_731 : i32
      %get3A_733 = arith.index_cast %add3A_732 : i32 to index
      %get3A_734 = tpu.vector_load %arg4[%get3A_733] {strides = array<i32>} : memref<33024xf32, #tpu.memory_space<vmem>>, vector<16xf32>,
      %sub3A_735 = arith.subf %get3A_734, %scan3A_180#0 : vector<16xf32>
      %max3A_736 = arith.constant 0.000000e+00 : f32
      %max3A_737 = vector.broadcast %max3A_736 : f32 to vector<16xf32>
      %max3A_738 = arith.maximumf %sub3A_735, %max3A_737 : vector<16xf32>
      %swap3A_739 = arith.index_cast %add3A_732 : i32 to index
      %swap3A_740 = tpu.vector_load %arg6[%swap3A_739] {strides = array<i32>} : memref<33024xf32, #tpu.memory_space<vmem>>, vector<16xf32>,
      tpu.vector_store %arg6[%swap3A_739], %max3A_738 {strides = array<i32>} : memref<33024xf32, #tpu.memory_space<vmem>>, vector<16xf32>,
      %mul3A_741 = arith.constant 128 : i32
      %mul3A_742 = arith.muli %scan3A_658, %mul3A_741 : i32
      %add3A_743 = arith.constant 112 : i32
      %add3A_744 = arith.addi %mul3A_742, %add3A_743 : i32
      %get3A_745 = arith.index_cast %add3A_744 : i32 to index
      %get3A_746 = tpu.vector_load %arg4[%get3A_745] {strides = array<i32>} : memref<33024xf32, #tpu.memory_space<vmem>>, vector<16xf32>,
      %sub3A_747 = arith.subf %get3A_746, %scan3A_180#0 : vector<16xf32>
      %max3A_748 = arith.constant 0.000000e+00 : f32
      %max3A_749 = vector.broadcast %max3A_748 : f32 to vector<16xf32>
      %max3A_750 = arith.maximumf %sub3A_747, %max3A_749 : vector<16xf32>
      %swap3A_751 = arith.index_cast %add3A_744 : i32 to index
      %swap3A_752 = tpu.vector_load %arg6[%swap3A_751] {strides = array<i32>} : memref<33024xf32, #tpu.memory_space<vmem>>, vector<16xf32>,
      tpu.vector_store %arg6[%swap3A_751], %max3A_750 {strides = array<i32>} : memref<33024xf32, #tpu.memory_space<vmem>>, vector<16xf32>,
    }
    %scan3A_187 = arith.constant 256 : i32
    %add3A_188 = arith.constant 0 : i32
    %add3A_189 = arith.addi %mul3A_2, %add3A_188 : i32
    %dma_start3A_190 = arith.constant 0 : i32
    %dma_start3A_191 = tpu.memref_slice %arg6[%dma_start3A_190] : memref<33024xf32, #tpu.memory_space<vmem>> -> memref<16384xf32, #tpu.memory_space<vmem>>
    %dma_start3A_192 = arith.constant 0 : i32
    %dma_start3A_193 = tpu.memref_slice %arg3[%add3A_189, %dma_start3A_192] : memref<128x32768xf32, #tpu.memory_space<hbm>> -> memref<1x16384xf32, #tpu.memory_space<hbm>>
    %dma_start3A_194 = tpu.memref_squeeze %dma_start3A_193 : memref<1x16384xf32, #tpu.memory_space<hbm>> -> memref<16384xf32, #tpu.memory_space<hbm>>
    %dma_start3A_195 = arith.constant 0 : i32
    %dma_start3A_196 = tpu.memref_slice %arg3[%add3A_189, %dma_start3A_195] : memref<128x32768xf32, #tpu.memory_space<hbm>> -> memref<1x16384xf32, #tpu.memory_space<hbm>>
    %dma_start3A_197 = tpu.memref_squeeze %dma_start3A_196 : memref<1x16384xf32, #tpu.memory_space<hbm>> -> memref<16384xf32, #tpu.memory_space<hbm>>
    %dma_start3A_198 = arith.constant 0 : i32
    %dma_start3A_199 = tpu.memref_slice %arg6[%dma_start3A_198] : memref<33024xf32, #tpu.memory_space<vmem>> -> memref<16384xf32, #tpu.memory_space<vmem>>
    tpu.enqueue_dma source(%dma_start3A_199 : memref<16384xf32, #tpu.memory_space<vmem>>) target(%dma_start3A_197 : memref<16384xf32, #tpu.memory_space<hbm>>) target_semaphore(%arg13 : memref<!tpu.dma_semaphore, #tpu.memory_space<semaphore_mem>>)
    %add3A_200 = arith.constant 0 : i32
    %add3A_201 = arith.addi %mul3A_2, %add3A_200 : i32
    %dma_start3A_202 = arith.constant 16384 : i32
    %dma_start3A_203 = tpu.memref_slice %arg6[%dma_start3A_202] : memref<33024xf32, #tpu.memory_space<vmem>> -> memref<16384xf32, #tpu.memory_space<vmem>>
    %dma_start3A_204 = arith.constant 16384 : i32
    %dma_start3A_205 = tpu.memref_slice %arg3[%add3A_201, %dma_start3A_204] : memref<128x32768xf32, #tpu.memory_space<hbm>> -> memref<1x16384xf32, #tpu.memory_space<hbm>>
    %dma_start3A_206 = tpu.memref_squeeze %dma_start3A_205 : memref<1x16384xf32, #tpu.memory_space<hbm>> -> memref<16384xf32, #tpu.memory_space<hbm>>
    %dma_start3A_207 = arith.constant 16384 : i32
    %dma_start3A_208 = tpu.memref_slice %arg3[%add3A_201, %dma_start3A_207] : memref<128x32768xf32, #tpu.memory_space<hbm>> -> memref<1x16384xf32, #tpu.memory_space<hbm>>
    %dma_start3A_209 = tpu.memref_squeeze %dma_start3A_208 : memref<1x16384xf32, #tpu.memory_space<hbm>> -> memref<16384xf32, #tpu.memory_space<hbm>>
    %dma_start3A_210 = arith.constant 16384 : i32
    %dma_start3A_211 = tpu.memref_slice %arg6[%dma_start3A_210] : memref<33024xf32, #tpu.memory_space<vmem>> -> memref<16384xf32, #tpu.memory_space<vmem>>
    tpu.enqueue_dma source(%dma_start3A_211 : memref<16384xf32, #tpu.memory_space<vmem>>) target(%dma_start3A_209 : memref<16384xf32, #tpu.memory_space<hbm>>) target_semaphore(%arg14 : memref<!tpu.dma_semaphore, #tpu.memory_space<semaphore_mem>>)
    %dma_wait3A_212 = arith.constant 0 : i32
    %dma_wait3A_213 = tpu.memref_slice %arg5[%dma_wait3A_212] : memref<33024xf32, #tpu.memory_space<vmem>> -> memref<16384xf32, #tpu.memory_space<vmem>>
    %dma_wait3A_214 = arith.constant 0 : i32
    %dma_wait3A_215 = tpu.memref_slice %arg2[%add3A_110, %dma_wait3A_214] : memref<128x32768xf32, #tpu.memory_space<hbm>> -> memref<1x16384xf32, #tpu.memory_space<hbm>>
    %dma_wait3A_216 = tpu.memref_squeeze %dma_wait3A_215 : memref<1x16384xf32, #tpu.memory_space<hbm>> -> memref<16384xf32, #tpu.memory_space<hbm>>
    %dma_wait3A_217 = arith.constant 0 : i32
    %dma_wait3A_218 = tpu.memref_slice %arg5[%dma_wait3A_217] : memref<33024xf32, #tpu.memory_space<vmem>> -> memref<16384xf32, #tpu.memory_space<vmem>>
    %dma_wait3A_219 = arith.constant 0 : i32
    %dma_wait3A_220 = tpu.memref_slice %arg2[%add3A_110, %dma_wait3A_219] : memref<128x32768xf32, #tpu.memory_space<hbm>> -> memref<1x16384xf32, #tpu.memory_space<hbm>>
    %dma_wait3A_221 = tpu.memref_squeeze %dma_wait3A_220 : memref<1x16384xf32, #tpu.memory_space<hbm>> -> memref<16384xf32, #tpu.memory_space<hbm>>
    tpu.wait_dma2 semaphore(%arg11 : memref<!tpu.dma_semaphore, #tpu.memory_space<semaphore_mem>>) src(%dma_wait3A_221 : memref<16384xf32, #tpu.memory_space<hbm>>) dst(%dma_wait3A_218 : memref<16384xf32, #tpu.memory_space<vmem>>)
    %dma_wait3A_222 = arith.constant 16384 : i32
    %dma_wait3A_223 = tpu.memref_slice %arg5[%dma_wait3A_222] : memref<33024xf32, #tpu.memory_space<vmem>> -> memref<16384xf32, #tpu.memory_space<vmem>>
    %dma_wait3A_224 = arith.constant 16384 : i32
    %dma_wait3A_225 = tpu.memref_slice %arg2[%add3A_110, %dma_wait3A_224] : memref<128x32768xf32, #tpu.memory_space<hbm>> -> memref<1x16384xf32, #tpu.memory_space<hbm>>
    %dma_wait3A_226 = tpu.memref_squeeze %dma_wait3A_225 : memref<1x16384xf32, #tpu.memory_space<hbm>> -> memref<16384xf32, #tpu.memory_space<hbm>>
    %dma_wait3A_227 = arith.constant 16384 : i32
    %dma_wait3A_228 = tpu.memref_slice %arg5[%dma_wait3A_227] : memref<33024xf32, #tpu.memory_space<vmem>> -> memref<16384xf32, #tpu.memory_space<vmem>>
    %dma_wait3A_229 = arith.constant 16384 : i32
    %dma_wait3A_230 = tpu.memref_slice %arg2[%add3A_110, %dma_wait3A_229] : memref<128x32768xf32, #tpu.memory_space<hbm>> -> memref<1x16384xf32, #tpu.memory_space<hbm>>
    %dma_wait3A_231 = tpu.memref_squeeze %dma_wait3A_230 : memref<1x16384xf32, #tpu.memory_space<hbm>> -> memref<16384xf32, #tpu.memory_space<hbm>>
    tpu.wait_dma2 semaphore(%arg12 : memref<!tpu.dma_semaphore, #tpu.memory_space<semaphore_mem>>) src(%dma_wait3A_231 : memref<16384xf32, #tpu.memory_space<hbm>>) dst(%dma_wait3A_228 : memref<16384xf32, #tpu.memory_space<vmem>>)
    %add3A_232 = arith.constant 1 : i32
    %add3A_233 = arith.addi %mul3A_2, %add3A_232 : i32
    %add3A_234 = arith.constant 1 : i32
    %add3A_235 = arith.addi %add3A_233, %add3A_234 : i32
    %dma_start3A_236 = arith.constant 0 : i32
    %dma_start3A_237 = tpu.memref_slice %arg4[%dma_start3A_236] : memref<33024xf32, #tpu.memory_space<vmem>> -> memref<16384xf32, #tpu.memory_space<vmem>>
    %dma_start3A_238 = arith.constant 0 : i32
    %dma_start3A_239 = tpu.memref_slice %arg2[%add3A_235, %dma_start3A_238] : memref<128x32768xf32, #tpu.memory_space<hbm>> -> memref<1x16384xf32, #tpu.memory_space<hbm>>
    %dma_start3A_240 = tpu.memref_squeeze %dma_start3A_239 : memref<1x16384xf32, #tpu.memory_space<hbm>> -> memref<16384xf32, #tpu.memory_space<hbm>>
    %dma_start3A_241 = arith.constant 0 : i32
    %dma_start3A_242 = tpu.memref_slice %arg4[%dma_start3A_241] : memref<33024xf32, #tpu.memory_space<vmem>> -> memref<16384xf32, #tpu.memory_space<vmem>>
    %dma_start3A_243 = arith.constant 0 : i32
    %dma_start3A_244 = tpu.memref_slice %arg2[%add3A_235, %dma_start3A_243] : memref<128x32768xf32, #tpu.memory_space<hbm>> -> memref<1x16384xf32, #tpu.memory_space<hbm>>
    %dma_start3A_245 = tpu.memref_squeeze %dma_start3A_244 : memref<1x16384xf32, #tpu.memory_space<hbm>> -> memref<16384xf32, #tpu.memory_space<hbm>>
    tpu.enqueue_dma source(%dma_start3A_245 : memref<16384xf32, #tpu.memory_space<hbm>>) target(%dma_start3A_242 : memref<16384xf32, #tpu.memory_space<vmem>>) target_semaphore(%arg9 : memref<!tpu.dma_semaphore, #tpu.memory_space<semaphore_mem>>)
    %dma_start3A_246 = arith.constant 16384 : i32
    %dma_start3A_247 = tpu.memref_slice %arg4[%dma_start3A_246] : memref<33024xf32, #tpu.memory_space<vmem>> -> memref<16384xf32, #tpu.memory_space<vmem>>
    %dma_start3A_248 = arith.constant 16384 : i32
    %dma_start3A_249 = tpu.memref_slice %arg2[%add3A_235, %dma_start3A_248] : memref<128x32768xf32, #tpu.memory_space<hbm>> -> memref<1x16384xf32, #tpu.memory_space<hbm>>
    %dma_start3A_250 = tpu.memref_squeeze %dma_start3A_249 : memref<1x16384xf32, #tpu.memory_space<hbm>> -> memref<16384xf32, #tpu.memory_space<hbm>>
    %dma_start3A_251 = arith.constant 16384 : i32
    %dma_start3A_252 = tpu.memref_slice %arg4[%dma_start3A_251] : memref<33024xf32, #tpu.memory_space<vmem>> -> memref<16384xf32, #tpu.memory_space<vmem>>
    %dma_start3A_253 = arith.constant 16384 : i32
    %dma_start3A_254 = tpu.memref_slice %arg2[%add3A_235, %dma_start3A_253] : memref<128x32768xf32, #tpu.memory_space<hbm>> -> memref<1x16384xf32, #tpu.memory_space<hbm>>
    %dma_start3A_255 = tpu.memref_squeeze %dma_start3A_254 : memref<1x16384xf32, #tpu.memory_space<hbm>> -> memref<16384xf32, #tpu.memory_space<hbm>>
    tpu.enqueue_dma source(%dma_start3A_255 : memref<16384xf32, #tpu.memory_space<hbm>>) target(%dma_start3A_252 : memref<16384xf32, #tpu.memory_space<vmem>>) target_semaphore(%arg10 : memref<!tpu.dma_semaphore, #tpu.memory_space<semaphore_mem>>)
    %scan3A_256 = arith.constant 0 : i32
    %scan3A_257 = arith.constant 128 : i32
    %scan3A_258 = arith.addi %scan3A_256, %scan3A_257 : i32
    %scan3A_259 = arith.constant 1 : i32
    %scan3A_260 = scf.for %scan3A_658 = %scan3A_256 to %scan3A_258 step %scan3A_259 iter_args(%scan3A_659 = %broadcast_in_dim3A_5) -> (vector<16xf32>)  : i32 {
      %mul3A_660 = arith.constant 256 : i32
      %mul3A_661 = arith.muli %scan3A_658, %mul3A_660 : i32
      %add3A_662 = arith.constant 0 : i32
      %add3A_663 = arith.addi %mul3A_661, %add3A_662 : i32
      %get3A = arith.index_cast %add3A_663 : i32 to index
      %get3A_664 = tpu.vector_load %arg5[%get3A] {strides = array<i32>} : memref<33024xf32, #tpu.memory_space<vmem>>, vector<16xf32>,
      %mul3A_665 = arith.constant 256 : i32
      %mul3A_666 = arith.muli %scan3A_658, %mul3A_665 : i32
      %add3A_667 = arith.constant 16 : i32
      %add3A_668 = arith.addi %mul3A_666, %add3A_667 : i32
      %get3A_669 = arith.index_cast %add3A_668 : i32 to index
      %get3A_670 = tpu.vector_load %arg5[%get3A_669] {strides = array<i32>} : memref<33024xf32, #tpu.memory_space<vmem>>, vector<16xf32>,
      %mul3A_671 = arith.constant 256 : i32
      %mul3A_672 = arith.muli %scan3A_658, %mul3A_671 : i32
      %add3A_673 = arith.constant 32 : i32
      %add3A_674 = arith.addi %mul3A_672, %add3A_673 : i32
      %get3A_675 = arith.index_cast %add3A_674 : i32 to index
      %get3A_676 = tpu.vector_load %arg5[%get3A_675] {strides = array<i32>} : memref<33024xf32, #tpu.memory_space<vmem>>, vector<16xf32>,
      %mul3A_677 = arith.constant 256 : i32
      %mul3A_678 = arith.muli %scan3A_658, %mul3A_677 : i32
      %add3A_679 = arith.constant 48 : i32
      %add3A_680 = arith.addi %mul3A_678, %add3A_679 : i32
      %get3A_681 = arith.index_cast %add3A_680 : i32 to index
      %get3A_682 = tpu.vector_load %arg5[%get3A_681] {strides = array<i32>} : memref<33024xf32, #tpu.memory_space<vmem>>, vector<16xf32>,
      %mul3A_683 = arith.constant 256 : i32
      %mul3A_684 = arith.muli %scan3A_658, %mul3A_683 : i32
      %add3A_685 = arith.constant 64 : i32
      %add3A_686 = arith.addi %mul3A_684, %add3A_685 : i32
      %get3A_687 = arith.index_cast %add3A_686 : i32 to index
      %get3A_688 = tpu.vector_load %arg5[%get3A_687] {strides = array<i32>} : memref<33024xf32, #tpu.memory_space<vmem>>, vector<16xf32>,
      %mul3A_689 = arith.constant 256 : i32
      %mul3A_690 = arith.muli %scan3A_658, %mul3A_689 : i32
      %add3A_691 = arith.constant 80 : i32
      %add3A_692 = arith.addi %mul3A_690, %add3A_691 : i32
      %get3A_693 = arith.index_cast %add3A_692 : i32 to index
      %get3A_694 = tpu.vector_load %arg5[%get3A_693] {strides = array<i32>} : memref<33024xf32, #tpu.memory_space<vmem>>, vector<16xf32>,
      %mul3A_695 = arith.constant 256 : i32
      %mul3A_696 = arith.muli %scan3A_658, %mul3A_695 : i32
      %add3A_697 = arith.constant 96 : i32
      %add3A_698 = arith.addi %mul3A_696, %add3A_697 : i32
      %get3A_699 = arith.index_cast %add3A_698 : i32 to index
      %get3A_700 = tpu.vector_load %arg5[%get3A_699] {strides = array<i32>} : memref<33024xf32, #tpu.memory_space<vmem>>, vector<16xf32>,
      %mul3A_701 = arith.constant 256 : i32
      %mul3A_702 = arith.muli %scan3A_658, %mul3A_701 : i32
      %add3A_703 = arith.constant 112 : i32
      %add3A_704 = arith.addi %mul3A_702, %add3A_703 : i32
      %get3A_705 = arith.index_cast %add3A_704 : i32 to index
      %get3A_706 = tpu.vector_load %arg5[%get3A_705] {strides = array<i32>} : memref<33024xf32, #tpu.memory_space<vmem>>, vector<16xf32>,
      %mul3A_707 = arith.constant 256 : i32
      %mul3A_708 = arith.muli %scan3A_658, %mul3A_707 : i32
      %add3A_709 = arith.constant 128 : i32
      %add3A_710 = arith.addi %mul3A_708, %add3A_709 : i32
      %get3A_711 = arith.index_cast %add3A_710 : i32 to index
      %get3A_712 = tpu.vector_load %arg5[%get3A_711] {strides = array<i32>} : memref<33024xf32, #tpu.memory_space<vmem>>, vector<16xf32>,
      %mul3A_713 = arith.constant 256 : i32
      %mul3A_714 = arith.muli %scan3A_658, %mul3A_713 : i32
      %add3A_715 = arith.constant 144 : i32
      %add3A_716 = arith.addi %mul3A_714, %add3A_715 : i32
      %get3A_717 = arith.index_cast %add3A_716 : i32 to index
      %get3A_718 = tpu.vector_load %arg5[%get3A_717] {strides = array<i32>} : memref<33024xf32, #tpu.memory_space<vmem>>, vector<16xf32>,
      %mul3A_719 = arith.constant 256 : i32
      %mul3A_720 = arith.muli %scan3A_658, %mul3A_719 : i32
      %add3A_721 = arith.constant 160 : i32
      %add3A_722 = arith.addi %mul3A_720, %add3A_721 : i32
      %get3A_723 = arith.index_cast %add3A_722 : i32 to index
      %get3A_724 = tpu.vector_load %arg5[%get3A_723] {strides = array<i32>} : memref<33024xf32, #tpu.memory_space<vmem>>, vector<16xf32>,
      %mul3A_725 = arith.constant 256 : i32
      %mul3A_726 = arith.muli %scan3A_658, %mul3A_725 : i32
      %add3A_727 = arith.constant 176 : i32
      %add3A_728 = arith.addi %mul3A_726, %add3A_727 : i32
      %get3A_729 = arith.index_cast %add3A_728 : i32 to index
      %get3A_730 = tpu.vector_load %arg5[%get3A_729] {strides = array<i32>} : memref<33024xf32, #tpu.memory_space<vmem>>, vector<16xf32>,
      %mul3A_731 = arith.constant 256 : i32
      %mul3A_732 = arith.muli %scan3A_658, %mul3A_731 : i32
      %add3A_733 = arith.constant 192 : i32
      %add3A_734 = arith.addi %mul3A_732, %add3A_733 : i32
      %get3A_735 = arith.index_cast %add3A_734 : i32 to index
      %get3A_736 = tpu.vector_load %arg5[%get3A_735] {strides = array<i32>} : memref<33024xf32, #tpu.memory_space<vmem>>, vector<16xf32>,
      %mul3A_737 = arith.constant 256 : i32
      %mul3A_738 = arith.muli %scan3A_658, %mul3A_737 : i32
      %add3A_739 = arith.constant 208 : i32
      %add3A_740 = arith.addi %mul3A_738, %add3A_739 : i32
      %get3A_741 = arith.index_cast %add3A_740 : i32 to index
      %get3A_742 = tpu.vector_load %arg5[%get3A_741] {strides = array<i32>} : memref<33024xf32, #tpu.memory_space<vmem>>, vector<16xf32>,
      %mul3A_743 = arith.constant 256 : i32
      %mul3A_744 = arith.muli %scan3A_658, %mul3A_743 : i32
      %add3A_745 = arith.constant 224 : i32
      %add3A_746 = arith.addi %mul3A_744, %add3A_745 : i32
      %get3A_747 = arith.index_cast %add3A_746 : i32 to index
      %get3A_748 = tpu.vector_load %arg5[%get3A_747] {strides = array<i32>} : memref<33024xf32, #tpu.memory_space<vmem>>, vector<16xf32>,
      %mul3A_749 = arith.constant 256 : i32
      %mul3A_750 = arith.muli %scan3A_658, %mul3A_749 : i32
      %add3A_751 = arith.constant 240 : i32
      %add3A_752 = arith.addi %mul3A_750, %add3A_751 : i32
      %get3A_753 = arith.index_cast %add3A_752 : i32 to index
      %get3A_754 = tpu.vector_load %arg5[%get3A_753] {strides = array<i32>} : memref<33024xf32, #tpu.memory_space<vmem>>, vector<16xf32>,
      %max3A = arith.maximumf %get3A_664, %get3A_670 : vector<16xf32>
      %max3A_755 = arith.maximumf %get3A_676, %get3A_682 : vector<16xf32>
      %max3A_756 = arith.maximumf %get3A_688, %get3A_694 : vector<16xf32>
      %max3A_757 = arith.maximumf %get3A_700, %get3A_706 : vector<16xf32>
      %max3A_758 = arith.maximumf %get3A_712, %get3A_718 : vector<16xf32>
      %max3A_759 = arith.maximumf %get3A_724, %get3A_730 : vector<16xf32>
      %max3A_760 = arith.maximumf %get3A_736, %get3A_742 : vector<16xf32>
      %max3A_761 = arith.maximumf %get3A_748, %get3A_754 : vector<16xf32>
      %max3A_762 = arith.maximumf %max3A, %max3A_755 : vector<16xf32>
      %max3A_763 = arith.maximumf %max3A_756, %max3A_757 : vector<16xf32>
      %max3A_764 = arith.maximumf %max3A_758, %max3A_759 : vector<16xf32>
      %max3A_765 = arith.maximumf %max3A_760, %max3A_761 : vector<16xf32>
      %max3A_766 = arith.maximumf %max3A_762, %max3A_763 : vector<16xf32>
      %max3A_767 = arith.maximumf %max3A_764, %max3A_765 : vector<16xf32>
      %max3A_768 = arith.maximumf %max3A_766, %max3A_767 : vector<16xf32>
      %mul3A_769 = arith.constant 16 : i32
      %mul3A_770 = arith.muli %scan3A_658, %mul3A_769 : i32
      %swap3A_771 = arith.index_cast %mul3A_770 : i32 to index
      %swap3A_772 = tpu.vector_load %arg7[%swap3A_771] {strides = array<i32>} : memref<2048xf32, #tpu.memory_space<vmem>>, vector<16xf32>,
      tpu.vector_store %arg7[%swap3A_771], %max3A_768 {strides = array<i32>} : memref<2048xf32, #tpu.memory_space<vmem>>, vector<16xf32>,
      %max3A_773 = arith.maximumf %scan3A_659, %max3A_768 : vector<16xf32>
      scf.yield %max3A_773 : vector<16xf32>
    }
    %scan3A_261 = arith.constant 128 : i32
    %reduce_max3A_262 = arith.constant true
    %reduce_max3A_263 = vector.broadcast %reduce_max3A_262 : i1 to vector<16xi1>
    %reduce_max3A_264 = tpu.scan <max>, %scan3A_260 masked %reduce_max3A_263 : vector<16xf32>, vector<16xi1> -> vector<16xf32>
    %reduce_max3A_265 = vector.extract %reduce_max3A_264[15] : f32 from vector<16xf32>
    %sub3A_266 = arith.constant 1.000000e+00 : f32
    %sub3A_267 = arith.subf %reduce_max3A_265, %sub3A_266 : f32
    %broadcast_in_dim3A_268 = arith.constant 0 : i32
    %broadcast_in_dim3A_269 = vector.broadcast %broadcast_in_dim3A_268 : i32 to vector<16xi32>
    %scan3A_270 = arith.constant 0 : i32
    %scan3A_271 = arith.constant 128 : i32
    %scan3A_272 = arith.addi %scan3A_270, %scan3A_271 : i32
    %scan3A_273 = arith.constant 1 : i32
    %scan3A_274 = scf.for %scan3A_658 = %scan3A_270 to %scan3A_272 step %scan3A_273 iter_args(%scan3A_659 = %broadcast_in_dim3A_269) -> (vector<16xi32>)  : i32 {
      %mul3A_660 = arith.constant 16 : i32
      %mul3A_661 = arith.muli %scan3A_658, %mul3A_660 : i32
      %get3A = arith.index_cast %mul3A_661 : i32 to index
      %get3A_662 = tpu.vector_load %arg7[%get3A] {strides = array<i32>} : memref<2048xf32, #tpu.memory_space<vmem>>, vector<16xf32>,
      %gt3A = vector.broadcast %sub3A_267 : f32 to vector<16xf32>
      %gt3A_663 = arith.cmpf ogt, %get3A_662, %gt3A : vector<16xf32>
      %jit3A = arith.constant 1 : i32
      %jit3A_664 = arith.constant 0 : i32
      %broadcast_in_dim3A_665 = vector.broadcast %jit3A : i32 to vector<16xi32>
      %broadcast_in_dim3A_666 = vector.broadcast %jit3A_664 : i32 to vector<16xi32>
      %select_n3A = arith.select %gt3A_663, %broadcast_in_dim3A_665, %broadcast_in_dim3A_666 : vector<16xi1>, vector<16xi32>
      %broadcast_in_dim3A_667 = arith.constant true
      %broadcast_in_dim3A_668 = vector.broadcast %broadcast_in_dim3A_667 : i1 to vector<16xi1>
      %masked_cumsum3A = tpu.scan <sum>, %select_n3A masked %broadcast_in_dim3A_668 : vector<16xi32>, vector<16xi1> -> vector<16xi32>
      %sub3A_669 = arith.subi %masked_cumsum3A, %select_n3A : vector<16xi32>
      %add3A_670 = arith.addi %sub3A_669, %scan3A_659 : vector<16xi32>
      %mul3A_671 = arith.constant 16 : i32
      %mul3A_672 = arith.muli %scan3A_658, %mul3A_671 : i32
      %add3A_673 = vector.broadcast %mul3A_672 : i32 to vector<16xi32>
      %add3A_674 = arith.addi %add3A_673, %iota3A : vector<16xi32>
      tpu.vector_store_idx %arg8[%add3A_670], %add3A_674 masked %gt3A_663 : memref<2064xi32, #tpu.memory_space<vmem>>[vector<16xi32>], vector<16xi32>, vector<16xi1>
      %all_reduce_population_count3A = tpu.all_reduce %gt3A_663 {dim = 0 : i64, kind = #tpu.reduction_kind<sum>} : vector<16xi1> -> vector<16xi32>
      %add3A_675 = arith.addi %scan3A_659, %all_reduce_population_count3A : vector<16xi32>
      scf.yield %add3A_675 : vector<16xi32>
    }
    %scan3A_275 = arith.constant 128 : i32
    %reduce_max3A_276 = arith.constant true
    %reduce_max3A_277 = vector.broadcast %reduce_max3A_276 : i1 to vector<16xi1>
    %reduce_max3A_278 = arith.constant -2147483648 : i32
    %reduce_max3A_279 = vector.broadcast %reduce_max3A_278 : i32 to vector<16xi32>
    %reduce_max3A_280 = arith.xori %scan3A_274, %reduce_max3A_279 : vector<16xi32>
    %reduce_max3A_281 = tpu.scan <max>, %reduce_max3A_280 masked %reduce_max3A_277 : vector<16xi32>, vector<16xi1> -> vector<16xi32>
    %reduce_max3A_282 = arith.xori %reduce_max3A_281, %reduce_max3A_279 : vector<16xi32>
    %reduce_max3A_283 = vector.extract %reduce_max3A_282[15] : i32 from vector<16xi32>
    %add3A_284 = vector.broadcast %reduce_max3A_283 : i32 to vector<16xi32>
    %add3A_285 = arith.addi %add3A_284, %iota3A : vector<16xi32>
    %broadcast_in_dim3A_286 = arith.constant 2048 : i32
    %broadcast_in_dim3A_287 = vector.broadcast %broadcast_in_dim3A_286 : i32 to vector<16xi32>
    tpu.vector_store_idx %arg8[%add3A_285], %broadcast_in_dim3A_287 : memref<2064xi32, #tpu.memory_space<vmem>>[vector<16xi32>], vector<16xi32>,
    %add3A_288 = arith.constant 15 : i32
    %add3A_289 = arith.addi %reduce_max3A_283, %add3A_288 : i32
    %shift_right_logical3A_290 = arith.constant 4 : i32
    %shift_right_logical3A_291 = arith.shrui %add3A_289, %shift_right_logical3A_290 : i32
    %dma_wait3A_292 = arith.constant 0 : i32
    %dma_wait3A_293 = tpu.memref_slice %arg6[%dma_wait3A_292] : memref<33024xf32, #tpu.memory_space<vmem>> -> memref<16384xf32, #tpu.memory_space<vmem>>
    %dma_wait3A_294 = arith.constant 0 : i32
    %dma_wait3A_295 = tpu.memref_slice %arg3[%add3A_189, %dma_wait3A_294] : memref<128x32768xf32, #tpu.memory_space<hbm>> -> memref<1x16384xf32, #tpu.memory_space<hbm>>
    %dma_wait3A_296 = tpu.memref_squeeze %dma_wait3A_295 : memref<1x16384xf32, #tpu.memory_space<hbm>> -> memref<16384xf32, #tpu.memory_space<hbm>>
    %dma_wait3A_297 = arith.constant 0 : i32
    %dma_wait3A_298 = tpu.memref_slice %arg3[%add3A_189, %dma_wait3A_297] : memref<128x32768xf32, #tpu.memory_space<hbm>> -> memref<1x16384xf32, #tpu.memory_space<hbm>>
    %dma_wait3A_299 = tpu.memref_squeeze %dma_wait3A_298 : memref<1x16384xf32, #tpu.memory_space<hbm>> -> memref<16384xf32, #tpu.memory_space<hbm>>
    %dma_wait3A_300 = arith.constant 0 : i32
    %dma_wait3A_301 = tpu.memref_slice %arg6[%dma_wait3A_300] : memref<33024xf32, #tpu.memory_space<vmem>> -> memref<16384xf32, #tpu.memory_space<vmem>>
    tpu.wait_dma2 semaphore(%arg13 : memref<!tpu.dma_semaphore, #tpu.memory_space<semaphore_mem>>) src(%dma_wait3A_301 : memref<16384xf32, #tpu.memory_space<vmem>>) dst(%dma_wait3A_299 : memref<16384xf32, #tpu.memory_space<hbm>>)
    %dma_wait3A_302 = arith.constant 16384 : i32
    %dma_wait3A_303 = tpu.memref_slice %arg6[%dma_wait3A_302] : memref<33024xf32, #tpu.memory_space<vmem>> -> memref<16384xf32, #tpu.memory_space<vmem>>
    %dma_wait3A_304 = arith.constant 16384 : i32
    %dma_wait3A_305 = tpu.memref_slice %arg3[%add3A_201, %dma_wait3A_304] : memref<128x32768xf32, #tpu.memory_space<hbm>> -> memref<1x16384xf32, #tpu.memory_space<hbm>>
    %dma_wait3A_306 = tpu.memref_squeeze %dma_wait3A_305 : memref<1x16384xf32, #tpu.memory_space<hbm>> -> memref<16384xf32, #tpu.memory_space<hbm>>
    %dma_wait3A_307 = arith.constant 16384 : i32
    %dma_wait3A_308 = tpu.memref_slice %arg3[%add3A_201, %dma_wait3A_307] : memref<128x32768xf32, #tpu.memory_space<hbm>> -> memref<1x16384xf32, #tpu.memory_space<hbm>>
    %dma_wait3A_309 = tpu.memref_squeeze %dma_wait3A_308 : memref<1x16384xf32, #tpu.memory_space<hbm>> -> memref<16384xf32, #tpu.memory_space<hbm>>
    %dma_wait3A_310 = arith.constant 16384 : i32
    %dma_wait3A_311 = tpu.memref_slice %arg6[%dma_wait3A_310] : memref<33024xf32, #tpu.memory_space<vmem>> -> memref<16384xf32, #tpu.memory_space<vmem>>
    tpu.wait_dma2 semaphore(%arg14 : memref<!tpu.dma_semaphore, #tpu.memory_space<semaphore_mem>>) src(%dma_wait3A_311 : memref<16384xf32, #tpu.memory_space<vmem>>) dst(%dma_wait3A_309 : memref<16384xf32, #tpu.memory_space<hbm>>)
    %while3A_312 = arith.constant 0 : i32
    %while3A_313 = arith.constant 0 : i32
    %while3A_314 = arith.subi %shift_right_logical3A_291, %while3A_313 : i32
    %while3A_315 = arith.addi %while3A_313, %while3A_314 : i32
    %while3A_316 = arith.constant 1 : i32
    %while3A_317 = arith.divsi %while3A_314, %while3A_316 : i32
    %while3A_318 = arith.muli %while3A_317, %while3A_316 : i32
    %while3A_319 = arith.addi %while3A_313, %while3A_318 : i32
    %while3A_320 = arith.constant 1 : i32
    scf.for %while3A_658 = %while3A_313 to %while3A_319 step %while3A_320  : i32 {
      %mul3A_659 = arith.constant 16 : i32
      %mul3A_660 = arith.muli %while3A_658, %mul3A_659 : i32
      %get3A = arith.index_cast %mul3A_660 : i32 to index
      %get3A_661 = tpu.vector_load %arg8[%get3A] {strides = array<i32>} : memref<2064xi32, #tpu.memory_space<vmem>>, vector<16xi32>,
      %shift_right_logical3A_662 = arith.constant 4 : i32
      %shift_right_logical3A_663 = vector.broadcast %shift_right_logical3A_662 : i32 to vector<16xi32>
      %shift_right_logical3A_664 = arith.shrui %get3A_661, %shift_right_logical3A_663 : vector<16xi32>
      %mul3A_665 = arith.constant 256 : i32
      %mul3A_666 = vector.broadcast %mul3A_665 : i32 to vector<16xi32>
      %mul3A_667 = arith.muli %shift_right_logical3A_664, %mul3A_666 : vector<16xi32>
      %and3A = arith.constant 15 : i32
      %and3A_668 = vector.broadcast %and3A : i32 to vector<16xi32>
      %and3A_669 = arith.andi %get3A_661, %and3A_668 : vector<16xi32>
      %add3A_670 = arith.addi %mul3A_667, %and3A_669 : vector<16xi32>
      %add3A_671 = arith.constant 0 : i32
      %add3A_672 = vector.broadcast %add3A_671 : i32 to vector<16xi32>
      %add3A_673 = arith.addi %add3A_670, %add3A_672 : vector<16xi32>
      %gather3A = tpu.vector_load_idx %arg5[%add3A_673] : memref<33024xf32, #tpu.memory_space<vmem>>[vector<16xi32>], vector<16xf32>,
      %mul3A_674 = arith.constant 256 : i32
      %mul3A_675 = arith.muli %while3A_658, %mul3A_674 : i32
      %add3A_676 = arith.constant 0 : i32
      %add3A_677 = arith.addi %mul3A_675, %add3A_676 : i32
      %swap3A_678 = arith.index_cast %add3A_677 : i32 to index
      %swap3A_679 = tpu.vector_load %arg6[%swap3A_678] {strides = array<i32>} : memref<33024xf32, #tpu.memory_space<vmem>>, vector<16xf32>,
      tpu.vector_store %arg6[%swap3A_678], %gather3A {strides = array<i32>} : memref<33024xf32, #tpu.memory_space<vmem>>, vector<16xf32>,
      %add3A_680 = arith.constant 16 : i32
      %add3A_681 = vector.broadcast %add3A_680 : i32 to vector<16xi32>
      %add3A_682 = arith.addi %add3A_670, %add3A_681 : vector<16xi32>
      %gather3A_683 = tpu.vector_load_idx %arg5[%add3A_682] : memref<33024xf32, #tpu.memory_space<vmem>>[vector<16xi32>], vector<16xf32>,
      %mul3A_684 = arith.constant 256 : i32
      %mul3A_685 = arith.muli %while3A_658, %mul3A_684 : i32
      %add3A_686 = arith.constant 16 : i32
      %add3A_687 = arith.addi %mul3A_685, %add3A_686 : i32
      %swap3A_688 = arith.index_cast %add3A_687 : i32 to index
      %swap3A_689 = tpu.vector_load %arg6[%swap3A_688] {strides = array<i32>} : memref<33024xf32, #tpu.memory_space<vmem>>, vector<16xf32>,
      tpu.vector_store %arg6[%swap3A_688], %gather3A_683 {strides = array<i32>} : memref<33024xf32, #tpu.memory_space<vmem>>, vector<16xf32>,
      %add3A_690 = arith.constant 32 : i32
      %add3A_691 = vector.broadcast %add3A_690 : i32 to vector<16xi32>
      %add3A_692 = arith.addi %add3A_670, %add3A_691 : vector<16xi32>
      %gather3A_693 = tpu.vector_load_idx %arg5[%add3A_692] : memref<33024xf32, #tpu.memory_space<vmem>>[vector<16xi32>], vector<16xf32>,
      %mul3A_694 = arith.constant 256 : i32
      %mul3A_695 = arith.muli %while3A_658, %mul3A_694 : i32
      %add3A_696 = arith.constant 32 : i32
      %add3A_697 = arith.addi %mul3A_695, %add3A_696 : i32
      %swap3A_698 = arith.index_cast %add3A_697 : i32 to index
      %swap3A_699 = tpu.vector_load %arg6[%swap3A_698] {strides = array<i32>} : memref<33024xf32, #tpu.memory_space<vmem>>, vector<16xf32>,
      tpu.vector_store %arg6[%swap3A_698], %gather3A_693 {strides = array<i32>} : memref<33024xf32, #tpu.memory_space<vmem>>, vector<16xf32>,
      %add3A_700 = arith.constant 48 : i32
      %add3A_701 = vector.broadcast %add3A_700 : i32 to vector<16xi32>
      %add3A_702 = arith.addi %add3A_670, %add3A_701 : vector<16xi32>
      %gather3A_703 = tpu.vector_load_idx %arg5[%add3A_702] : memref<33024xf32, #tpu.memory_space<vmem>>[vector<16xi32>], vector<16xf32>,
      %mul3A_704 = arith.constant 256 : i32
      %mul3A_705 = arith.muli %while3A_658, %mul3A_704 : i32
      %add3A_706 = arith.constant 48 : i32
      %add3A_707 = arith.addi %mul3A_705, %add3A_706 : i32
      %swap3A_708 = arith.index_cast %add3A_707 : i32 to index
      %swap3A_709 = tpu.vector_load %arg6[%swap3A_708] {strides = array<i32>} : memref<33024xf32, #tpu.memory_space<vmem>>, vector<16xf32>,
      tpu.vector_store %arg6[%swap3A_708], %gather3A_703 {strides = array<i32>} : memref<33024xf32, #tpu.memory_space<vmem>>, vector<16xf32>,
      %add3A_710 = arith.constant 64 : i32
      %add3A_711 = vector.broadcast %add3A_710 : i32 to vector<16xi32>
      %add3A_712 = arith.addi %add3A_670, %add3A_711 : vector<16xi32>
      %gather3A_713 = tpu.vector_load_idx %arg5[%add3A_712] : memref<33024xf32, #tpu.memory_space<vmem>>[vector<16xi32>], vector<16xf32>,
      %mul3A_714 = arith.constant 256 : i32
      %mul3A_715 = arith.muli %while3A_658, %mul3A_714 : i32
      %add3A_716 = arith.constant 64 : i32
      %add3A_717 = arith.addi %mul3A_715, %add3A_716 : i32
      %swap3A_718 = arith.index_cast %add3A_717 : i32 to index
      %swap3A_719 = tpu.vector_load %arg6[%swap3A_718] {strides = array<i32>} : memref<33024xf32, #tpu.memory_space<vmem>>, vector<16xf32>,
      tpu.vector_store %arg6[%swap3A_718], %gather3A_713 {strides = array<i32>} : memref<33024xf32, #tpu.memory_space<vmem>>, vector<16xf32>,
      %add3A_720 = arith.constant 80 : i32
      %add3A_721 = vector.broadcast %add3A_720 : i32 to vector<16xi32>
      %add3A_722 = arith.addi %add3A_670, %add3A_721 : vector<16xi32>
      %gather3A_723 = tpu.vector_load_idx %arg5[%add3A_722] : memref<33024xf32, #tpu.memory_space<vmem>>[vector<16xi32>], vector<16xf32>,
      %mul3A_724 = arith.constant 256 : i32
      %mul3A_725 = arith.muli %while3A_658, %mul3A_724 : i32
      %add3A_726 = arith.constant 80 : i32
      %add3A_727 = arith.addi %mul3A_725, %add3A_726 : i32
      %swap3A_728 = arith.index_cast %add3A_727 : i32 to index
      %swap3A_729 = tpu.vector_load %arg6[%swap3A_728] {strides = array<i32>} : memref<33024xf32, #tpu.memory_space<vmem>>, vector<16xf32>,
      tpu.vector_store %arg6[%swap3A_728], %gather3A_723 {strides = array<i32>} : memref<33024xf32, #tpu.memory_space<vmem>>, vector<16xf32>,
      %add3A_730 = arith.constant 96 : i32
      %add3A_731 = vector.broadcast %add3A_730 : i32 to vector<16xi32>
      %add3A_732 = arith.addi %add3A_670, %add3A_731 : vector<16xi32>
      %gather3A_733 = tpu.vector_load_idx %arg5[%add3A_732] : memref<33024xf32, #tpu.memory_space<vmem>>[vector<16xi32>], vector<16xf32>,
      %mul3A_734 = arith.constant 256 : i32
      %mul3A_735 = arith.muli %while3A_658, %mul3A_734 : i32
      %add3A_736 = arith.constant 96 : i32
      %add3A_737 = arith.addi %mul3A_735, %add3A_736 : i32
      %swap3A_738 = arith.index_cast %add3A_737 : i32 to index
      %swap3A_739 = tpu.vector_load %arg6[%swap3A_738] {strides = array<i32>} : memref<33024xf32, #tpu.memory_space<vmem>>, vector<16xf32>,
      tpu.vector_store %arg6[%swap3A_738], %gather3A_733 {strides = array<i32>} : memref<33024xf32, #tpu.memory_space<vmem>>, vector<16xf32>,
      %add3A_740 = arith.constant 112 : i32
      %add3A_741 = vector.broadcast %add3A_740 : i32 to vector<16xi32>
      %add3A_742 = arith.addi %add3A_670, %add3A_741 : vector<16xi32>
      %gather3A_743 = tpu.vector_load_idx %arg5[%add3A_742] : memref<33024xf32, #tpu.memory_space<vmem>>[vector<16xi32>], vector<16xf32>,
      %mul3A_744 = arith.constant 256 : i32
      %mul3A_745 = arith.muli %while3A_658, %mul3A_744 : i32
      %add3A_746 = arith.constant 112 : i32
      %add3A_747 = arith.addi %mul3A_745, %add3A_746 : i32
      %swap3A_748 = arith.index_cast %add3A_747 : i32 to index
      %swap3A_749 = tpu.vector_load %arg6[%swap3A_748] {strides = array<i32>} : memref<33024xf32, #tpu.memory_space<vmem>>, vector<16xf32>,
      tpu.vector_store %arg6[%swap3A_748], %gather3A_743 {strides = array<i32>} : memref<33024xf32, #tpu.memory_space<vmem>>, vector<16xf32>,
      %add3A_750 = arith.constant 128 : i32
      %add3A_751 = vector.broadcast %add3A_750 : i32 to vector<16xi32>
      %add3A_752 = arith.addi %add3A_670, %add3A_751 : vector<16xi32>
      %gather3A_753 = tpu.vector_load_idx %arg5[%add3A_752] : memref<33024xf32, #tpu.memory_space<vmem>>[vector<16xi32>], vector<16xf32>,
      %mul3A_754 = arith.constant 256 : i32
      %mul3A_755 = arith.muli %while3A_658, %mul3A_754 : i32
      %add3A_756 = arith.constant 128 : i32
      %add3A_757 = arith.addi %mul3A_755, %add3A_756 : i32
      %swap3A_758 = arith.index_cast %add3A_757 : i32 to index
      %swap3A_759 = tpu.vector_load %arg6[%swap3A_758] {strides = array<i32>} : memref<33024xf32, #tpu.memory_space<vmem>>, vector<16xf32>,
      tpu.vector_store %arg6[%swap3A_758], %gather3A_753 {strides = array<i32>} : memref<33024xf32, #tpu.memory_space<vmem>>, vector<16xf32>,
      %add3A_760 = arith.constant 144 : i32
      %add3A_761 = vector.broadcast %add3A_760 : i32 to vector<16xi32>
      %add3A_762 = arith.addi %add3A_670, %add3A_761 : vector<16xi32>
      %gather3A_763 = tpu.vector_load_idx %arg5[%add3A_762] : memref<33024xf32, #tpu.memory_space<vmem>>[vector<16xi32>], vector<16xf32>,
      %mul3A_764 = arith.constant 256 : i32
      %mul3A_765 = arith.muli %while3A_658, %mul3A_764 : i32
      %add3A_766 = arith.constant 144 : i32
      %add3A_767 = arith.addi %mul3A_765, %add3A_766 : i32
      %swap3A_768 = arith.index_cast %add3A_767 : i32 to index
      %swap3A_769 = tpu.vector_load %arg6[%swap3A_768] {strides = array<i32>} : memref<33024xf32, #tpu.memory_space<vmem>>, vector<16xf32>,
      tpu.vector_store %arg6[%swap3A_768], %gather3A_763 {strides = array<i32>} : memref<33024xf32, #tpu.memory_space<vmem>>, vector<16xf32>,
      %add3A_770 = arith.constant 160 : i32
      %add3A_771 = vector.broadcast %add3A_770 : i32 to vector<16xi32>
      %add3A_772 = arith.addi %add3A_670, %add3A_771 : vector<16xi32>
      %gather3A_773 = tpu.vector_load_idx %arg5[%add3A_772] : memref<33024xf32, #tpu.memory_space<vmem>>[vector<16xi32>], vector<16xf32>,
      %mul3A_774 = arith.constant 256 : i32
      %mul3A_775 = arith.muli %while3A_658, %mul3A_774 : i32
      %add3A_776 = arith.constant 160 : i32
      %add3A_777 = arith.addi %mul3A_775, %add3A_776 : i32
      %swap3A_778 = arith.index_cast %add3A_777 : i32 to index
      %swap3A_779 = tpu.vector_load %arg6[%swap3A_778] {strides = array<i32>} : memref<33024xf32, #tpu.memory_space<vmem>>, vector<16xf32>,
      tpu.vector_store %arg6[%swap3A_778], %gather3A_773 {strides = array<i32>} : memref<33024xf32, #tpu.memory_space<vmem>>, vector<16xf32>,
      %add3A_780 = arith.constant 176 : i32
      %add3A_781 = vector.broadcast %add3A_780 : i32 to vector<16xi32>
      %add3A_782 = arith.addi %add3A_670, %add3A_781 : vector<16xi32>
      %gather3A_783 = tpu.vector_load_idx %arg5[%add3A_782] : memref<33024xf32, #tpu.memory_space<vmem>>[vector<16xi32>], vector<16xf32>,
      %mul3A_784 = arith.constant 256 : i32
      %mul3A_785 = arith.muli %while3A_658, %mul3A_784 : i32
      %add3A_786 = arith.constant 176 : i32
      %add3A_787 = arith.addi %mul3A_785, %add3A_786 : i32
      %swap3A_788 = arith.index_cast %add3A_787 : i32 to index
      %swap3A_789 = tpu.vector_load %arg6[%swap3A_788] {strides = array<i32>} : memref<33024xf32, #tpu.memory_space<vmem>>, vector<16xf32>,
      tpu.vector_store %arg6[%swap3A_788], %gather3A_783 {strides = array<i32>} : memref<33024xf32, #tpu.memory_space<vmem>>, vector<16xf32>,
      %add3A_790 = arith.constant 192 : i32
      %add3A_791 = vector.broadcast %add3A_790 : i32 to vector<16xi32>
      %add3A_792 = arith.addi %add3A_670, %add3A_791 : vector<16xi32>
      %gather3A_793 = tpu.vector_load_idx %arg5[%add3A_792] : memref<33024xf32, #tpu.memory_space<vmem>>[vector<16xi32>], vector<16xf32>,
      %mul3A_794 = arith.constant 256 : i32
      %mul3A_795 = arith.muli %while3A_658, %mul3A_794 : i32
      %add3A_796 = arith.constant 192 : i32
      %add3A_797 = arith.addi %mul3A_795, %add3A_796 : i32
      %swap3A_798 = arith.index_cast %add3A_797 : i32 to index
      %swap3A_799 = tpu.vector_load %arg6[%swap3A_798] {strides = array<i32>} : memref<33024xf32, #tpu.memory_space<vmem>>, vector<16xf32>,
      tpu.vector_store %arg6[%swap3A_798], %gather3A_793 {strides = array<i32>} : memref<33024xf32, #tpu.memory_space<vmem>>, vector<16xf32>,
      %add3A_800 = arith.constant 208 : i32
      %add3A_801 = vector.broadcast %add3A_800 : i32 to vector<16xi32>
      %add3A_802 = arith.addi %add3A_670, %add3A_801 : vector<16xi32>
      %gather3A_803 = tpu.vector_load_idx %arg5[%add3A_802] : memref<33024xf32, #tpu.memory_space<vmem>>[vector<16xi32>], vector<16xf32>,
      %mul3A_804 = arith.constant 256 : i32
      %mul3A_805 = arith.muli %while3A_658, %mul3A_804 : i32
      %add3A_806 = arith.constant 208 : i32
      %add3A_807 = arith.addi %mul3A_805, %add3A_806 : i32
      %swap3A_808 = arith.index_cast %add3A_807 : i32 to index
      %swap3A_809 = tpu.vector_load %arg6[%swap3A_808] {strides = array<i32>} : memref<33024xf32, #tpu.memory_space<vmem>>, vector<16xf32>,
      tpu.vector_store %arg6[%swap3A_808], %gather3A_803 {strides = array<i32>} : memref<33024xf32, #tpu.memory_space<vmem>>, vector<16xf32>,
      %add3A_810 = arith.constant 224 : i32
      %add3A_811 = vector.broadcast %add3A_810 : i32 to vector<16xi32>
      %add3A_812 = arith.addi %add3A_670, %add3A_811 : vector<16xi32>
      %gather3A_813 = tpu.vector_load_idx %arg5[%add3A_812] : memref<33024xf32, #tpu.memory_space<vmem>>[vector<16xi32>], vector<16xf32>,
      %mul3A_814 = arith.constant 256 : i32
      %mul3A_815 = arith.muli %while3A_658, %mul3A_814 : i32
      %add3A_816 = arith.constant 224 : i32
      %add3A_817 = arith.addi %mul3A_815, %add3A_816 : i32
      %swap3A_818 = arith.index_cast %add3A_817 : i32 to index
      %swap3A_819 = tpu.vector_load %arg6[%swap3A_818] {strides = array<i32>} : memref<33024xf32, #tpu.memory_space<vmem>>, vector<16xf32>,
      tpu.vector_store %arg6[%swap3A_818], %gather3A_813 {strides = array<i32>} : memref<33024xf32, #tpu.memory_space<vmem>>, vector<16xf32>,
      %add3A_820 = arith.constant 240 : i32
      %add3A_821 = vector.broadcast %add3A_820 : i32 to vector<16xi32>
      %add3A_822 = arith.addi %add3A_670, %add3A_821 : vector<16xi32>
      %gather3A_823 = tpu.vector_load_idx %arg5[%add3A_822] : memref<33024xf32, #tpu.memory_space<vmem>>[vector<16xi32>], vector<16xf32>,
      %mul3A_824 = arith.constant 256 : i32
      %mul3A_825 = arith.muli %while3A_658, %mul3A_824 : i32
      %add3A_826 = arith.constant 240 : i32
      %add3A_827 = arith.addi %mul3A_825, %add3A_826 : i32
      %swap3A_828 = arith.index_cast %add3A_827 : i32 to index
      %swap3A_829 = tpu.vector_load %arg6[%swap3A_828] {strides = array<i32>} : memref<33024xf32, #tpu.memory_space<vmem>>, vector<16xf32>,
      tpu.vector_store %arg6[%swap3A_828], %gather3A_823 {strides = array<i32>} : memref<33024xf32, #tpu.memory_space<vmem>>, vector<16xf32>,
    }
    %while3A_321 = arith.constant 1 : i32
    scf.for %while3A_658 = %while3A_319 to %while3A_315 step %while3A_321  : i32 {
      %mul3A_659 = arith.constant 16 : i32
      %mul3A_660 = arith.muli %while3A_658, %mul3A_659 : i32
      %get3A = arith.index_cast %mul3A_660 : i32 to index
      %get3A_661 = tpu.vector_load %arg8[%get3A] {strides = array<i32>} : memref<2064xi32, #tpu.memory_space<vmem>>, vector<16xi32>,
      %shift_right_logical3A_662 = arith.constant 4 : i32
      %shift_right_logical3A_663 = vector.broadcast %shift_right_logical3A_662 : i32 to vector<16xi32>
      %shift_right_logical3A_664 = arith.shrui %get3A_661, %shift_right_logical3A_663 : vector<16xi32>
      %mul3A_665 = arith.constant 256 : i32
      %mul3A_666 = vector.broadcast %mul3A_665 : i32 to vector<16xi32>
      %mul3A_667 = arith.muli %shift_right_logical3A_664, %mul3A_666 : vector<16xi32>
      %and3A = arith.constant 15 : i32
      %and3A_668 = vector.broadcast %and3A : i32 to vector<16xi32>
      %and3A_669 = arith.andi %get3A_661, %and3A_668 : vector<16xi32>
      %add3A_670 = arith.addi %mul3A_667, %and3A_669 : vector<16xi32>
      %add3A_671 = arith.constant 0 : i32
      %add3A_672 = vector.broadcast %add3A_671 : i32 to vector<16xi32>
      %add3A_673 = arith.addi %add3A_670, %add3A_672 : vector<16xi32>
      %gather3A = tpu.vector_load_idx %arg5[%add3A_673] : memref<33024xf32, #tpu.memory_space<vmem>>[vector<16xi32>], vector<16xf32>,
      %mul3A_674 = arith.constant 256 : i32
      %mul3A_675 = arith.muli %while3A_658, %mul3A_674 : i32
      %add3A_676 = arith.constant 0 : i32
      %add3A_677 = arith.addi %mul3A_675, %add3A_676 : i32
      %swap3A_678 = arith.index_cast %add3A_677 : i32 to index
      %swap3A_679 = tpu.vector_load %arg6[%swap3A_678] {strides = array<i32>} : memref<33024xf32, #tpu.memory_space<vmem>>, vector<16xf32>,
      tpu.vector_store %arg6[%swap3A_678], %gather3A {strides = array<i32>} : memref<33024xf32, #tpu.memory_space<vmem>>, vector<16xf32>,
      %add3A_680 = arith.constant 16 : i32
      %add3A_681 = vector.broadcast %add3A_680 : i32 to vector<16xi32>
      %add3A_682 = arith.addi %add3A_670, %add3A_681 : vector<16xi32>
      %gather3A_683 = tpu.vector_load_idx %arg5[%add3A_682] : memref<33024xf32, #tpu.memory_space<vmem>>[vector<16xi32>], vector<16xf32>,
      %mul3A_684 = arith.constant 256 : i32
      %mul3A_685 = arith.muli %while3A_658, %mul3A_684 : i32
      %add3A_686 = arith.constant 16 : i32
      %add3A_687 = arith.addi %mul3A_685, %add3A_686 : i32
      %swap3A_688 = arith.index_cast %add3A_687 : i32 to index
      %swap3A_689 = tpu.vector_load %arg6[%swap3A_688] {strides = array<i32>} : memref<33024xf32, #tpu.memory_space<vmem>>, vector<16xf32>,
      tpu.vector_store %arg6[%swap3A_688], %gather3A_683 {strides = array<i32>} : memref<33024xf32, #tpu.memory_space<vmem>>, vector<16xf32>,
      %add3A_690 = arith.constant 32 : i32
      %add3A_691 = vector.broadcast %add3A_690 : i32 to vector<16xi32>
      %add3A_692 = arith.addi %add3A_670, %add3A_691 : vector<16xi32>
      %gather3A_693 = tpu.vector_load_idx %arg5[%add3A_692] : memref<33024xf32, #tpu.memory_space<vmem>>[vector<16xi32>], vector<16xf32>,
      %mul3A_694 = arith.constant 256 : i32
      %mul3A_695 = arith.muli %while3A_658, %mul3A_694 : i32
      %add3A_696 = arith.constant 32 : i32
      %add3A_697 = arith.addi %mul3A_695, %add3A_696 : i32
      %swap3A_698 = arith.index_cast %add3A_697 : i32 to index
      %swap3A_699 = tpu.vector_load %arg6[%swap3A_698] {strides = array<i32>} : memref<33024xf32, #tpu.memory_space<vmem>>, vector<16xf32>,
      tpu.vector_store %arg6[%swap3A_698], %gather3A_693 {strides = array<i32>} : memref<33024xf32, #tpu.memory_space<vmem>>, vector<16xf32>,
      %add3A_700 = arith.constant 48 : i32
      %add3A_701 = vector.broadcast %add3A_700 : i32 to vector<16xi32>
      %add3A_702 = arith.addi %add3A_670, %add3A_701 : vector<16xi32>
      %gather3A_703 = tpu.vector_load_idx %arg5[%add3A_702] : memref<33024xf32, #tpu.memory_space<vmem>>[vector<16xi32>], vector<16xf32>,
      %mul3A_704 = arith.constant 256 : i32
      %mul3A_705 = arith.muli %while3A_658, %mul3A_704 : i32
      %add3A_706 = arith.constant 48 : i32
      %add3A_707 = arith.addi %mul3A_705, %add3A_706 : i32
      %swap3A_708 = arith.index_cast %add3A_707 : i32 to index
      %swap3A_709 = tpu.vector_load %arg6[%swap3A_708] {strides = array<i32>} : memref<33024xf32, #tpu.memory_space<vmem>>, vector<16xf32>,
      tpu.vector_store %arg6[%swap3A_708], %gather3A_703 {strides = array<i32>} : memref<33024xf32, #tpu.memory_space<vmem>>, vector<16xf32>,
      %add3A_710 = arith.constant 64 : i32
      %add3A_711 = vector.broadcast %add3A_710 : i32 to vector<16xi32>
      %add3A_712 = arith.addi %add3A_670, %add3A_711 : vector<16xi32>
      %gather3A_713 = tpu.vector_load_idx %arg5[%add3A_712] : memref<33024xf32, #tpu.memory_space<vmem>>[vector<16xi32>], vector<16xf32>,
      %mul3A_714 = arith.constant 256 : i32
      %mul3A_715 = arith.muli %while3A_658, %mul3A_714 : i32
      %add3A_716 = arith.constant 64 : i32
      %add3A_717 = arith.addi %mul3A_715, %add3A_716 : i32
      %swap3A_718 = arith.index_cast %add3A_717 : i32 to index
      %swap3A_719 = tpu.vector_load %arg6[%swap3A_718] {strides = array<i32>} : memref<33024xf32, #tpu.memory_space<vmem>>, vector<16xf32>,
      tpu.vector_store %arg6[%swap3A_718], %gather3A_713 {strides = array<i32>} : memref<33024xf32, #tpu.memory_space<vmem>>, vector<16xf32>,
      %add3A_720 = arith.constant 80 : i32
      %add3A_721 = vector.broadcast %add3A_720 : i32 to vector<16xi32>
      %add3A_722 = arith.addi %add3A_670, %add3A_721 : vector<16xi32>
      %gather3A_723 = tpu.vector_load_idx %arg5[%add3A_722] : memref<33024xf32, #tpu.memory_space<vmem>>[vector<16xi32>], vector<16xf32>,
      %mul3A_724 = arith.constant 256 : i32
      %mul3A_725 = arith.muli %while3A_658, %mul3A_724 : i32
      %add3A_726 = arith.constant 80 : i32
      %add3A_727 = arith.addi %mul3A_725, %add3A_726 : i32
      %swap3A_728 = arith.index_cast %add3A_727 : i32 to index
      %swap3A_729 = tpu.vector_load %arg6[%swap3A_728] {strides = array<i32>} : memref<33024xf32, #tpu.memory_space<vmem>>, vector<16xf32>,
      tpu.vector_store %arg6[%swap3A_728], %gather3A_723 {strides = array<i32>} : memref<33024xf32, #tpu.memory_space<vmem>>, vector<16xf32>,
      %add3A_730 = arith.constant 96 : i32
      %add3A_731 = vector.broadcast %add3A_730 : i32 to vector<16xi32>
      %add3A_732 = arith.addi %add3A_670, %add3A_731 : vector<16xi32>
      %gather3A_733 = tpu.vector_load_idx %arg5[%add3A_732] : memref<33024xf32, #tpu.memory_space<vmem>>[vector<16xi32>], vector<16xf32>,
      %mul3A_734 = arith.constant 256 : i32
      %mul3A_735 = arith.muli %while3A_658, %mul3A_734 : i32
      %add3A_736 = arith.constant 96 : i32
      %add3A_737 = arith.addi %mul3A_735, %add3A_736 : i32
      %swap3A_738 = arith.index_cast %add3A_737 : i32 to index
      %swap3A_739 = tpu.vector_load %arg6[%swap3A_738] {strides = array<i32>} : memref<33024xf32, #tpu.memory_space<vmem>>, vector<16xf32>,
      tpu.vector_store %arg6[%swap3A_738], %gather3A_733 {strides = array<i32>} : memref<33024xf32, #tpu.memory_space<vmem>>, vector<16xf32>,
      %add3A_740 = arith.constant 112 : i32
      %add3A_741 = vector.broadcast %add3A_740 : i32 to vector<16xi32>
      %add3A_742 = arith.addi %add3A_670, %add3A_741 : vector<16xi32>
      %gather3A_743 = tpu.vector_load_idx %arg5[%add3A_742] : memref<33024xf32, #tpu.memory_space<vmem>>[vector<16xi32>], vector<16xf32>,
      %mul3A_744 = arith.constant 256 : i32
      %mul3A_745 = arith.muli %while3A_658, %mul3A_744 : i32
      %add3A_746 = arith.constant 112 : i32
      %add3A_747 = arith.addi %mul3A_745, %add3A_746 : i32
      %swap3A_748 = arith.index_cast %add3A_747 : i32 to index
      %swap3A_749 = tpu.vector_load %arg6[%swap3A_748] {strides = array<i32>} : memref<33024xf32, #tpu.memory_space<vmem>>, vector<16xf32>,
      tpu.vector_store %arg6[%swap3A_748], %gather3A_743 {strides = array<i32>} : memref<33024xf32, #tpu.memory_space<vmem>>, vector<16xf32>,
      %add3A_750 = arith.constant 128 : i32
      %add3A_751 = vector.broadcast %add3A_750 : i32 to vector<16xi32>
      %add3A_752 = arith.addi %add3A_670, %add3A_751 : vector<16xi32>
      %gather3A_753 = tpu.vector_load_idx %arg5[%add3A_752] : memref<33024xf32, #tpu.memory_space<vmem>>[vector<16xi32>], vector<16xf32>,
      %mul3A_754 = arith.constant 256 : i32
      %mul3A_755 = arith.muli %while3A_658, %mul3A_754 : i32
      %add3A_756 = arith.constant 128 : i32
      %add3A_757 = arith.addi %mul3A_755, %add3A_756 : i32
      %swap3A_758 = arith.index_cast %add3A_757 : i32 to index
      %swap3A_759 = tpu.vector_load %arg6[%swap3A_758] {strides = array<i32>} : memref<33024xf32, #tpu.memory_space<vmem>>, vector<16xf32>,
      tpu.vector_store %arg6[%swap3A_758], %gather3A_753 {strides = array<i32>} : memref<33024xf32, #tpu.memory_space<vmem>>, vector<16xf32>,
      %add3A_760 = arith.constant 144 : i32
      %add3A_761 = vector.broadcast %add3A_760 : i32 to vector<16xi32>
      %add3A_762 = arith.addi %add3A_670, %add3A_761 : vector<16xi32>
      %gather3A_763 = tpu.vector_load_idx %arg5[%add3A_762] : memref<33024xf32, #tpu.memory_space<vmem>>[vector<16xi32>], vector<16xf32>,
      %mul3A_764 = arith.constant 256 : i32
      %mul3A_765 = arith.muli %while3A_658, %mul3A_764 : i32
      %add3A_766 = arith.constant 144 : i32
      %add3A_767 = arith.addi %mul3A_765, %add3A_766 : i32
      %swap3A_768 = arith.index_cast %add3A_767 : i32 to index
      %swap3A_769 = tpu.vector_load %arg6[%swap3A_768] {strides = array<i32>} : memref<33024xf32, #tpu.memory_space<vmem>>, vector<16xf32>,
      tpu.vector_store %arg6[%swap3A_768], %gather3A_763 {strides = array<i32>} : memref<33024xf32, #tpu.memory_space<vmem>>, vector<16xf32>,
      %add3A_770 = arith.constant 160 : i32
      %add3A_771 = vector.broadcast %add3A_770 : i32 to vector<16xi32>
      %add3A_772 = arith.addi %add3A_670, %add3A_771 : vector<16xi32>
      %gather3A_773 = tpu.vector_load_idx %arg5[%add3A_772] : memref<33024xf32, #tpu.memory_space<vmem>>[vector<16xi32>], vector<16xf32>,
      %mul3A_774 = arith.constant 256 : i32
      %mul3A_775 = arith.muli %while3A_658, %mul3A_774 : i32
      %add3A_776 = arith.constant 160 : i32
      %add3A_777 = arith.addi %mul3A_775, %add3A_776 : i32
      %swap3A_778 = arith.index_cast %add3A_777 : i32 to index
      %swap3A_779 = tpu.vector_load %arg6[%swap3A_778] {strides = array<i32>} : memref<33024xf32, #tpu.memory_space<vmem>>, vector<16xf32>,
      tpu.vector_store %arg6[%swap3A_778], %gather3A_773 {strides = array<i32>} : memref<33024xf32, #tpu.memory_space<vmem>>, vector<16xf32>,
      %add3A_780 = arith.constant 176 : i32
      %add3A_781 = vector.broadcast %add3A_780 : i32 to vector<16xi32>
      %add3A_782 = arith.addi %add3A_670, %add3A_781 : vector<16xi32>
      %gather3A_783 = tpu.vector_load_idx %arg5[%add3A_782] : memref<33024xf32, #tpu.memory_space<vmem>>[vector<16xi32>], vector<16xf32>,
      %mul3A_784 = arith.constant 256 : i32
      %mul3A_785 = arith.muli %while3A_658, %mul3A_784 : i32
      %add3A_786 = arith.constant 176 : i32
      %add3A_787 = arith.addi %mul3A_785, %add3A_786 : i32
      %swap3A_788 = arith.index_cast %add3A_787 : i32 to index
      %swap3A_789 = tpu.vector_load %arg6[%swap3A_788] {strides = array<i32>} : memref<33024xf32, #tpu.memory_space<vmem>>, vector<16xf32>,
      tpu.vector_store %arg6[%swap3A_788], %gather3A_783 {strides = array<i32>} : memref<33024xf32, #tpu.memory_space<vmem>>, vector<16xf32>,
      %add3A_790 = arith.constant 192 : i32
      %add3A_791 = vector.broadcast %add3A_790 : i32 to vector<16xi32>
      %add3A_792 = arith.addi %add3A_670, %add3A_791 : vector<16xi32>
      %gather3A_793 = tpu.vector_load_idx %arg5[%add3A_792] : memref<33024xf32, #tpu.memory_space<vmem>>[vector<16xi32>], vector<16xf32>,
      %mul3A_794 = arith.constant 256 : i32
      %mul3A_795 = arith.muli %while3A_658, %mul3A_794 : i32
      %add3A_796 = arith.constant 192 : i32
      %add3A_797 = arith.addi %mul3A_795, %add3A_796 : i32
      %swap3A_798 = arith.index_cast %add3A_797 : i32 to index
      %swap3A_799 = tpu.vector_load %arg6[%swap3A_798] {strides = array<i32>} : memref<33024xf32, #tpu.memory_space<vmem>>, vector<16xf32>,
      tpu.vector_store %arg6[%swap3A_798], %gather3A_793 {strides = array<i32>} : memref<33024xf32, #tpu.memory_space<vmem>>, vector<16xf32>,
      %add3A_800 = arith.constant 208 : i32
      %add3A_801 = vector.broadcast %add3A_800 : i32 to vector<16xi32>
      %add3A_802 = arith.addi %add3A_670, %add3A_801 : vector<16xi32>
      %gather3A_803 = tpu.vector_load_idx %arg5[%add3A_802] : memref<33024xf32, #tpu.memory_space<vmem>>[vector<16xi32>], vector<16xf32>,
      %mul3A_804 = arith.constant 256 : i32
      %mul3A_805 = arith.muli %while3A_658, %mul3A_804 : i32
      %add3A_806 = arith.constant 208 : i32
      %add3A_807 = arith.addi %mul3A_805, %add3A_806 : i32
      %swap3A_808 = arith.index_cast %add3A_807 : i32 to index
      %swap3A_809 = tpu.vector_load %arg6[%swap3A_808] {strides = array<i32>} : memref<33024xf32, #tpu.memory_space<vmem>>, vector<16xf32>,
      tpu.vector_store %arg6[%swap3A_808], %gather3A_803 {strides = array<i32>} : memref<33024xf32, #tpu.memory_space<vmem>>, vector<16xf32>,
      %add3A_810 = arith.constant 224 : i32
      %add3A_811 = vector.broadcast %add3A_810 : i32 to vector<16xi32>
      %add3A_812 = arith.addi %add3A_670, %add3A_811 : vector<16xi32>
      %gather3A_813 = tpu.vector_load_idx %arg5[%add3A_812] : memref<33024xf32, #tpu.memory_space<vmem>>[vector<16xi32>], vector<16xf32>,
      %mul3A_814 = arith.constant 256 : i32
      %mul3A_815 = arith.muli %while3A_658, %mul3A_814 : i32
      %add3A_816 = arith.constant 224 : i32
      %add3A_817 = arith.addi %mul3A_815, %add3A_816 : i32
      %swap3A_818 = arith.index_cast %add3A_817 : i32 to index
      %swap3A_819 = tpu.vector_load %arg6[%swap3A_818] {strides = array<i32>} : memref<33024xf32, #tpu.memory_space<vmem>>, vector<16xf32>,
      tpu.vector_store %arg6[%swap3A_818], %gather3A_813 {strides = array<i32>} : memref<33024xf32, #tpu.memory_space<vmem>>, vector<16xf32>,
      %add3A_820 = arith.constant 240 : i32
      %add3A_821 = vector.broadcast %add3A_820 : i32 to vector<16xi32>
      %add3A_822 = arith.addi %add3A_670, %add3A_821 : vector<16xi32>
      %gather3A_823 = tpu.vector_load_idx %arg5[%add3A_822] : memref<33024xf32, #tpu.memory_space<vmem>>[vector<16xi32>], vector<16xf32>,
      %mul3A_824 = arith.constant 256 : i32
      %mul3A_825 = arith.muli %while3A_658, %mul3A_824 : i32
      %add3A_826 = arith.constant 240 : i32
      %add3A_827 = arith.addi %mul3A_825, %add3A_826 : i32
      %swap3A_828 = arith.index_cast %add3A_827 : i32 to index
      %swap3A_829 = tpu.vector_load %arg6[%swap3A_828] {strides = array<i32>} : memref<33024xf32, #tpu.memory_space<vmem>>, vector<16xf32>,
      tpu.vector_store %arg6[%swap3A_828], %gather3A_823 {strides = array<i32>} : memref<33024xf32, #tpu.memory_space<vmem>>, vector<16xf32>,
    }
    %add3A_322 = vector.broadcast %sub3A_267 : f32 to vector<16xf32>
    %add3A_323 = arith.addf %add3A_322, %broadcast_in_dim3A_3 : vector<16xf32>
    %add3A_324 = vector.broadcast %reduce_max3A_265 : f32 to vector<16xf32>
    %add3A_325 = arith.addf %add3A_324, %broadcast_in_dim3A_3 : vector<16xf32>
    %scan3A_326 = arith.constant 0 : i32
    %scan3A_327 = arith.constant 12 : i32
    %scan3A_328 = arith.addi %scan3A_326, %scan3A_327 : i32
    %scan3A_329 = arith.constant 1 : i32
    %scan3A_330:3 = scf.for %scan3A_658 = %scan3A_326 to %scan3A_328 step %scan3A_329 iter_args(%scan3A_659 = %add3A_323, %scan3A_660 = %add3A_325, %scan3A_661 = %add3A_323) -> (vector<16xf32>, vector<16xf32>, vector<16xf32>)  : i32 {
      %mul3A_662 = arith.constant 2 : i32
      %mul3A_663 = arith.muli %shift_right_logical3A_291, %mul3A_662 : i32
      %while3A_664 = arith.constant 0 : i32
      %while3A_665 = arith.subi %mul3A_663, %while3A_664 : i32
      %while3A_666 = arith.addi %while3A_664, %while3A_665 : i32
      %while3A_667 = arith.constant 1 : i32
      %while3A_668 = arith.divsi %while3A_665, %while3A_667 : i32
      %while3A_669 = arith.muli %while3A_668, %while3A_667 : i32
      %while3A_670 = arith.addi %while3A_664, %while3A_669 : i32
      %while3A_671 = arith.constant 1 : i32
      %while3A_672:2 = scf.for %while3A_704 = %while3A_664 to %while3A_670 step %while3A_671 iter_args(%while3A_705 = %broadcast_in_dim3A_3, %while3A_706 = %broadcast_in_dim3A_3) -> (vector<16xf32>, vector<16xf32>)  : i32 {
        %mul3A_707 = arith.constant 128 : i32
        %mul3A_708 = arith.muli %while3A_704, %mul3A_707 : i32
        %add3A_709 = arith.constant 0 : i32
        %add3A_710 = arith.addi %mul3A_708, %add3A_709 : i32
        %get3A = arith.index_cast %add3A_710 : i32 to index
        %get3A_711 = tpu.vector_load %arg6[%get3A] {strides = array<i32>} : memref<33024xf32, #tpu.memory_space<vmem>>, vector<16xf32>,
        %gt3A_712 = arith.cmpf ogt, %get3A_711, %scan3A_661 : vector<16xf32>
        %jit3A = arith.constant 0.000000e+00 : f32
        %broadcast_in_dim3A_713 = vector.broadcast %jit3A : f32 to vector<16xf32>
        %select_n3A_714 = arith.select %gt3A_712, %get3A_711, %broadcast_in_dim3A_713 : vector<16xi1>, vector<16xf32>
        %add3A_715 = arith.addf %while3A_705, %select_n3A_714 : vector<16xf32>
        %jit3A_716 = arith.constant 1.000000e+00 : f32
        %jit3A_717 = arith.constant 0.000000e+00 : f32
        %broadcast_in_dim3A_718 = vector.broadcast %jit3A_716 : f32 to vector<16xf32>
        %broadcast_in_dim3A_719 = vector.broadcast %jit3A_717 : f32 to vector<16xf32>
        %select_n3A_720 = arith.select %gt3A_712, %broadcast_in_dim3A_718, %broadcast_in_dim3A_719 : vector<16xi1>, vector<16xf32>
        %add3A_721 = arith.addf %while3A_706, %select_n3A_720 : vector<16xf32>
        %mul3A_722 = arith.constant 128 : i32
        %mul3A_723 = arith.muli %while3A_704, %mul3A_722 : i32
        %add3A_724 = arith.constant 16 : i32
        %add3A_725 = arith.addi %mul3A_723, %add3A_724 : i32
        %get3A_726 = arith.index_cast %add3A_725 : i32 to index
        %get3A_727 = tpu.vector_load %arg6[%get3A_726] {strides = array<i32>} : memref<33024xf32, #tpu.memory_space<vmem>>, vector<16xf32>,
        %gt3A_728 = arith.cmpf ogt, %get3A_727, %scan3A_661 : vector<16xf32>
        %jit3A_729 = arith.constant 0.000000e+00 : f32
        %broadcast_in_dim3A_730 = vector.broadcast %jit3A_729 : f32 to vector<16xf32>
        %select_n3A_731 = arith.select %gt3A_728, %get3A_727, %broadcast_in_dim3A_730 : vector<16xi1>, vector<16xf32>
        %add3A_732 = arith.addf %add3A_715, %select_n3A_731 : vector<16xf32>
        %jit3A_733 = arith.constant 1.000000e+00 : f32
        %jit3A_734 = arith.constant 0.000000e+00 : f32
        %broadcast_in_dim3A_735 = vector.broadcast %jit3A_733 : f32 to vector<16xf32>
        %broadcast_in_dim3A_736 = vector.broadcast %jit3A_734 : f32 to vector<16xf32>
        %select_n3A_737 = arith.select %gt3A_728, %broadcast_in_dim3A_735, %broadcast_in_dim3A_736 : vector<16xi1>, vector<16xf32>
        %add3A_738 = arith.addf %add3A_721, %select_n3A_737 : vector<16xf32>
        %mul3A_739 = arith.constant 128 : i32
        %mul3A_740 = arith.muli %while3A_704, %mul3A_739 : i32
        %add3A_741 = arith.constant 32 : i32
        %add3A_742 = arith.addi %mul3A_740, %add3A_741 : i32
        %get3A_743 = arith.index_cast %add3A_742 : i32 to index
        %get3A_744 = tpu.vector_load %arg6[%get3A_743] {strides = array<i32>} : memref<33024xf32, #tpu.memory_space<vmem>>, vector<16xf32>,
        %gt3A_745 = arith.cmpf ogt, %get3A_744, %scan3A_661 : vector<16xf32>
        %jit3A_746 = arith.constant 0.000000e+00 : f32
        %broadcast_in_dim3A_747 = vector.broadcast %jit3A_746 : f32 to vector<16xf32>
        %select_n3A_748 = arith.select %gt3A_745, %get3A_744, %broadcast_in_dim3A_747 : vector<16xi1>, vector<16xf32>
        %add3A_749 = arith.addf %add3A_732, %select_n3A_748 : vector<16xf32>
        %jit3A_750 = arith.constant 1.000000e+00 : f32
        %jit3A_751 = arith.constant 0.000000e+00 : f32
        %broadcast_in_dim3A_752 = vector.broadcast %jit3A_750 : f32 to vector<16xf32>
        %broadcast_in_dim3A_753 = vector.broadcast %jit3A_751 : f32 to vector<16xf32>
        %select_n3A_754 = arith.select %gt3A_745, %broadcast_in_dim3A_752, %broadcast_in_dim3A_753 : vector<16xi1>, vector<16xf32>
        %add3A_755 = arith.addf %add3A_738, %select_n3A_754 : vector<16xf32>
        %mul3A_756 = arith.constant 128 : i32
        %mul3A_757 = arith.muli %while3A_704, %mul3A_756 : i32
        %add3A_758 = arith.constant 48 : i32
        %add3A_759 = arith.addi %mul3A_757, %add3A_758 : i32
        %get3A_760 = arith.index_cast %add3A_759 : i32 to index
        %get3A_761 = tpu.vector_load %arg6[%get3A_760] {strides = array<i32>} : memref<33024xf32, #tpu.memory_space<vmem>>, vector<16xf32>,
        %gt3A_762 = arith.cmpf ogt, %get3A_761, %scan3A_661 : vector<16xf32>
        %jit3A_763 = arith.constant 0.000000e+00 : f32
        %broadcast_in_dim3A_764 = vector.broadcast %jit3A_763 : f32 to vector<16xf32>
        %select_n3A_765 = arith.select %gt3A_762, %get3A_761, %broadcast_in_dim3A_764 : vector<16xi1>, vector<16xf32>
        %add3A_766 = arith.addf %add3A_749, %select_n3A_765 : vector<16xf32>
        %jit3A_767 = arith.constant 1.000000e+00 : f32
        %jit3A_768 = arith.constant 0.000000e+00 : f32
        %broadcast_in_dim3A_769 = vector.broadcast %jit3A_767 : f32 to vector<16xf32>
        %broadcast_in_dim3A_770 = vector.broadcast %jit3A_768 : f32 to vector<16xf32>
        %select_n3A_771 = arith.select %gt3A_762, %broadcast_in_dim3A_769, %broadcast_in_dim3A_770 : vector<16xi1>, vector<16xf32>
        %add3A_772 = arith.addf %add3A_755, %select_n3A_771 : vector<16xf32>
        %mul3A_773 = arith.constant 128 : i32
        %mul3A_774 = arith.muli %while3A_704, %mul3A_773 : i32
        %add3A_775 = arith.constant 64 : i32
        %add3A_776 = arith.addi %mul3A_774, %add3A_775 : i32
        %get3A_777 = arith.index_cast %add3A_776 : i32 to index
        %get3A_778 = tpu.vector_load %arg6[%get3A_777] {strides = array<i32>} : memref<33024xf32, #tpu.memory_space<vmem>>, vector<16xf32>,
        %gt3A_779 = arith.cmpf ogt, %get3A_778, %scan3A_661 : vector<16xf32>
        %jit3A_780 = arith.constant 0.000000e+00 : f32
        %broadcast_in_dim3A_781 = vector.broadcast %jit3A_780 : f32 to vector<16xf32>
        %select_n3A_782 = arith.select %gt3A_779, %get3A_778, %broadcast_in_dim3A_781 : vector<16xi1>, vector<16xf32>
        %add3A_783 = arith.addf %add3A_766, %select_n3A_782 : vector<16xf32>
        %jit3A_784 = arith.constant 1.000000e+00 : f32
        %jit3A_785 = arith.constant 0.000000e+00 : f32
        %broadcast_in_dim3A_786 = vector.broadcast %jit3A_784 : f32 to vector<16xf32>
        %broadcast_in_dim3A_787 = vector.broadcast %jit3A_785 : f32 to vector<16xf32>
        %select_n3A_788 = arith.select %gt3A_779, %broadcast_in_dim3A_786, %broadcast_in_dim3A_787 : vector<16xi1>, vector<16xf32>
        %add3A_789 = arith.addf %add3A_772, %select_n3A_788 : vector<16xf32>
        %mul3A_790 = arith.constant 128 : i32
        %mul3A_791 = arith.muli %while3A_704, %mul3A_790 : i32
        %add3A_792 = arith.constant 80 : i32
        %add3A_793 = arith.addi %mul3A_791, %add3A_792 : i32
        %get3A_794 = arith.index_cast %add3A_793 : i32 to index
        %get3A_795 = tpu.vector_load %arg6[%get3A_794] {strides = array<i32>} : memref<33024xf32, #tpu.memory_space<vmem>>, vector<16xf32>,
        %gt3A_796 = arith.cmpf ogt, %get3A_795, %scan3A_661 : vector<16xf32>
        %jit3A_797 = arith.constant 0.000000e+00 : f32
        %broadcast_in_dim3A_798 = vector.broadcast %jit3A_797 : f32 to vector<16xf32>
        %select_n3A_799 = arith.select %gt3A_796, %get3A_795, %broadcast_in_dim3A_798 : vector<16xi1>, vector<16xf32>
        %add3A_800 = arith.addf %add3A_783, %select_n3A_799 : vector<16xf32>
        %jit3A_801 = arith.constant 1.000000e+00 : f32
        %jit3A_802 = arith.constant 0.000000e+00 : f32
        %broadcast_in_dim3A_803 = vector.broadcast %jit3A_801 : f32 to vector<16xf32>
        %broadcast_in_dim3A_804 = vector.broadcast %jit3A_802 : f32 to vector<16xf32>
        %select_n3A_805 = arith.select %gt3A_796, %broadcast_in_dim3A_803, %broadcast_in_dim3A_804 : vector<16xi1>, vector<16xf32>
        %add3A_806 = arith.addf %add3A_789, %select_n3A_805 : vector<16xf32>
        %mul3A_807 = arith.constant 128 : i32
        %mul3A_808 = arith.muli %while3A_704, %mul3A_807 : i32
        %add3A_809 = arith.constant 96 : i32
        %add3A_810 = arith.addi %mul3A_808, %add3A_809 : i32
        %get3A_811 = arith.index_cast %add3A_810 : i32 to index
        %get3A_812 = tpu.vector_load %arg6[%get3A_811] {strides = array<i32>} : memref<33024xf32, #tpu.memory_space<vmem>>, vector<16xf32>,
        %gt3A_813 = arith.cmpf ogt, %get3A_812, %scan3A_661 : vector<16xf32>
        %jit3A_814 = arith.constant 0.000000e+00 : f32
        %broadcast_in_dim3A_815 = vector.broadcast %jit3A_814 : f32 to vector<16xf32>
        %select_n3A_816 = arith.select %gt3A_813, %get3A_812, %broadcast_in_dim3A_815 : vector<16xi1>, vector<16xf32>
        %add3A_817 = arith.addf %add3A_800, %select_n3A_816 : vector<16xf32>
        %jit3A_818 = arith.constant 1.000000e+00 : f32
        %jit3A_819 = arith.constant 0.000000e+00 : f32
        %broadcast_in_dim3A_820 = vector.broadcast %jit3A_818 : f32 to vector<16xf32>
        %broadcast_in_dim3A_821 = vector.broadcast %jit3A_819 : f32 to vector<16xf32>
        %select_n3A_822 = arith.select %gt3A_813, %broadcast_in_dim3A_820, %broadcast_in_dim3A_821 : vector<16xi1>, vector<16xf32>
        %add3A_823 = arith.addf %add3A_806, %select_n3A_822 : vector<16xf32>
        %mul3A_824 = arith.constant 128 : i32
        %mul3A_825 = arith.muli %while3A_704, %mul3A_824 : i32
        %add3A_826 = arith.constant 112 : i32
        %add3A_827 = arith.addi %mul3A_825, %add3A_826 : i32
        %get3A_828 = arith.index_cast %add3A_827 : i32 to index
        %get3A_829 = tpu.vector_load %arg6[%get3A_828] {strides = array<i32>} : memref<33024xf32, #tpu.memory_space<vmem>>, vector<16xf32>,
        %gt3A_830 = arith.cmpf ogt, %get3A_829, %scan3A_661 : vector<16xf32>
        %jit3A_831 = arith.constant 0.000000e+00 : f32
        %broadcast_in_dim3A_832 = vector.broadcast %jit3A_831 : f32 to vector<16xf32>
        %select_n3A_833 = arith.select %gt3A_830, %get3A_829, %broadcast_in_dim3A_832 : vector<16xi1>, vector<16xf32>
        %add3A_834 = arith.addf %add3A_817, %select_n3A_833 : vector<16xf32>
        %jit3A_835 = arith.constant 1.000000e+00 : f32
        %jit3A_836 = arith.constant 0.000000e+00 : f32
        %broadcast_in_dim3A_837 = vector.broadcast %jit3A_835 : f32 to vector<16xf32>
        %broadcast_in_dim3A_838 = vector.broadcast %jit3A_836 : f32 to vector<16xf32>
        %select_n3A_839 = arith.select %gt3A_830, %broadcast_in_dim3A_837, %broadcast_in_dim3A_838 : vector<16xi1>, vector<16xf32>
        %add3A_840 = arith.addf %add3A_823, %select_n3A_839 : vector<16xf32>
        scf.yield %add3A_834, %add3A_840 : vector<16xf32>, vector<16xf32>
      }
      %while3A_673 = arith.constant 1 : i32
      %while3A_674:2 = scf.for %while3A_704 = %while3A_670 to %while3A_666 step %while3A_673 iter_args(%while3A_705 = %while3A_672#0, %while3A_706 = %while3A_672#1) -> (vector<16xf32>, vector<16xf32>)  : i32 {
        %mul3A_707 = arith.constant 128 : i32
        %mul3A_708 = arith.muli %while3A_704, %mul3A_707 : i32
        %add3A_709 = arith.constant 0 : i32
        %add3A_710 = arith.addi %mul3A_708, %add3A_709 : i32
        %get3A = arith.index_cast %add3A_710 : i32 to index
        %get3A_711 = tpu.vector_load %arg6[%get3A] {strides = array<i32>} : memref<33024xf32, #tpu.memory_space<vmem>>, vector<16xf32>,
        %gt3A_712 = arith.cmpf ogt, %get3A_711, %scan3A_661 : vector<16xf32>
        %jit3A = arith.constant 0.000000e+00 : f32
        %broadcast_in_dim3A_713 = vector.broadcast %jit3A : f32 to vector<16xf32>
        %select_n3A_714 = arith.select %gt3A_712, %get3A_711, %broadcast_in_dim3A_713 : vector<16xi1>, vector<16xf32>
        %add3A_715 = arith.addf %while3A_705, %select_n3A_714 : vector<16xf32>
        %jit3A_716 = arith.constant 1.000000e+00 : f32
        %jit3A_717 = arith.constant 0.000000e+00 : f32
        %broadcast_in_dim3A_718 = vector.broadcast %jit3A_716 : f32 to vector<16xf32>
        %broadcast_in_dim3A_719 = vector.broadcast %jit3A_717 : f32 to vector<16xf32>
        %select_n3A_720 = arith.select %gt3A_712, %broadcast_in_dim3A_718, %broadcast_in_dim3A_719 : vector<16xi1>, vector<16xf32>
        %add3A_721 = arith.addf %while3A_706, %select_n3A_720 : vector<16xf32>
        %mul3A_722 = arith.constant 128 : i32
        %mul3A_723 = arith.muli %while3A_704, %mul3A_722 : i32
        %add3A_724 = arith.constant 16 : i32
        %add3A_725 = arith.addi %mul3A_723, %add3A_724 : i32
        %get3A_726 = arith.index_cast %add3A_725 : i32 to index
        %get3A_727 = tpu.vector_load %arg6[%get3A_726] {strides = array<i32>} : memref<33024xf32, #tpu.memory_space<vmem>>, vector<16xf32>,
        %gt3A_728 = arith.cmpf ogt, %get3A_727, %scan3A_661 : vector<16xf32>
        %jit3A_729 = arith.constant 0.000000e+00 : f32
        %broadcast_in_dim3A_730 = vector.broadcast %jit3A_729 : f32 to vector<16xf32>
        %select_n3A_731 = arith.select %gt3A_728, %get3A_727, %broadcast_in_dim3A_730 : vector<16xi1>, vector<16xf32>
        %add3A_732 = arith.addf %add3A_715, %select_n3A_731 : vector<16xf32>
        %jit3A_733 = arith.constant 1.000000e+00 : f32
        %jit3A_734 = arith.constant 0.000000e+00 : f32
        %broadcast_in_dim3A_735 = vector.broadcast %jit3A_733 : f32 to vector<16xf32>
        %broadcast_in_dim3A_736 = vector.broadcast %jit3A_734 : f32 to vector<16xf32>
        %select_n3A_737 = arith.select %gt3A_728, %broadcast_in_dim3A_735, %broadcast_in_dim3A_736 : vector<16xi1>, vector<16xf32>
        %add3A_738 = arith.addf %add3A_721, %select_n3A_737 : vector<16xf32>
        %mul3A_739 = arith.constant 128 : i32
        %mul3A_740 = arith.muli %while3A_704, %mul3A_739 : i32
        %add3A_741 = arith.constant 32 : i32
        %add3A_742 = arith.addi %mul3A_740, %add3A_741 : i32
        %get3A_743 = arith.index_cast %add3A_742 : i32 to index
        %get3A_744 = tpu.vector_load %arg6[%get3A_743] {strides = array<i32>} : memref<33024xf32, #tpu.memory_space<vmem>>, vector<16xf32>,
        %gt3A_745 = arith.cmpf ogt, %get3A_744, %scan3A_661 : vector<16xf32>
        %jit3A_746 = arith.constant 0.000000e+00 : f32
        %broadcast_in_dim3A_747 = vector.broadcast %jit3A_746 : f32 to vector<16xf32>
        %select_n3A_748 = arith.select %gt3A_745, %get3A_744, %broadcast_in_dim3A_747 : vector<16xi1>, vector<16xf32>
        %add3A_749 = arith.addf %add3A_732, %select_n3A_748 : vector<16xf32>
        %jit3A_750 = arith.constant 1.000000e+00 : f32
        %jit3A_751 = arith.constant 0.000000e+00 : f32
        %broadcast_in_dim3A_752 = vector.broadcast %jit3A_750 : f32 to vector<16xf32>
        %broadcast_in_dim3A_753 = vector.broadcast %jit3A_751 : f32 to vector<16xf32>
        %select_n3A_754 = arith.select %gt3A_745, %broadcast_in_dim3A_752, %broadcast_in_dim3A_753 : vector<16xi1>, vector<16xf32>
        %add3A_755 = arith.addf %add3A_738, %select_n3A_754 : vector<16xf32>
        %mul3A_756 = arith.constant 128 : i32
        %mul3A_757 = arith.muli %while3A_704, %mul3A_756 : i32
        %add3A_758 = arith.constant 48 : i32
        %add3A_759 = arith.addi %mul3A_757, %add3A_758 : i32
        %get3A_760 = arith.index_cast %add3A_759 : i32 to index
        %get3A_761 = tpu.vector_load %arg6[%get3A_760] {strides = array<i32>} : memref<33024xf32, #tpu.memory_space<vmem>>, vector<16xf32>,
        %gt3A_762 = arith.cmpf ogt, %get3A_761, %scan3A_661 : vector<16xf32>
        %jit3A_763 = arith.constant 0.000000e+00 : f32
        %broadcast_in_dim3A_764 = vector.broadcast %jit3A_763 : f32 to vector<16xf32>
        %select_n3A_765 = arith.select %gt3A_762, %get3A_761, %broadcast_in_dim3A_764 : vector<16xi1>, vector<16xf32>
        %add3A_766 = arith.addf %add3A_749, %select_n3A_765 : vector<16xf32>
        %jit3A_767 = arith.constant 1.000000e+00 : f32
        %jit3A_768 = arith.constant 0.000000e+00 : f32
        %broadcast_in_dim3A_769 = vector.broadcast %jit3A_767 : f32 to vector<16xf32>
        %broadcast_in_dim3A_770 = vector.broadcast %jit3A_768 : f32 to vector<16xf32>
        %select_n3A_771 = arith.select %gt3A_762, %broadcast_in_dim3A_769, %broadcast_in_dim3A_770 : vector<16xi1>, vector<16xf32>
        %add3A_772 = arith.addf %add3A_755, %select_n3A_771 : vector<16xf32>
        %mul3A_773 = arith.constant 128 : i32
        %mul3A_774 = arith.muli %while3A_704, %mul3A_773 : i32
        %add3A_775 = arith.constant 64 : i32
        %add3A_776 = arith.addi %mul3A_774, %add3A_775 : i32
        %get3A_777 = arith.index_cast %add3A_776 : i32 to index
        %get3A_778 = tpu.vector_load %arg6[%get3A_777] {strides = array<i32>} : memref<33024xf32, #tpu.memory_space<vmem>>, vector<16xf32>,
        %gt3A_779 = arith.cmpf ogt, %get3A_778, %scan3A_661 : vector<16xf32>
        %jit3A_780 = arith.constant 0.000000e+00 : f32
        %broadcast_in_dim3A_781 = vector.broadcast %jit3A_780 : f32 to vector<16xf32>
        %select_n3A_782 = arith.select %gt3A_779, %get3A_778, %broadcast_in_dim3A_781 : vector<16xi1>, vector<16xf32>
        %add3A_783 = arith.addf %add3A_766, %select_n3A_782 : vector<16xf32>
        %jit3A_784 = arith.constant 1.000000e+00 : f32
        %jit3A_785 = arith.constant 0.000000e+00 : f32
        %broadcast_in_dim3A_786 = vector.broadcast %jit3A_784 : f32 to vector<16xf32>
        %broadcast_in_dim3A_787 = vector.broadcast %jit3A_785 : f32 to vector<16xf32>
        %select_n3A_788 = arith.select %gt3A_779, %broadcast_in_dim3A_786, %broadcast_in_dim3A_787 : vector<16xi1>, vector<16xf32>
        %add3A_789 = arith.addf %add3A_772, %select_n3A_788 : vector<16xf32>
        %mul3A_790 = arith.constant 128 : i32
        %mul3A_791 = arith.muli %while3A_704, %mul3A_790 : i32
        %add3A_792 = arith.constant 80 : i32
        %add3A_793 = arith.addi %mul3A_791, %add3A_792 : i32
        %get3A_794 = arith.index_cast %add3A_793 : i32 to index
        %get3A_795 = tpu.vector_load %arg6[%get3A_794] {strides = array<i32>} : memref<33024xf32, #tpu.memory_space<vmem>>, vector<16xf32>,
        %gt3A_796 = arith.cmpf ogt, %get3A_795, %scan3A_661 : vector<16xf32>
        %jit3A_797 = arith.constant 0.000000e+00 : f32
        %broadcast_in_dim3A_798 = vector.broadcast %jit3A_797 : f32 to vector<16xf32>
        %select_n3A_799 = arith.select %gt3A_796, %get3A_795, %broadcast_in_dim3A_798 : vector<16xi1>, vector<16xf32>
        %add3A_800 = arith.addf %add3A_783, %select_n3A_799 : vector<16xf32>
        %jit3A_801 = arith.constant 1.000000e+00 : f32
        %jit3A_802 = arith.constant 0.000000e+00 : f32
        %broadcast_in_dim3A_803 = vector.broadcast %jit3A_801 : f32 to vector<16xf32>
        %broadcast_in_dim3A_804 = vector.broadcast %jit3A_802 : f32 to vector<16xf32>
        %select_n3A_805 = arith.select %gt3A_796, %broadcast_in_dim3A_803, %broadcast_in_dim3A_804 : vector<16xi1>, vector<16xf32>
        %add3A_806 = arith.addf %add3A_789, %select_n3A_805 : vector<16xf32>
        %mul3A_807 = arith.constant 128 : i32
        %mul3A_808 = arith.muli %while3A_704, %mul3A_807 : i32
        %add3A_809 = arith.constant 96 : i32
        %add3A_810 = arith.addi %mul3A_808, %add3A_809 : i32
        %get3A_811 = arith.index_cast %add3A_810 : i32 to index
        %get3A_812 = tpu.vector_load %arg6[%get3A_811] {strides = array<i32>} : memref<33024xf32, #tpu.memory_space<vmem>>, vector<16xf32>,
        %gt3A_813 = arith.cmpf ogt, %get3A_812, %scan3A_661 : vector<16xf32>
        %jit3A_814 = arith.constant 0.000000e+00 : f32
        %broadcast_in_dim3A_815 = vector.broadcast %jit3A_814 : f32 to vector<16xf32>
        %select_n3A_816 = arith.select %gt3A_813, %get3A_812, %broadcast_in_dim3A_815 : vector<16xi1>, vector<16xf32>
        %add3A_817 = arith.addf %add3A_800, %select_n3A_816 : vector<16xf32>
        %jit3A_818 = arith.constant 1.000000e+00 : f32
        %jit3A_819 = arith.constant 0.000000e+00 : f32
        %broadcast_in_dim3A_820 = vector.broadcast %jit3A_818 : f32 to vector<16xf32>
        %broadcast_in_dim3A_821 = vector.broadcast %jit3A_819 : f32 to vector<16xf32>
        %select_n3A_822 = arith.select %gt3A_813, %broadcast_in_dim3A_820, %broadcast_in_dim3A_821 : vector<16xi1>, vector<16xf32>
        %add3A_823 = arith.addf %add3A_806, %select_n3A_822 : vector<16xf32>
        %mul3A_824 = arith.constant 128 : i32
        %mul3A_825 = arith.muli %while3A_704, %mul3A_824 : i32
        %add3A_826 = arith.constant 112 : i32
        %add3A_827 = arith.addi %mul3A_825, %add3A_826 : i32
        %get3A_828 = arith.index_cast %add3A_827 : i32 to index
        %get3A_829 = tpu.vector_load %arg6[%get3A_828] {strides = array<i32>} : memref<33024xf32, #tpu.memory_space<vmem>>, vector<16xf32>,
        %gt3A_830 = arith.cmpf ogt, %get3A_829, %scan3A_661 : vector<16xf32>
        %jit3A_831 = arith.constant 0.000000e+00 : f32
        %broadcast_in_dim3A_832 = vector.broadcast %jit3A_831 : f32 to vector<16xf32>
        %select_n3A_833 = arith.select %gt3A_830, %get3A_829, %broadcast_in_dim3A_832 : vector<16xi1>, vector<16xf32>
        %add3A_834 = arith.addf %add3A_817, %select_n3A_833 : vector<16xf32>
        %jit3A_835 = arith.constant 1.000000e+00 : f32
        %jit3A_836 = arith.constant 0.000000e+00 : f32
        %broadcast_in_dim3A_837 = vector.broadcast %jit3A_835 : f32 to vector<16xf32>
        %broadcast_in_dim3A_838 = vector.broadcast %jit3A_836 : f32 to vector<16xf32>
        %select_n3A_839 = arith.select %gt3A_830, %broadcast_in_dim3A_837, %broadcast_in_dim3A_838 : vector<16xi1>, vector<16xf32>
        %add3A_840 = arith.addf %add3A_823, %select_n3A_839 : vector<16xf32>
        scf.yield %add3A_834, %add3A_840 : vector<16xf32>, vector<16xf32>
      }
      %reduce_sum3A = arith.constant true
      %reduce_sum3A_675 = vector.broadcast %reduce_sum3A : i1 to vector<16xi1>
      %reduce_sum3A_676 = tpu.scan <sum>, %while3A_674#0 masked %reduce_sum3A_675 : vector<16xf32>, vector<16xi1> -> vector<16xf32>
      %reduce_sum3A_677 = vector.extract %reduce_sum3A_676[15] : f32 from vector<16xf32>
      %add3A_678 = vector.broadcast %reduce_sum3A_677 : f32 to vector<16xf32>
      %add3A_679 = arith.addf %add3A_678, %broadcast_in_dim3A_3 : vector<16xf32>
      %reduce_sum3A_680 = arith.constant true
      %reduce_sum3A_681 = vector.broadcast %reduce_sum3A_680 : i1 to vector<16xi1>
      %reduce_sum3A_682 = tpu.scan <sum>, %while3A_674#1 masked %reduce_sum3A_681 : vector<16xf32>, vector<16xi1> -> vector<16xf32>
      %reduce_sum3A_683 = vector.extract %reduce_sum3A_682[15] : f32 from vector<16xf32>
      %add3A_684 = vector.broadcast %reduce_sum3A_683 : f32 to vector<16xf32>
      %add3A_685 = arith.addf %add3A_684, %broadcast_in_dim3A_3 : vector<16xf32>
      %mul3A_686 = arith.mulf %add3A_685, %scan3A_661 : vector<16xf32>
      %sub3A_687 = arith.subf %add3A_679, %mul3A_686 : vector<16xf32>
      %ge3A = arith.constant 1.000000e+00 : f32
      %ge3A_688 = vector.broadcast %ge3A : f32 to vector<16xf32>
      %ge3A_689 = arith.cmpf oge, %sub3A_687, %ge3A_688 : vector<16xf32>
      %select_n3A = arith.select %ge3A_689, %scan3A_661, %scan3A_659 : vector<16xi1>, vector<16xf32>
      %select_n3A_690 = arith.select %ge3A_689, %scan3A_660, %scan3A_661 : vector<16xi1>, vector<16xf32>
      %gt3A = arith.constant 5.000000e-01 : f32
      %gt3A_691 = vector.broadcast %gt3A : f32 to vector<16xf32>
      %gt3A_692 = arith.cmpf ogt, %add3A_685, %gt3A_691 : vector<16xf32>
      %sub3A_693 = arith.constant 1.000000e+00 : f32
      %sub3A_694 = vector.broadcast %sub3A_693 : f32 to vector<16xf32>
      %sub3A_695 = arith.subf %add3A_679, %sub3A_694 : vector<16xf32>
      %max3A = arith.constant 1.000000e+00 : f32
      %max3A_696 = vector.broadcast %max3A : f32 to vector<16xf32>
      %max3A_697 = arith.maximumf %add3A_685, %max3A_696 : vector<16xf32>
      %div3A = arith.divf %sub3A_695, %max3A_697 : vector<16xf32>
      %select_n3A_698 = arith.select %gt3A_692, %div3A, %select_n3A : vector<16xi1>, vector<16xf32>
      %max3A_699 = arith.maximumf %select_n3A, %select_n3A_698 : vector<16xf32>
      %add3A_700 = arith.addf %max3A_699, %select_n3A_690 : vector<16xf32>
      %mul3A_701 = arith.constant 5.000000e-01 : f32
      %mul3A_702 = vector.broadcast %mul3A_701 : f32 to vector<16xf32>
      %mul3A_703 = arith.mulf %mul3A_702, %add3A_700 : vector<16xf32>
      scf.yield %max3A_699, %select_n3A_690, %mul3A_703 : vector<16xf32>, vector<16xf32>, vector<16xf32>
    }
    %scan3A_331 = arith.constant 12 : i32
    %scan3A_332 = arith.constant 0 : i32
    %scan3A_333 = arith.constant 0 : i32
    %scan3A_334 = arith.constant 256 : i32
    %scan3A_335 = arith.addi %scan3A_333, %scan3A_334 : i32
    %scan3A_336 = arith.constant 1 : i32
    scf.for %scan3A_658 = %scan3A_333 to %scan3A_335 step %scan3A_336  : i32 {
      %mul3A_659 = arith.constant 128 : i32
      %mul3A_660 = arith.muli %scan3A_658, %mul3A_659 : i32
      %add3A_661 = arith.constant 0 : i32
      %add3A_662 = arith.addi %mul3A_660, %add3A_661 : i32
      %get3A = arith.index_cast %add3A_662 : i32 to index
      %get3A_663 = tpu.vector_load %arg5[%get3A] {strides = array<i32>} : memref<33024xf32, #tpu.memory_space<vmem>>, vector<16xf32>,
      %sub3A_664 = arith.subf %get3A_663, %scan3A_330#0 : vector<16xf32>
      %max3A = arith.constant 0.000000e+00 : f32
      %max3A_665 = vector.broadcast %max3A : f32 to vector<16xf32>
      %max3A_666 = arith.maximumf %sub3A_664, %max3A_665 : vector<16xf32>
      %swap3A_667 = arith.index_cast %add3A_662 : i32 to index
      %swap3A_668 = tpu.vector_load %arg6[%swap3A_667] {strides = array<i32>} : memref<33024xf32, #tpu.memory_space<vmem>>, vector<16xf32>,
      tpu.vector_store %arg6[%swap3A_667], %max3A_666 {strides = array<i32>} : memref<33024xf32, #tpu.memory_space<vmem>>, vector<16xf32>,
      %mul3A_669 = arith.constant 128 : i32
      %mul3A_670 = arith.muli %scan3A_658, %mul3A_669 : i32
      %add3A_671 = arith.constant 16 : i32
      %add3A_672 = arith.addi %mul3A_670, %add3A_671 : i32
      %get3A_673 = arith.index_cast %add3A_672 : i32 to index
      %get3A_674 = tpu.vector_load %arg5[%get3A_673] {strides = array<i32>} : memref<33024xf32, #tpu.memory_space<vmem>>, vector<16xf32>,
      %sub3A_675 = arith.subf %get3A_674, %scan3A_330#0 : vector<16xf32>
      %max3A_676 = arith.constant 0.000000e+00 : f32
      %max3A_677 = vector.broadcast %max3A_676 : f32 to vector<16xf32>
      %max3A_678 = arith.maximumf %sub3A_675, %max3A_677 : vector<16xf32>
      %swap3A_679 = arith.index_cast %add3A_672 : i32 to index
      %swap3A_680 = tpu.vector_load %arg6[%swap3A_679] {strides = array<i32>} : memref<33024xf32, #tpu.memory_space<vmem>>, vector<16xf32>,
      tpu.vector_store %arg6[%swap3A_679], %max3A_678 {strides = array<i32>} : memref<33024xf32, #tpu.memory_space<vmem>>, vector<16xf32>,
      %mul3A_681 = arith.constant 128 : i32
      %mul3A_682 = arith.muli %scan3A_658, %mul3A_681 : i32
      %add3A_683 = arith.constant 32 : i32
      %add3A_684 = arith.addi %mul3A_682, %add3A_683 : i32
      %get3A_685 = arith.index_cast %add3A_684 : i32 to index
      %get3A_686 = tpu.vector_load %arg5[%get3A_685] {strides = array<i32>} : memref<33024xf32, #tpu.memory_space<vmem>>, vector<16xf32>,
      %sub3A_687 = arith.subf %get3A_686, %scan3A_330#0 : vector<16xf32>
      %max3A_688 = arith.constant 0.000000e+00 : f32
      %max3A_689 = vector.broadcast %max3A_688 : f32 to vector<16xf32>
      %max3A_690 = arith.maximumf %sub3A_687, %max3A_689 : vector<16xf32>
      %swap3A_691 = arith.index_cast %add3A_684 : i32 to index
      %swap3A_692 = tpu.vector_load %arg6[%swap3A_691] {strides = array<i32>} : memref<33024xf32, #tpu.memory_space<vmem>>, vector<16xf32>,
      tpu.vector_store %arg6[%swap3A_691], %max3A_690 {strides = array<i32>} : memref<33024xf32, #tpu.memory_space<vmem>>, vector<16xf32>,
      %mul3A_693 = arith.constant 128 : i32
      %mul3A_694 = arith.muli %scan3A_658, %mul3A_693 : i32
      %add3A_695 = arith.constant 48 : i32
      %add3A_696 = arith.addi %mul3A_694, %add3A_695 : i32
      %get3A_697 = arith.index_cast %add3A_696 : i32 to index
      %get3A_698 = tpu.vector_load %arg5[%get3A_697] {strides = array<i32>} : memref<33024xf32, #tpu.memory_space<vmem>>, vector<16xf32>,
      %sub3A_699 = arith.subf %get3A_698, %scan3A_330#0 : vector<16xf32>
      %max3A_700 = arith.constant 0.000000e+00 : f32
      %max3A_701 = vector.broadcast %max3A_700 : f32 to vector<16xf32>
      %max3A_702 = arith.maximumf %sub3A_699, %max3A_701 : vector<16xf32>
      %swap3A_703 = arith.index_cast %add3A_696 : i32 to index
      %swap3A_704 = tpu.vector_load %arg6[%swap3A_703] {strides = array<i32>} : memref<33024xf32, #tpu.memory_space<vmem>>, vector<16xf32>,
      tpu.vector_store %arg6[%swap3A_703], %max3A_702 {strides = array<i32>} : memref<33024xf32, #tpu.memory_space<vmem>>, vector<16xf32>,
      %mul3A_705 = arith.constant 128 : i32
      %mul3A_706 = arith.muli %scan3A_658, %mul3A_705 : i32
      %add3A_707 = arith.constant 64 : i32
      %add3A_708 = arith.addi %mul3A_706, %add3A_707 : i32
      %get3A_709 = arith.index_cast %add3A_708 : i32 to index
      %get3A_710 = tpu.vector_load %arg5[%get3A_709] {strides = array<i32>} : memref<33024xf32, #tpu.memory_space<vmem>>, vector<16xf32>,
      %sub3A_711 = arith.subf %get3A_710, %scan3A_330#0 : vector<16xf32>
      %max3A_712 = arith.constant 0.000000e+00 : f32
      %max3A_713 = vector.broadcast %max3A_712 : f32 to vector<16xf32>
      %max3A_714 = arith.maximumf %sub3A_711, %max3A_713 : vector<16xf32>
      %swap3A_715 = arith.index_cast %add3A_708 : i32 to index
      %swap3A_716 = tpu.vector_load %arg6[%swap3A_715] {strides = array<i32>} : memref<33024xf32, #tpu.memory_space<vmem>>, vector<16xf32>,
      tpu.vector_store %arg6[%swap3A_715], %max3A_714 {strides = array<i32>} : memref<33024xf32, #tpu.memory_space<vmem>>, vector<16xf32>,
      %mul3A_717 = arith.constant 128 : i32
      %mul3A_718 = arith.muli %scan3A_658, %mul3A_717 : i32
      %add3A_719 = arith.constant 80 : i32
      %add3A_720 = arith.addi %mul3A_718, %add3A_719 : i32
      %get3A_721 = arith.index_cast %add3A_720 : i32 to index
      %get3A_722 = tpu.vector_load %arg5[%get3A_721] {strides = array<i32>} : memref<33024xf32, #tpu.memory_space<vmem>>, vector<16xf32>,
      %sub3A_723 = arith.subf %get3A_722, %scan3A_330#0 : vector<16xf32>
      %max3A_724 = arith.constant 0.000000e+00 : f32
      %max3A_725 = vector.broadcast %max3A_724 : f32 to vector<16xf32>
      %max3A_726 = arith.maximumf %sub3A_723, %max3A_725 : vector<16xf32>
      %swap3A_727 = arith.index_cast %add3A_720 : i32 to index
      %swap3A_728 = tpu.vector_load %arg6[%swap3A_727] {strides = array<i32>} : memref<33024xf32, #tpu.memory_space<vmem>>, vector<16xf32>,
      tpu.vector_store %arg6[%swap3A_727], %max3A_726 {strides = array<i32>} : memref<33024xf32, #tpu.memory_space<vmem>>, vector<16xf32>,
      %mul3A_729 = arith.constant 128 : i32
      %mul3A_730 = arith.muli %scan3A_658, %mul3A_729 : i32
      %add3A_731 = arith.constant 96 : i32
      %add3A_732 = arith.addi %mul3A_730, %add3A_731 : i32
      %get3A_733 = arith.index_cast %add3A_732 : i32 to index
      %get3A_734 = tpu.vector_load %arg5[%get3A_733] {strides = array<i32>} : memref<33024xf32, #tpu.memory_space<vmem>>, vector<16xf32>,
      %sub3A_735 = arith.subf %get3A_734, %scan3A_330#0 : vector<16xf32>
      %max3A_736 = arith.constant 0.000000e+00 : f32
      %max3A_737 = vector.broadcast %max3A_736 : f32 to vector<16xf32>
      %max3A_738 = arith.maximumf %sub3A_735, %max3A_737 : vector<16xf32>
      %swap3A_739 = arith.index_cast %add3A_732 : i32 to index
      %swap3A_740 = tpu.vector_load %arg6[%swap3A_739] {strides = array<i32>} : memref<33024xf32, #tpu.memory_space<vmem>>, vector<16xf32>,
      tpu.vector_store %arg6[%swap3A_739], %max3A_738 {strides = array<i32>} : memref<33024xf32, #tpu.memory_space<vmem>>, vector<16xf32>,
      %mul3A_741 = arith.constant 128 : i32
      %mul3A_742 = arith.muli %scan3A_658, %mul3A_741 : i32
      %add3A_743 = arith.constant 112 : i32
      %add3A_744 = arith.addi %mul3A_742, %add3A_743 : i32
      %get3A_745 = arith.index_cast %add3A_744 : i32 to index
      %get3A_746 = tpu.vector_load %arg5[%get3A_745] {strides = array<i32>} : memref<33024xf32, #tpu.memory_space<vmem>>, vector<16xf32>,
      %sub3A_747 = arith.subf %get3A_746, %scan3A_330#0 : vector<16xf32>
      %max3A_748 = arith.constant 0.000000e+00 : f32
      %max3A_749 = vector.broadcast %max3A_748 : f32 to vector<16xf32>
      %max3A_750 = arith.maximumf %sub3A_747, %max3A_749 : vector<16xf32>
      %swap3A_751 = arith.index_cast %add3A_744 : i32 to index
      %swap3A_752 = tpu.vector_load %arg6[%swap3A_751] {strides = array<i32>} : memref<33024xf32, #tpu.memory_space<vmem>>, vector<16xf32>,
      tpu.vector_store %arg6[%swap3A_751], %max3A_750 {strides = array<i32>} : memref<33024xf32, #tpu.memory_space<vmem>>, vector<16xf32>,
    }
    %scan3A_337 = arith.constant 256 : i32
    %add3A_338 = arith.constant 1 : i32
    %add3A_339 = arith.addi %mul3A_2, %add3A_338 : i32
    %dma_start3A_340 = arith.constant 0 : i32
    %dma_start3A_341 = tpu.memref_slice %arg6[%dma_start3A_340] : memref<33024xf32, #tpu.memory_space<vmem>> -> memref<16384xf32, #tpu.memory_space<vmem>>
    %dma_start3A_342 = arith.constant 0 : i32
    %dma_start3A_343 = tpu.memref_slice %arg3[%add3A_339, %dma_start3A_342] : memref<128x32768xf32, #tpu.memory_space<hbm>> -> memref<1x16384xf32, #tpu.memory_space<hbm>>
    %dma_start3A_344 = tpu.memref_squeeze %dma_start3A_343 : memref<1x16384xf32, #tpu.memory_space<hbm>> -> memref<16384xf32, #tpu.memory_space<hbm>>
    %dma_start3A_345 = arith.constant 0 : i32
    %dma_start3A_346 = tpu.memref_slice %arg3[%add3A_339, %dma_start3A_345] : memref<128x32768xf32, #tpu.memory_space<hbm>> -> memref<1x16384xf32, #tpu.memory_space<hbm>>
    %dma_start3A_347 = tpu.memref_squeeze %dma_start3A_346 : memref<1x16384xf32, #tpu.memory_space<hbm>> -> memref<16384xf32, #tpu.memory_space<hbm>>
    %dma_start3A_348 = arith.constant 0 : i32
    %dma_start3A_349 = tpu.memref_slice %arg6[%dma_start3A_348] : memref<33024xf32, #tpu.memory_space<vmem>> -> memref<16384xf32, #tpu.memory_space<vmem>>
    tpu.enqueue_dma source(%dma_start3A_349 : memref<16384xf32, #tpu.memory_space<vmem>>) target(%dma_start3A_347 : memref<16384xf32, #tpu.memory_space<hbm>>) target_semaphore(%arg13 : memref<!tpu.dma_semaphore, #tpu.memory_space<semaphore_mem>>)
    %add3A_350 = arith.constant 1 : i32
    %add3A_351 = arith.addi %mul3A_2, %add3A_350 : i32
    %dma_start3A_352 = arith.constant 16384 : i32
    %dma_start3A_353 = tpu.memref_slice %arg6[%dma_start3A_352] : memref<33024xf32, #tpu.memory_space<vmem>> -> memref<16384xf32, #tpu.memory_space<vmem>>
    %dma_start3A_354 = arith.constant 16384 : i32
    %dma_start3A_355 = tpu.memref_slice %arg3[%add3A_351, %dma_start3A_354] : memref<128x32768xf32, #tpu.memory_space<hbm>> -> memref<1x16384xf32, #tpu.memory_space<hbm>>
    %dma_start3A_356 = tpu.memref_squeeze %dma_start3A_355 : memref<1x16384xf32, #tpu.memory_space<hbm>> -> memref<16384xf32, #tpu.memory_space<hbm>>
    %dma_start3A_357 = arith.constant 16384 : i32
    %dma_start3A_358 = tpu.memref_slice %arg3[%add3A_351, %dma_start3A_357] : memref<128x32768xf32, #tpu.memory_space<hbm>> -> memref<1x16384xf32, #tpu.memory_space<hbm>>
    %dma_start3A_359 = tpu.memref_squeeze %dma_start3A_358 : memref<1x16384xf32, #tpu.memory_space<hbm>> -> memref<16384xf32, #tpu.memory_space<hbm>>
    %dma_start3A_360 = arith.constant 16384 : i32
    %dma_start3A_361 = tpu.memref_slice %arg6[%dma_start3A_360] : memref<33024xf32, #tpu.memory_space<vmem>> -> memref<16384xf32, #tpu.memory_space<vmem>>
    tpu.enqueue_dma source(%dma_start3A_361 : memref<16384xf32, #tpu.memory_space<vmem>>) target(%dma_start3A_359 : memref<16384xf32, #tpu.memory_space<hbm>>) target_semaphore(%arg14 : memref<!tpu.dma_semaphore, #tpu.memory_space<semaphore_mem>>)
    %dma_wait3A_362 = arith.constant 0 : i32
    %dma_wait3A_363 = tpu.memref_slice %arg4[%dma_wait3A_362] : memref<33024xf32, #tpu.memory_space<vmem>> -> memref<16384xf32, #tpu.memory_space<vmem>>
    %dma_wait3A_364 = arith.constant 0 : i32
    %dma_wait3A_365 = tpu.memref_slice %arg2[%add3A_235, %dma_wait3A_364] : memref<128x32768xf32, #tpu.memory_space<hbm>> -> memref<1x16384xf32, #tpu.memory_space<hbm>>
    %dma_wait3A_366 = tpu.memref_squeeze %dma_wait3A_365 : memref<1x16384xf32, #tpu.memory_space<hbm>> -> memref<16384xf32, #tpu.memory_space<hbm>>
    %dma_wait3A_367 = arith.constant 0 : i32
    %dma_wait3A_368 = tpu.memref_slice %arg4[%dma_wait3A_367] : memref<33024xf32, #tpu.memory_space<vmem>> -> memref<16384xf32, #tpu.memory_space<vmem>>
    %dma_wait3A_369 = arith.constant 0 : i32
    %dma_wait3A_370 = tpu.memref_slice %arg2[%add3A_235, %dma_wait3A_369] : memref<128x32768xf32, #tpu.memory_space<hbm>> -> memref<1x16384xf32, #tpu.memory_space<hbm>>
    %dma_wait3A_371 = tpu.memref_squeeze %dma_wait3A_370 : memref<1x16384xf32, #tpu.memory_space<hbm>> -> memref<16384xf32, #tpu.memory_space<hbm>>
    tpu.wait_dma2 semaphore(%arg9 : memref<!tpu.dma_semaphore, #tpu.memory_space<semaphore_mem>>) src(%dma_wait3A_371 : memref<16384xf32, #tpu.memory_space<hbm>>) dst(%dma_wait3A_368 : memref<16384xf32, #tpu.memory_space<vmem>>)
    %dma_wait3A_372 = arith.constant 16384 : i32
    %dma_wait3A_373 = tpu.memref_slice %arg4[%dma_wait3A_372] : memref<33024xf32, #tpu.memory_space<vmem>> -> memref<16384xf32, #tpu.memory_space<vmem>>
    %dma_wait3A_374 = arith.constant 16384 : i32
    %dma_wait3A_375 = tpu.memref_slice %arg2[%add3A_235, %dma_wait3A_374] : memref<128x32768xf32, #tpu.memory_space<hbm>> -> memref<1x16384xf32, #tpu.memory_space<hbm>>
    %dma_wait3A_376 = tpu.memref_squeeze %dma_wait3A_375 : memref<1x16384xf32, #tpu.memory_space<hbm>> -> memref<16384xf32, #tpu.memory_space<hbm>>
    %dma_wait3A_377 = arith.constant 16384 : i32
    %dma_wait3A_378 = tpu.memref_slice %arg4[%dma_wait3A_377] : memref<33024xf32, #tpu.memory_space<vmem>> -> memref<16384xf32, #tpu.memory_space<vmem>>
    %dma_wait3A_379 = arith.constant 16384 : i32
    %dma_wait3A_380 = tpu.memref_slice %arg2[%add3A_235, %dma_wait3A_379] : memref<128x32768xf32, #tpu.memory_space<hbm>> -> memref<1x16384xf32, #tpu.memory_space<hbm>>
    %dma_wait3A_381 = tpu.memref_squeeze %dma_wait3A_380 : memref<1x16384xf32, #tpu.memory_space<hbm>> -> memref<16384xf32, #tpu.memory_space<hbm>>
    tpu.wait_dma2 semaphore(%arg10 : memref<!tpu.dma_semaphore, #tpu.memory_space<semaphore_mem>>) src(%dma_wait3A_381 : memref<16384xf32, #tpu.memory_space<hbm>>) dst(%dma_wait3A_378 : memref<16384xf32, #tpu.memory_space<vmem>>)
    %add3A_382 = arith.constant 2 : i32
    %add3A_383 = arith.addi %mul3A_2, %add3A_382 : i32
    %add3A_384 = arith.constant 1 : i32
    %add3A_385 = arith.addi %add3A_383, %add3A_384 : i32
    %dma_start3A_386 = arith.constant 0 : i32
    %dma_start3A_387 = tpu.memref_slice %arg5[%dma_start3A_386] : memref<33024xf32, #tpu.memory_space<vmem>> -> memref<16384xf32, #tpu.memory_space<vmem>>
    %dma_start3A_388 = arith.constant 0 : i32
    %dma_start3A_389 = tpu.memref_slice %arg2[%add3A_385, %dma_start3A_388] : memref<128x32768xf32, #tpu.memory_space<hbm>> -> memref<1x16384xf32, #tpu.memory_space<hbm>>
    %dma_start3A_390 = tpu.memref_squeeze %dma_start3A_389 : memref<1x16384xf32, #tpu.memory_space<hbm>> -> memref<16384xf32, #tpu.memory_space<hbm>>
    %dma_start3A_391 = arith.constant 0 : i32
    %dma_start3A_392 = tpu.memref_slice %arg5[%dma_start3A_391] : memref<33024xf32, #tpu.memory_space<vmem>> -> memref<16384xf32, #tpu.memory_space<vmem>>
    %dma_start3A_393 = arith.constant 0 : i32
    %dma_start3A_394 = tpu.memref_slice %arg2[%add3A_385, %dma_start3A_393] : memref<128x32768xf32, #tpu.memory_space<hbm>> -> memref<1x16384xf32, #tpu.memory_space<hbm>>
    %dma_start3A_395 = tpu.memref_squeeze %dma_start3A_394 : memref<1x16384xf32, #tpu.memory_space<hbm>> -> memref<16384xf32, #tpu.memory_space<hbm>>
    tpu.enqueue_dma source(%dma_start3A_395 : memref<16384xf32, #tpu.memory_space<hbm>>) target(%dma_start3A_392 : memref<16384xf32, #tpu.memory_space<vmem>>) target_semaphore(%arg11 : memref<!tpu.dma_semaphore, #tpu.memory_space<semaphore_mem>>)
    %dma_start3A_396 = arith.constant 16384 : i32
    %dma_start3A_397 = tpu.memref_slice %arg5[%dma_start3A_396] : memref<33024xf32, #tpu.memory_space<vmem>> -> memref<16384xf32, #tpu.memory_space<vmem>>
    %dma_start3A_398 = arith.constant 16384 : i32
    %dma_start3A_399 = tpu.memref_slice %arg2[%add3A_385, %dma_start3A_398] : memref<128x32768xf32, #tpu.memory_space<hbm>> -> memref<1x16384xf32, #tpu.memory_space<hbm>>
    %dma_start3A_400 = tpu.memref_squeeze %dma_start3A_399 : memref<1x16384xf32, #tpu.memory_space<hbm>> -> memref<16384xf32, #tpu.memory_space<hbm>>
    %dma_start3A_401 = arith.constant 16384 : i32
    %dma_start3A_402 = tpu.memref_slice %arg5[%dma_start3A_401] : memref<33024xf32, #tpu.memory_space<vmem>> -> memref<16384xf32, #tpu.memory_space<vmem>>
    %dma_start3A_403 = arith.constant 16384 : i32
    %dma_start3A_404 = tpu.memref_slice %arg2[%add3A_385, %dma_start3A_403] : memref<128x32768xf32, #tpu.memory_space<hbm>> -> memref<1x16384xf32, #tpu.memory_space<hbm>>
    %dma_start3A_405 = tpu.memref_squeeze %dma_start3A_404 : memref<1x16384xf32, #tpu.memory_space<hbm>> -> memref<16384xf32, #tpu.memory_space<hbm>>
    tpu.enqueue_dma source(%dma_start3A_405 : memref<16384xf32, #tpu.memory_space<hbm>>) target(%dma_start3A_402 : memref<16384xf32, #tpu.memory_space<vmem>>) target_semaphore(%arg12 : memref<!tpu.dma_semaphore, #tpu.memory_space<semaphore_mem>>)
    %scan3A_406 = arith.constant 0 : i32
    %scan3A_407 = arith.constant 128 : i32
    %scan3A_408 = arith.addi %scan3A_406, %scan3A_407 : i32
    %scan3A_409 = arith.constant 1 : i32
    %scan3A_410 = scf.for %scan3A_658 = %scan3A_406 to %scan3A_408 step %scan3A_409 iter_args(%scan3A_659 = %broadcast_in_dim3A_5) -> (vector<16xf32>)  : i32 {
      %mul3A_660 = arith.constant 256 : i32
      %mul3A_661 = arith.muli %scan3A_658, %mul3A_660 : i32
      %add3A_662 = arith.constant 0 : i32
      %add3A_663 = arith.addi %mul3A_661, %add3A_662 : i32
      %get3A = arith.index_cast %add3A_663 : i32 to index
      %get3A_664 = tpu.vector_load %arg4[%get3A] {strides = array<i32>} : memref<33024xf32, #tpu.memory_space<vmem>>, vector<16xf32>,
      %mul3A_665 = arith.constant 256 : i32
      %mul3A_666 = arith.muli %scan3A_658, %mul3A_665 : i32
      %add3A_667 = arith.constant 16 : i32
      %add3A_668 = arith.addi %mul3A_666, %add3A_667 : i32
      %get3A_669 = arith.index_cast %add3A_668 : i32 to index
      %get3A_670 = tpu.vector_load %arg4[%get3A_669] {strides = array<i32>} : memref<33024xf32, #tpu.memory_space<vmem>>, vector<16xf32>,
      %mul3A_671 = arith.constant 256 : i32
      %mul3A_672 = arith.muli %scan3A_658, %mul3A_671 : i32
      %add3A_673 = arith.constant 32 : i32
      %add3A_674 = arith.addi %mul3A_672, %add3A_673 : i32
      %get3A_675 = arith.index_cast %add3A_674 : i32 to index
      %get3A_676 = tpu.vector_load %arg4[%get3A_675] {strides = array<i32>} : memref<33024xf32, #tpu.memory_space<vmem>>, vector<16xf32>,
      %mul3A_677 = arith.constant 256 : i32
      %mul3A_678 = arith.muli %scan3A_658, %mul3A_677 : i32
      %add3A_679 = arith.constant 48 : i32
      %add3A_680 = arith.addi %mul3A_678, %add3A_679 : i32
      %get3A_681 = arith.index_cast %add3A_680 : i32 to index
      %get3A_682 = tpu.vector_load %arg4[%get3A_681] {strides = array<i32>} : memref<33024xf32, #tpu.memory_space<vmem>>, vector<16xf32>,
      %mul3A_683 = arith.constant 256 : i32
      %mul3A_684 = arith.muli %scan3A_658, %mul3A_683 : i32
      %add3A_685 = arith.constant 64 : i32
      %add3A_686 = arith.addi %mul3A_684, %add3A_685 : i32
      %get3A_687 = arith.index_cast %add3A_686 : i32 to index
      %get3A_688 = tpu.vector_load %arg4[%get3A_687] {strides = array<i32>} : memref<33024xf32, #tpu.memory_space<vmem>>, vector<16xf32>,
      %mul3A_689 = arith.constant 256 : i32
      %mul3A_690 = arith.muli %scan3A_658, %mul3A_689 : i32
      %add3A_691 = arith.constant 80 : i32
      %add3A_692 = arith.addi %mul3A_690, %add3A_691 : i32
      %get3A_693 = arith.index_cast %add3A_692 : i32 to index
      %get3A_694 = tpu.vector_load %arg4[%get3A_693] {strides = array<i32>} : memref<33024xf32, #tpu.memory_space<vmem>>, vector<16xf32>,
      %mul3A_695 = arith.constant 256 : i32
      %mul3A_696 = arith.muli %scan3A_658, %mul3A_695 : i32
      %add3A_697 = arith.constant 96 : i32
      %add3A_698 = arith.addi %mul3A_696, %add3A_697 : i32
      %get3A_699 = arith.index_cast %add3A_698 : i32 to index
      %get3A_700 = tpu.vector_load %arg4[%get3A_699] {strides = array<i32>} : memref<33024xf32, #tpu.memory_space<vmem>>, vector<16xf32>,
      %mul3A_701 = arith.constant 256 : i32
      %mul3A_702 = arith.muli %scan3A_658, %mul3A_701 : i32
      %add3A_703 = arith.constant 112 : i32
      %add3A_704 = arith.addi %mul3A_702, %add3A_703 : i32
      %get3A_705 = arith.index_cast %add3A_704 : i32 to index
      %get3A_706 = tpu.vector_load %arg4[%get3A_705] {strides = array<i32>} : memref<33024xf32, #tpu.memory_space<vmem>>, vector<16xf32>,
      %mul3A_707 = arith.constant 256 : i32
      %mul3A_708 = arith.muli %scan3A_658, %mul3A_707 : i32
      %add3A_709 = arith.constant 128 : i32
      %add3A_710 = arith.addi %mul3A_708, %add3A_709 : i32
      %get3A_711 = arith.index_cast %add3A_710 : i32 to index
      %get3A_712 = tpu.vector_load %arg4[%get3A_711] {strides = array<i32>} : memref<33024xf32, #tpu.memory_space<vmem>>, vector<16xf32>,
      %mul3A_713 = arith.constant 256 : i32
      %mul3A_714 = arith.muli %scan3A_658, %mul3A_713 : i32
      %add3A_715 = arith.constant 144 : i32
      %add3A_716 = arith.addi %mul3A_714, %add3A_715 : i32
      %get3A_717 = arith.index_cast %add3A_716 : i32 to index
      %get3A_718 = tpu.vector_load %arg4[%get3A_717] {strides = array<i32>} : memref<33024xf32, #tpu.memory_space<vmem>>, vector<16xf32>,
      %mul3A_719 = arith.constant 256 : i32
      %mul3A_720 = arith.muli %scan3A_658, %mul3A_719 : i32
      %add3A_721 = arith.constant 160 : i32
      %add3A_722 = arith.addi %mul3A_720, %add3A_721 : i32
      %get3A_723 = arith.index_cast %add3A_722 : i32 to index
      %get3A_724 = tpu.vector_load %arg4[%get3A_723] {strides = array<i32>} : memref<33024xf32, #tpu.memory_space<vmem>>, vector<16xf32>,
      %mul3A_725 = arith.constant 256 : i32
      %mul3A_726 = arith.muli %scan3A_658, %mul3A_725 : i32
      %add3A_727 = arith.constant 176 : i32
      %add3A_728 = arith.addi %mul3A_726, %add3A_727 : i32
      %get3A_729 = arith.index_cast %add3A_728 : i32 to index
      %get3A_730 = tpu.vector_load %arg4[%get3A_729] {strides = array<i32>} : memref<33024xf32, #tpu.memory_space<vmem>>, vector<16xf32>,
      %mul3A_731 = arith.constant 256 : i32
      %mul3A_732 = arith.muli %scan3A_658, %mul3A_731 : i32
      %add3A_733 = arith.constant 192 : i32
      %add3A_734 = arith.addi %mul3A_732, %add3A_733 : i32
      %get3A_735 = arith.index_cast %add3A_734 : i32 to index
      %get3A_736 = tpu.vector_load %arg4[%get3A_735] {strides = array<i32>} : memref<33024xf32, #tpu.memory_space<vmem>>, vector<16xf32>,
      %mul3A_737 = arith.constant 256 : i32
      %mul3A_738 = arith.muli %scan3A_658, %mul3A_737 : i32
      %add3A_739 = arith.constant 208 : i32
      %add3A_740 = arith.addi %mul3A_738, %add3A_739 : i32
      %get3A_741 = arith.index_cast %add3A_740 : i32 to index
      %get3A_742 = tpu.vector_load %arg4[%get3A_741] {strides = array<i32>} : memref<33024xf32, #tpu.memory_space<vmem>>, vector<16xf32>,
      %mul3A_743 = arith.constant 256 : i32
      %mul3A_744 = arith.muli %scan3A_658, %mul3A_743 : i32
      %add3A_745 = arith.constant 224 : i32
      %add3A_746 = arith.addi %mul3A_744, %add3A_745 : i32
      %get3A_747 = arith.index_cast %add3A_746 : i32 to index
      %get3A_748 = tpu.vector_load %arg4[%get3A_747] {strides = array<i32>} : memref<33024xf32, #tpu.memory_space<vmem>>, vector<16xf32>,
      %mul3A_749 = arith.constant 256 : i32
      %mul3A_750 = arith.muli %scan3A_658, %mul3A_749 : i32
      %add3A_751 = arith.constant 240 : i32
      %add3A_752 = arith.addi %mul3A_750, %add3A_751 : i32
      %get3A_753 = arith.index_cast %add3A_752 : i32 to index
      %get3A_754 = tpu.vector_load %arg4[%get3A_753] {strides = array<i32>} : memref<33024xf32, #tpu.memory_space<vmem>>, vector<16xf32>,
      %max3A = arith.maximumf %get3A_664, %get3A_670 : vector<16xf32>
      %max3A_755 = arith.maximumf %get3A_676, %get3A_682 : vector<16xf32>
      %max3A_756 = arith.maximumf %get3A_688, %get3A_694 : vector<16xf32>
      %max3A_757 = arith.maximumf %get3A_700, %get3A_706 : vector<16xf32>
      %max3A_758 = arith.maximumf %get3A_712, %get3A_718 : vector<16xf32>
      %max3A_759 = arith.maximumf %get3A_724, %get3A_730 : vector<16xf32>
      %max3A_760 = arith.maximumf %get3A_736, %get3A_742 : vector<16xf32>
      %max3A_761 = arith.maximumf %get3A_748, %get3A_754 : vector<16xf32>
      %max3A_762 = arith.maximumf %max3A, %max3A_755 : vector<16xf32>
      %max3A_763 = arith.maximumf %max3A_756, %max3A_757 : vector<16xf32>
      %max3A_764 = arith.maximumf %max3A_758, %max3A_759 : vector<16xf32>
      %max3A_765 = arith.maximumf %max3A_760, %max3A_761 : vector<16xf32>
      %max3A_766 = arith.maximumf %max3A_762, %max3A_763 : vector<16xf32>
      %max3A_767 = arith.maximumf %max3A_764, %max3A_765 : vector<16xf32>
      %max3A_768 = arith.maximumf %max3A_766, %max3A_767 : vector<16xf32>
      %mul3A_769 = arith.constant 16 : i32
      %mul3A_770 = arith.muli %scan3A_658, %mul3A_769 : i32
      %swap3A_771 = arith.index_cast %mul3A_770 : i32 to index
      %swap3A_772 = tpu.vector_load %arg7[%swap3A_771] {strides = array<i32>} : memref<2048xf32, #tpu.memory_space<vmem>>, vector<16xf32>,
      tpu.vector_store %arg7[%swap3A_771], %max3A_768 {strides = array<i32>} : memref<2048xf32, #tpu.memory_space<vmem>>, vector<16xf32>,
      %max3A_773 = arith.maximumf %scan3A_659, %max3A_768 : vector<16xf32>
      scf.yield %max3A_773 : vector<16xf32>
    }
    %scan3A_411 = arith.constant 128 : i32
    %reduce_max3A_412 = arith.constant true
    %reduce_max3A_413 = vector.broadcast %reduce_max3A_412 : i1 to vector<16xi1>
    %reduce_max3A_414 = tpu.scan <max>, %scan3A_410 masked %reduce_max3A_413 : vector<16xf32>, vector<16xi1> -> vector<16xf32>
    %reduce_max3A_415 = vector.extract %reduce_max3A_414[15] : f32 from vector<16xf32>
    %sub3A_416 = arith.constant 1.000000e+00 : f32
    %sub3A_417 = arith.subf %reduce_max3A_415, %sub3A_416 : f32
    %broadcast_in_dim3A_418 = arith.constant 0 : i32
    %broadcast_in_dim3A_419 = vector.broadcast %broadcast_in_dim3A_418 : i32 to vector<16xi32>
    %scan3A_420 = arith.constant 0 : i32
    %scan3A_421 = arith.constant 128 : i32
    %scan3A_422 = arith.addi %scan3A_420, %scan3A_421 : i32
    %scan3A_423 = arith.constant 1 : i32
    %scan3A_424 = scf.for %scan3A_658 = %scan3A_420 to %scan3A_422 step %scan3A_423 iter_args(%scan3A_659 = %broadcast_in_dim3A_419) -> (vector<16xi32>)  : i32 {
      %mul3A_660 = arith.constant 16 : i32
      %mul3A_661 = arith.muli %scan3A_658, %mul3A_660 : i32
      %get3A = arith.index_cast %mul3A_661 : i32 to index
      %get3A_662 = tpu.vector_load %arg7[%get3A] {strides = array<i32>} : memref<2048xf32, #tpu.memory_space<vmem>>, vector<16xf32>,
      %gt3A = vector.broadcast %sub3A_417 : f32 to vector<16xf32>
      %gt3A_663 = arith.cmpf ogt, %get3A_662, %gt3A : vector<16xf32>
      %jit3A = arith.constant 1 : i32
      %jit3A_664 = arith.constant 0 : i32
      %broadcast_in_dim3A_665 = vector.broadcast %jit3A : i32 to vector<16xi32>
      %broadcast_in_dim3A_666 = vector.broadcast %jit3A_664 : i32 to vector<16xi32>
      %select_n3A = arith.select %gt3A_663, %broadcast_in_dim3A_665, %broadcast_in_dim3A_666 : vector<16xi1>, vector<16xi32>
      %broadcast_in_dim3A_667 = arith.constant true
      %broadcast_in_dim3A_668 = vector.broadcast %broadcast_in_dim3A_667 : i1 to vector<16xi1>
      %masked_cumsum3A = tpu.scan <sum>, %select_n3A masked %broadcast_in_dim3A_668 : vector<16xi32>, vector<16xi1> -> vector<16xi32>
      %sub3A_669 = arith.subi %masked_cumsum3A, %select_n3A : vector<16xi32>
      %add3A_670 = arith.addi %sub3A_669, %scan3A_659 : vector<16xi32>
      %mul3A_671 = arith.constant 16 : i32
      %mul3A_672 = arith.muli %scan3A_658, %mul3A_671 : i32
      %add3A_673 = vector.broadcast %mul3A_672 : i32 to vector<16xi32>
      %add3A_674 = arith.addi %add3A_673, %iota3A : vector<16xi32>
      tpu.vector_store_idx %arg8[%add3A_670], %add3A_674 masked %gt3A_663 : memref<2064xi32, #tpu.memory_space<vmem>>[vector<16xi32>], vector<16xi32>, vector<16xi1>
      %all_reduce_population_count3A = tpu.all_reduce %gt3A_663 {dim = 0 : i64, kind = #tpu.reduction_kind<sum>} : vector<16xi1> -> vector<16xi32>
      %add3A_675 = arith.addi %scan3A_659, %all_reduce_population_count3A : vector<16xi32>
      scf.yield %add3A_675 : vector<16xi32>
    }
    %scan3A_425 = arith.constant 128 : i32
    %reduce_max3A_426 = arith.constant true
    %reduce_max3A_427 = vector.broadcast %reduce_max3A_426 : i1 to vector<16xi1>
    %reduce_max3A_428 = arith.constant -2147483648 : i32
    %reduce_max3A_429 = vector.broadcast %reduce_max3A_428 : i32 to vector<16xi32>
    %reduce_max3A_430 = arith.xori %scan3A_424, %reduce_max3A_429 : vector<16xi32>
    %reduce_max3A_431 = tpu.scan <max>, %reduce_max3A_430 masked %reduce_max3A_427 : vector<16xi32>, vector<16xi1> -> vector<16xi32>
    %reduce_max3A_432 = arith.xori %reduce_max3A_431, %reduce_max3A_429 : vector<16xi32>
    %reduce_max3A_433 = vector.extract %reduce_max3A_432[15] : i32 from vector<16xi32>
    %add3A_434 = vector.broadcast %reduce_max3A_433 : i32 to vector<16xi32>
    %add3A_435 = arith.addi %add3A_434, %iota3A : vector<16xi32>
    %broadcast_in_dim3A_436 = arith.constant 2048 : i32
    %broadcast_in_dim3A_437 = vector.broadcast %broadcast_in_dim3A_436 : i32 to vector<16xi32>
    tpu.vector_store_idx %arg8[%add3A_435], %broadcast_in_dim3A_437 : memref<2064xi32, #tpu.memory_space<vmem>>[vector<16xi32>], vector<16xi32>,
    %add3A_438 = arith.constant 15 : i32
    %add3A_439 = arith.addi %reduce_max3A_433, %add3A_438 : i32
    %shift_right_logical3A_440 = arith.constant 4 : i32
    %shift_right_logical3A_441 = arith.shrui %add3A_439, %shift_right_logical3A_440 : i32
    %dma_wait3A_442 = arith.constant 0 : i32
    %dma_wait3A_443 = tpu.memref_slice %arg6[%dma_wait3A_442] : memref<33024xf32, #tpu.memory_space<vmem>> -> memref<16384xf32, #tpu.memory_space<vmem>>
    %dma_wait3A_444 = arith.constant 0 : i32
    %dma_wait3A_445 = tpu.memref_slice %arg3[%add3A_339, %dma_wait3A_444] : memref<128x32768xf32, #tpu.memory_space<hbm>> -> memref<1x16384xf32, #tpu.memory_space<hbm>>
    %dma_wait3A_446 = tpu.memref_squeeze %dma_wait3A_445 : memref<1x16384xf32, #tpu.memory_space<hbm>> -> memref<16384xf32, #tpu.memory_space<hbm>>
    %dma_wait3A_447 = arith.constant 0 : i32
    %dma_wait3A_448 = tpu.memref_slice %arg3[%add3A_339, %dma_wait3A_447] : memref<128x32768xf32, #tpu.memory_space<hbm>> -> memref<1x16384xf32, #tpu.memory_space<hbm>>
    %dma_wait3A_449 = tpu.memref_squeeze %dma_wait3A_448 : memref<1x16384xf32, #tpu.memory_space<hbm>> -> memref<16384xf32, #tpu.memory_space<hbm>>
    %dma_wait3A_450 = arith.constant 0 : i32
    %dma_wait3A_451 = tpu.memref_slice %arg6[%dma_wait3A_450] : memref<33024xf32, #tpu.memory_space<vmem>> -> memref<16384xf32, #tpu.memory_space<vmem>>
    tpu.wait_dma2 semaphore(%arg13 : memref<!tpu.dma_semaphore, #tpu.memory_space<semaphore_mem>>) src(%dma_wait3A_451 : memref<16384xf32, #tpu.memory_space<vmem>>) dst(%dma_wait3A_449 : memref<16384xf32, #tpu.memory_space<hbm>>)
    %dma_wait3A_452 = arith.constant 16384 : i32
    %dma_wait3A_453 = tpu.memref_slice %arg6[%dma_wait3A_452] : memref<33024xf32, #tpu.memory_space<vmem>> -> memref<16384xf32, #tpu.memory_space<vmem>>
    %dma_wait3A_454 = arith.constant 16384 : i32
    %dma_wait3A_455 = tpu.memref_slice %arg3[%add3A_351, %dma_wait3A_454] : memref<128x32768xf32, #tpu.memory_space<hbm>> -> memref<1x16384xf32, #tpu.memory_space<hbm>>
    %dma_wait3A_456 = tpu.memref_squeeze %dma_wait3A_455 : memref<1x16384xf32, #tpu.memory_space<hbm>> -> memref<16384xf32, #tpu.memory_space<hbm>>
    %dma_wait3A_457 = arith.constant 16384 : i32
    %dma_wait3A_458 = tpu.memref_slice %arg3[%add3A_351, %dma_wait3A_457] : memref<128x32768xf32, #tpu.memory_space<hbm>> -> memref<1x16384xf32, #tpu.memory_space<hbm>>
    %dma_wait3A_459 = tpu.memref_squeeze %dma_wait3A_458 : memref<1x16384xf32, #tpu.memory_space<hbm>> -> memref<16384xf32, #tpu.memory_space<hbm>>
    %dma_wait3A_460 = arith.constant 16384 : i32
    %dma_wait3A_461 = tpu.memref_slice %arg6[%dma_wait3A_460] : memref<33024xf32, #tpu.memory_space<vmem>> -> memref<16384xf32, #tpu.memory_space<vmem>>
    tpu.wait_dma2 semaphore(%arg14 : memref<!tpu.dma_semaphore, #tpu.memory_space<semaphore_mem>>) src(%dma_wait3A_461 : memref<16384xf32, #tpu.memory_space<vmem>>) dst(%dma_wait3A_459 : memref<16384xf32, #tpu.memory_space<hbm>>)
    %while3A_462 = arith.constant 0 : i32
    %while3A_463 = arith.constant 0 : i32
    %while3A_464 = arith.subi %shift_right_logical3A_441, %while3A_463 : i32
    %while3A_465 = arith.addi %while3A_463, %while3A_464 : i32
    %while3A_466 = arith.constant 1 : i32
    %while3A_467 = arith.divsi %while3A_464, %while3A_466 : i32
    %while3A_468 = arith.muli %while3A_467, %while3A_466 : i32
    %while3A_469 = arith.addi %while3A_463, %while3A_468 : i32
    %while3A_470 = arith.constant 1 : i32
    scf.for %while3A_658 = %while3A_463 to %while3A_469 step %while3A_470  : i32 {
      %mul3A_659 = arith.constant 16 : i32
      %mul3A_660 = arith.muli %while3A_658, %mul3A_659 : i32
      %get3A = arith.index_cast %mul3A_660 : i32 to index
      %get3A_661 = tpu.vector_load %arg8[%get3A] {strides = array<i32>} : memref<2064xi32, #tpu.memory_space<vmem>>, vector<16xi32>,
      %shift_right_logical3A_662 = arith.constant 4 : i32
      %shift_right_logical3A_663 = vector.broadcast %shift_right_logical3A_662 : i32 to vector<16xi32>
      %shift_right_logical3A_664 = arith.shrui %get3A_661, %shift_right_logical3A_663 : vector<16xi32>
      %mul3A_665 = arith.constant 256 : i32
      %mul3A_666 = vector.broadcast %mul3A_665 : i32 to vector<16xi32>
      %mul3A_667 = arith.muli %shift_right_logical3A_664, %mul3A_666 : vector<16xi32>
      %and3A = arith.constant 15 : i32
      %and3A_668 = vector.broadcast %and3A : i32 to vector<16xi32>
      %and3A_669 = arith.andi %get3A_661, %and3A_668 : vector<16xi32>
      %add3A_670 = arith.addi %mul3A_667, %and3A_669 : vector<16xi32>
      %add3A_671 = arith.constant 0 : i32
      %add3A_672 = vector.broadcast %add3A_671 : i32 to vector<16xi32>
      %add3A_673 = arith.addi %add3A_670, %add3A_672 : vector<16xi32>
      %gather3A = tpu.vector_load_idx %arg4[%add3A_673] : memref<33024xf32, #tpu.memory_space<vmem>>[vector<16xi32>], vector<16xf32>,
      %mul3A_674 = arith.constant 256 : i32
      %mul3A_675 = arith.muli %while3A_658, %mul3A_674 : i32
      %add3A_676 = arith.constant 0 : i32
      %add3A_677 = arith.addi %mul3A_675, %add3A_676 : i32
      %swap3A_678 = arith.index_cast %add3A_677 : i32 to index
      %swap3A_679 = tpu.vector_load %arg6[%swap3A_678] {strides = array<i32>} : memref<33024xf32, #tpu.memory_space<vmem>>, vector<16xf32>,
      tpu.vector_store %arg6[%swap3A_678], %gather3A {strides = array<i32>} : memref<33024xf32, #tpu.memory_space<vmem>>, vector<16xf32>,
      %add3A_680 = arith.constant 16 : i32
      %add3A_681 = vector.broadcast %add3A_680 : i32 to vector<16xi32>
      %add3A_682 = arith.addi %add3A_670, %add3A_681 : vector<16xi32>
      %gather3A_683 = tpu.vector_load_idx %arg4[%add3A_682] : memref<33024xf32, #tpu.memory_space<vmem>>[vector<16xi32>], vector<16xf32>,
      %mul3A_684 = arith.constant 256 : i32
      %mul3A_685 = arith.muli %while3A_658, %mul3A_684 : i32
      %add3A_686 = arith.constant 16 : i32
      %add3A_687 = arith.addi %mul3A_685, %add3A_686 : i32
      %swap3A_688 = arith.index_cast %add3A_687 : i32 to index
      %swap3A_689 = tpu.vector_load %arg6[%swap3A_688] {strides = array<i32>} : memref<33024xf32, #tpu.memory_space<vmem>>, vector<16xf32>,
      tpu.vector_store %arg6[%swap3A_688], %gather3A_683 {strides = array<i32>} : memref<33024xf32, #tpu.memory_space<vmem>>, vector<16xf32>,
      %add3A_690 = arith.constant 32 : i32
      %add3A_691 = vector.broadcast %add3A_690 : i32 to vector<16xi32>
      %add3A_692 = arith.addi %add3A_670, %add3A_691 : vector<16xi32>
      %gather3A_693 = tpu.vector_load_idx %arg4[%add3A_692] : memref<33024xf32, #tpu.memory_space<vmem>>[vector<16xi32>], vector<16xf32>,
      %mul3A_694 = arith.constant 256 : i32
      %mul3A_695 = arith.muli %while3A_658, %mul3A_694 : i32
      %add3A_696 = arith.constant 32 : i32
      %add3A_697 = arith.addi %mul3A_695, %add3A_696 : i32
      %swap3A_698 = arith.index_cast %add3A_697 : i32 to index
      %swap3A_699 = tpu.vector_load %arg6[%swap3A_698] {strides = array<i32>} : memref<33024xf32, #tpu.memory_space<vmem>>, vector<16xf32>,
      tpu.vector_store %arg6[%swap3A_698], %gather3A_693 {strides = array<i32>} : memref<33024xf32, #tpu.memory_space<vmem>>, vector<16xf32>,
      %add3A_700 = arith.constant 48 : i32
      %add3A_701 = vector.broadcast %add3A_700 : i32 to vector<16xi32>
      %add3A_702 = arith.addi %add3A_670, %add3A_701 : vector<16xi32>
      %gather3A_703 = tpu.vector_load_idx %arg4[%add3A_702] : memref<33024xf32, #tpu.memory_space<vmem>>[vector<16xi32>], vector<16xf32>,
      %mul3A_704 = arith.constant 256 : i32
      %mul3A_705 = arith.muli %while3A_658, %mul3A_704 : i32
      %add3A_706 = arith.constant 48 : i32
      %add3A_707 = arith.addi %mul3A_705, %add3A_706 : i32
      %swap3A_708 = arith.index_cast %add3A_707 : i32 to index
      %swap3A_709 = tpu.vector_load %arg6[%swap3A_708] {strides = array<i32>} : memref<33024xf32, #tpu.memory_space<vmem>>, vector<16xf32>,
      tpu.vector_store %arg6[%swap3A_708], %gather3A_703 {strides = array<i32>} : memref<33024xf32, #tpu.memory_space<vmem>>, vector<16xf32>,
      %add3A_710 = arith.constant 64 : i32
      %add3A_711 = vector.broadcast %add3A_710 : i32 to vector<16xi32>
      %add3A_712 = arith.addi %add3A_670, %add3A_711 : vector<16xi32>
      %gather3A_713 = tpu.vector_load_idx %arg4[%add3A_712] : memref<33024xf32, #tpu.memory_space<vmem>>[vector<16xi32>], vector<16xf32>,
      %mul3A_714 = arith.constant 256 : i32
      %mul3A_715 = arith.muli %while3A_658, %mul3A_714 : i32
      %add3A_716 = arith.constant 64 : i32
      %add3A_717 = arith.addi %mul3A_715, %add3A_716 : i32
      %swap3A_718 = arith.index_cast %add3A_717 : i32 to index
      %swap3A_719 = tpu.vector_load %arg6[%swap3A_718] {strides = array<i32>} : memref<33024xf32, #tpu.memory_space<vmem>>, vector<16xf32>,
      tpu.vector_store %arg6[%swap3A_718], %gather3A_713 {strides = array<i32>} : memref<33024xf32, #tpu.memory_space<vmem>>, vector<16xf32>,
      %add3A_720 = arith.constant 80 : i32
      %add3A_721 = vector.broadcast %add3A_720 : i32 to vector<16xi32>
      %add3A_722 = arith.addi %add3A_670, %add3A_721 : vector<16xi32>
      %gather3A_723 = tpu.vector_load_idx %arg4[%add3A_722] : memref<33024xf32, #tpu.memory_space<vmem>>[vector<16xi32>], vector<16xf32>,
      %mul3A_724 = arith.constant 256 : i32
      %mul3A_725 = arith.muli %while3A_658, %mul3A_724 : i32
      %add3A_726 = arith.constant 80 : i32
      %add3A_727 = arith.addi %mul3A_725, %add3A_726 : i32
      %swap3A_728 = arith.index_cast %add3A_727 : i32 to index
      %swap3A_729 = tpu.vector_load %arg6[%swap3A_728] {strides = array<i32>} : memref<33024xf32, #tpu.memory_space<vmem>>, vector<16xf32>,
      tpu.vector_store %arg6[%swap3A_728], %gather3A_723 {strides = array<i32>} : memref<33024xf32, #tpu.memory_space<vmem>>, vector<16xf32>,
      %add3A_730 = arith.constant 96 : i32
      %add3A_731 = vector.broadcast %add3A_730 : i32 to vector<16xi32>
      %add3A_732 = arith.addi %add3A_670, %add3A_731 : vector<16xi32>
      %gather3A_733 = tpu.vector_load_idx %arg4[%add3A_732] : memref<33024xf32, #tpu.memory_space<vmem>>[vector<16xi32>], vector<16xf32>,
      %mul3A_734 = arith.constant 256 : i32
      %mul3A_735 = arith.muli %while3A_658, %mul3A_734 : i32
      %add3A_736 = arith.constant 96 : i32
      %add3A_737 = arith.addi %mul3A_735, %add3A_736 : i32
      %swap3A_738 = arith.index_cast %add3A_737 : i32 to index
      %swap3A_739 = tpu.vector_load %arg6[%swap3A_738] {strides = array<i32>} : memref<33024xf32, #tpu.memory_space<vmem>>, vector<16xf32>,
      tpu.vector_store %arg6[%swap3A_738], %gather3A_733 {strides = array<i32>} : memref<33024xf32, #tpu.memory_space<vmem>>, vector<16xf32>,
      %add3A_740 = arith.constant 112 : i32
      %add3A_741 = vector.broadcast %add3A_740 : i32 to vector<16xi32>
      %add3A_742 = arith.addi %add3A_670, %add3A_741 : vector<16xi32>
      %gather3A_743 = tpu.vector_load_idx %arg4[%add3A_742] : memref<33024xf32, #tpu.memory_space<vmem>>[vector<16xi32>], vector<16xf32>,
      %mul3A_744 = arith.constant 256 : i32
      %mul3A_745 = arith.muli %while3A_658, %mul3A_744 : i32
      %add3A_746 = arith.constant 112 : i32
      %add3A_747 = arith.addi %mul3A_745, %add3A_746 : i32
      %swap3A_748 = arith.index_cast %add3A_747 : i32 to index
      %swap3A_749 = tpu.vector_load %arg6[%swap3A_748] {strides = array<i32>} : memref<33024xf32, #tpu.memory_space<vmem>>, vector<16xf32>,
      tpu.vector_store %arg6[%swap3A_748], %gather3A_743 {strides = array<i32>} : memref<33024xf32, #tpu.memory_space<vmem>>, vector<16xf32>,
      %add3A_750 = arith.constant 128 : i32
      %add3A_751 = vector.broadcast %add3A_750 : i32 to vector<16xi32>
      %add3A_752 = arith.addi %add3A_670, %add3A_751 : vector<16xi32>
      %gather3A_753 = tpu.vector_load_idx %arg4[%add3A_752] : memref<33024xf32, #tpu.memory_space<vmem>>[vector<16xi32>], vector<16xf32>,
      %mul3A_754 = arith.constant 256 : i32
      %mul3A_755 = arith.muli %while3A_658, %mul3A_754 : i32
      %add3A_756 = arith.constant 128 : i32
      %add3A_757 = arith.addi %mul3A_755, %add3A_756 : i32
      %swap3A_758 = arith.index_cast %add3A_757 : i32 to index
      %swap3A_759 = tpu.vector_load %arg6[%swap3A_758] {strides = array<i32>} : memref<33024xf32, #tpu.memory_space<vmem>>, vector<16xf32>,
      tpu.vector_store %arg6[%swap3A_758], %gather3A_753 {strides = array<i32>} : memref<33024xf32, #tpu.memory_space<vmem>>, vector<16xf32>,
      %add3A_760 = arith.constant 144 : i32
      %add3A_761 = vector.broadcast %add3A_760 : i32 to vector<16xi32>
      %add3A_762 = arith.addi %add3A_670, %add3A_761 : vector<16xi32>
      %gather3A_763 = tpu.vector_load_idx %arg4[%add3A_762] : memref<33024xf32, #tpu.memory_space<vmem>>[vector<16xi32>], vector<16xf32>,
      %mul3A_764 = arith.constant 256 : i32
      %mul3A_765 = arith.muli %while3A_658, %mul3A_764 : i32
      %add3A_766 = arith.constant 144 : i32
      %add3A_767 = arith.addi %mul3A_765, %add3A_766 : i32
      %swap3A_768 = arith.index_cast %add3A_767 : i32 to index
      %swap3A_769 = tpu.vector_load %arg6[%swap3A_768] {strides = array<i32>} : memref<33024xf32, #tpu.memory_space<vmem>>, vector<16xf32>,
      tpu.vector_store %arg6[%swap3A_768], %gather3A_763 {strides = array<i32>} : memref<33024xf32, #tpu.memory_space<vmem>>, vector<16xf32>,
      %add3A_770 = arith.constant 160 : i32
      %add3A_771 = vector.broadcast %add3A_770 : i32 to vector<16xi32>
      %add3A_772 = arith.addi %add3A_670, %add3A_771 : vector<16xi32>
      %gather3A_773 = tpu.vector_load_idx %arg4[%add3A_772] : memref<33024xf32, #tpu.memory_space<vmem>>[vector<16xi32>], vector<16xf32>,
      %mul3A_774 = arith.constant 256 : i32
      %mul3A_775 = arith.muli %while3A_658, %mul3A_774 : i32
      %add3A_776 = arith.constant 160 : i32
      %add3A_777 = arith.addi %mul3A_775, %add3A_776 : i32
      %swap3A_778 = arith.index_cast %add3A_777 : i32 to index
      %swap3A_779 = tpu.vector_load %arg6[%swap3A_778] {strides = array<i32>} : memref<33024xf32, #tpu.memory_space<vmem>>, vector<16xf32>,
      tpu.vector_store %arg6[%swap3A_778], %gather3A_773 {strides = array<i32>} : memref<33024xf32, #tpu.memory_space<vmem>>, vector<16xf32>,
      %add3A_780 = arith.constant 176 : i32
      %add3A_781 = vector.broadcast %add3A_780 : i32 to vector<16xi32>
      %add3A_782 = arith.addi %add3A_670, %add3A_781 : vector<16xi32>
      %gather3A_783 = tpu.vector_load_idx %arg4[%add3A_782] : memref<33024xf32, #tpu.memory_space<vmem>>[vector<16xi32>], vector<16xf32>,
      %mul3A_784 = arith.constant 256 : i32
      %mul3A_785 = arith.muli %while3A_658, %mul3A_784 : i32
      %add3A_786 = arith.constant 176 : i32
      %add3A_787 = arith.addi %mul3A_785, %add3A_786 : i32
      %swap3A_788 = arith.index_cast %add3A_787 : i32 to index
      %swap3A_789 = tpu.vector_load %arg6[%swap3A_788] {strides = array<i32>} : memref<33024xf32, #tpu.memory_space<vmem>>, vector<16xf32>,
      tpu.vector_store %arg6[%swap3A_788], %gather3A_783 {strides = array<i32>} : memref<33024xf32, #tpu.memory_space<vmem>>, vector<16xf32>,
      %add3A_790 = arith.constant 192 : i32
      %add3A_791 = vector.broadcast %add3A_790 : i32 to vector<16xi32>
      %add3A_792 = arith.addi %add3A_670, %add3A_791 : vector<16xi32>
      %gather3A_793 = tpu.vector_load_idx %arg4[%add3A_792] : memref<33024xf32, #tpu.memory_space<vmem>>[vector<16xi32>], vector<16xf32>,
      %mul3A_794 = arith.constant 256 : i32
      %mul3A_795 = arith.muli %while3A_658, %mul3A_794 : i32
      %add3A_796 = arith.constant 192 : i32
      %add3A_797 = arith.addi %mul3A_795, %add3A_796 : i32
      %swap3A_798 = arith.index_cast %add3A_797 : i32 to index
      %swap3A_799 = tpu.vector_load %arg6[%swap3A_798] {strides = array<i32>} : memref<33024xf32, #tpu.memory_space<vmem>>, vector<16xf32>,
      tpu.vector_store %arg6[%swap3A_798], %gather3A_793 {strides = array<i32>} : memref<33024xf32, #tpu.memory_space<vmem>>, vector<16xf32>,
      %add3A_800 = arith.constant 208 : i32
      %add3A_801 = vector.broadcast %add3A_800 : i32 to vector<16xi32>
      %add3A_802 = arith.addi %add3A_670, %add3A_801 : vector<16xi32>
      %gather3A_803 = tpu.vector_load_idx %arg4[%add3A_802] : memref<33024xf32, #tpu.memory_space<vmem>>[vector<16xi32>], vector<16xf32>,
      %mul3A_804 = arith.constant 256 : i32
      %mul3A_805 = arith.muli %while3A_658, %mul3A_804 : i32
      %add3A_806 = arith.constant 208 : i32
      %add3A_807 = arith.addi %mul3A_805, %add3A_806 : i32
      %swap3A_808 = arith.index_cast %add3A_807 : i32 to index
      %swap3A_809 = tpu.vector_load %arg6[%swap3A_808] {strides = array<i32>} : memref<33024xf32, #tpu.memory_space<vmem>>, vector<16xf32>,
      tpu.vector_store %arg6[%swap3A_808], %gather3A_803 {strides = array<i32>} : memref<33024xf32, #tpu.memory_space<vmem>>, vector<16xf32>,
      %add3A_810 = arith.constant 224 : i32
      %add3A_811 = vector.broadcast %add3A_810 : i32 to vector<16xi32>
      %add3A_812 = arith.addi %add3A_670, %add3A_811 : vector<16xi32>
      %gather3A_813 = tpu.vector_load_idx %arg4[%add3A_812] : memref<33024xf32, #tpu.memory_space<vmem>>[vector<16xi32>], vector<16xf32>,
      %mul3A_814 = arith.constant 256 : i32
      %mul3A_815 = arith.muli %while3A_658, %mul3A_814 : i32
      %add3A_816 = arith.constant 224 : i32
      %add3A_817 = arith.addi %mul3A_815, %add3A_816 : i32
      %swap3A_818 = arith.index_cast %add3A_817 : i32 to index
      %swap3A_819 = tpu.vector_load %arg6[%swap3A_818] {strides = array<i32>} : memref<33024xf32, #tpu.memory_space<vmem>>, vector<16xf32>,
      tpu.vector_store %arg6[%swap3A_818], %gather3A_813 {strides = array<i32>} : memref<33024xf32, #tpu.memory_space<vmem>>, vector<16xf32>,
      %add3A_820 = arith.constant 240 : i32
      %add3A_821 = vector.broadcast %add3A_820 : i32 to vector<16xi32>
      %add3A_822 = arith.addi %add3A_670, %add3A_821 : vector<16xi32>
      %gather3A_823 = tpu.vector_load_idx %arg4[%add3A_822] : memref<33024xf32, #tpu.memory_space<vmem>>[vector<16xi32>], vector<16xf32>,
      %mul3A_824 = arith.constant 256 : i32
      %mul3A_825 = arith.muli %while3A_658, %mul3A_824 : i32
      %add3A_826 = arith.constant 240 : i32
      %add3A_827 = arith.addi %mul3A_825, %add3A_826 : i32
      %swap3A_828 = arith.index_cast %add3A_827 : i32 to index
      %swap3A_829 = tpu.vector_load %arg6[%swap3A_828] {strides = array<i32>} : memref<33024xf32, #tpu.memory_space<vmem>>, vector<16xf32>,
      tpu.vector_store %arg6[%swap3A_828], %gather3A_823 {strides = array<i32>} : memref<33024xf32, #tpu.memory_space<vmem>>, vector<16xf32>,
    }
    %while3A_471 = arith.constant 1 : i32
    scf.for %while3A_658 = %while3A_469 to %while3A_465 step %while3A_471  : i32 {
      %mul3A_659 = arith.constant 16 : i32
      %mul3A_660 = arith.muli %while3A_658, %mul3A_659 : i32
      %get3A = arith.index_cast %mul3A_660 : i32 to index
      %get3A_661 = tpu.vector_load %arg8[%get3A] {strides = array<i32>} : memref<2064xi32, #tpu.memory_space<vmem>>, vector<16xi32>,
      %shift_right_logical3A_662 = arith.constant 4 : i32
      %shift_right_logical3A_663 = vector.broadcast %shift_right_logical3A_662 : i32 to vector<16xi32>
      %shift_right_logical3A_664 = arith.shrui %get3A_661, %shift_right_logical3A_663 : vector<16xi32>
      %mul3A_665 = arith.constant 256 : i32
      %mul3A_666 = vector.broadcast %mul3A_665 : i32 to vector<16xi32>
      %mul3A_667 = arith.muli %shift_right_logical3A_664, %mul3A_666 : vector<16xi32>
      %and3A = arith.constant 15 : i32
      %and3A_668 = vector.broadcast %and3A : i32 to vector<16xi32>
      %and3A_669 = arith.andi %get3A_661, %and3A_668 : vector<16xi32>
      %add3A_670 = arith.addi %mul3A_667, %and3A_669 : vector<16xi32>
      %add3A_671 = arith.constant 0 : i32
      %add3A_672 = vector.broadcast %add3A_671 : i32 to vector<16xi32>
      %add3A_673 = arith.addi %add3A_670, %add3A_672 : vector<16xi32>
      %gather3A = tpu.vector_load_idx %arg4[%add3A_673] : memref<33024xf32, #tpu.memory_space<vmem>>[vector<16xi32>], vector<16xf32>,
      %mul3A_674 = arith.constant 256 : i32
      %mul3A_675 = arith.muli %while3A_658, %mul3A_674 : i32
      %add3A_676 = arith.constant 0 : i32
      %add3A_677 = arith.addi %mul3A_675, %add3A_676 : i32
      %swap3A_678 = arith.index_cast %add3A_677 : i32 to index
      %swap3A_679 = tpu.vector_load %arg6[%swap3A_678] {strides = array<i32>} : memref<33024xf32, #tpu.memory_space<vmem>>, vector<16xf32>,
      tpu.vector_store %arg6[%swap3A_678], %gather3A {strides = array<i32>} : memref<33024xf32, #tpu.memory_space<vmem>>, vector<16xf32>,
      %add3A_680 = arith.constant 16 : i32
      %add3A_681 = vector.broadcast %add3A_680 : i32 to vector<16xi32>
      %add3A_682 = arith.addi %add3A_670, %add3A_681 : vector<16xi32>
      %gather3A_683 = tpu.vector_load_idx %arg4[%add3A_682] : memref<33024xf32, #tpu.memory_space<vmem>>[vector<16xi32>], vector<16xf32>,
      %mul3A_684 = arith.constant 256 : i32
      %mul3A_685 = arith.muli %while3A_658, %mul3A_684 : i32
      %add3A_686 = arith.constant 16 : i32
      %add3A_687 = arith.addi %mul3A_685, %add3A_686 : i32
      %swap3A_688 = arith.index_cast %add3A_687 : i32 to index
      %swap3A_689 = tpu.vector_load %arg6[%swap3A_688] {strides = array<i32>} : memref<33024xf32, #tpu.memory_space<vmem>>, vector<16xf32>,
      tpu.vector_store %arg6[%swap3A_688], %gather3A_683 {strides = array<i32>} : memref<33024xf32, #tpu.memory_space<vmem>>, vector<16xf32>,
      %add3A_690 = arith.constant 32 : i32
      %add3A_691 = vector.broadcast %add3A_690 : i32 to vector<16xi32>
      %add3A_692 = arith.addi %add3A_670, %add3A_691 : vector<16xi32>
      %gather3A_693 = tpu.vector_load_idx %arg4[%add3A_692] : memref<33024xf32, #tpu.memory_space<vmem>>[vector<16xi32>], vector<16xf32>,
      %mul3A_694 = arith.constant 256 : i32
      %mul3A_695 = arith.muli %while3A_658, %mul3A_694 : i32
      %add3A_696 = arith.constant 32 : i32
      %add3A_697 = arith.addi %mul3A_695, %add3A_696 : i32
      %swap3A_698 = arith.index_cast %add3A_697 : i32 to index
      %swap3A_699 = tpu.vector_load %arg6[%swap3A_698] {strides = array<i32>} : memref<33024xf32, #tpu.memory_space<vmem>>, vector<16xf32>,
      tpu.vector_store %arg6[%swap3A_698], %gather3A_693 {strides = array<i32>} : memref<33024xf32, #tpu.memory_space<vmem>>, vector<16xf32>,
      %add3A_700 = arith.constant 48 : i32
      %add3A_701 = vector.broadcast %add3A_700 : i32 to vector<16xi32>
      %add3A_702 = arith.addi %add3A_670, %add3A_701 : vector<16xi32>
      %gather3A_703 = tpu.vector_load_idx %arg4[%add3A_702] : memref<33024xf32, #tpu.memory_space<vmem>>[vector<16xi32>], vector<16xf32>,
      %mul3A_704 = arith.constant 256 : i32
      %mul3A_705 = arith.muli %while3A_658, %mul3A_704 : i32
      %add3A_706 = arith.constant 48 : i32
      %add3A_707 = arith.addi %mul3A_705, %add3A_706 : i32
      %swap3A_708 = arith.index_cast %add3A_707 : i32 to index
      %swap3A_709 = tpu.vector_load %arg6[%swap3A_708] {strides = array<i32>} : memref<33024xf32, #tpu.memory_space<vmem>>, vector<16xf32>,
      tpu.vector_store %arg6[%swap3A_708], %gather3A_703 {strides = array<i32>} : memref<33024xf32, #tpu.memory_space<vmem>>, vector<16xf32>,
      %add3A_710 = arith.constant 64 : i32
      %add3A_711 = vector.broadcast %add3A_710 : i32 to vector<16xi32>
      %add3A_712 = arith.addi %add3A_670, %add3A_711 : vector<16xi32>
      %gather3A_713 = tpu.vector_load_idx %arg4[%add3A_712] : memref<33024xf32, #tpu.memory_space<vmem>>[vector<16xi32>], vector<16xf32>,
      %mul3A_714 = arith.constant 256 : i32
      %mul3A_715 = arith.muli %while3A_658, %mul3A_714 : i32
      %add3A_716 = arith.constant 64 : i32
      %add3A_717 = arith.addi %mul3A_715, %add3A_716 : i32
      %swap3A_718 = arith.index_cast %add3A_717 : i32 to index
      %swap3A_719 = tpu.vector_load %arg6[%swap3A_718] {strides = array<i32>} : memref<33024xf32, #tpu.memory_space<vmem>>, vector<16xf32>,
      tpu.vector_store %arg6[%swap3A_718], %gather3A_713 {strides = array<i32>} : memref<33024xf32, #tpu.memory_space<vmem>>, vector<16xf32>,
      %add3A_720 = arith.constant 80 : i32
      %add3A_721 = vector.broadcast %add3A_720 : i32 to vector<16xi32>
      %add3A_722 = arith.addi %add3A_670, %add3A_721 : vector<16xi32>
      %gather3A_723 = tpu.vector_load_idx %arg4[%add3A_722] : memref<33024xf32, #tpu.memory_space<vmem>>[vector<16xi32>], vector<16xf32>,
      %mul3A_724 = arith.constant 256 : i32
      %mul3A_725 = arith.muli %while3A_658, %mul3A_724 : i32
      %add3A_726 = arith.constant 80 : i32
      %add3A_727 = arith.addi %mul3A_725, %add3A_726 : i32
      %swap3A_728 = arith.index_cast %add3A_727 : i32 to index
      %swap3A_729 = tpu.vector_load %arg6[%swap3A_728] {strides = array<i32>} : memref<33024xf32, #tpu.memory_space<vmem>>, vector<16xf32>,
      tpu.vector_store %arg6[%swap3A_728], %gather3A_723 {strides = array<i32>} : memref<33024xf32, #tpu.memory_space<vmem>>, vector<16xf32>,
      %add3A_730 = arith.constant 96 : i32
      %add3A_731 = vector.broadcast %add3A_730 : i32 to vector<16xi32>
      %add3A_732 = arith.addi %add3A_670, %add3A_731 : vector<16xi32>
      %gather3A_733 = tpu.vector_load_idx %arg4[%add3A_732] : memref<33024xf32, #tpu.memory_space<vmem>>[vector<16xi32>], vector<16xf32>,
      %mul3A_734 = arith.constant 256 : i32
      %mul3A_735 = arith.muli %while3A_658, %mul3A_734 : i32
      %add3A_736 = arith.constant 96 : i32
      %add3A_737 = arith.addi %mul3A_735, %add3A_736 : i32
      %swap3A_738 = arith.index_cast %add3A_737 : i32 to index
      %swap3A_739 = tpu.vector_load %arg6[%swap3A_738] {strides = array<i32>} : memref<33024xf32, #tpu.memory_space<vmem>>, vector<16xf32>,
      tpu.vector_store %arg6[%swap3A_738], %gather3A_733 {strides = array<i32>} : memref<33024xf32, #tpu.memory_space<vmem>>, vector<16xf32>,
      %add3A_740 = arith.constant 112 : i32
      %add3A_741 = vector.broadcast %add3A_740 : i32 to vector<16xi32>
      %add3A_742 = arith.addi %add3A_670, %add3A_741 : vector<16xi32>
      %gather3A_743 = tpu.vector_load_idx %arg4[%add3A_742] : memref<33024xf32, #tpu.memory_space<vmem>>[vector<16xi32>], vector<16xf32>,
      %mul3A_744 = arith.constant 256 : i32
      %mul3A_745 = arith.muli %while3A_658, %mul3A_744 : i32
      %add3A_746 = arith.constant 112 : i32
      %add3A_747 = arith.addi %mul3A_745, %add3A_746 : i32
      %swap3A_748 = arith.index_cast %add3A_747 : i32 to index
      %swap3A_749 = tpu.vector_load %arg6[%swap3A_748] {strides = array<i32>} : memref<33024xf32, #tpu.memory_space<vmem>>, vector<16xf32>,
      tpu.vector_store %arg6[%swap3A_748], %gather3A_743 {strides = array<i32>} : memref<33024xf32, #tpu.memory_space<vmem>>, vector<16xf32>,
      %add3A_750 = arith.constant 128 : i32
      %add3A_751 = vector.broadcast %add3A_750 : i32 to vector<16xi32>
      %add3A_752 = arith.addi %add3A_670, %add3A_751 : vector<16xi32>
      %gather3A_753 = tpu.vector_load_idx %arg4[%add3A_752] : memref<33024xf32, #tpu.memory_space<vmem>>[vector<16xi32>], vector<16xf32>,
      %mul3A_754 = arith.constant 256 : i32
      %mul3A_755 = arith.muli %while3A_658, %mul3A_754 : i32
      %add3A_756 = arith.constant 128 : i32
      %add3A_757 = arith.addi %mul3A_755, %add3A_756 : i32
      %swap3A_758 = arith.index_cast %add3A_757 : i32 to index
      %swap3A_759 = tpu.vector_load %arg6[%swap3A_758] {strides = array<i32>} : memref<33024xf32, #tpu.memory_space<vmem>>, vector<16xf32>,
      tpu.vector_store %arg6[%swap3A_758], %gather3A_753 {strides = array<i32>} : memref<33024xf32, #tpu.memory_space<vmem>>, vector<16xf32>,
      %add3A_760 = arith.constant 144 : i32
      %add3A_761 = vector.broadcast %add3A_760 : i32 to vector<16xi32>
      %add3A_762 = arith.addi %add3A_670, %add3A_761 : vector<16xi32>
      %gather3A_763 = tpu.vector_load_idx %arg4[%add3A_762] : memref<33024xf32, #tpu.memory_space<vmem>>[vector<16xi32>], vector<16xf32>,
      %mul3A_764 = arith.constant 256 : i32
      %mul3A_765 = arith.muli %while3A_658, %mul3A_764 : i32
      %add3A_766 = arith.constant 144 : i32
      %add3A_767 = arith.addi %mul3A_765, %add3A_766 : i32
      %swap3A_768 = arith.index_cast %add3A_767 : i32 to index
      %swap3A_769 = tpu.vector_load %arg6[%swap3A_768] {strides = array<i32>} : memref<33024xf32, #tpu.memory_space<vmem>>, vector<16xf32>,
      tpu.vector_store %arg6[%swap3A_768], %gather3A_763 {strides = array<i32>} : memref<33024xf32, #tpu.memory_space<vmem>>, vector<16xf32>,
      %add3A_770 = arith.constant 160 : i32
      %add3A_771 = vector.broadcast %add3A_770 : i32 to vector<16xi32>
      %add3A_772 = arith.addi %add3A_670, %add3A_771 : vector<16xi32>
      %gather3A_773 = tpu.vector_load_idx %arg4[%add3A_772] : memref<33024xf32, #tpu.memory_space<vmem>>[vector<16xi32>], vector<16xf32>,
      %mul3A_774 = arith.constant 256 : i32
      %mul3A_775 = arith.muli %while3A_658, %mul3A_774 : i32
      %add3A_776 = arith.constant 160 : i32
      %add3A_777 = arith.addi %mul3A_775, %add3A_776 : i32
      %swap3A_778 = arith.index_cast %add3A_777 : i32 to index
      %swap3A_779 = tpu.vector_load %arg6[%swap3A_778] {strides = array<i32>} : memref<33024xf32, #tpu.memory_space<vmem>>, vector<16xf32>,
      tpu.vector_store %arg6[%swap3A_778], %gather3A_773 {strides = array<i32>} : memref<33024xf32, #tpu.memory_space<vmem>>, vector<16xf32>,
      %add3A_780 = arith.constant 176 : i32
      %add3A_781 = vector.broadcast %add3A_780 : i32 to vector<16xi32>
      %add3A_782 = arith.addi %add3A_670, %add3A_781 : vector<16xi32>
      %gather3A_783 = tpu.vector_load_idx %arg4[%add3A_782] : memref<33024xf32, #tpu.memory_space<vmem>>[vector<16xi32>], vector<16xf32>,
      %mul3A_784 = arith.constant 256 : i32
      %mul3A_785 = arith.muli %while3A_658, %mul3A_784 : i32
      %add3A_786 = arith.constant 176 : i32
      %add3A_787 = arith.addi %mul3A_785, %add3A_786 : i32
      %swap3A_788 = arith.index_cast %add3A_787 : i32 to index
      %swap3A_789 = tpu.vector_load %arg6[%swap3A_788] {strides = array<i32>} : memref<33024xf32, #tpu.memory_space<vmem>>, vector<16xf32>,
      tpu.vector_store %arg6[%swap3A_788], %gather3A_783 {strides = array<i32>} : memref<33024xf32, #tpu.memory_space<vmem>>, vector<16xf32>,
      %add3A_790 = arith.constant 192 : i32
      %add3A_791 = vector.broadcast %add3A_790 : i32 to vector<16xi32>
      %add3A_792 = arith.addi %add3A_670, %add3A_791 : vector<16xi32>
      %gather3A_793 = tpu.vector_load_idx %arg4[%add3A_792] : memref<33024xf32, #tpu.memory_space<vmem>>[vector<16xi32>], vector<16xf32>,
      %mul3A_794 = arith.constant 256 : i32
      %mul3A_795 = arith.muli %while3A_658, %mul3A_794 : i32
      %add3A_796 = arith.constant 192 : i32
      %add3A_797 = arith.addi %mul3A_795, %add3A_796 : i32
      %swap3A_798 = arith.index_cast %add3A_797 : i32 to index
      %swap3A_799 = tpu.vector_load %arg6[%swap3A_798] {strides = array<i32>} : memref<33024xf32, #tpu.memory_space<vmem>>, vector<16xf32>,
      tpu.vector_store %arg6[%swap3A_798], %gather3A_793 {strides = array<i32>} : memref<33024xf32, #tpu.memory_space<vmem>>, vector<16xf32>,
      %add3A_800 = arith.constant 208 : i32
      %add3A_801 = vector.broadcast %add3A_800 : i32 to vector<16xi32>
      %add3A_802 = arith.addi %add3A_670, %add3A_801 : vector<16xi32>
      %gather3A_803 = tpu.vector_load_idx %arg4[%add3A_802] : memref<33024xf32, #tpu.memory_space<vmem>>[vector<16xi32>], vector<16xf32>,
      %mul3A_804 = arith.constant 256 : i32
      %mul3A_805 = arith.muli %while3A_658, %mul3A_804 : i32
      %add3A_806 = arith.constant 208 : i32
      %add3A_807 = arith.addi %mul3A_805, %add3A_806 : i32
      %swap3A_808 = arith.index_cast %add3A_807 : i32 to index
      %swap3A_809 = tpu.vector_load %arg6[%swap3A_808] {strides = array<i32>} : memref<33024xf32, #tpu.memory_space<vmem>>, vector<16xf32>,
      tpu.vector_store %arg6[%swap3A_808], %gather3A_803 {strides = array<i32>} : memref<33024xf32, #tpu.memory_space<vmem>>, vector<16xf32>,
      %add3A_810 = arith.constant 224 : i32
      %add3A_811 = vector.broadcast %add3A_810 : i32 to vector<16xi32>
      %add3A_812 = arith.addi %add3A_670, %add3A_811 : vector<16xi32>
      %gather3A_813 = tpu.vector_load_idx %arg4[%add3A_812] : memref<33024xf32, #tpu.memory_space<vmem>>[vector<16xi32>], vector<16xf32>,
      %mul3A_814 = arith.constant 256 : i32
      %mul3A_815 = arith.muli %while3A_658, %mul3A_814 : i32
      %add3A_816 = arith.constant 224 : i32
      %add3A_817 = arith.addi %mul3A_815, %add3A_816 : i32
      %swap3A_818 = arith.index_cast %add3A_817 : i32 to index
      %swap3A_819 = tpu.vector_load %arg6[%swap3A_818] {strides = array<i32>} : memref<33024xf32, #tpu.memory_space<vmem>>, vector<16xf32>,
      tpu.vector_store %arg6[%swap3A_818], %gather3A_813 {strides = array<i32>} : memref<33024xf32, #tpu.memory_space<vmem>>, vector<16xf32>,
      %add3A_820 = arith.constant 240 : i32
      %add3A_821 = vector.broadcast %add3A_820 : i32 to vector<16xi32>
      %add3A_822 = arith.addi %add3A_670, %add3A_821 : vector<16xi32>
      %gather3A_823 = tpu.vector_load_idx %arg4[%add3A_822] : memref<33024xf32, #tpu.memory_space<vmem>>[vector<16xi32>], vector<16xf32>,
      %mul3A_824 = arith.constant 256 : i32
      %mul3A_825 = arith.muli %while3A_658, %mul3A_824 : i32
      %add3A_826 = arith.constant 240 : i32
      %add3A_827 = arith.addi %mul3A_825, %add3A_826 : i32
      %swap3A_828 = arith.index_cast %add3A_827 : i32 to index
      %swap3A_829 = tpu.vector_load %arg6[%swap3A_828] {strides = array<i32>} : memref<33024xf32, #tpu.memory_space<vmem>>, vector<16xf32>,
      tpu.vector_store %arg6[%swap3A_828], %gather3A_823 {strides = array<i32>} : memref<33024xf32, #tpu.memory_space<vmem>>, vector<16xf32>,
    }
    %add3A_472 = vector.broadcast %sub3A_417 : f32 to vector<16xf32>
    %add3A_473 = arith.addf %add3A_472, %broadcast_in_dim3A_3 : vector<16xf32>
    %add3A_474 = vector.broadcast %reduce_max3A_415 : f32 to vector<16xf32>
    %add3A_475 = arith.addf %add3A_474, %broadcast_in_dim3A_3 : vector<16xf32>
    %scan3A_476 = arith.constant 0 : i32
    %scan3A_477 = arith.constant 12 : i32
    %scan3A_478 = arith.addi %scan3A_476, %scan3A_477 : i32
    %scan3A_479 = arith.constant 1 : i32
    %scan3A_480:3 = scf.for %scan3A_658 = %scan3A_476 to %scan3A_478 step %scan3A_479 iter_args(%scan3A_659 = %add3A_473, %scan3A_660 = %add3A_475, %scan3A_661 = %add3A_473) -> (vector<16xf32>, vector<16xf32>, vector<16xf32>)  : i32 {
      %mul3A_662 = arith.constant 2 : i32
      %mul3A_663 = arith.muli %shift_right_logical3A_441, %mul3A_662 : i32
      %while3A_664 = arith.constant 0 : i32
      %while3A_665 = arith.subi %mul3A_663, %while3A_664 : i32
      %while3A_666 = arith.addi %while3A_664, %while3A_665 : i32
      %while3A_667 = arith.constant 1 : i32
      %while3A_668 = arith.divsi %while3A_665, %while3A_667 : i32
      %while3A_669 = arith.muli %while3A_668, %while3A_667 : i32
      %while3A_670 = arith.addi %while3A_664, %while3A_669 : i32
      %while3A_671 = arith.constant 1 : i32
      %while3A_672:2 = scf.for %while3A_704 = %while3A_664 to %while3A_670 step %while3A_671 iter_args(%while3A_705 = %broadcast_in_dim3A_3, %while3A_706 = %broadcast_in_dim3A_3) -> (vector<16xf32>, vector<16xf32>)  : i32 {
        %mul3A_707 = arith.constant 128 : i32
        %mul3A_708 = arith.muli %while3A_704, %mul3A_707 : i32
        %add3A_709 = arith.constant 0 : i32
        %add3A_710 = arith.addi %mul3A_708, %add3A_709 : i32
        %get3A = arith.index_cast %add3A_710 : i32 to index
        %get3A_711 = tpu.vector_load %arg6[%get3A] {strides = array<i32>} : memref<33024xf32, #tpu.memory_space<vmem>>, vector<16xf32>,
        %gt3A_712 = arith.cmpf ogt, %get3A_711, %scan3A_661 : vector<16xf32>
        %jit3A = arith.constant 0.000000e+00 : f32
        %broadcast_in_dim3A_713 = vector.broadcast %jit3A : f32 to vector<16xf32>
        %select_n3A_714 = arith.select %gt3A_712, %get3A_711, %broadcast_in_dim3A_713 : vector<16xi1>, vector<16xf32>
        %add3A_715 = arith.addf %while3A_705, %select_n3A_714 : vector<16xf32>
        %jit3A_716 = arith.constant 1.000000e+00 : f32
        %jit3A_717 = arith.constant 0.000000e+00 : f32
        %broadcast_in_dim3A_718 = vector.broadcast %jit3A_716 : f32 to vector<16xf32>
        %broadcast_in_dim3A_719 = vector.broadcast %jit3A_717 : f32 to vector<16xf32>
        %select_n3A_720 = arith.select %gt3A_712, %broadcast_in_dim3A_718, %broadcast_in_dim3A_719 : vector<16xi1>, vector<16xf32>
        %add3A_721 = arith.addf %while3A_706, %select_n3A_720 : vector<16xf32>
        %mul3A_722 = arith.constant 128 : i32
        %mul3A_723 = arith.muli %while3A_704, %mul3A_722 : i32
        %add3A_724 = arith.constant 16 : i32
        %add3A_725 = arith.addi %mul3A_723, %add3A_724 : i32
        %get3A_726 = arith.index_cast %add3A_725 : i32 to index
        %get3A_727 = tpu.vector_load %arg6[%get3A_726] {strides = array<i32>} : memref<33024xf32, #tpu.memory_space<vmem>>, vector<16xf32>,
        %gt3A_728 = arith.cmpf ogt, %get3A_727, %scan3A_661 : vector<16xf32>
        %jit3A_729 = arith.constant 0.000000e+00 : f32
        %broadcast_in_dim3A_730 = vector.broadcast %jit3A_729 : f32 to vector<16xf32>
        %select_n3A_731 = arith.select %gt3A_728, %get3A_727, %broadcast_in_dim3A_730 : vector<16xi1>, vector<16xf32>
        %add3A_732 = arith.addf %add3A_715, %select_n3A_731 : vector<16xf32>
        %jit3A_733 = arith.constant 1.000000e+00 : f32
        %jit3A_734 = arith.constant 0.000000e+00 : f32
        %broadcast_in_dim3A_735 = vector.broadcast %jit3A_733 : f32 to vector<16xf32>
        %broadcast_in_dim3A_736 = vector.broadcast %jit3A_734 : f32 to vector<16xf32>
        %select_n3A_737 = arith.select %gt3A_728, %broadcast_in_dim3A_735, %broadcast_in_dim3A_736 : vector<16xi1>, vector<16xf32>
        %add3A_738 = arith.addf %add3A_721, %select_n3A_737 : vector<16xf32>
        %mul3A_739 = arith.constant 128 : i32
        %mul3A_740 = arith.muli %while3A_704, %mul3A_739 : i32
        %add3A_741 = arith.constant 32 : i32
        %add3A_742 = arith.addi %mul3A_740, %add3A_741 : i32
        %get3A_743 = arith.index_cast %add3A_742 : i32 to index
        %get3A_744 = tpu.vector_load %arg6[%get3A_743] {strides = array<i32>} : memref<33024xf32, #tpu.memory_space<vmem>>, vector<16xf32>,
        %gt3A_745 = arith.cmpf ogt, %get3A_744, %scan3A_661 : vector<16xf32>
        %jit3A_746 = arith.constant 0.000000e+00 : f32
        %broadcast_in_dim3A_747 = vector.broadcast %jit3A_746 : f32 to vector<16xf32>
        %select_n3A_748 = arith.select %gt3A_745, %get3A_744, %broadcast_in_dim3A_747 : vector<16xi1>, vector<16xf32>
        %add3A_749 = arith.addf %add3A_732, %select_n3A_748 : vector<16xf32>
        %jit3A_750 = arith.constant 1.000000e+00 : f32
        %jit3A_751 = arith.constant 0.000000e+00 : f32
        %broadcast_in_dim3A_752 = vector.broadcast %jit3A_750 : f32 to vector<16xf32>
        %broadcast_in_dim3A_753 = vector.broadcast %jit3A_751 : f32 to vector<16xf32>
        %select_n3A_754 = arith.select %gt3A_745, %broadcast_in_dim3A_752, %broadcast_in_dim3A_753 : vector<16xi1>, vector<16xf32>
        %add3A_755 = arith.addf %add3A_738, %select_n3A_754 : vector<16xf32>
        %mul3A_756 = arith.constant 128 : i32
        %mul3A_757 = arith.muli %while3A_704, %mul3A_756 : i32
        %add3A_758 = arith.constant 48 : i32
        %add3A_759 = arith.addi %mul3A_757, %add3A_758 : i32
        %get3A_760 = arith.index_cast %add3A_759 : i32 to index
        %get3A_761 = tpu.vector_load %arg6[%get3A_760] {strides = array<i32>} : memref<33024xf32, #tpu.memory_space<vmem>>, vector<16xf32>,
        %gt3A_762 = arith.cmpf ogt, %get3A_761, %scan3A_661 : vector<16xf32>
        %jit3A_763 = arith.constant 0.000000e+00 : f32
        %broadcast_in_dim3A_764 = vector.broadcast %jit3A_763 : f32 to vector<16xf32>
        %select_n3A_765 = arith.select %gt3A_762, %get3A_761, %broadcast_in_dim3A_764 : vector<16xi1>, vector<16xf32>
        %add3A_766 = arith.addf %add3A_749, %select_n3A_765 : vector<16xf32>
        %jit3A_767 = arith.constant 1.000000e+00 : f32
        %jit3A_768 = arith.constant 0.000000e+00 : f32
        %broadcast_in_dim3A_769 = vector.broadcast %jit3A_767 : f32 to vector<16xf32>
        %broadcast_in_dim3A_770 = vector.broadcast %jit3A_768 : f32 to vector<16xf32>
        %select_n3A_771 = arith.select %gt3A_762, %broadcast_in_dim3A_769, %broadcast_in_dim3A_770 : vector<16xi1>, vector<16xf32>
        %add3A_772 = arith.addf %add3A_755, %select_n3A_771 : vector<16xf32>
        %mul3A_773 = arith.constant 128 : i32
        %mul3A_774 = arith.muli %while3A_704, %mul3A_773 : i32
        %add3A_775 = arith.constant 64 : i32
        %add3A_776 = arith.addi %mul3A_774, %add3A_775 : i32
        %get3A_777 = arith.index_cast %add3A_776 : i32 to index
        %get3A_778 = tpu.vector_load %arg6[%get3A_777] {strides = array<i32>} : memref<33024xf32, #tpu.memory_space<vmem>>, vector<16xf32>,
        %gt3A_779 = arith.cmpf ogt, %get3A_778, %scan3A_661 : vector<16xf32>
        %jit3A_780 = arith.constant 0.000000e+00 : f32
        %broadcast_in_dim3A_781 = vector.broadcast %jit3A_780 : f32 to vector<16xf32>
        %select_n3A_782 = arith.select %gt3A_779, %get3A_778, %broadcast_in_dim3A_781 : vector<16xi1>, vector<16xf32>
        %add3A_783 = arith.addf %add3A_766, %select_n3A_782 : vector<16xf32>
        %jit3A_784 = arith.constant 1.000000e+00 : f32
        %jit3A_785 = arith.constant 0.000000e+00 : f32
        %broadcast_in_dim3A_786 = vector.broadcast %jit3A_784 : f32 to vector<16xf32>
        %broadcast_in_dim3A_787 = vector.broadcast %jit3A_785 : f32 to vector<16xf32>
        %select_n3A_788 = arith.select %gt3A_779, %broadcast_in_dim3A_786, %broadcast_in_dim3A_787 : vector<16xi1>, vector<16xf32>
        %add3A_789 = arith.addf %add3A_772, %select_n3A_788 : vector<16xf32>
        %mul3A_790 = arith.constant 128 : i32
        %mul3A_791 = arith.muli %while3A_704, %mul3A_790 : i32
        %add3A_792 = arith.constant 80 : i32
        %add3A_793 = arith.addi %mul3A_791, %add3A_792 : i32
        %get3A_794 = arith.index_cast %add3A_793 : i32 to index
        %get3A_795 = tpu.vector_load %arg6[%get3A_794] {strides = array<i32>} : memref<33024xf32, #tpu.memory_space<vmem>>, vector<16xf32>,
        %gt3A_796 = arith.cmpf ogt, %get3A_795, %scan3A_661 : vector<16xf32>
        %jit3A_797 = arith.constant 0.000000e+00 : f32
        %broadcast_in_dim3A_798 = vector.broadcast %jit3A_797 : f32 to vector<16xf32>
        %select_n3A_799 = arith.select %gt3A_796, %get3A_795, %broadcast_in_dim3A_798 : vector<16xi1>, vector<16xf32>
        %add3A_800 = arith.addf %add3A_783, %select_n3A_799 : vector<16xf32>
        %jit3A_801 = arith.constant 1.000000e+00 : f32
        %jit3A_802 = arith.constant 0.000000e+00 : f32
        %broadcast_in_dim3A_803 = vector.broadcast %jit3A_801 : f32 to vector<16xf32>
        %broadcast_in_dim3A_804 = vector.broadcast %jit3A_802 : f32 to vector<16xf32>
        %select_n3A_805 = arith.select %gt3A_796, %broadcast_in_dim3A_803, %broadcast_in_dim3A_804 : vector<16xi1>, vector<16xf32>
        %add3A_806 = arith.addf %add3A_789, %select_n3A_805 : vector<16xf32>
        %mul3A_807 = arith.constant 128 : i32
        %mul3A_808 = arith.muli %while3A_704, %mul3A_807 : i32
        %add3A_809 = arith.constant 96 : i32
        %add3A_810 = arith.addi %mul3A_808, %add3A_809 : i32
        %get3A_811 = arith.index_cast %add3A_810 : i32 to index
        %get3A_812 = tpu.vector_load %arg6[%get3A_811] {strides = array<i32>} : memref<33024xf32, #tpu.memory_space<vmem>>, vector<16xf32>,
        %gt3A_813 = arith.cmpf ogt, %get3A_812, %scan3A_661 : vector<16xf32>
        %jit3A_814 = arith.constant 0.000000e+00 : f32
        %broadcast_in_dim3A_815 = vector.broadcast %jit3A_814 : f32 to vector<16xf32>
        %select_n3A_816 = arith.select %gt3A_813, %get3A_812, %broadcast_in_dim3A_815 : vector<16xi1>, vector<16xf32>
        %add3A_817 = arith.addf %add3A_800, %select_n3A_816 : vector<16xf32>
        %jit3A_818 = arith.constant 1.000000e+00 : f32
        %jit3A_819 = arith.constant 0.000000e+00 : f32
        %broadcast_in_dim3A_820 = vector.broadcast %jit3A_818 : f32 to vector<16xf32>
        %broadcast_in_dim3A_821 = vector.broadcast %jit3A_819 : f32 to vector<16xf32>
        %select_n3A_822 = arith.select %gt3A_813, %broadcast_in_dim3A_820, %broadcast_in_dim3A_821 : vector<16xi1>, vector<16xf32>
        %add3A_823 = arith.addf %add3A_806, %select_n3A_822 : vector<16xf32>
        %mul3A_824 = arith.constant 128 : i32
        %mul3A_825 = arith.muli %while3A_704, %mul3A_824 : i32
        %add3A_826 = arith.constant 112 : i32
        %add3A_827 = arith.addi %mul3A_825, %add3A_826 : i32
        %get3A_828 = arith.index_cast %add3A_827 : i32 to index
        %get3A_829 = tpu.vector_load %arg6[%get3A_828] {strides = array<i32>} : memref<33024xf32, #tpu.memory_space<vmem>>, vector<16xf32>,
        %gt3A_830 = arith.cmpf ogt, %get3A_829, %scan3A_661 : vector<16xf32>
        %jit3A_831 = arith.constant 0.000000e+00 : f32
        %broadcast_in_dim3A_832 = vector.broadcast %jit3A_831 : f32 to vector<16xf32>
        %select_n3A_833 = arith.select %gt3A_830, %get3A_829, %broadcast_in_dim3A_832 : vector<16xi1>, vector<16xf32>
        %add3A_834 = arith.addf %add3A_817, %select_n3A_833 : vector<16xf32>
        %jit3A_835 = arith.constant 1.000000e+00 : f32
        %jit3A_836 = arith.constant 0.000000e+00 : f32
        %broadcast_in_dim3A_837 = vector.broadcast %jit3A_835 : f32 to vector<16xf32>
        %broadcast_in_dim3A_838 = vector.broadcast %jit3A_836 : f32 to vector<16xf32>
        %select_n3A_839 = arith.select %gt3A_830, %broadcast_in_dim3A_837, %broadcast_in_dim3A_838 : vector<16xi1>, vector<16xf32>
        %add3A_840 = arith.addf %add3A_823, %select_n3A_839 : vector<16xf32>
        scf.yield %add3A_834, %add3A_840 : vector<16xf32>, vector<16xf32>
      }
      %while3A_673 = arith.constant 1 : i32
      %while3A_674:2 = scf.for %while3A_704 = %while3A_670 to %while3A_666 step %while3A_673 iter_args(%while3A_705 = %while3A_672#0, %while3A_706 = %while3A_672#1) -> (vector<16xf32>, vector<16xf32>)  : i32 {
        %mul3A_707 = arith.constant 128 : i32
        %mul3A_708 = arith.muli %while3A_704, %mul3A_707 : i32
        %add3A_709 = arith.constant 0 : i32
        %add3A_710 = arith.addi %mul3A_708, %add3A_709 : i32
        %get3A = arith.index_cast %add3A_710 : i32 to index
        %get3A_711 = tpu.vector_load %arg6[%get3A] {strides = array<i32>} : memref<33024xf32, #tpu.memory_space<vmem>>, vector<16xf32>,
        %gt3A_712 = arith.cmpf ogt, %get3A_711, %scan3A_661 : vector<16xf32>
        %jit3A = arith.constant 0.000000e+00 : f32
        %broadcast_in_dim3A_713 = vector.broadcast %jit3A : f32 to vector<16xf32>
        %select_n3A_714 = arith.select %gt3A_712, %get3A_711, %broadcast_in_dim3A_713 : vector<16xi1>, vector<16xf32>
        %add3A_715 = arith.addf %while3A_705, %select_n3A_714 : vector<16xf32>
        %jit3A_716 = arith.constant 1.000000e+00 : f32
        %jit3A_717 = arith.constant 0.000000e+00 : f32
        %broadcast_in_dim3A_718 = vector.broadcast %jit3A_716 : f32 to vector<16xf32>
        %broadcast_in_dim3A_719 = vector.broadcast %jit3A_717 : f32 to vector<16xf32>
        %select_n3A_720 = arith.select %gt3A_712, %broadcast_in_dim3A_718, %broadcast_in_dim3A_719 : vector<16xi1>, vector<16xf32>
        %add3A_721 = arith.addf %while3A_706, %select_n3A_720 : vector<16xf32>
        %mul3A_722 = arith.constant 128 : i32
        %mul3A_723 = arith.muli %while3A_704, %mul3A_722 : i32
        %add3A_724 = arith.constant 16 : i32
        %add3A_725 = arith.addi %mul3A_723, %add3A_724 : i32
        %get3A_726 = arith.index_cast %add3A_725 : i32 to index
        %get3A_727 = tpu.vector_load %arg6[%get3A_726] {strides = array<i32>} : memref<33024xf32, #tpu.memory_space<vmem>>, vector<16xf32>,
        %gt3A_728 = arith.cmpf ogt, %get3A_727, %scan3A_661 : vector<16xf32>
        %jit3A_729 = arith.constant 0.000000e+00 : f32
        %broadcast_in_dim3A_730 = vector.broadcast %jit3A_729 : f32 to vector<16xf32>
        %select_n3A_731 = arith.select %gt3A_728, %get3A_727, %broadcast_in_dim3A_730 : vector<16xi1>, vector<16xf32>
        %add3A_732 = arith.addf %add3A_715, %select_n3A_731 : vector<16xf32>
        %jit3A_733 = arith.constant 1.000000e+00 : f32
        %jit3A_734 = arith.constant 0.000000e+00 : f32
        %broadcast_in_dim3A_735 = vector.broadcast %jit3A_733 : f32 to vector<16xf32>
        %broadcast_in_dim3A_736 = vector.broadcast %jit3A_734 : f32 to vector<16xf32>
        %select_n3A_737 = arith.select %gt3A_728, %broadcast_in_dim3A_735, %broadcast_in_dim3A_736 : vector<16xi1>, vector<16xf32>
        %add3A_738 = arith.addf %add3A_721, %select_n3A_737 : vector<16xf32>
        %mul3A_739 = arith.constant 128 : i32
        %mul3A_740 = arith.muli %while3A_704, %mul3A_739 : i32
        %add3A_741 = arith.constant 32 : i32
        %add3A_742 = arith.addi %mul3A_740, %add3A_741 : i32
        %get3A_743 = arith.index_cast %add3A_742 : i32 to index
        %get3A_744 = tpu.vector_load %arg6[%get3A_743] {strides = array<i32>} : memref<33024xf32, #tpu.memory_space<vmem>>, vector<16xf32>,
        %gt3A_745 = arith.cmpf ogt, %get3A_744, %scan3A_661 : vector<16xf32>
        %jit3A_746 = arith.constant 0.000000e+00 : f32
        %broadcast_in_dim3A_747 = vector.broadcast %jit3A_746 : f32 to vector<16xf32>
        %select_n3A_748 = arith.select %gt3A_745, %get3A_744, %broadcast_in_dim3A_747 : vector<16xi1>, vector<16xf32>
        %add3A_749 = arith.addf %add3A_732, %select_n3A_748 : vector<16xf32>
        %jit3A_750 = arith.constant 1.000000e+00 : f32
        %jit3A_751 = arith.constant 0.000000e+00 : f32
        %broadcast_in_dim3A_752 = vector.broadcast %jit3A_750 : f32 to vector<16xf32>
        %broadcast_in_dim3A_753 = vector.broadcast %jit3A_751 : f32 to vector<16xf32>
        %select_n3A_754 = arith.select %gt3A_745, %broadcast_in_dim3A_752, %broadcast_in_dim3A_753 : vector<16xi1>, vector<16xf32>
        %add3A_755 = arith.addf %add3A_738, %select_n3A_754 : vector<16xf32>
        %mul3A_756 = arith.constant 128 : i32
        %mul3A_757 = arith.muli %while3A_704, %mul3A_756 : i32
        %add3A_758 = arith.constant 48 : i32
        %add3A_759 = arith.addi %mul3A_757, %add3A_758 : i32
        %get3A_760 = arith.index_cast %add3A_759 : i32 to index
        %get3A_761 = tpu.vector_load %arg6[%get3A_760] {strides = array<i32>} : memref<33024xf32, #tpu.memory_space<vmem>>, vector<16xf32>,
        %gt3A_762 = arith.cmpf ogt, %get3A_761, %scan3A_661 : vector<16xf32>
        %jit3A_763 = arith.constant 0.000000e+00 : f32
        %broadcast_in_dim3A_764 = vector.broadcast %jit3A_763 : f32 to vector<16xf32>
        %select_n3A_765 = arith.select %gt3A_762, %get3A_761, %broadcast_in_dim3A_764 : vector<16xi1>, vector<16xf32>
        %add3A_766 = arith.addf %add3A_749, %select_n3A_765 : vector<16xf32>
        %jit3A_767 = arith.constant 1.000000e+00 : f32
        %jit3A_768 = arith.constant 0.000000e+00 : f32
        %broadcast_in_dim3A_769 = vector.broadcast %jit3A_767 : f32 to vector<16xf32>
        %broadcast_in_dim3A_770 = vector.broadcast %jit3A_768 : f32 to vector<16xf32>
        %select_n3A_771 = arith.select %gt3A_762, %broadcast_in_dim3A_769, %broadcast_in_dim3A_770 : vector<16xi1>, vector<16xf32>
        %add3A_772 = arith.addf %add3A_755, %select_n3A_771 : vector<16xf32>
        %mul3A_773 = arith.constant 128 : i32
        %mul3A_774 = arith.muli %while3A_704, %mul3A_773 : i32
        %add3A_775 = arith.constant 64 : i32
        %add3A_776 = arith.addi %mul3A_774, %add3A_775 : i32
        %get3A_777 = arith.index_cast %add3A_776 : i32 to index
        %get3A_778 = tpu.vector_load %arg6[%get3A_777] {strides = array<i32>} : memref<33024xf32, #tpu.memory_space<vmem>>, vector<16xf32>,
        %gt3A_779 = arith.cmpf ogt, %get3A_778, %scan3A_661 : vector<16xf32>
        %jit3A_780 = arith.constant 0.000000e+00 : f32
        %broadcast_in_dim3A_781 = vector.broadcast %jit3A_780 : f32 to vector<16xf32>
        %select_n3A_782 = arith.select %gt3A_779, %get3A_778, %broadcast_in_dim3A_781 : vector<16xi1>, vector<16xf32>
        %add3A_783 = arith.addf %add3A_766, %select_n3A_782 : vector<16xf32>
        %jit3A_784 = arith.constant 1.000000e+00 : f32
        %jit3A_785 = arith.constant 0.000000e+00 : f32
        %broadcast_in_dim3A_786 = vector.broadcast %jit3A_784 : f32 to vector<16xf32>
        %broadcast_in_dim3A_787 = vector.broadcast %jit3A_785 : f32 to vector<16xf32>
        %select_n3A_788 = arith.select %gt3A_779, %broadcast_in_dim3A_786, %broadcast_in_dim3A_787 : vector<16xi1>, vector<16xf32>
        %add3A_789 = arith.addf %add3A_772, %select_n3A_788 : vector<16xf32>
        %mul3A_790 = arith.constant 128 : i32
        %mul3A_791 = arith.muli %while3A_704, %mul3A_790 : i32
        %add3A_792 = arith.constant 80 : i32
        %add3A_793 = arith.addi %mul3A_791, %add3A_792 : i32
        %get3A_794 = arith.index_cast %add3A_793 : i32 to index
        %get3A_795 = tpu.vector_load %arg6[%get3A_794] {strides = array<i32>} : memref<33024xf32, #tpu.memory_space<vmem>>, vector<16xf32>,
        %gt3A_796 = arith.cmpf ogt, %get3A_795, %scan3A_661 : vector<16xf32>
        %jit3A_797 = arith.constant 0.000000e+00 : f32
        %broadcast_in_dim3A_798 = vector.broadcast %jit3A_797 : f32 to vector<16xf32>
        %select_n3A_799 = arith.select %gt3A_796, %get3A_795, %broadcast_in_dim3A_798 : vector<16xi1>, vector<16xf32>
        %add3A_800 = arith.addf %add3A_783, %select_n3A_799 : vector<16xf32>
        %jit3A_801 = arith.constant 1.000000e+00 : f32
        %jit3A_802 = arith.constant 0.000000e+00 : f32
        %broadcast_in_dim3A_803 = vector.broadcast %jit3A_801 : f32 to vector<16xf32>
        %broadcast_in_dim3A_804 = vector.broadcast %jit3A_802 : f32 to vector<16xf32>
        %select_n3A_805 = arith.select %gt3A_796, %broadcast_in_dim3A_803, %broadcast_in_dim3A_804 : vector<16xi1>, vector<16xf32>
        %add3A_806 = arith.addf %add3A_789, %select_n3A_805 : vector<16xf32>
        %mul3A_807 = arith.constant 128 : i32
        %mul3A_808 = arith.muli %while3A_704, %mul3A_807 : i32
        %add3A_809 = arith.constant 96 : i32
        %add3A_810 = arith.addi %mul3A_808, %add3A_809 : i32
        %get3A_811 = arith.index_cast %add3A_810 : i32 to index
        %get3A_812 = tpu.vector_load %arg6[%get3A_811] {strides = array<i32>} : memref<33024xf32, #tpu.memory_space<vmem>>, vector<16xf32>,
        %gt3A_813 = arith.cmpf ogt, %get3A_812, %scan3A_661 : vector<16xf32>
        %jit3A_814 = arith.constant 0.000000e+00 : f32
        %broadcast_in_dim3A_815 = vector.broadcast %jit3A_814 : f32 to vector<16xf32>
        %select_n3A_816 = arith.select %gt3A_813, %get3A_812, %broadcast_in_dim3A_815 : vector<16xi1>, vector<16xf32>
        %add3A_817 = arith.addf %add3A_800, %select_n3A_816 : vector<16xf32>
        %jit3A_818 = arith.constant 1.000000e+00 : f32
        %jit3A_819 = arith.constant 0.000000e+00 : f32
        %broadcast_in_dim3A_820 = vector.broadcast %jit3A_818 : f32 to vector<16xf32>
        %broadcast_in_dim3A_821 = vector.broadcast %jit3A_819 : f32 to vector<16xf32>
        %select_n3A_822 = arith.select %gt3A_813, %broadcast_in_dim3A_820, %broadcast_in_dim3A_821 : vector<16xi1>, vector<16xf32>
        %add3A_823 = arith.addf %add3A_806, %select_n3A_822 : vector<16xf32>
        %mul3A_824 = arith.constant 128 : i32
        %mul3A_825 = arith.muli %while3A_704, %mul3A_824 : i32
        %add3A_826 = arith.constant 112 : i32
        %add3A_827 = arith.addi %mul3A_825, %add3A_826 : i32
        %get3A_828 = arith.index_cast %add3A_827 : i32 to index
        %get3A_829 = tpu.vector_load %arg6[%get3A_828] {strides = array<i32>} : memref<33024xf32, #tpu.memory_space<vmem>>, vector<16xf32>,
        %gt3A_830 = arith.cmpf ogt, %get3A_829, %scan3A_661 : vector<16xf32>
        %jit3A_831 = arith.constant 0.000000e+00 : f32
        %broadcast_in_dim3A_832 = vector.broadcast %jit3A_831 : f32 to vector<16xf32>
        %select_n3A_833 = arith.select %gt3A_830, %get3A_829, %broadcast_in_dim3A_832 : vector<16xi1>, vector<16xf32>
        %add3A_834 = arith.addf %add3A_817, %select_n3A_833 : vector<16xf32>
        %jit3A_835 = arith.constant 1.000000e+00 : f32
        %jit3A_836 = arith.constant 0.000000e+00 : f32
        %broadcast_in_dim3A_837 = vector.broadcast %jit3A_835 : f32 to vector<16xf32>
        %broadcast_in_dim3A_838 = vector.broadcast %jit3A_836 : f32 to vector<16xf32>
        %select_n3A_839 = arith.select %gt3A_830, %broadcast_in_dim3A_837, %broadcast_in_dim3A_838 : vector<16xi1>, vector<16xf32>
        %add3A_840 = arith.addf %add3A_823, %select_n3A_839 : vector<16xf32>
        scf.yield %add3A_834, %add3A_840 : vector<16xf32>, vector<16xf32>
      }
      %reduce_sum3A = arith.constant true
      %reduce_sum3A_675 = vector.broadcast %reduce_sum3A : i1 to vector<16xi1>
      %reduce_sum3A_676 = tpu.scan <sum>, %while3A_674#0 masked %reduce_sum3A_675 : vector<16xf32>, vector<16xi1> -> vector<16xf32>
      %reduce_sum3A_677 = vector.extract %reduce_sum3A_676[15] : f32 from vector<16xf32>
      %add3A_678 = vector.broadcast %reduce_sum3A_677 : f32 to vector<16xf32>
      %add3A_679 = arith.addf %add3A_678, %broadcast_in_dim3A_3 : vector<16xf32>
      %reduce_sum3A_680 = arith.constant true
      %reduce_sum3A_681 = vector.broadcast %reduce_sum3A_680 : i1 to vector<16xi1>
      %reduce_sum3A_682 = tpu.scan <sum>, %while3A_674#1 masked %reduce_sum3A_681 : vector<16xf32>, vector<16xi1> -> vector<16xf32>
      %reduce_sum3A_683 = vector.extract %reduce_sum3A_682[15] : f32 from vector<16xf32>
      %add3A_684 = vector.broadcast %reduce_sum3A_683 : f32 to vector<16xf32>
      %add3A_685 = arith.addf %add3A_684, %broadcast_in_dim3A_3 : vector<16xf32>
      %mul3A_686 = arith.mulf %add3A_685, %scan3A_661 : vector<16xf32>
      %sub3A_687 = arith.subf %add3A_679, %mul3A_686 : vector<16xf32>
      %ge3A = arith.constant 1.000000e+00 : f32
      %ge3A_688 = vector.broadcast %ge3A : f32 to vector<16xf32>
      %ge3A_689 = arith.cmpf oge, %sub3A_687, %ge3A_688 : vector<16xf32>
      %select_n3A = arith.select %ge3A_689, %scan3A_661, %scan3A_659 : vector<16xi1>, vector<16xf32>
      %select_n3A_690 = arith.select %ge3A_689, %scan3A_660, %scan3A_661 : vector<16xi1>, vector<16xf32>
      %gt3A = arith.constant 5.000000e-01 : f32
      %gt3A_691 = vector.broadcast %gt3A : f32 to vector<16xf32>
      %gt3A_692 = arith.cmpf ogt, %add3A_685, %gt3A_691 : vector<16xf32>
      %sub3A_693 = arith.constant 1.000000e+00 : f32
      %sub3A_694 = vector.broadcast %sub3A_693 : f32 to vector<16xf32>
      %sub3A_695 = arith.subf %add3A_679, %sub3A_694 : vector<16xf32>
      %max3A = arith.constant 1.000000e+00 : f32
      %max3A_696 = vector.broadcast %max3A : f32 to vector<16xf32>
      %max3A_697 = arith.maximumf %add3A_685, %max3A_696 : vector<16xf32>
      %div3A = arith.divf %sub3A_695, %max3A_697 : vector<16xf32>
      %select_n3A_698 = arith.select %gt3A_692, %div3A, %select_n3A : vector<16xi1>, vector<16xf32>
      %max3A_699 = arith.maximumf %select_n3A, %select_n3A_698 : vector<16xf32>
      %add3A_700 = arith.addf %max3A_699, %select_n3A_690 : vector<16xf32>
      %mul3A_701 = arith.constant 5.000000e-01 : f32
      %mul3A_702 = vector.broadcast %mul3A_701 : f32 to vector<16xf32>
      %mul3A_703 = arith.mulf %mul3A_702, %add3A_700 : vector<16xf32>
      scf.yield %max3A_699, %select_n3A_690, %mul3A_703 : vector<16xf32>, vector<16xf32>, vector<16xf32>
    }
    %scan3A_481 = arith.constant 12 : i32
    %scan3A_482 = arith.constant 0 : i32
    %scan3A_483 = arith.constant 0 : i32
    %scan3A_484 = arith.constant 256 : i32
    %scan3A_485 = arith.addi %scan3A_483, %scan3A_484 : i32
    %scan3A_486 = arith.constant 1 : i32
    scf.for %scan3A_658 = %scan3A_483 to %scan3A_485 step %scan3A_486  : i32 {
      %mul3A_659 = arith.constant 128 : i32
      %mul3A_660 = arith.muli %scan3A_658, %mul3A_659 : i32
      %add3A_661 = arith.constant 0 : i32
      %add3A_662 = arith.addi %mul3A_660, %add3A_661 : i32
      %get3A = arith.index_cast %add3A_662 : i32 to index
      %get3A_663 = tpu.vector_load %arg4[%get3A] {strides = array<i32>} : memref<33024xf32, #tpu.memory_space<vmem>>, vector<16xf32>,
      %sub3A_664 = arith.subf %get3A_663, %scan3A_480#0 : vector<16xf32>
      %max3A = arith.constant 0.000000e+00 : f32
      %max3A_665 = vector.broadcast %max3A : f32 to vector<16xf32>
      %max3A_666 = arith.maximumf %sub3A_664, %max3A_665 : vector<16xf32>
      %swap3A_667 = arith.index_cast %add3A_662 : i32 to index
      %swap3A_668 = tpu.vector_load %arg6[%swap3A_667] {strides = array<i32>} : memref<33024xf32, #tpu.memory_space<vmem>>, vector<16xf32>,
      tpu.vector_store %arg6[%swap3A_667], %max3A_666 {strides = array<i32>} : memref<33024xf32, #tpu.memory_space<vmem>>, vector<16xf32>,
      %mul3A_669 = arith.constant 128 : i32
      %mul3A_670 = arith.muli %scan3A_658, %mul3A_669 : i32
      %add3A_671 = arith.constant 16 : i32
      %add3A_672 = arith.addi %mul3A_670, %add3A_671 : i32
      %get3A_673 = arith.index_cast %add3A_672 : i32 to index
      %get3A_674 = tpu.vector_load %arg4[%get3A_673] {strides = array<i32>} : memref<33024xf32, #tpu.memory_space<vmem>>, vector<16xf32>,
      %sub3A_675 = arith.subf %get3A_674, %scan3A_480#0 : vector<16xf32>
      %max3A_676 = arith.constant 0.000000e+00 : f32
      %max3A_677 = vector.broadcast %max3A_676 : f32 to vector<16xf32>
      %max3A_678 = arith.maximumf %sub3A_675, %max3A_677 : vector<16xf32>
      %swap3A_679 = arith.index_cast %add3A_672 : i32 to index
      %swap3A_680 = tpu.vector_load %arg6[%swap3A_679] {strides = array<i32>} : memref<33024xf32, #tpu.memory_space<vmem>>, vector<16xf32>,
      tpu.vector_store %arg6[%swap3A_679], %max3A_678 {strides = array<i32>} : memref<33024xf32, #tpu.memory_space<vmem>>, vector<16xf32>,
      %mul3A_681 = arith.constant 128 : i32
      %mul3A_682 = arith.muli %scan3A_658, %mul3A_681 : i32
      %add3A_683 = arith.constant 32 : i32
      %add3A_684 = arith.addi %mul3A_682, %add3A_683 : i32
      %get3A_685 = arith.index_cast %add3A_684 : i32 to index
      %get3A_686 = tpu.vector_load %arg4[%get3A_685] {strides = array<i32>} : memref<33024xf32, #tpu.memory_space<vmem>>, vector<16xf32>,
      %sub3A_687 = arith.subf %get3A_686, %scan3A_480#0 : vector<16xf32>
      %max3A_688 = arith.constant 0.000000e+00 : f32
      %max3A_689 = vector.broadcast %max3A_688 : f32 to vector<16xf32>
      %max3A_690 = arith.maximumf %sub3A_687, %max3A_689 : vector<16xf32>
      %swap3A_691 = arith.index_cast %add3A_684 : i32 to index
      %swap3A_692 = tpu.vector_load %arg6[%swap3A_691] {strides = array<i32>} : memref<33024xf32, #tpu.memory_space<vmem>>, vector<16xf32>,
      tpu.vector_store %arg6[%swap3A_691], %max3A_690 {strides = array<i32>} : memref<33024xf32, #tpu.memory_space<vmem>>, vector<16xf32>,
      %mul3A_693 = arith.constant 128 : i32
      %mul3A_694 = arith.muli %scan3A_658, %mul3A_693 : i32
      %add3A_695 = arith.constant 48 : i32
      %add3A_696 = arith.addi %mul3A_694, %add3A_695 : i32
      %get3A_697 = arith.index_cast %add3A_696 : i32 to index
      %get3A_698 = tpu.vector_load %arg4[%get3A_697] {strides = array<i32>} : memref<33024xf32, #tpu.memory_space<vmem>>, vector<16xf32>,
      %sub3A_699 = arith.subf %get3A_698, %scan3A_480#0 : vector<16xf32>
      %max3A_700 = arith.constant 0.000000e+00 : f32
      %max3A_701 = vector.broadcast %max3A_700 : f32 to vector<16xf32>
      %max3A_702 = arith.maximumf %sub3A_699, %max3A_701 : vector<16xf32>
      %swap3A_703 = arith.index_cast %add3A_696 : i32 to index
      %swap3A_704 = tpu.vector_load %arg6[%swap3A_703] {strides = array<i32>} : memref<33024xf32, #tpu.memory_space<vmem>>, vector<16xf32>,
      tpu.vector_store %arg6[%swap3A_703], %max3A_702 {strides = array<i32>} : memref<33024xf32, #tpu.memory_space<vmem>>, vector<16xf32>,
      %mul3A_705 = arith.constant 128 : i32
      %mul3A_706 = arith.muli %scan3A_658, %mul3A_705 : i32
      %add3A_707 = arith.constant 64 : i32
      %add3A_708 = arith.addi %mul3A_706, %add3A_707 : i32
      %get3A_709 = arith.index_cast %add3A_708 : i32 to index
      %get3A_710 = tpu.vector_load %arg4[%get3A_709] {strides = array<i32>} : memref<33024xf32, #tpu.memory_space<vmem>>, vector<16xf32>,
      %sub3A_711 = arith.subf %get3A_710, %scan3A_480#0 : vector<16xf32>
      %max3A_712 = arith.constant 0.000000e+00 : f32
      %max3A_713 = vector.broadcast %max3A_712 : f32 to vector<16xf32>
      %max3A_714 = arith.maximumf %sub3A_711, %max3A_713 : vector<16xf32>
      %swap3A_715 = arith.index_cast %add3A_708 : i32 to index
      %swap3A_716 = tpu.vector_load %arg6[%swap3A_715] {strides = array<i32>} : memref<33024xf32, #tpu.memory_space<vmem>>, vector<16xf32>,
      tpu.vector_store %arg6[%swap3A_715], %max3A_714 {strides = array<i32>} : memref<33024xf32, #tpu.memory_space<vmem>>, vector<16xf32>,
      %mul3A_717 = arith.constant 128 : i32
      %mul3A_718 = arith.muli %scan3A_658, %mul3A_717 : i32
      %add3A_719 = arith.constant 80 : i32
      %add3A_720 = arith.addi %mul3A_718, %add3A_719 : i32
      %get3A_721 = arith.index_cast %add3A_720 : i32 to index
      %get3A_722 = tpu.vector_load %arg4[%get3A_721] {strides = array<i32>} : memref<33024xf32, #tpu.memory_space<vmem>>, vector<16xf32>,
      %sub3A_723 = arith.subf %get3A_722, %scan3A_480#0 : vector<16xf32>
      %max3A_724 = arith.constant 0.000000e+00 : f32
      %max3A_725 = vector.broadcast %max3A_724 : f32 to vector<16xf32>
      %max3A_726 = arith.maximumf %sub3A_723, %max3A_725 : vector<16xf32>
      %swap3A_727 = arith.index_cast %add3A_720 : i32 to index
      %swap3A_728 = tpu.vector_load %arg6[%swap3A_727] {strides = array<i32>} : memref<33024xf32, #tpu.memory_space<vmem>>, vector<16xf32>,
      tpu.vector_store %arg6[%swap3A_727], %max3A_726 {strides = array<i32>} : memref<33024xf32, #tpu.memory_space<vmem>>, vector<16xf32>,
      %mul3A_729 = arith.constant 128 : i32
      %mul3A_730 = arith.muli %scan3A_658, %mul3A_729 : i32
      %add3A_731 = arith.constant 96 : i32
      %add3A_732 = arith.addi %mul3A_730, %add3A_731 : i32
      %get3A_733 = arith.index_cast %add3A_732 : i32 to index
      %get3A_734 = tpu.vector_load %arg4[%get3A_733] {strides = array<i32>} : memref<33024xf32, #tpu.memory_space<vmem>>, vector<16xf32>,
      %sub3A_735 = arith.subf %get3A_734, %scan3A_480#0 : vector<16xf32>
      %max3A_736 = arith.constant 0.000000e+00 : f32
      %max3A_737 = vector.broadcast %max3A_736 : f32 to vector<16xf32>
      %max3A_738 = arith.maximumf %sub3A_735, %max3A_737 : vector<16xf32>
      %swap3A_739 = arith.index_cast %add3A_732 : i32 to index
      %swap3A_740 = tpu.vector_load %arg6[%swap3A_739] {strides = array<i32>} : memref<33024xf32, #tpu.memory_space<vmem>>, vector<16xf32>,
      tpu.vector_store %arg6[%swap3A_739], %max3A_738 {strides = array<i32>} : memref<33024xf32, #tpu.memory_space<vmem>>, vector<16xf32>,
      %mul3A_741 = arith.constant 128 : i32
      %mul3A_742 = arith.muli %scan3A_658, %mul3A_741 : i32
      %add3A_743 = arith.constant 112 : i32
      %add3A_744 = arith.addi %mul3A_742, %add3A_743 : i32
      %get3A_745 = arith.index_cast %add3A_744 : i32 to index
      %get3A_746 = tpu.vector_load %arg4[%get3A_745] {strides = array<i32>} : memref<33024xf32, #tpu.memory_space<vmem>>, vector<16xf32>,
      %sub3A_747 = arith.subf %get3A_746, %scan3A_480#0 : vector<16xf32>
      %max3A_748 = arith.constant 0.000000e+00 : f32
      %max3A_749 = vector.broadcast %max3A_748 : f32 to vector<16xf32>
      %max3A_750 = arith.maximumf %sub3A_747, %max3A_749 : vector<16xf32>
      %swap3A_751 = arith.index_cast %add3A_744 : i32 to index
      %swap3A_752 = tpu.vector_load %arg6[%swap3A_751] {strides = array<i32>} : memref<33024xf32, #tpu.memory_space<vmem>>, vector<16xf32>,
      tpu.vector_store %arg6[%swap3A_751], %max3A_750 {strides = array<i32>} : memref<33024xf32, #tpu.memory_space<vmem>>, vector<16xf32>,
    }
    %scan3A_487 = arith.constant 256 : i32
    %add3A_488 = arith.constant 2 : i32
    %add3A_489 = arith.addi %mul3A_2, %add3A_488 : i32
    %dma_start3A_490 = arith.constant 0 : i32
    %dma_start3A_491 = tpu.memref_slice %arg6[%dma_start3A_490] : memref<33024xf32, #tpu.memory_space<vmem>> -> memref<16384xf32, #tpu.memory_space<vmem>>
    %dma_start3A_492 = arith.constant 0 : i32
    %dma_start3A_493 = tpu.memref_slice %arg3[%add3A_489, %dma_start3A_492] : memref<128x32768xf32, #tpu.memory_space<hbm>> -> memref<1x16384xf32, #tpu.memory_space<hbm>>
    %dma_start3A_494 = tpu.memref_squeeze %dma_start3A_493 : memref<1x16384xf32, #tpu.memory_space<hbm>> -> memref<16384xf32, #tpu.memory_space<hbm>>
    %dma_start3A_495 = arith.constant 0 : i32
    %dma_start3A_496 = tpu.memref_slice %arg3[%add3A_489, %dma_start3A_495] : memref<128x32768xf32, #tpu.memory_space<hbm>> -> memref<1x16384xf32, #tpu.memory_space<hbm>>
    %dma_start3A_497 = tpu.memref_squeeze %dma_start3A_496 : memref<1x16384xf32, #tpu.memory_space<hbm>> -> memref<16384xf32, #tpu.memory_space<hbm>>
    %dma_start3A_498 = arith.constant 0 : i32
    %dma_start3A_499 = tpu.memref_slice %arg6[%dma_start3A_498] : memref<33024xf32, #tpu.memory_space<vmem>> -> memref<16384xf32, #tpu.memory_space<vmem>>
    tpu.enqueue_dma source(%dma_start3A_499 : memref<16384xf32, #tpu.memory_space<vmem>>) target(%dma_start3A_497 : memref<16384xf32, #tpu.memory_space<hbm>>) target_semaphore(%arg13 : memref<!tpu.dma_semaphore, #tpu.memory_space<semaphore_mem>>)
    %add3A_500 = arith.constant 2 : i32
    %add3A_501 = arith.addi %mul3A_2, %add3A_500 : i32
    %dma_start3A_502 = arith.constant 16384 : i32
    %dma_start3A_503 = tpu.memref_slice %arg6[%dma_start3A_502] : memref<33024xf32, #tpu.memory_space<vmem>> -> memref<16384xf32, #tpu.memory_space<vmem>>
    %dma_start3A_504 = arith.constant 16384 : i32
    %dma_start3A_505 = tpu.memref_slice %arg3[%add3A_501, %dma_start3A_504] : memref<128x32768xf32, #tpu.memory_space<hbm>> -> memref<1x16384xf32, #tpu.memory_space<hbm>>
    %dma_start3A_506 = tpu.memref_squeeze %dma_start3A_505 : memref<1x16384xf32, #tpu.memory_space<hbm>> -> memref<16384xf32, #tpu.memory_space<hbm>>
    %dma_start3A_507 = arith.constant 16384 : i32
    %dma_start3A_508 = tpu.memref_slice %arg3[%add3A_501, %dma_start3A_507] : memref<128x32768xf32, #tpu.memory_space<hbm>> -> memref<1x16384xf32, #tpu.memory_space<hbm>>
    %dma_start3A_509 = tpu.memref_squeeze %dma_start3A_508 : memref<1x16384xf32, #tpu.memory_space<hbm>> -> memref<16384xf32, #tpu.memory_space<hbm>>
    %dma_start3A_510 = arith.constant 16384 : i32
    %dma_start3A_511 = tpu.memref_slice %arg6[%dma_start3A_510] : memref<33024xf32, #tpu.memory_space<vmem>> -> memref<16384xf32, #tpu.memory_space<vmem>>
    tpu.enqueue_dma source(%dma_start3A_511 : memref<16384xf32, #tpu.memory_space<vmem>>) target(%dma_start3A_509 : memref<16384xf32, #tpu.memory_space<hbm>>) target_semaphore(%arg14 : memref<!tpu.dma_semaphore, #tpu.memory_space<semaphore_mem>>)
    %dma_wait3A_512 = arith.constant 0 : i32
    %dma_wait3A_513 = tpu.memref_slice %arg5[%dma_wait3A_512] : memref<33024xf32, #tpu.memory_space<vmem>> -> memref<16384xf32, #tpu.memory_space<vmem>>
    %dma_wait3A_514 = arith.constant 0 : i32
    %dma_wait3A_515 = tpu.memref_slice %arg2[%add3A_385, %dma_wait3A_514] : memref<128x32768xf32, #tpu.memory_space<hbm>> -> memref<1x16384xf32, #tpu.memory_space<hbm>>
    %dma_wait3A_516 = tpu.memref_squeeze %dma_wait3A_515 : memref<1x16384xf32, #tpu.memory_space<hbm>> -> memref<16384xf32, #tpu.memory_space<hbm>>
    %dma_wait3A_517 = arith.constant 0 : i32
    %dma_wait3A_518 = tpu.memref_slice %arg5[%dma_wait3A_517] : memref<33024xf32, #tpu.memory_space<vmem>> -> memref<16384xf32, #tpu.memory_space<vmem>>
    %dma_wait3A_519 = arith.constant 0 : i32
    %dma_wait3A_520 = tpu.memref_slice %arg2[%add3A_385, %dma_wait3A_519] : memref<128x32768xf32, #tpu.memory_space<hbm>> -> memref<1x16384xf32, #tpu.memory_space<hbm>>
    %dma_wait3A_521 = tpu.memref_squeeze %dma_wait3A_520 : memref<1x16384xf32, #tpu.memory_space<hbm>> -> memref<16384xf32, #tpu.memory_space<hbm>>
    tpu.wait_dma2 semaphore(%arg11 : memref<!tpu.dma_semaphore, #tpu.memory_space<semaphore_mem>>) src(%dma_wait3A_521 : memref<16384xf32, #tpu.memory_space<hbm>>) dst(%dma_wait3A_518 : memref<16384xf32, #tpu.memory_space<vmem>>)
    %dma_wait3A_522 = arith.constant 16384 : i32
    %dma_wait3A_523 = tpu.memref_slice %arg5[%dma_wait3A_522] : memref<33024xf32, #tpu.memory_space<vmem>> -> memref<16384xf32, #tpu.memory_space<vmem>>
    %dma_wait3A_524 = arith.constant 16384 : i32
    %dma_wait3A_525 = tpu.memref_slice %arg2[%add3A_385, %dma_wait3A_524] : memref<128x32768xf32, #tpu.memory_space<hbm>> -> memref<1x16384xf32, #tpu.memory_space<hbm>>
    %dma_wait3A_526 = tpu.memref_squeeze %dma_wait3A_525 : memref<1x16384xf32, #tpu.memory_space<hbm>> -> memref<16384xf32, #tpu.memory_space<hbm>>
    %dma_wait3A_527 = arith.constant 16384 : i32
    %dma_wait3A_528 = tpu.memref_slice %arg5[%dma_wait3A_527] : memref<33024xf32, #tpu.memory_space<vmem>> -> memref<16384xf32, #tpu.memory_space<vmem>>
    %dma_wait3A_529 = arith.constant 16384 : i32
    %dma_wait3A_530 = tpu.memref_slice %arg2[%add3A_385, %dma_wait3A_529] : memref<128x32768xf32, #tpu.memory_space<hbm>> -> memref<1x16384xf32, #tpu.memory_space<hbm>>
    %dma_wait3A_531 = tpu.memref_squeeze %dma_wait3A_530 : memref<1x16384xf32, #tpu.memory_space<hbm>> -> memref<16384xf32, #tpu.memory_space<hbm>>
    tpu.wait_dma2 semaphore(%arg12 : memref<!tpu.dma_semaphore, #tpu.memory_space<semaphore_mem>>) src(%dma_wait3A_531 : memref<16384xf32, #tpu.memory_space<hbm>>) dst(%dma_wait3A_528 : memref<16384xf32, #tpu.memory_space<vmem>>)
    %scan3A_532 = arith.constant 0 : i32
    %scan3A_533 = arith.constant 128 : i32
    %scan3A_534 = arith.addi %scan3A_532, %scan3A_533 : i32
    %scan3A_535 = arith.constant 1 : i32
    %scan3A_536 = scf.for %scan3A_658 = %scan3A_532 to %scan3A_534 step %scan3A_535 iter_args(%scan3A_659 = %broadcast_in_dim3A_5) -> (vector<16xf32>)  : i32 {
      %mul3A_660 = arith.constant 256 : i32
      %mul3A_661 = arith.muli %scan3A_658, %mul3A_660 : i32
      %add3A_662 = arith.constant 0 : i32
      %add3A_663 = arith.addi %mul3A_661, %add3A_662 : i32
      %get3A = arith.index_cast %add3A_663 : i32 to index
      %get3A_664 = tpu.vector_load %arg5[%get3A] {strides = array<i32>} : memref<33024xf32, #tpu.memory_space<vmem>>, vector<16xf32>,
      %mul3A_665 = arith.constant 256 : i32
      %mul3A_666 = arith.muli %scan3A_658, %mul3A_665 : i32
      %add3A_667 = arith.constant 16 : i32
      %add3A_668 = arith.addi %mul3A_666, %add3A_667 : i32
      %get3A_669 = arith.index_cast %add3A_668 : i32 to index
      %get3A_670 = tpu.vector_load %arg5[%get3A_669] {strides = array<i32>} : memref<33024xf32, #tpu.memory_space<vmem>>, vector<16xf32>,
      %mul3A_671 = arith.constant 256 : i32
      %mul3A_672 = arith.muli %scan3A_658, %mul3A_671 : i32
      %add3A_673 = arith.constant 32 : i32
      %add3A_674 = arith.addi %mul3A_672, %add3A_673 : i32
      %get3A_675 = arith.index_cast %add3A_674 : i32 to index
      %get3A_676 = tpu.vector_load %arg5[%get3A_675] {strides = array<i32>} : memref<33024xf32, #tpu.memory_space<vmem>>, vector<16xf32>,
      %mul3A_677 = arith.constant 256 : i32
      %mul3A_678 = arith.muli %scan3A_658, %mul3A_677 : i32
      %add3A_679 = arith.constant 48 : i32
      %add3A_680 = arith.addi %mul3A_678, %add3A_679 : i32
      %get3A_681 = arith.index_cast %add3A_680 : i32 to index
      %get3A_682 = tpu.vector_load %arg5[%get3A_681] {strides = array<i32>} : memref<33024xf32, #tpu.memory_space<vmem>>, vector<16xf32>,
      %mul3A_683 = arith.constant 256 : i32
      %mul3A_684 = arith.muli %scan3A_658, %mul3A_683 : i32
      %add3A_685 = arith.constant 64 : i32
      %add3A_686 = arith.addi %mul3A_684, %add3A_685 : i32
      %get3A_687 = arith.index_cast %add3A_686 : i32 to index
      %get3A_688 = tpu.vector_load %arg5[%get3A_687] {strides = array<i32>} : memref<33024xf32, #tpu.memory_space<vmem>>, vector<16xf32>,
      %mul3A_689 = arith.constant 256 : i32
      %mul3A_690 = arith.muli %scan3A_658, %mul3A_689 : i32
      %add3A_691 = arith.constant 80 : i32
      %add3A_692 = arith.addi %mul3A_690, %add3A_691 : i32
      %get3A_693 = arith.index_cast %add3A_692 : i32 to index
      %get3A_694 = tpu.vector_load %arg5[%get3A_693] {strides = array<i32>} : memref<33024xf32, #tpu.memory_space<vmem>>, vector<16xf32>,
      %mul3A_695 = arith.constant 256 : i32
      %mul3A_696 = arith.muli %scan3A_658, %mul3A_695 : i32
      %add3A_697 = arith.constant 96 : i32
      %add3A_698 = arith.addi %mul3A_696, %add3A_697 : i32
      %get3A_699 = arith.index_cast %add3A_698 : i32 to index
      %get3A_700 = tpu.vector_load %arg5[%get3A_699] {strides = array<i32>} : memref<33024xf32, #tpu.memory_space<vmem>>, vector<16xf32>,
      %mul3A_701 = arith.constant 256 : i32
      %mul3A_702 = arith.muli %scan3A_658, %mul3A_701 : i32
      %add3A_703 = arith.constant 112 : i32
      %add3A_704 = arith.addi %mul3A_702, %add3A_703 : i32
      %get3A_705 = arith.index_cast %add3A_704 : i32 to index
      %get3A_706 = tpu.vector_load %arg5[%get3A_705] {strides = array<i32>} : memref<33024xf32, #tpu.memory_space<vmem>>, vector<16xf32>,
      %mul3A_707 = arith.constant 256 : i32
      %mul3A_708 = arith.muli %scan3A_658, %mul3A_707 : i32
      %add3A_709 = arith.constant 128 : i32
      %add3A_710 = arith.addi %mul3A_708, %add3A_709 : i32
      %get3A_711 = arith.index_cast %add3A_710 : i32 to index
      %get3A_712 = tpu.vector_load %arg5[%get3A_711] {strides = array<i32>} : memref<33024xf32, #tpu.memory_space<vmem>>, vector<16xf32>,
      %mul3A_713 = arith.constant 256 : i32
      %mul3A_714 = arith.muli %scan3A_658, %mul3A_713 : i32
      %add3A_715 = arith.constant 144 : i32
      %add3A_716 = arith.addi %mul3A_714, %add3A_715 : i32
      %get3A_717 = arith.index_cast %add3A_716 : i32 to index
      %get3A_718 = tpu.vector_load %arg5[%get3A_717] {strides = array<i32>} : memref<33024xf32, #tpu.memory_space<vmem>>, vector<16xf32>,
      %mul3A_719 = arith.constant 256 : i32
      %mul3A_720 = arith.muli %scan3A_658, %mul3A_719 : i32
      %add3A_721 = arith.constant 160 : i32
      %add3A_722 = arith.addi %mul3A_720, %add3A_721 : i32
      %get3A_723 = arith.index_cast %add3A_722 : i32 to index
      %get3A_724 = tpu.vector_load %arg5[%get3A_723] {strides = array<i32>} : memref<33024xf32, #tpu.memory_space<vmem>>, vector<16xf32>,
      %mul3A_725 = arith.constant 256 : i32
      %mul3A_726 = arith.muli %scan3A_658, %mul3A_725 : i32
      %add3A_727 = arith.constant 176 : i32
      %add3A_728 = arith.addi %mul3A_726, %add3A_727 : i32
      %get3A_729 = arith.index_cast %add3A_728 : i32 to index
      %get3A_730 = tpu.vector_load %arg5[%get3A_729] {strides = array<i32>} : memref<33024xf32, #tpu.memory_space<vmem>>, vector<16xf32>,
      %mul3A_731 = arith.constant 256 : i32
      %mul3A_732 = arith.muli %scan3A_658, %mul3A_731 : i32
      %add3A_733 = arith.constant 192 : i32
      %add3A_734 = arith.addi %mul3A_732, %add3A_733 : i32
      %get3A_735 = arith.index_cast %add3A_734 : i32 to index
      %get3A_736 = tpu.vector_load %arg5[%get3A_735] {strides = array<i32>} : memref<33024xf32, #tpu.memory_space<vmem>>, vector<16xf32>,
      %mul3A_737 = arith.constant 256 : i32
      %mul3A_738 = arith.muli %scan3A_658, %mul3A_737 : i32
      %add3A_739 = arith.constant 208 : i32
      %add3A_740 = arith.addi %mul3A_738, %add3A_739 : i32
      %get3A_741 = arith.index_cast %add3A_740 : i32 to index
      %get3A_742 = tpu.vector_load %arg5[%get3A_741] {strides = array<i32>} : memref<33024xf32, #tpu.memory_space<vmem>>, vector<16xf32>,
      %mul3A_743 = arith.constant 256 : i32
      %mul3A_744 = arith.muli %scan3A_658, %mul3A_743 : i32
      %add3A_745 = arith.constant 224 : i32
      %add3A_746 = arith.addi %mul3A_744, %add3A_745 : i32
      %get3A_747 = arith.index_cast %add3A_746 : i32 to index
      %get3A_748 = tpu.vector_load %arg5[%get3A_747] {strides = array<i32>} : memref<33024xf32, #tpu.memory_space<vmem>>, vector<16xf32>,
      %mul3A_749 = arith.constant 256 : i32
      %mul3A_750 = arith.muli %scan3A_658, %mul3A_749 : i32
      %add3A_751 = arith.constant 240 : i32
      %add3A_752 = arith.addi %mul3A_750, %add3A_751 : i32
      %get3A_753 = arith.index_cast %add3A_752 : i32 to index
      %get3A_754 = tpu.vector_load %arg5[%get3A_753] {strides = array<i32>} : memref<33024xf32, #tpu.memory_space<vmem>>, vector<16xf32>,
      %max3A = arith.maximumf %get3A_664, %get3A_670 : vector<16xf32>
      %max3A_755 = arith.maximumf %get3A_676, %get3A_682 : vector<16xf32>
      %max3A_756 = arith.maximumf %get3A_688, %get3A_694 : vector<16xf32>
      %max3A_757 = arith.maximumf %get3A_700, %get3A_706 : vector<16xf32>
      %max3A_758 = arith.maximumf %get3A_712, %get3A_718 : vector<16xf32>
      %max3A_759 = arith.maximumf %get3A_724, %get3A_730 : vector<16xf32>
      %max3A_760 = arith.maximumf %get3A_736, %get3A_742 : vector<16xf32>
      %max3A_761 = arith.maximumf %get3A_748, %get3A_754 : vector<16xf32>
      %max3A_762 = arith.maximumf %max3A, %max3A_755 : vector<16xf32>
      %max3A_763 = arith.maximumf %max3A_756, %max3A_757 : vector<16xf32>
      %max3A_764 = arith.maximumf %max3A_758, %max3A_759 : vector<16xf32>
      %max3A_765 = arith.maximumf %max3A_760, %max3A_761 : vector<16xf32>
      %max3A_766 = arith.maximumf %max3A_762, %max3A_763 : vector<16xf32>
      %max3A_767 = arith.maximumf %max3A_764, %max3A_765 : vector<16xf32>
      %max3A_768 = arith.maximumf %max3A_766, %max3A_767 : vector<16xf32>
      %mul3A_769 = arith.constant 16 : i32
      %mul3A_770 = arith.muli %scan3A_658, %mul3A_769 : i32
      %swap3A_771 = arith.index_cast %mul3A_770 : i32 to index
      %swap3A_772 = tpu.vector_load %arg7[%swap3A_771] {strides = array<i32>} : memref<2048xf32, #tpu.memory_space<vmem>>, vector<16xf32>,
      tpu.vector_store %arg7[%swap3A_771], %max3A_768 {strides = array<i32>} : memref<2048xf32, #tpu.memory_space<vmem>>, vector<16xf32>,
      %max3A_773 = arith.maximumf %scan3A_659, %max3A_768 : vector<16xf32>
      scf.yield %max3A_773 : vector<16xf32>
    }
    %scan3A_537 = arith.constant 128 : i32
    %reduce_max3A_538 = arith.constant true
    %reduce_max3A_539 = vector.broadcast %reduce_max3A_538 : i1 to vector<16xi1>
    %reduce_max3A_540 = tpu.scan <max>, %scan3A_536 masked %reduce_max3A_539 : vector<16xf32>, vector<16xi1> -> vector<16xf32>
    %reduce_max3A_541 = vector.extract %reduce_max3A_540[15] : f32 from vector<16xf32>
    %sub3A_542 = arith.constant 1.000000e+00 : f32
    %sub3A_543 = arith.subf %reduce_max3A_541, %sub3A_542 : f32
    %broadcast_in_dim3A_544 = arith.constant 0 : i32
    %broadcast_in_dim3A_545 = vector.broadcast %broadcast_in_dim3A_544 : i32 to vector<16xi32>
    %scan3A_546 = arith.constant 0 : i32
    %scan3A_547 = arith.constant 128 : i32
    %scan3A_548 = arith.addi %scan3A_546, %scan3A_547 : i32
    %scan3A_549 = arith.constant 1 : i32
    %scan3A_550 = scf.for %scan3A_658 = %scan3A_546 to %scan3A_548 step %scan3A_549 iter_args(%scan3A_659 = %broadcast_in_dim3A_545) -> (vector<16xi32>)  : i32 {
      %mul3A_660 = arith.constant 16 : i32
      %mul3A_661 = arith.muli %scan3A_658, %mul3A_660 : i32
      %get3A = arith.index_cast %mul3A_661 : i32 to index
      %get3A_662 = tpu.vector_load %arg7[%get3A] {strides = array<i32>} : memref<2048xf32, #tpu.memory_space<vmem>>, vector<16xf32>,
      %gt3A = vector.broadcast %sub3A_543 : f32 to vector<16xf32>
      %gt3A_663 = arith.cmpf ogt, %get3A_662, %gt3A : vector<16xf32>
      %jit3A = arith.constant 1 : i32
      %jit3A_664 = arith.constant 0 : i32
      %broadcast_in_dim3A_665 = vector.broadcast %jit3A : i32 to vector<16xi32>
      %broadcast_in_dim3A_666 = vector.broadcast %jit3A_664 : i32 to vector<16xi32>
      %select_n3A = arith.select %gt3A_663, %broadcast_in_dim3A_665, %broadcast_in_dim3A_666 : vector<16xi1>, vector<16xi32>
      %broadcast_in_dim3A_667 = arith.constant true
      %broadcast_in_dim3A_668 = vector.broadcast %broadcast_in_dim3A_667 : i1 to vector<16xi1>
      %masked_cumsum3A = tpu.scan <sum>, %select_n3A masked %broadcast_in_dim3A_668 : vector<16xi32>, vector<16xi1> -> vector<16xi32>
      %sub3A_669 = arith.subi %masked_cumsum3A, %select_n3A : vector<16xi32>
      %add3A_670 = arith.addi %sub3A_669, %scan3A_659 : vector<16xi32>
      %mul3A_671 = arith.constant 16 : i32
      %mul3A_672 = arith.muli %scan3A_658, %mul3A_671 : i32
      %add3A_673 = vector.broadcast %mul3A_672 : i32 to vector<16xi32>
      %add3A_674 = arith.addi %add3A_673, %iota3A : vector<16xi32>
      tpu.vector_store_idx %arg8[%add3A_670], %add3A_674 masked %gt3A_663 : memref<2064xi32, #tpu.memory_space<vmem>>[vector<16xi32>], vector<16xi32>, vector<16xi1>
      %all_reduce_population_count3A = tpu.all_reduce %gt3A_663 {dim = 0 : i64, kind = #tpu.reduction_kind<sum>} : vector<16xi1> -> vector<16xi32>
      %add3A_675 = arith.addi %scan3A_659, %all_reduce_population_count3A : vector<16xi32>
      scf.yield %add3A_675 : vector<16xi32>
    }
    %scan3A_551 = arith.constant 128 : i32
    %reduce_max3A_552 = arith.constant true
    %reduce_max3A_553 = vector.broadcast %reduce_max3A_552 : i1 to vector<16xi1>
    %reduce_max3A_554 = arith.constant -2147483648 : i32
    %reduce_max3A_555 = vector.broadcast %reduce_max3A_554 : i32 to vector<16xi32>
    %reduce_max3A_556 = arith.xori %scan3A_550, %reduce_max3A_555 : vector<16xi32>
    %reduce_max3A_557 = tpu.scan <max>, %reduce_max3A_556 masked %reduce_max3A_553 : vector<16xi32>, vector<16xi1> -> vector<16xi32>
    %reduce_max3A_558 = arith.xori %reduce_max3A_557, %reduce_max3A_555 : vector<16xi32>
    %reduce_max3A_559 = vector.extract %reduce_max3A_558[15] : i32 from vector<16xi32>
    %add3A_560 = vector.broadcast %reduce_max3A_559 : i32 to vector<16xi32>
    %add3A_561 = arith.addi %add3A_560, %iota3A : vector<16xi32>
    %broadcast_in_dim3A_562 = arith.constant 2048 : i32
    %broadcast_in_dim3A_563 = vector.broadcast %broadcast_in_dim3A_562 : i32 to vector<16xi32>
    tpu.vector_store_idx %arg8[%add3A_561], %broadcast_in_dim3A_563 : memref<2064xi32, #tpu.memory_space<vmem>>[vector<16xi32>], vector<16xi32>,
    %add3A_564 = arith.constant 15 : i32
    %add3A_565 = arith.addi %reduce_max3A_559, %add3A_564 : i32
    %shift_right_logical3A_566 = arith.constant 4 : i32
    %shift_right_logical3A_567 = arith.shrui %add3A_565, %shift_right_logical3A_566 : i32
    %dma_wait3A_568 = arith.constant 0 : i32
    %dma_wait3A_569 = tpu.memref_slice %arg6[%dma_wait3A_568] : memref<33024xf32, #tpu.memory_space<vmem>> -> memref<16384xf32, #tpu.memory_space<vmem>>
    %dma_wait3A_570 = arith.constant 0 : i32
    %dma_wait3A_571 = tpu.memref_slice %arg3[%add3A_489, %dma_wait3A_570] : memref<128x32768xf32, #tpu.memory_space<hbm>> -> memref<1x16384xf32, #tpu.memory_space<hbm>>
    %dma_wait3A_572 = tpu.memref_squeeze %dma_wait3A_571 : memref<1x16384xf32, #tpu.memory_space<hbm>> -> memref<16384xf32, #tpu.memory_space<hbm>>
    %dma_wait3A_573 = arith.constant 0 : i32
    %dma_wait3A_574 = tpu.memref_slice %arg3[%add3A_489, %dma_wait3A_573] : memref<128x32768xf32, #tpu.memory_space<hbm>> -> memref<1x16384xf32, #tpu.memory_space<hbm>>
    %dma_wait3A_575 = tpu.memref_squeeze %dma_wait3A_574 : memref<1x16384xf32, #tpu.memory_space<hbm>> -> memref<16384xf32, #tpu.memory_space<hbm>>
    %dma_wait3A_576 = arith.constant 0 : i32
    %dma_wait3A_577 = tpu.memref_slice %arg6[%dma_wait3A_576] : memref<33024xf32, #tpu.memory_space<vmem>> -> memref<16384xf32, #tpu.memory_space<vmem>>
    tpu.wait_dma2 semaphore(%arg13 : memref<!tpu.dma_semaphore, #tpu.memory_space<semaphore_mem>>) src(%dma_wait3A_577 : memref<16384xf32, #tpu.memory_space<vmem>>) dst(%dma_wait3A_575 : memref<16384xf32, #tpu.memory_space<hbm>>)
    %dma_wait3A_578 = arith.constant 16384 : i32
    %dma_wait3A_579 = tpu.memref_slice %arg6[%dma_wait3A_578] : memref<33024xf32, #tpu.memory_space<vmem>> -> memref<16384xf32, #tpu.memory_space<vmem>>
    %dma_wait3A_580 = arith.constant 16384 : i32
    %dma_wait3A_581 = tpu.memref_slice %arg3[%add3A_501, %dma_wait3A_580] : memref<128x32768xf32, #tpu.memory_space<hbm>> -> memref<1x16384xf32, #tpu.memory_space<hbm>>
    %dma_wait3A_582 = tpu.memref_squeeze %dma_wait3A_581 : memref<1x16384xf32, #tpu.memory_space<hbm>> -> memref<16384xf32, #tpu.memory_space<hbm>>
    %dma_wait3A_583 = arith.constant 16384 : i32
    %dma_wait3A_584 = tpu.memref_slice %arg3[%add3A_501, %dma_wait3A_583] : memref<128x32768xf32, #tpu.memory_space<hbm>> -> memref<1x16384xf32, #tpu.memory_space<hbm>>
    %dma_wait3A_585 = tpu.memref_squeeze %dma_wait3A_584 : memref<1x16384xf32, #tpu.memory_space<hbm>> -> memref<16384xf32, #tpu.memory_space<hbm>>
    %dma_wait3A_586 = arith.constant 16384 : i32
    %dma_wait3A_587 = tpu.memref_slice %arg6[%dma_wait3A_586] : memref<33024xf32, #tpu.memory_space<vmem>> -> memref<16384xf32, #tpu.memory_space<vmem>>
    tpu.wait_dma2 semaphore(%arg14 : memref<!tpu.dma_semaphore, #tpu.memory_space<semaphore_mem>>) src(%dma_wait3A_587 : memref<16384xf32, #tpu.memory_space<vmem>>) dst(%dma_wait3A_585 : memref<16384xf32, #tpu.memory_space<hbm>>)
    %while3A_588 = arith.constant 0 : i32
    %while3A_589 = arith.constant 0 : i32
    %while3A_590 = arith.subi %shift_right_logical3A_567, %while3A_589 : i32
    %while3A_591 = arith.addi %while3A_589, %while3A_590 : i32
    %while3A_592 = arith.constant 1 : i32
    %while3A_593 = arith.divsi %while3A_590, %while3A_592 : i32
    %while3A_594 = arith.muli %while3A_593, %while3A_592 : i32
    %while3A_595 = arith.addi %while3A_589, %while3A_594 : i32
    %while3A_596 = arith.constant 1 : i32
    scf.for %while3A_658 = %while3A_589 to %while3A_595 step %while3A_596  : i32 {
      %mul3A_659 = arith.constant 16 : i32
      %mul3A_660 = arith.muli %while3A_658, %mul3A_659 : i32
      %get3A = arith.index_cast %mul3A_660 : i32 to index
      %get3A_661 = tpu.vector_load %arg8[%get3A] {strides = array<i32>} : memref<2064xi32, #tpu.memory_space<vmem>>, vector<16xi32>,
      %shift_right_logical3A_662 = arith.constant 4 : i32
      %shift_right_logical3A_663 = vector.broadcast %shift_right_logical3A_662 : i32 to vector<16xi32>
      %shift_right_logical3A_664 = arith.shrui %get3A_661, %shift_right_logical3A_663 : vector<16xi32>
      %mul3A_665 = arith.constant 256 : i32
      %mul3A_666 = vector.broadcast %mul3A_665 : i32 to vector<16xi32>
      %mul3A_667 = arith.muli %shift_right_logical3A_664, %mul3A_666 : vector<16xi32>
      %and3A = arith.constant 15 : i32
      %and3A_668 = vector.broadcast %and3A : i32 to vector<16xi32>
      %and3A_669 = arith.andi %get3A_661, %and3A_668 : vector<16xi32>
      %add3A_670 = arith.addi %mul3A_667, %and3A_669 : vector<16xi32>
      %add3A_671 = arith.constant 0 : i32
      %add3A_672 = vector.broadcast %add3A_671 : i32 to vector<16xi32>
      %add3A_673 = arith.addi %add3A_670, %add3A_672 : vector<16xi32>
      %gather3A = tpu.vector_load_idx %arg5[%add3A_673] : memref<33024xf32, #tpu.memory_space<vmem>>[vector<16xi32>], vector<16xf32>,
      %mul3A_674 = arith.constant 256 : i32
      %mul3A_675 = arith.muli %while3A_658, %mul3A_674 : i32
      %add3A_676 = arith.constant 0 : i32
      %add3A_677 = arith.addi %mul3A_675, %add3A_676 : i32
      %swap3A_678 = arith.index_cast %add3A_677 : i32 to index
      %swap3A_679 = tpu.vector_load %arg6[%swap3A_678] {strides = array<i32>} : memref<33024xf32, #tpu.memory_space<vmem>>, vector<16xf32>,
      tpu.vector_store %arg6[%swap3A_678], %gather3A {strides = array<i32>} : memref<33024xf32, #tpu.memory_space<vmem>>, vector<16xf32>,
      %add3A_680 = arith.constant 16 : i32
      %add3A_681 = vector.broadcast %add3A_680 : i32 to vector<16xi32>
      %add3A_682 = arith.addi %add3A_670, %add3A_681 : vector<16xi32>
      %gather3A_683 = tpu.vector_load_idx %arg5[%add3A_682] : memref<33024xf32, #tpu.memory_space<vmem>>[vector<16xi32>], vector<16xf32>,
      %mul3A_684 = arith.constant 256 : i32
      %mul3A_685 = arith.muli %while3A_658, %mul3A_684 : i32
      %add3A_686 = arith.constant 16 : i32
      %add3A_687 = arith.addi %mul3A_685, %add3A_686 : i32
      %swap3A_688 = arith.index_cast %add3A_687 : i32 to index
      %swap3A_689 = tpu.vector_load %arg6[%swap3A_688] {strides = array<i32>} : memref<33024xf32, #tpu.memory_space<vmem>>, vector<16xf32>,
      tpu.vector_store %arg6[%swap3A_688], %gather3A_683 {strides = array<i32>} : memref<33024xf32, #tpu.memory_space<vmem>>, vector<16xf32>,
      %add3A_690 = arith.constant 32 : i32
      %add3A_691 = vector.broadcast %add3A_690 : i32 to vector<16xi32>
      %add3A_692 = arith.addi %add3A_670, %add3A_691 : vector<16xi32>
      %gather3A_693 = tpu.vector_load_idx %arg5[%add3A_692] : memref<33024xf32, #tpu.memory_space<vmem>>[vector<16xi32>], vector<16xf32>,
      %mul3A_694 = arith.constant 256 : i32
      %mul3A_695 = arith.muli %while3A_658, %mul3A_694 : i32
      %add3A_696 = arith.constant 32 : i32
      %add3A_697 = arith.addi %mul3A_695, %add3A_696 : i32
      %swap3A_698 = arith.index_cast %add3A_697 : i32 to index
      %swap3A_699 = tpu.vector_load %arg6[%swap3A_698] {strides = array<i32>} : memref<33024xf32, #tpu.memory_space<vmem>>, vector<16xf32>,
      tpu.vector_store %arg6[%swap3A_698], %gather3A_693 {strides = array<i32>} : memref<33024xf32, #tpu.memory_space<vmem>>, vector<16xf32>,
      %add3A_700 = arith.constant 48 : i32
      %add3A_701 = vector.broadcast %add3A_700 : i32 to vector<16xi32>
      %add3A_702 = arith.addi %add3A_670, %add3A_701 : vector<16xi32>
      %gather3A_703 = tpu.vector_load_idx %arg5[%add3A_702] : memref<33024xf32, #tpu.memory_space<vmem>>[vector<16xi32>], vector<16xf32>,
      %mul3A_704 = arith.constant 256 : i32
      %mul3A_705 = arith.muli %while3A_658, %mul3A_704 : i32
      %add3A_706 = arith.constant 48 : i32
      %add3A_707 = arith.addi %mul3A_705, %add3A_706 : i32
      %swap3A_708 = arith.index_cast %add3A_707 : i32 to index
      %swap3A_709 = tpu.vector_load %arg6[%swap3A_708] {strides = array<i32>} : memref<33024xf32, #tpu.memory_space<vmem>>, vector<16xf32>,
      tpu.vector_store %arg6[%swap3A_708], %gather3A_703 {strides = array<i32>} : memref<33024xf32, #tpu.memory_space<vmem>>, vector<16xf32>,
      %add3A_710 = arith.constant 64 : i32
      %add3A_711 = vector.broadcast %add3A_710 : i32 to vector<16xi32>
      %add3A_712 = arith.addi %add3A_670, %add3A_711 : vector<16xi32>
      %gather3A_713 = tpu.vector_load_idx %arg5[%add3A_712] : memref<33024xf32, #tpu.memory_space<vmem>>[vector<16xi32>], vector<16xf32>,
      %mul3A_714 = arith.constant 256 : i32
      %mul3A_715 = arith.muli %while3A_658, %mul3A_714 : i32
      %add3A_716 = arith.constant 64 : i32
      %add3A_717 = arith.addi %mul3A_715, %add3A_716 : i32
      %swap3A_718 = arith.index_cast %add3A_717 : i32 to index
      %swap3A_719 = tpu.vector_load %arg6[%swap3A_718] {strides = array<i32>} : memref<33024xf32, #tpu.memory_space<vmem>>, vector<16xf32>,
      tpu.vector_store %arg6[%swap3A_718], %gather3A_713 {strides = array<i32>} : memref<33024xf32, #tpu.memory_space<vmem>>, vector<16xf32>,
      %add3A_720 = arith.constant 80 : i32
      %add3A_721 = vector.broadcast %add3A_720 : i32 to vector<16xi32>
      %add3A_722 = arith.addi %add3A_670, %add3A_721 : vector<16xi32>
      %gather3A_723 = tpu.vector_load_idx %arg5[%add3A_722] : memref<33024xf32, #tpu.memory_space<vmem>>[vector<16xi32>], vector<16xf32>,
      %mul3A_724 = arith.constant 256 : i32
      %mul3A_725 = arith.muli %while3A_658, %mul3A_724 : i32
      %add3A_726 = arith.constant 80 : i32
      %add3A_727 = arith.addi %mul3A_725, %add3A_726 : i32
      %swap3A_728 = arith.index_cast %add3A_727 : i32 to index
      %swap3A_729 = tpu.vector_load %arg6[%swap3A_728] {strides = array<i32>} : memref<33024xf32, #tpu.memory_space<vmem>>, vector<16xf32>,
      tpu.vector_store %arg6[%swap3A_728], %gather3A_723 {strides = array<i32>} : memref<33024xf32, #tpu.memory_space<vmem>>, vector<16xf32>,
      %add3A_730 = arith.constant 96 : i32
      %add3A_731 = vector.broadcast %add3A_730 : i32 to vector<16xi32>
      %add3A_732 = arith.addi %add3A_670, %add3A_731 : vector<16xi32>
      %gather3A_733 = tpu.vector_load_idx %arg5[%add3A_732] : memref<33024xf32, #tpu.memory_space<vmem>>[vector<16xi32>], vector<16xf32>,
      %mul3A_734 = arith.constant 256 : i32
      %mul3A_735 = arith.muli %while3A_658, %mul3A_734 : i32
      %add3A_736 = arith.constant 96 : i32
      %add3A_737 = arith.addi %mul3A_735, %add3A_736 : i32
      %swap3A_738 = arith.index_cast %add3A_737 : i32 to index
      %swap3A_739 = tpu.vector_load %arg6[%swap3A_738] {strides = array<i32>} : memref<33024xf32, #tpu.memory_space<vmem>>, vector<16xf32>,
      tpu.vector_store %arg6[%swap3A_738], %gather3A_733 {strides = array<i32>} : memref<33024xf32, #tpu.memory_space<vmem>>, vector<16xf32>,
      %add3A_740 = arith.constant 112 : i32
      %add3A_741 = vector.broadcast %add3A_740 : i32 to vector<16xi32>
      %add3A_742 = arith.addi %add3A_670, %add3A_741 : vector<16xi32>
      %gather3A_743 = tpu.vector_load_idx %arg5[%add3A_742] : memref<33024xf32, #tpu.memory_space<vmem>>[vector<16xi32>], vector<16xf32>,
      %mul3A_744 = arith.constant 256 : i32
      %mul3A_745 = arith.muli %while3A_658, %mul3A_744 : i32
      %add3A_746 = arith.constant 112 : i32
      %add3A_747 = arith.addi %mul3A_745, %add3A_746 : i32
      %swap3A_748 = arith.index_cast %add3A_747 : i32 to index
      %swap3A_749 = tpu.vector_load %arg6[%swap3A_748] {strides = array<i32>} : memref<33024xf32, #tpu.memory_space<vmem>>, vector<16xf32>,
      tpu.vector_store %arg6[%swap3A_748], %gather3A_743 {strides = array<i32>} : memref<33024xf32, #tpu.memory_space<vmem>>, vector<16xf32>,
      %add3A_750 = arith.constant 128 : i32
      %add3A_751 = vector.broadcast %add3A_750 : i32 to vector<16xi32>
      %add3A_752 = arith.addi %add3A_670, %add3A_751 : vector<16xi32>
      %gather3A_753 = tpu.vector_load_idx %arg5[%add3A_752] : memref<33024xf32, #tpu.memory_space<vmem>>[vector<16xi32>], vector<16xf32>,
      %mul3A_754 = arith.constant 256 : i32
      %mul3A_755 = arith.muli %while3A_658, %mul3A_754 : i32
      %add3A_756 = arith.constant 128 : i32
      %add3A_757 = arith.addi %mul3A_755, %add3A_756 : i32
      %swap3A_758 = arith.index_cast %add3A_757 : i32 to index
      %swap3A_759 = tpu.vector_load %arg6[%swap3A_758] {strides = array<i32>} : memref<33024xf32, #tpu.memory_space<vmem>>, vector<16xf32>,
      tpu.vector_store %arg6[%swap3A_758], %gather3A_753 {strides = array<i32>} : memref<33024xf32, #tpu.memory_space<vmem>>, vector<16xf32>,
      %add3A_760 = arith.constant 144 : i32
      %add3A_761 = vector.broadcast %add3A_760 : i32 to vector<16xi32>
      %add3A_762 = arith.addi %add3A_670, %add3A_761 : vector<16xi32>
      %gather3A_763 = tpu.vector_load_idx %arg5[%add3A_762] : memref<33024xf32, #tpu.memory_space<vmem>>[vector<16xi32>], vector<16xf32>,
      %mul3A_764 = arith.constant 256 : i32
      %mul3A_765 = arith.muli %while3A_658, %mul3A_764 : i32
      %add3A_766 = arith.constant 144 : i32
      %add3A_767 = arith.addi %mul3A_765, %add3A_766 : i32
      %swap3A_768 = arith.index_cast %add3A_767 : i32 to index
      %swap3A_769 = tpu.vector_load %arg6[%swap3A_768] {strides = array<i32>} : memref<33024xf32, #tpu.memory_space<vmem>>, vector<16xf32>,
      tpu.vector_store %arg6[%swap3A_768], %gather3A_763 {strides = array<i32>} : memref<33024xf32, #tpu.memory_space<vmem>>, vector<16xf32>,
      %add3A_770 = arith.constant 160 : i32
      %add3A_771 = vector.broadcast %add3A_770 : i32 to vector<16xi32>
      %add3A_772 = arith.addi %add3A_670, %add3A_771 : vector<16xi32>
      %gather3A_773 = tpu.vector_load_idx %arg5[%add3A_772] : memref<33024xf32, #tpu.memory_space<vmem>>[vector<16xi32>], vector<16xf32>,
      %mul3A_774 = arith.constant 256 : i32
      %mul3A_775 = arith.muli %while3A_658, %mul3A_774 : i32
      %add3A_776 = arith.constant 160 : i32
      %add3A_777 = arith.addi %mul3A_775, %add3A_776 : i32
      %swap3A_778 = arith.index_cast %add3A_777 : i32 to index
      %swap3A_779 = tpu.vector_load %arg6[%swap3A_778] {strides = array<i32>} : memref<33024xf32, #tpu.memory_space<vmem>>, vector<16xf32>,
      tpu.vector_store %arg6[%swap3A_778], %gather3A_773 {strides = array<i32>} : memref<33024xf32, #tpu.memory_space<vmem>>, vector<16xf32>,
      %add3A_780 = arith.constant 176 : i32
      %add3A_781 = vector.broadcast %add3A_780 : i32 to vector<16xi32>
      %add3A_782 = arith.addi %add3A_670, %add3A_781 : vector<16xi32>
      %gather3A_783 = tpu.vector_load_idx %arg5[%add3A_782] : memref<33024xf32, #tpu.memory_space<vmem>>[vector<16xi32>], vector<16xf32>,
      %mul3A_784 = arith.constant 256 : i32
      %mul3A_785 = arith.muli %while3A_658, %mul3A_784 : i32
      %add3A_786 = arith.constant 176 : i32
      %add3A_787 = arith.addi %mul3A_785, %add3A_786 : i32
      %swap3A_788 = arith.index_cast %add3A_787 : i32 to index
      %swap3A_789 = tpu.vector_load %arg6[%swap3A_788] {strides = array<i32>} : memref<33024xf32, #tpu.memory_space<vmem>>, vector<16xf32>,
      tpu.vector_store %arg6[%swap3A_788], %gather3A_783 {strides = array<i32>} : memref<33024xf32, #tpu.memory_space<vmem>>, vector<16xf32>,
      %add3A_790 = arith.constant 192 : i32
      %add3A_791 = vector.broadcast %add3A_790 : i32 to vector<16xi32>
      %add3A_792 = arith.addi %add3A_670, %add3A_791 : vector<16xi32>
      %gather3A_793 = tpu.vector_load_idx %arg5[%add3A_792] : memref<33024xf32, #tpu.memory_space<vmem>>[vector<16xi32>], vector<16xf32>,
      %mul3A_794 = arith.constant 256 : i32
      %mul3A_795 = arith.muli %while3A_658, %mul3A_794 : i32
      %add3A_796 = arith.constant 192 : i32
      %add3A_797 = arith.addi %mul3A_795, %add3A_796 : i32
      %swap3A_798 = arith.index_cast %add3A_797 : i32 to index
      %swap3A_799 = tpu.vector_load %arg6[%swap3A_798] {strides = array<i32>} : memref<33024xf32, #tpu.memory_space<vmem>>, vector<16xf32>,
      tpu.vector_store %arg6[%swap3A_798], %gather3A_793 {strides = array<i32>} : memref<33024xf32, #tpu.memory_space<vmem>>, vector<16xf32>,
      %add3A_800 = arith.constant 208 : i32
      %add3A_801 = vector.broadcast %add3A_800 : i32 to vector<16xi32>
      %add3A_802 = arith.addi %add3A_670, %add3A_801 : vector<16xi32>
      %gather3A_803 = tpu.vector_load_idx %arg5[%add3A_802] : memref<33024xf32, #tpu.memory_space<vmem>>[vector<16xi32>], vector<16xf32>,
      %mul3A_804 = arith.constant 256 : i32
      %mul3A_805 = arith.muli %while3A_658, %mul3A_804 : i32
      %add3A_806 = arith.constant 208 : i32
      %add3A_807 = arith.addi %mul3A_805, %add3A_806 : i32
      %swap3A_808 = arith.index_cast %add3A_807 : i32 to index
      %swap3A_809 = tpu.vector_load %arg6[%swap3A_808] {strides = array<i32>} : memref<33024xf32, #tpu.memory_space<vmem>>, vector<16xf32>,
      tpu.vector_store %arg6[%swap3A_808], %gather3A_803 {strides = array<i32>} : memref<33024xf32, #tpu.memory_space<vmem>>, vector<16xf32>,
      %add3A_810 = arith.constant 224 : i32
      %add3A_811 = vector.broadcast %add3A_810 : i32 to vector<16xi32>
      %add3A_812 = arith.addi %add3A_670, %add3A_811 : vector<16xi32>
      %gather3A_813 = tpu.vector_load_idx %arg5[%add3A_812] : memref<33024xf32, #tpu.memory_space<vmem>>[vector<16xi32>], vector<16xf32>,
      %mul3A_814 = arith.constant 256 : i32
      %mul3A_815 = arith.muli %while3A_658, %mul3A_814 : i32
      %add3A_816 = arith.constant 224 : i32
      %add3A_817 = arith.addi %mul3A_815, %add3A_816 : i32
      %swap3A_818 = arith.index_cast %add3A_817 : i32 to index
      %swap3A_819 = tpu.vector_load %arg6[%swap3A_818] {strides = array<i32>} : memref<33024xf32, #tpu.memory_space<vmem>>, vector<16xf32>,
      tpu.vector_store %arg6[%swap3A_818], %gather3A_813 {strides = array<i32>} : memref<33024xf32, #tpu.memory_space<vmem>>, vector<16xf32>,
      %add3A_820 = arith.constant 240 : i32
      %add3A_821 = vector.broadcast %add3A_820 : i32 to vector<16xi32>
      %add3A_822 = arith.addi %add3A_670, %add3A_821 : vector<16xi32>
      %gather3A_823 = tpu.vector_load_idx %arg5[%add3A_822] : memref<33024xf32, #tpu.memory_space<vmem>>[vector<16xi32>], vector<16xf32>,
      %mul3A_824 = arith.constant 256 : i32
      %mul3A_825 = arith.muli %while3A_658, %mul3A_824 : i32
      %add3A_826 = arith.constant 240 : i32
      %add3A_827 = arith.addi %mul3A_825, %add3A_826 : i32
      %swap3A_828 = arith.index_cast %add3A_827 : i32 to index
      %swap3A_829 = tpu.vector_load %arg6[%swap3A_828] {strides = array<i32>} : memref<33024xf32, #tpu.memory_space<vmem>>, vector<16xf32>,
      tpu.vector_store %arg6[%swap3A_828], %gather3A_823 {strides = array<i32>} : memref<33024xf32, #tpu.memory_space<vmem>>, vector<16xf32>,
    }
    %while3A_597 = arith.constant 1 : i32
    scf.for %while3A_658 = %while3A_595 to %while3A_591 step %while3A_597  : i32 {
      %mul3A_659 = arith.constant 16 : i32
      %mul3A_660 = arith.muli %while3A_658, %mul3A_659 : i32
      %get3A = arith.index_cast %mul3A_660 : i32 to index
      %get3A_661 = tpu.vector_load %arg8[%get3A] {strides = array<i32>} : memref<2064xi32, #tpu.memory_space<vmem>>, vector<16xi32>,
      %shift_right_logical3A_662 = arith.constant 4 : i32
      %shift_right_logical3A_663 = vector.broadcast %shift_right_logical3A_662 : i32 to vector<16xi32>
      %shift_right_logical3A_664 = arith.shrui %get3A_661, %shift_right_logical3A_663 : vector<16xi32>
      %mul3A_665 = arith.constant 256 : i32
      %mul3A_666 = vector.broadcast %mul3A_665 : i32 to vector<16xi32>
      %mul3A_667 = arith.muli %shift_right_logical3A_664, %mul3A_666 : vector<16xi32>
      %and3A = arith.constant 15 : i32
      %and3A_668 = vector.broadcast %and3A : i32 to vector<16xi32>
      %and3A_669 = arith.andi %get3A_661, %and3A_668 : vector<16xi32>
      %add3A_670 = arith.addi %mul3A_667, %and3A_669 : vector<16xi32>
      %add3A_671 = arith.constant 0 : i32
      %add3A_672 = vector.broadcast %add3A_671 : i32 to vector<16xi32>
      %add3A_673 = arith.addi %add3A_670, %add3A_672 : vector<16xi32>
      %gather3A = tpu.vector_load_idx %arg5[%add3A_673] : memref<33024xf32, #tpu.memory_space<vmem>>[vector<16xi32>], vector<16xf32>,
      %mul3A_674 = arith.constant 256 : i32
      %mul3A_675 = arith.muli %while3A_658, %mul3A_674 : i32
      %add3A_676 = arith.constant 0 : i32
      %add3A_677 = arith.addi %mul3A_675, %add3A_676 : i32
      %swap3A_678 = arith.index_cast %add3A_677 : i32 to index
      %swap3A_679 = tpu.vector_load %arg6[%swap3A_678] {strides = array<i32>} : memref<33024xf32, #tpu.memory_space<vmem>>, vector<16xf32>,
      tpu.vector_store %arg6[%swap3A_678], %gather3A {strides = array<i32>} : memref<33024xf32, #tpu.memory_space<vmem>>, vector<16xf32>,
      %add3A_680 = arith.constant 16 : i32
      %add3A_681 = vector.broadcast %add3A_680 : i32 to vector<16xi32>
      %add3A_682 = arith.addi %add3A_670, %add3A_681 : vector<16xi32>
      %gather3A_683 = tpu.vector_load_idx %arg5[%add3A_682] : memref<33024xf32, #tpu.memory_space<vmem>>[vector<16xi32>], vector<16xf32>,
      %mul3A_684 = arith.constant 256 : i32
      %mul3A_685 = arith.muli %while3A_658, %mul3A_684 : i32
      %add3A_686 = arith.constant 16 : i32
      %add3A_687 = arith.addi %mul3A_685, %add3A_686 : i32
      %swap3A_688 = arith.index_cast %add3A_687 : i32 to index
      %swap3A_689 = tpu.vector_load %arg6[%swap3A_688] {strides = array<i32>} : memref<33024xf32, #tpu.memory_space<vmem>>, vector<16xf32>,
      tpu.vector_store %arg6[%swap3A_688], %gather3A_683 {strides = array<i32>} : memref<33024xf32, #tpu.memory_space<vmem>>, vector<16xf32>,
      %add3A_690 = arith.constant 32 : i32
      %add3A_691 = vector.broadcast %add3A_690 : i32 to vector<16xi32>
      %add3A_692 = arith.addi %add3A_670, %add3A_691 : vector<16xi32>
      %gather3A_693 = tpu.vector_load_idx %arg5[%add3A_692] : memref<33024xf32, #tpu.memory_space<vmem>>[vector<16xi32>], vector<16xf32>,
      %mul3A_694 = arith.constant 256 : i32
      %mul3A_695 = arith.muli %while3A_658, %mul3A_694 : i32
      %add3A_696 = arith.constant 32 : i32
      %add3A_697 = arith.addi %mul3A_695, %add3A_696 : i32
      %swap3A_698 = arith.index_cast %add3A_697 : i32 to index
      %swap3A_699 = tpu.vector_load %arg6[%swap3A_698] {strides = array<i32>} : memref<33024xf32, #tpu.memory_space<vmem>>, vector<16xf32>,
      tpu.vector_store %arg6[%swap3A_698], %gather3A_693 {strides = array<i32>} : memref<33024xf32, #tpu.memory_space<vmem>>, vector<16xf32>,
      %add3A_700 = arith.constant 48 : i32
      %add3A_701 = vector.broadcast %add3A_700 : i32 to vector<16xi32>
      %add3A_702 = arith.addi %add3A_670, %add3A_701 : vector<16xi32>
      %gather3A_703 = tpu.vector_load_idx %arg5[%add3A_702] : memref<33024xf32, #tpu.memory_space<vmem>>[vector<16xi32>], vector<16xf32>,
      %mul3A_704 = arith.constant 256 : i32
      %mul3A_705 = arith.muli %while3A_658, %mul3A_704 : i32
      %add3A_706 = arith.constant 48 : i32
      %add3A_707 = arith.addi %mul3A_705, %add3A_706 : i32
      %swap3A_708 = arith.index_cast %add3A_707 : i32 to index
      %swap3A_709 = tpu.vector_load %arg6[%swap3A_708] {strides = array<i32>} : memref<33024xf32, #tpu.memory_space<vmem>>, vector<16xf32>,
      tpu.vector_store %arg6[%swap3A_708], %gather3A_703 {strides = array<i32>} : memref<33024xf32, #tpu.memory_space<vmem>>, vector<16xf32>,
      %add3A_710 = arith.constant 64 : i32
      %add3A_711 = vector.broadcast %add3A_710 : i32 to vector<16xi32>
      %add3A_712 = arith.addi %add3A_670, %add3A_711 : vector<16xi32>
      %gather3A_713 = tpu.vector_load_idx %arg5[%add3A_712] : memref<33024xf32, #tpu.memory_space<vmem>>[vector<16xi32>], vector<16xf32>,
      %mul3A_714 = arith.constant 256 : i32
      %mul3A_715 = arith.muli %while3A_658, %mul3A_714 : i32
      %add3A_716 = arith.constant 64 : i32
      %add3A_717 = arith.addi %mul3A_715, %add3A_716 : i32
      %swap3A_718 = arith.index_cast %add3A_717 : i32 to index
      %swap3A_719 = tpu.vector_load %arg6[%swap3A_718] {strides = array<i32>} : memref<33024xf32, #tpu.memory_space<vmem>>, vector<16xf32>,
      tpu.vector_store %arg6[%swap3A_718], %gather3A_713 {strides = array<i32>} : memref<33024xf32, #tpu.memory_space<vmem>>, vector<16xf32>,
      %add3A_720 = arith.constant 80 : i32
      %add3A_721 = vector.broadcast %add3A_720 : i32 to vector<16xi32>
      %add3A_722 = arith.addi %add3A_670, %add3A_721 : vector<16xi32>
      %gather3A_723 = tpu.vector_load_idx %arg5[%add3A_722] : memref<33024xf32, #tpu.memory_space<vmem>>[vector<16xi32>], vector<16xf32>,
      %mul3A_724 = arith.constant 256 : i32
      %mul3A_725 = arith.muli %while3A_658, %mul3A_724 : i32
      %add3A_726 = arith.constant 80 : i32
      %add3A_727 = arith.addi %mul3A_725, %add3A_726 : i32
      %swap3A_728 = arith.index_cast %add3A_727 : i32 to index
      %swap3A_729 = tpu.vector_load %arg6[%swap3A_728] {strides = array<i32>} : memref<33024xf32, #tpu.memory_space<vmem>>, vector<16xf32>,
      tpu.vector_store %arg6[%swap3A_728], %gather3A_723 {strides = array<i32>} : memref<33024xf32, #tpu.memory_space<vmem>>, vector<16xf32>,
      %add3A_730 = arith.constant 96 : i32
      %add3A_731 = vector.broadcast %add3A_730 : i32 to vector<16xi32>
      %add3A_732 = arith.addi %add3A_670, %add3A_731 : vector<16xi32>
      %gather3A_733 = tpu.vector_load_idx %arg5[%add3A_732] : memref<33024xf32, #tpu.memory_space<vmem>>[vector<16xi32>], vector<16xf32>,
      %mul3A_734 = arith.constant 256 : i32
      %mul3A_735 = arith.muli %while3A_658, %mul3A_734 : i32
      %add3A_736 = arith.constant 96 : i32
      %add3A_737 = arith.addi %mul3A_735, %add3A_736 : i32
      %swap3A_738 = arith.index_cast %add3A_737 : i32 to index
      %swap3A_739 = tpu.vector_load %arg6[%swap3A_738] {strides = array<i32>} : memref<33024xf32, #tpu.memory_space<vmem>>, vector<16xf32>,
      tpu.vector_store %arg6[%swap3A_738], %gather3A_733 {strides = array<i32>} : memref<33024xf32, #tpu.memory_space<vmem>>, vector<16xf32>,
      %add3A_740 = arith.constant 112 : i32
      %add3A_741 = vector.broadcast %add3A_740 : i32 to vector<16xi32>
      %add3A_742 = arith.addi %add3A_670, %add3A_741 : vector<16xi32>
      %gather3A_743 = tpu.vector_load_idx %arg5[%add3A_742] : memref<33024xf32, #tpu.memory_space<vmem>>[vector<16xi32>], vector<16xf32>,
      %mul3A_744 = arith.constant 256 : i32
      %mul3A_745 = arith.muli %while3A_658, %mul3A_744 : i32
      %add3A_746 = arith.constant 112 : i32
      %add3A_747 = arith.addi %mul3A_745, %add3A_746 : i32
      %swap3A_748 = arith.index_cast %add3A_747 : i32 to index
      %swap3A_749 = tpu.vector_load %arg6[%swap3A_748] {strides = array<i32>} : memref<33024xf32, #tpu.memory_space<vmem>>, vector<16xf32>,
      tpu.vector_store %arg6[%swap3A_748], %gather3A_743 {strides = array<i32>} : memref<33024xf32, #tpu.memory_space<vmem>>, vector<16xf32>,
      %add3A_750 = arith.constant 128 : i32
      %add3A_751 = vector.broadcast %add3A_750 : i32 to vector<16xi32>
      %add3A_752 = arith.addi %add3A_670, %add3A_751 : vector<16xi32>
      %gather3A_753 = tpu.vector_load_idx %arg5[%add3A_752] : memref<33024xf32, #tpu.memory_space<vmem>>[vector<16xi32>], vector<16xf32>,
      %mul3A_754 = arith.constant 256 : i32
      %mul3A_755 = arith.muli %while3A_658, %mul3A_754 : i32
      %add3A_756 = arith.constant 128 : i32
      %add3A_757 = arith.addi %mul3A_755, %add3A_756 : i32
      %swap3A_758 = arith.index_cast %add3A_757 : i32 to index
      %swap3A_759 = tpu.vector_load %arg6[%swap3A_758] {strides = array<i32>} : memref<33024xf32, #tpu.memory_space<vmem>>, vector<16xf32>,
      tpu.vector_store %arg6[%swap3A_758], %gather3A_753 {strides = array<i32>} : memref<33024xf32, #tpu.memory_space<vmem>>, vector<16xf32>,
      %add3A_760 = arith.constant 144 : i32
      %add3A_761 = vector.broadcast %add3A_760 : i32 to vector<16xi32>
      %add3A_762 = arith.addi %add3A_670, %add3A_761 : vector<16xi32>
      %gather3A_763 = tpu.vector_load_idx %arg5[%add3A_762] : memref<33024xf32, #tpu.memory_space<vmem>>[vector<16xi32>], vector<16xf32>,
      %mul3A_764 = arith.constant 256 : i32
      %mul3A_765 = arith.muli %while3A_658, %mul3A_764 : i32
      %add3A_766 = arith.constant 144 : i32
      %add3A_767 = arith.addi %mul3A_765, %add3A_766 : i32
      %swap3A_768 = arith.index_cast %add3A_767 : i32 to index
      %swap3A_769 = tpu.vector_load %arg6[%swap3A_768] {strides = array<i32>} : memref<33024xf32, #tpu.memory_space<vmem>>, vector<16xf32>,
      tpu.vector_store %arg6[%swap3A_768], %gather3A_763 {strides = array<i32>} : memref<33024xf32, #tpu.memory_space<vmem>>, vector<16xf32>,
      %add3A_770 = arith.constant 160 : i32
      %add3A_771 = vector.broadcast %add3A_770 : i32 to vector<16xi32>
      %add3A_772 = arith.addi %add3A_670, %add3A_771 : vector<16xi32>
      %gather3A_773 = tpu.vector_load_idx %arg5[%add3A_772] : memref<33024xf32, #tpu.memory_space<vmem>>[vector<16xi32>], vector<16xf32>,
      %mul3A_774 = arith.constant 256 : i32
      %mul3A_775 = arith.muli %while3A_658, %mul3A_774 : i32
      %add3A_776 = arith.constant 160 : i32
      %add3A_777 = arith.addi %mul3A_775, %add3A_776 : i32
      %swap3A_778 = arith.index_cast %add3A_777 : i32 to index
      %swap3A_779 = tpu.vector_load %arg6[%swap3A_778] {strides = array<i32>} : memref<33024xf32, #tpu.memory_space<vmem>>, vector<16xf32>,
      tpu.vector_store %arg6[%swap3A_778], %gather3A_773 {strides = array<i32>} : memref<33024xf32, #tpu.memory_space<vmem>>, vector<16xf32>,
      %add3A_780 = arith.constant 176 : i32
      %add3A_781 = vector.broadcast %add3A_780 : i32 to vector<16xi32>
      %add3A_782 = arith.addi %add3A_670, %add3A_781 : vector<16xi32>
      %gather3A_783 = tpu.vector_load_idx %arg5[%add3A_782] : memref<33024xf32, #tpu.memory_space<vmem>>[vector<16xi32>], vector<16xf32>,
      %mul3A_784 = arith.constant 256 : i32
      %mul3A_785 = arith.muli %while3A_658, %mul3A_784 : i32
      %add3A_786 = arith.constant 176 : i32
      %add3A_787 = arith.addi %mul3A_785, %add3A_786 : i32
      %swap3A_788 = arith.index_cast %add3A_787 : i32 to index
      %swap3A_789 = tpu.vector_load %arg6[%swap3A_788] {strides = array<i32>} : memref<33024xf32, #tpu.memory_space<vmem>>, vector<16xf32>,
      tpu.vector_store %arg6[%swap3A_788], %gather3A_783 {strides = array<i32>} : memref<33024xf32, #tpu.memory_space<vmem>>, vector<16xf32>,
      %add3A_790 = arith.constant 192 : i32
      %add3A_791 = vector.broadcast %add3A_790 : i32 to vector<16xi32>
      %add3A_792 = arith.addi %add3A_670, %add3A_791 : vector<16xi32>
      %gather3A_793 = tpu.vector_load_idx %arg5[%add3A_792] : memref<33024xf32, #tpu.memory_space<vmem>>[vector<16xi32>], vector<16xf32>,
      %mul3A_794 = arith.constant 256 : i32
      %mul3A_795 = arith.muli %while3A_658, %mul3A_794 : i32
      %add3A_796 = arith.constant 192 : i32
      %add3A_797 = arith.addi %mul3A_795, %add3A_796 : i32
      %swap3A_798 = arith.index_cast %add3A_797 : i32 to index
      %swap3A_799 = tpu.vector_load %arg6[%swap3A_798] {strides = array<i32>} : memref<33024xf32, #tpu.memory_space<vmem>>, vector<16xf32>,
      tpu.vector_store %arg6[%swap3A_798], %gather3A_793 {strides = array<i32>} : memref<33024xf32, #tpu.memory_space<vmem>>, vector<16xf32>,
      %add3A_800 = arith.constant 208 : i32
      %add3A_801 = vector.broadcast %add3A_800 : i32 to vector<16xi32>
      %add3A_802 = arith.addi %add3A_670, %add3A_801 : vector<16xi32>
      %gather3A_803 = tpu.vector_load_idx %arg5[%add3A_802] : memref<33024xf32, #tpu.memory_space<vmem>>[vector<16xi32>], vector<16xf32>,
      %mul3A_804 = arith.constant 256 : i32
      %mul3A_805 = arith.muli %while3A_658, %mul3A_804 : i32
      %add3A_806 = arith.constant 208 : i32
      %add3A_807 = arith.addi %mul3A_805, %add3A_806 : i32
      %swap3A_808 = arith.index_cast %add3A_807 : i32 to index
      %swap3A_809 = tpu.vector_load %arg6[%swap3A_808] {strides = array<i32>} : memref<33024xf32, #tpu.memory_space<vmem>>, vector<16xf32>,
      tpu.vector_store %arg6[%swap3A_808], %gather3A_803 {strides = array<i32>} : memref<33024xf32, #tpu.memory_space<vmem>>, vector<16xf32>,
      %add3A_810 = arith.constant 224 : i32
      %add3A_811 = vector.broadcast %add3A_810 : i32 to vector<16xi32>
      %add3A_812 = arith.addi %add3A_670, %add3A_811 : vector<16xi32>
      %gather3A_813 = tpu.vector_load_idx %arg5[%add3A_812] : memref<33024xf32, #tpu.memory_space<vmem>>[vector<16xi32>], vector<16xf32>,
      %mul3A_814 = arith.constant 256 : i32
      %mul3A_815 = arith.muli %while3A_658, %mul3A_814 : i32
      %add3A_816 = arith.constant 224 : i32
      %add3A_817 = arith.addi %mul3A_815, %add3A_816 : i32
      %swap3A_818 = arith.index_cast %add3A_817 : i32 to index
      %swap3A_819 = tpu.vector_load %arg6[%swap3A_818] {strides = array<i32>} : memref<33024xf32, #tpu.memory_space<vmem>>, vector<16xf32>,
      tpu.vector_store %arg6[%swap3A_818], %gather3A_813 {strides = array<i32>} : memref<33024xf32, #tpu.memory_space<vmem>>, vector<16xf32>,
      %add3A_820 = arith.constant 240 : i32
      %add3A_821 = vector.broadcast %add3A_820 : i32 to vector<16xi32>
      %add3A_822 = arith.addi %add3A_670, %add3A_821 : vector<16xi32>
      %gather3A_823 = tpu.vector_load_idx %arg5[%add3A_822] : memref<33024xf32, #tpu.memory_space<vmem>>[vector<16xi32>], vector<16xf32>,
      %mul3A_824 = arith.constant 256 : i32
      %mul3A_825 = arith.muli %while3A_658, %mul3A_824 : i32
      %add3A_826 = arith.constant 240 : i32
      %add3A_827 = arith.addi %mul3A_825, %add3A_826 : i32
      %swap3A_828 = arith.index_cast %add3A_827 : i32 to index
      %swap3A_829 = tpu.vector_load %arg6[%swap3A_828] {strides = array<i32>} : memref<33024xf32, #tpu.memory_space<vmem>>, vector<16xf32>,
      tpu.vector_store %arg6[%swap3A_828], %gather3A_823 {strides = array<i32>} : memref<33024xf32, #tpu.memory_space<vmem>>, vector<16xf32>,
    }
    %add3A_598 = vector.broadcast %sub3A_543 : f32 to vector<16xf32>
    %add3A_599 = arith.addf %add3A_598, %broadcast_in_dim3A_3 : vector<16xf32>
    %add3A_600 = vector.broadcast %reduce_max3A_541 : f32 to vector<16xf32>
    %add3A_601 = arith.addf %add3A_600, %broadcast_in_dim3A_3 : vector<16xf32>
    %scan3A_602 = arith.constant 0 : i32
    %scan3A_603 = arith.constant 12 : i32
    %scan3A_604 = arith.addi %scan3A_602, %scan3A_603 : i32
    %scan3A_605 = arith.constant 1 : i32
    %scan3A_606:3 = scf.for %scan3A_658 = %scan3A_602 to %scan3A_604 step %scan3A_605 iter_args(%scan3A_659 = %add3A_599, %scan3A_660 = %add3A_601, %scan3A_661 = %add3A_599) -> (vector<16xf32>, vector<16xf32>, vector<16xf32>)  : i32 {
      %mul3A_662 = arith.constant 2 : i32
      %mul3A_663 = arith.muli %shift_right_logical3A_567, %mul3A_662 : i32
      %while3A_664 = arith.constant 0 : i32
      %while3A_665 = arith.subi %mul3A_663, %while3A_664 : i32
      %while3A_666 = arith.addi %while3A_664, %while3A_665 : i32
      %while3A_667 = arith.constant 1 : i32
      %while3A_668 = arith.divsi %while3A_665, %while3A_667 : i32
      %while3A_669 = arith.muli %while3A_668, %while3A_667 : i32
      %while3A_670 = arith.addi %while3A_664, %while3A_669 : i32
      %while3A_671 = arith.constant 1 : i32
      %while3A_672:2 = scf.for %while3A_704 = %while3A_664 to %while3A_670 step %while3A_671 iter_args(%while3A_705 = %broadcast_in_dim3A_3, %while3A_706 = %broadcast_in_dim3A_3) -> (vector<16xf32>, vector<16xf32>)  : i32 {
        %mul3A_707 = arith.constant 128 : i32
        %mul3A_708 = arith.muli %while3A_704, %mul3A_707 : i32
        %add3A_709 = arith.constant 0 : i32
        %add3A_710 = arith.addi %mul3A_708, %add3A_709 : i32
        %get3A = arith.index_cast %add3A_710 : i32 to index
        %get3A_711 = tpu.vector_load %arg6[%get3A] {strides = array<i32>} : memref<33024xf32, #tpu.memory_space<vmem>>, vector<16xf32>,
        %gt3A_712 = arith.cmpf ogt, %get3A_711, %scan3A_661 : vector<16xf32>
        %jit3A = arith.constant 0.000000e+00 : f32
        %broadcast_in_dim3A_713 = vector.broadcast %jit3A : f32 to vector<16xf32>
        %select_n3A_714 = arith.select %gt3A_712, %get3A_711, %broadcast_in_dim3A_713 : vector<16xi1>, vector<16xf32>
        %add3A_715 = arith.addf %while3A_705, %select_n3A_714 : vector<16xf32>
        %jit3A_716 = arith.constant 1.000000e+00 : f32
        %jit3A_717 = arith.constant 0.000000e+00 : f32
        %broadcast_in_dim3A_718 = vector.broadcast %jit3A_716 : f32 to vector<16xf32>
        %broadcast_in_dim3A_719 = vector.broadcast %jit3A_717 : f32 to vector<16xf32>
        %select_n3A_720 = arith.select %gt3A_712, %broadcast_in_dim3A_718, %broadcast_in_dim3A_719 : vector<16xi1>, vector<16xf32>
        %add3A_721 = arith.addf %while3A_706, %select_n3A_720 : vector<16xf32>
        %mul3A_722 = arith.constant 128 : i32
        %mul3A_723 = arith.muli %while3A_704, %mul3A_722 : i32
        %add3A_724 = arith.constant 16 : i32
        %add3A_725 = arith.addi %mul3A_723, %add3A_724 : i32
        %get3A_726 = arith.index_cast %add3A_725 : i32 to index
        %get3A_727 = tpu.vector_load %arg6[%get3A_726] {strides = array<i32>} : memref<33024xf32, #tpu.memory_space<vmem>>, vector<16xf32>,
        %gt3A_728 = arith.cmpf ogt, %get3A_727, %scan3A_661 : vector<16xf32>
        %jit3A_729 = arith.constant 0.000000e+00 : f32
        %broadcast_in_dim3A_730 = vector.broadcast %jit3A_729 : f32 to vector<16xf32>
        %select_n3A_731 = arith.select %gt3A_728, %get3A_727, %broadcast_in_dim3A_730 : vector<16xi1>, vector<16xf32>
        %add3A_732 = arith.addf %add3A_715, %select_n3A_731 : vector<16xf32>
        %jit3A_733 = arith.constant 1.000000e+00 : f32
        %jit3A_734 = arith.constant 0.000000e+00 : f32
        %broadcast_in_dim3A_735 = vector.broadcast %jit3A_733 : f32 to vector<16xf32>
        %broadcast_in_dim3A_736 = vector.broadcast %jit3A_734 : f32 to vector<16xf32>
        %select_n3A_737 = arith.select %gt3A_728, %broadcast_in_dim3A_735, %broadcast_in_dim3A_736 : vector<16xi1>, vector<16xf32>
        %add3A_738 = arith.addf %add3A_721, %select_n3A_737 : vector<16xf32>
        %mul3A_739 = arith.constant 128 : i32
        %mul3A_740 = arith.muli %while3A_704, %mul3A_739 : i32
        %add3A_741 = arith.constant 32 : i32
        %add3A_742 = arith.addi %mul3A_740, %add3A_741 : i32
        %get3A_743 = arith.index_cast %add3A_742 : i32 to index
        %get3A_744 = tpu.vector_load %arg6[%get3A_743] {strides = array<i32>} : memref<33024xf32, #tpu.memory_space<vmem>>, vector<16xf32>,
        %gt3A_745 = arith.cmpf ogt, %get3A_744, %scan3A_661 : vector<16xf32>
        %jit3A_746 = arith.constant 0.000000e+00 : f32
        %broadcast_in_dim3A_747 = vector.broadcast %jit3A_746 : f32 to vector<16xf32>
        %select_n3A_748 = arith.select %gt3A_745, %get3A_744, %broadcast_in_dim3A_747 : vector<16xi1>, vector<16xf32>
        %add3A_749 = arith.addf %add3A_732, %select_n3A_748 : vector<16xf32>
        %jit3A_750 = arith.constant 1.000000e+00 : f32
        %jit3A_751 = arith.constant 0.000000e+00 : f32
        %broadcast_in_dim3A_752 = vector.broadcast %jit3A_750 : f32 to vector<16xf32>
        %broadcast_in_dim3A_753 = vector.broadcast %jit3A_751 : f32 to vector<16xf32>
        %select_n3A_754 = arith.select %gt3A_745, %broadcast_in_dim3A_752, %broadcast_in_dim3A_753 : vector<16xi1>, vector<16xf32>
        %add3A_755 = arith.addf %add3A_738, %select_n3A_754 : vector<16xf32>
        %mul3A_756 = arith.constant 128 : i32
        %mul3A_757 = arith.muli %while3A_704, %mul3A_756 : i32
        %add3A_758 = arith.constant 48 : i32
        %add3A_759 = arith.addi %mul3A_757, %add3A_758 : i32
        %get3A_760 = arith.index_cast %add3A_759 : i32 to index
        %get3A_761 = tpu.vector_load %arg6[%get3A_760] {strides = array<i32>} : memref<33024xf32, #tpu.memory_space<vmem>>, vector<16xf32>,
        %gt3A_762 = arith.cmpf ogt, %get3A_761, %scan3A_661 : vector<16xf32>
        %jit3A_763 = arith.constant 0.000000e+00 : f32
        %broadcast_in_dim3A_764 = vector.broadcast %jit3A_763 : f32 to vector<16xf32>
        %select_n3A_765 = arith.select %gt3A_762, %get3A_761, %broadcast_in_dim3A_764 : vector<16xi1>, vector<16xf32>
        %add3A_766 = arith.addf %add3A_749, %select_n3A_765 : vector<16xf32>
        %jit3A_767 = arith.constant 1.000000e+00 : f32
        %jit3A_768 = arith.constant 0.000000e+00 : f32
        %broadcast_in_dim3A_769 = vector.broadcast %jit3A_767 : f32 to vector<16xf32>
        %broadcast_in_dim3A_770 = vector.broadcast %jit3A_768 : f32 to vector<16xf32>
        %select_n3A_771 = arith.select %gt3A_762, %broadcast_in_dim3A_769, %broadcast_in_dim3A_770 : vector<16xi1>, vector<16xf32>
        %add3A_772 = arith.addf %add3A_755, %select_n3A_771 : vector<16xf32>
        %mul3A_773 = arith.constant 128 : i32
        %mul3A_774 = arith.muli %while3A_704, %mul3A_773 : i32
        %add3A_775 = arith.constant 64 : i32
        %add3A_776 = arith.addi %mul3A_774, %add3A_775 : i32
        %get3A_777 = arith.index_cast %add3A_776 : i32 to index
        %get3A_778 = tpu.vector_load %arg6[%get3A_777] {strides = array<i32>} : memref<33024xf32, #tpu.memory_space<vmem>>, vector<16xf32>,
        %gt3A_779 = arith.cmpf ogt, %get3A_778, %scan3A_661 : vector<16xf32>
        %jit3A_780 = arith.constant 0.000000e+00 : f32
        %broadcast_in_dim3A_781 = vector.broadcast %jit3A_780 : f32 to vector<16xf32>
        %select_n3A_782 = arith.select %gt3A_779, %get3A_778, %broadcast_in_dim3A_781 : vector<16xi1>, vector<16xf32>
        %add3A_783 = arith.addf %add3A_766, %select_n3A_782 : vector<16xf32>
        %jit3A_784 = arith.constant 1.000000e+00 : f32
        %jit3A_785 = arith.constant 0.000000e+00 : f32
        %broadcast_in_dim3A_786 = vector.broadcast %jit3A_784 : f32 to vector<16xf32>
        %broadcast_in_dim3A_787 = vector.broadcast %jit3A_785 : f32 to vector<16xf32>
        %select_n3A_788 = arith.select %gt3A_779, %broadcast_in_dim3A_786, %broadcast_in_dim3A_787 : vector<16xi1>, vector<16xf32>
        %add3A_789 = arith.addf %add3A_772, %select_n3A_788 : vector<16xf32>
        %mul3A_790 = arith.constant 128 : i32
        %mul3A_791 = arith.muli %while3A_704, %mul3A_790 : i32
        %add3A_792 = arith.constant 80 : i32
        %add3A_793 = arith.addi %mul3A_791, %add3A_792 : i32
        %get3A_794 = arith.index_cast %add3A_793 : i32 to index
        %get3A_795 = tpu.vector_load %arg6[%get3A_794] {strides = array<i32>} : memref<33024xf32, #tpu.memory_space<vmem>>, vector<16xf32>,
        %gt3A_796 = arith.cmpf ogt, %get3A_795, %scan3A_661 : vector<16xf32>
        %jit3A_797 = arith.constant 0.000000e+00 : f32
        %broadcast_in_dim3A_798 = vector.broadcast %jit3A_797 : f32 to vector<16xf32>
        %select_n3A_799 = arith.select %gt3A_796, %get3A_795, %broadcast_in_dim3A_798 : vector<16xi1>, vector<16xf32>
        %add3A_800 = arith.addf %add3A_783, %select_n3A_799 : vector<16xf32>
        %jit3A_801 = arith.constant 1.000000e+00 : f32
        %jit3A_802 = arith.constant 0.000000e+00 : f32
        %broadcast_in_dim3A_803 = vector.broadcast %jit3A_801 : f32 to vector<16xf32>
        %broadcast_in_dim3A_804 = vector.broadcast %jit3A_802 : f32 to vector<16xf32>
        %select_n3A_805 = arith.select %gt3A_796, %broadcast_in_dim3A_803, %broadcast_in_dim3A_804 : vector<16xi1>, vector<16xf32>
        %add3A_806 = arith.addf %add3A_789, %select_n3A_805 : vector<16xf32>
        %mul3A_807 = arith.constant 128 : i32
        %mul3A_808 = arith.muli %while3A_704, %mul3A_807 : i32
        %add3A_809 = arith.constant 96 : i32
        %add3A_810 = arith.addi %mul3A_808, %add3A_809 : i32
        %get3A_811 = arith.index_cast %add3A_810 : i32 to index
        %get3A_812 = tpu.vector_load %arg6[%get3A_811] {strides = array<i32>} : memref<33024xf32, #tpu.memory_space<vmem>>, vector<16xf32>,
        %gt3A_813 = arith.cmpf ogt, %get3A_812, %scan3A_661 : vector<16xf32>
        %jit3A_814 = arith.constant 0.000000e+00 : f32
        %broadcast_in_dim3A_815 = vector.broadcast %jit3A_814 : f32 to vector<16xf32>
        %select_n3A_816 = arith.select %gt3A_813, %get3A_812, %broadcast_in_dim3A_815 : vector<16xi1>, vector<16xf32>
        %add3A_817 = arith.addf %add3A_800, %select_n3A_816 : vector<16xf32>
        %jit3A_818 = arith.constant 1.000000e+00 : f32
        %jit3A_819 = arith.constant 0.000000e+00 : f32
        %broadcast_in_dim3A_820 = vector.broadcast %jit3A_818 : f32 to vector<16xf32>
        %broadcast_in_dim3A_821 = vector.broadcast %jit3A_819 : f32 to vector<16xf32>
        %select_n3A_822 = arith.select %gt3A_813, %broadcast_in_dim3A_820, %broadcast_in_dim3A_821 : vector<16xi1>, vector<16xf32>
        %add3A_823 = arith.addf %add3A_806, %select_n3A_822 : vector<16xf32>
        %mul3A_824 = arith.constant 128 : i32
        %mul3A_825 = arith.muli %while3A_704, %mul3A_824 : i32
        %add3A_826 = arith.constant 112 : i32
        %add3A_827 = arith.addi %mul3A_825, %add3A_826 : i32
        %get3A_828 = arith.index_cast %add3A_827 : i32 to index
        %get3A_829 = tpu.vector_load %arg6[%get3A_828] {strides = array<i32>} : memref<33024xf32, #tpu.memory_space<vmem>>, vector<16xf32>,
        %gt3A_830 = arith.cmpf ogt, %get3A_829, %scan3A_661 : vector<16xf32>
        %jit3A_831 = arith.constant 0.000000e+00 : f32
        %broadcast_in_dim3A_832 = vector.broadcast %jit3A_831 : f32 to vector<16xf32>
        %select_n3A_833 = arith.select %gt3A_830, %get3A_829, %broadcast_in_dim3A_832 : vector<16xi1>, vector<16xf32>
        %add3A_834 = arith.addf %add3A_817, %select_n3A_833 : vector<16xf32>
        %jit3A_835 = arith.constant 1.000000e+00 : f32
        %jit3A_836 = arith.constant 0.000000e+00 : f32
        %broadcast_in_dim3A_837 = vector.broadcast %jit3A_835 : f32 to vector<16xf32>
        %broadcast_in_dim3A_838 = vector.broadcast %jit3A_836 : f32 to vector<16xf32>
        %select_n3A_839 = arith.select %gt3A_830, %broadcast_in_dim3A_837, %broadcast_in_dim3A_838 : vector<16xi1>, vector<16xf32>
        %add3A_840 = arith.addf %add3A_823, %select_n3A_839 : vector<16xf32>
        scf.yield %add3A_834, %add3A_840 : vector<16xf32>, vector<16xf32>
      }
      %while3A_673 = arith.constant 1 : i32
      %while3A_674:2 = scf.for %while3A_704 = %while3A_670 to %while3A_666 step %while3A_673 iter_args(%while3A_705 = %while3A_672#0, %while3A_706 = %while3A_672#1) -> (vector<16xf32>, vector<16xf32>)  : i32 {
        %mul3A_707 = arith.constant 128 : i32
        %mul3A_708 = arith.muli %while3A_704, %mul3A_707 : i32
        %add3A_709 = arith.constant 0 : i32
        %add3A_710 = arith.addi %mul3A_708, %add3A_709 : i32
        %get3A = arith.index_cast %add3A_710 : i32 to index
        %get3A_711 = tpu.vector_load %arg6[%get3A] {strides = array<i32>} : memref<33024xf32, #tpu.memory_space<vmem>>, vector<16xf32>,
        %gt3A_712 = arith.cmpf ogt, %get3A_711, %scan3A_661 : vector<16xf32>
        %jit3A = arith.constant 0.000000e+00 : f32
        %broadcast_in_dim3A_713 = vector.broadcast %jit3A : f32 to vector<16xf32>
        %select_n3A_714 = arith.select %gt3A_712, %get3A_711, %broadcast_in_dim3A_713 : vector<16xi1>, vector<16xf32>
        %add3A_715 = arith.addf %while3A_705, %select_n3A_714 : vector<16xf32>
        %jit3A_716 = arith.constant 1.000000e+00 : f32
        %jit3A_717 = arith.constant 0.000000e+00 : f32
        %broadcast_in_dim3A_718 = vector.broadcast %jit3A_716 : f32 to vector<16xf32>
        %broadcast_in_dim3A_719 = vector.broadcast %jit3A_717 : f32 to vector<16xf32>
        %select_n3A_720 = arith.select %gt3A_712, %broadcast_in_dim3A_718, %broadcast_in_dim3A_719 : vector<16xi1>, vector<16xf32>
        %add3A_721 = arith.addf %while3A_706, %select_n3A_720 : vector<16xf32>
        %mul3A_722 = arith.constant 128 : i32
        %mul3A_723 = arith.muli %while3A_704, %mul3A_722 : i32
        %add3A_724 = arith.constant 16 : i32
        %add3A_725 = arith.addi %mul3A_723, %add3A_724 : i32
        %get3A_726 = arith.index_cast %add3A_725 : i32 to index
        %get3A_727 = tpu.vector_load %arg6[%get3A_726] {strides = array<i32>} : memref<33024xf32, #tpu.memory_space<vmem>>, vector<16xf32>,
        %gt3A_728 = arith.cmpf ogt, %get3A_727, %scan3A_661 : vector<16xf32>
        %jit3A_729 = arith.constant 0.000000e+00 : f32
        %broadcast_in_dim3A_730 = vector.broadcast %jit3A_729 : f32 to vector<16xf32>
        %select_n3A_731 = arith.select %gt3A_728, %get3A_727, %broadcast_in_dim3A_730 : vector<16xi1>, vector<16xf32>
        %add3A_732 = arith.addf %add3A_715, %select_n3A_731 : vector<16xf32>
        %jit3A_733 = arith.constant 1.000000e+00 : f32
        %jit3A_734 = arith.constant 0.000000e+00 : f32
        %broadcast_in_dim3A_735 = vector.broadcast %jit3A_733 : f32 to vector<16xf32>
        %broadcast_in_dim3A_736 = vector.broadcast %jit3A_734 : f32 to vector<16xf32>
        %select_n3A_737 = arith.select %gt3A_728, %broadcast_in_dim3A_735, %broadcast_in_dim3A_736 : vector<16xi1>, vector<16xf32>
        %add3A_738 = arith.addf %add3A_721, %select_n3A_737 : vector<16xf32>
        %mul3A_739 = arith.constant 128 : i32
        %mul3A_740 = arith.muli %while3A_704, %mul3A_739 : i32
        %add3A_741 = arith.constant 32 : i32
        %add3A_742 = arith.addi %mul3A_740, %add3A_741 : i32
        %get3A_743 = arith.index_cast %add3A_742 : i32 to index
        %get3A_744 = tpu.vector_load %arg6[%get3A_743] {strides = array<i32>} : memref<33024xf32, #tpu.memory_space<vmem>>, vector<16xf32>,
        %gt3A_745 = arith.cmpf ogt, %get3A_744, %scan3A_661 : vector<16xf32>
        %jit3A_746 = arith.constant 0.000000e+00 : f32
        %broadcast_in_dim3A_747 = vector.broadcast %jit3A_746 : f32 to vector<16xf32>
        %select_n3A_748 = arith.select %gt3A_745, %get3A_744, %broadcast_in_dim3A_747 : vector<16xi1>, vector<16xf32>
        %add3A_749 = arith.addf %add3A_732, %select_n3A_748 : vector<16xf32>
        %jit3A_750 = arith.constant 1.000000e+00 : f32
        %jit3A_751 = arith.constant 0.000000e+00 : f32
        %broadcast_in_dim3A_752 = vector.broadcast %jit3A_750 : f32 to vector<16xf32>
        %broadcast_in_dim3A_753 = vector.broadcast %jit3A_751 : f32 to vector<16xf32>
        %select_n3A_754 = arith.select %gt3A_745, %broadcast_in_dim3A_752, %broadcast_in_dim3A_753 : vector<16xi1>, vector<16xf32>
        %add3A_755 = arith.addf %add3A_738, %select_n3A_754 : vector<16xf32>
        %mul3A_756 = arith.constant 128 : i32
        %mul3A_757 = arith.muli %while3A_704, %mul3A_756 : i32
        %add3A_758 = arith.constant 48 : i32
        %add3A_759 = arith.addi %mul3A_757, %add3A_758 : i32
        %get3A_760 = arith.index_cast %add3A_759 : i32 to index
        %get3A_761 = tpu.vector_load %arg6[%get3A_760] {strides = array<i32>} : memref<33024xf32, #tpu.memory_space<vmem>>, vector<16xf32>,
        %gt3A_762 = arith.cmpf ogt, %get3A_761, %scan3A_661 : vector<16xf32>
        %jit3A_763 = arith.constant 0.000000e+00 : f32
        %broadcast_in_dim3A_764 = vector.broadcast %jit3A_763 : f32 to vector<16xf32>
        %select_n3A_765 = arith.select %gt3A_762, %get3A_761, %broadcast_in_dim3A_764 : vector<16xi1>, vector<16xf32>
        %add3A_766 = arith.addf %add3A_749, %select_n3A_765 : vector<16xf32>
        %jit3A_767 = arith.constant 1.000000e+00 : f32
        %jit3A_768 = arith.constant 0.000000e+00 : f32
        %broadcast_in_dim3A_769 = vector.broadcast %jit3A_767 : f32 to vector<16xf32>
        %broadcast_in_dim3A_770 = vector.broadcast %jit3A_768 : f32 to vector<16xf32>
        %select_n3A_771 = arith.select %gt3A_762, %broadcast_in_dim3A_769, %broadcast_in_dim3A_770 : vector<16xi1>, vector<16xf32>
        %add3A_772 = arith.addf %add3A_755, %select_n3A_771 : vector<16xf32>
        %mul3A_773 = arith.constant 128 : i32
        %mul3A_774 = arith.muli %while3A_704, %mul3A_773 : i32
        %add3A_775 = arith.constant 64 : i32
        %add3A_776 = arith.addi %mul3A_774, %add3A_775 : i32
        %get3A_777 = arith.index_cast %add3A_776 : i32 to index
        %get3A_778 = tpu.vector_load %arg6[%get3A_777] {strides = array<i32>} : memref<33024xf32, #tpu.memory_space<vmem>>, vector<16xf32>,
        %gt3A_779 = arith.cmpf ogt, %get3A_778, %scan3A_661 : vector<16xf32>
        %jit3A_780 = arith.constant 0.000000e+00 : f32
        %broadcast_in_dim3A_781 = vector.broadcast %jit3A_780 : f32 to vector<16xf32>
        %select_n3A_782 = arith.select %gt3A_779, %get3A_778, %broadcast_in_dim3A_781 : vector<16xi1>, vector<16xf32>
        %add3A_783 = arith.addf %add3A_766, %select_n3A_782 : vector<16xf32>
        %jit3A_784 = arith.constant 1.000000e+00 : f32
        %jit3A_785 = arith.constant 0.000000e+00 : f32
        %broadcast_in_dim3A_786 = vector.broadcast %jit3A_784 : f32 to vector<16xf32>
        %broadcast_in_dim3A_787 = vector.broadcast %jit3A_785 : f32 to vector<16xf32>
        %select_n3A_788 = arith.select %gt3A_779, %broadcast_in_dim3A_786, %broadcast_in_dim3A_787 : vector<16xi1>, vector<16xf32>
        %add3A_789 = arith.addf %add3A_772, %select_n3A_788 : vector<16xf32>
        %mul3A_790 = arith.constant 128 : i32
        %mul3A_791 = arith.muli %while3A_704, %mul3A_790 : i32
        %add3A_792 = arith.constant 80 : i32
        %add3A_793 = arith.addi %mul3A_791, %add3A_792 : i32
        %get3A_794 = arith.index_cast %add3A_793 : i32 to index
        %get3A_795 = tpu.vector_load %arg6[%get3A_794] {strides = array<i32>} : memref<33024xf32, #tpu.memory_space<vmem>>, vector<16xf32>,
        %gt3A_796 = arith.cmpf ogt, %get3A_795, %scan3A_661 : vector<16xf32>
        %jit3A_797 = arith.constant 0.000000e+00 : f32
        %broadcast_in_dim3A_798 = vector.broadcast %jit3A_797 : f32 to vector<16xf32>
        %select_n3A_799 = arith.select %gt3A_796, %get3A_795, %broadcast_in_dim3A_798 : vector<16xi1>, vector<16xf32>
        %add3A_800 = arith.addf %add3A_783, %select_n3A_799 : vector<16xf32>
        %jit3A_801 = arith.constant 1.000000e+00 : f32
        %jit3A_802 = arith.constant 0.000000e+00 : f32
        %broadcast_in_dim3A_803 = vector.broadcast %jit3A_801 : f32 to vector<16xf32>
        %broadcast_in_dim3A_804 = vector.broadcast %jit3A_802 : f32 to vector<16xf32>
        %select_n3A_805 = arith.select %gt3A_796, %broadcast_in_dim3A_803, %broadcast_in_dim3A_804 : vector<16xi1>, vector<16xf32>
        %add3A_806 = arith.addf %add3A_789, %select_n3A_805 : vector<16xf32>
        %mul3A_807 = arith.constant 128 : i32
        %mul3A_808 = arith.muli %while3A_704, %mul3A_807 : i32
        %add3A_809 = arith.constant 96 : i32
        %add3A_810 = arith.addi %mul3A_808, %add3A_809 : i32
        %get3A_811 = arith.index_cast %add3A_810 : i32 to index
        %get3A_812 = tpu.vector_load %arg6[%get3A_811] {strides = array<i32>} : memref<33024xf32, #tpu.memory_space<vmem>>, vector<16xf32>,
        %gt3A_813 = arith.cmpf ogt, %get3A_812, %scan3A_661 : vector<16xf32>
        %jit3A_814 = arith.constant 0.000000e+00 : f32
        %broadcast_in_dim3A_815 = vector.broadcast %jit3A_814 : f32 to vector<16xf32>
        %select_n3A_816 = arith.select %gt3A_813, %get3A_812, %broadcast_in_dim3A_815 : vector<16xi1>, vector<16xf32>
        %add3A_817 = arith.addf %add3A_800, %select_n3A_816 : vector<16xf32>
        %jit3A_818 = arith.constant 1.000000e+00 : f32
        %jit3A_819 = arith.constant 0.000000e+00 : f32
        %broadcast_in_dim3A_820 = vector.broadcast %jit3A_818 : f32 to vector<16xf32>
        %broadcast_in_dim3A_821 = vector.broadcast %jit3A_819 : f32 to vector<16xf32>
        %select_n3A_822 = arith.select %gt3A_813, %broadcast_in_dim3A_820, %broadcast_in_dim3A_821 : vector<16xi1>, vector<16xf32>
        %add3A_823 = arith.addf %add3A_806, %select_n3A_822 : vector<16xf32>
        %mul3A_824 = arith.constant 128 : i32
        %mul3A_825 = arith.muli %while3A_704, %mul3A_824 : i32
        %add3A_826 = arith.constant 112 : i32
        %add3A_827 = arith.addi %mul3A_825, %add3A_826 : i32
        %get3A_828 = arith.index_cast %add3A_827 : i32 to index
        %get3A_829 = tpu.vector_load %arg6[%get3A_828] {strides = array<i32>} : memref<33024xf32, #tpu.memory_space<vmem>>, vector<16xf32>,
        %gt3A_830 = arith.cmpf ogt, %get3A_829, %scan3A_661 : vector<16xf32>
        %jit3A_831 = arith.constant 0.000000e+00 : f32
        %broadcast_in_dim3A_832 = vector.broadcast %jit3A_831 : f32 to vector<16xf32>
        %select_n3A_833 = arith.select %gt3A_830, %get3A_829, %broadcast_in_dim3A_832 : vector<16xi1>, vector<16xf32>
        %add3A_834 = arith.addf %add3A_817, %select_n3A_833 : vector<16xf32>
        %jit3A_835 = arith.constant 1.000000e+00 : f32
        %jit3A_836 = arith.constant 0.000000e+00 : f32
        %broadcast_in_dim3A_837 = vector.broadcast %jit3A_835 : f32 to vector<16xf32>
        %broadcast_in_dim3A_838 = vector.broadcast %jit3A_836 : f32 to vector<16xf32>
        %select_n3A_839 = arith.select %gt3A_830, %broadcast_in_dim3A_837, %broadcast_in_dim3A_838 : vector<16xi1>, vector<16xf32>
        %add3A_840 = arith.addf %add3A_823, %select_n3A_839 : vector<16xf32>
        scf.yield %add3A_834, %add3A_840 : vector<16xf32>, vector<16xf32>
      }
      %reduce_sum3A = arith.constant true
      %reduce_sum3A_675 = vector.broadcast %reduce_sum3A : i1 to vector<16xi1>
      %reduce_sum3A_676 = tpu.scan <sum>, %while3A_674#0 masked %reduce_sum3A_675 : vector<16xf32>, vector<16xi1> -> vector<16xf32>
      %reduce_sum3A_677 = vector.extract %reduce_sum3A_676[15] : f32 from vector<16xf32>
      %add3A_678 = vector.broadcast %reduce_sum3A_677 : f32 to vector<16xf32>
      %add3A_679 = arith.addf %add3A_678, %broadcast_in_dim3A_3 : vector<16xf32>
      %reduce_sum3A_680 = arith.constant true
      %reduce_sum3A_681 = vector.broadcast %reduce_sum3A_680 : i1 to vector<16xi1>
      %reduce_sum3A_682 = tpu.scan <sum>, %while3A_674#1 masked %reduce_sum3A_681 : vector<16xf32>, vector<16xi1> -> vector<16xf32>
      %reduce_sum3A_683 = vector.extract %reduce_sum3A_682[15] : f32 from vector<16xf32>
      %add3A_684 = vector.broadcast %reduce_sum3A_683 : f32 to vector<16xf32>
      %add3A_685 = arith.addf %add3A_684, %broadcast_in_dim3A_3 : vector<16xf32>
      %mul3A_686 = arith.mulf %add3A_685, %scan3A_661 : vector<16xf32>
      %sub3A_687 = arith.subf %add3A_679, %mul3A_686 : vector<16xf32>
      %ge3A = arith.constant 1.000000e+00 : f32
      %ge3A_688 = vector.broadcast %ge3A : f32 to vector<16xf32>
      %ge3A_689 = arith.cmpf oge, %sub3A_687, %ge3A_688 : vector<16xf32>
      %select_n3A = arith.select %ge3A_689, %scan3A_661, %scan3A_659 : vector<16xi1>, vector<16xf32>
      %select_n3A_690 = arith.select %ge3A_689, %scan3A_660, %scan3A_661 : vector<16xi1>, vector<16xf32>
      %gt3A = arith.constant 5.000000e-01 : f32
      %gt3A_691 = vector.broadcast %gt3A : f32 to vector<16xf32>
      %gt3A_692 = arith.cmpf ogt, %add3A_685, %gt3A_691 : vector<16xf32>
      %sub3A_693 = arith.constant 1.000000e+00 : f32
      %sub3A_694 = vector.broadcast %sub3A_693 : f32 to vector<16xf32>
      %sub3A_695 = arith.subf %add3A_679, %sub3A_694 : vector<16xf32>
      %max3A = arith.constant 1.000000e+00 : f32
      %max3A_696 = vector.broadcast %max3A : f32 to vector<16xf32>
      %max3A_697 = arith.maximumf %add3A_685, %max3A_696 : vector<16xf32>
      %div3A = arith.divf %sub3A_695, %max3A_697 : vector<16xf32>
      %select_n3A_698 = arith.select %gt3A_692, %div3A, %select_n3A : vector<16xi1>, vector<16xf32>
      %max3A_699 = arith.maximumf %select_n3A, %select_n3A_698 : vector<16xf32>
      %add3A_700 = arith.addf %max3A_699, %select_n3A_690 : vector<16xf32>
      %mul3A_701 = arith.constant 5.000000e-01 : f32
      %mul3A_702 = vector.broadcast %mul3A_701 : f32 to vector<16xf32>
      %mul3A_703 = arith.mulf %mul3A_702, %add3A_700 : vector<16xf32>
      scf.yield %max3A_699, %select_n3A_690, %mul3A_703 : vector<16xf32>, vector<16xf32>, vector<16xf32>
    }
    %scan3A_607 = arith.constant 12 : i32
    %scan3A_608 = arith.constant 0 : i32
    %scan3A_609 = arith.constant 0 : i32
    %scan3A_610 = arith.constant 256 : i32
    %scan3A_611 = arith.addi %scan3A_609, %scan3A_610 : i32
    %scan3A_612 = arith.constant 1 : i32
    scf.for %scan3A_658 = %scan3A_609 to %scan3A_611 step %scan3A_612  : i32 {
      %mul3A_659 = arith.constant 128 : i32
      %mul3A_660 = arith.muli %scan3A_658, %mul3A_659 : i32
      %add3A_661 = arith.constant 0 : i32
      %add3A_662 = arith.addi %mul3A_660, %add3A_661 : i32
      %get3A = arith.index_cast %add3A_662 : i32 to index
      %get3A_663 = tpu.vector_load %arg5[%get3A] {strides = array<i32>} : memref<33024xf32, #tpu.memory_space<vmem>>, vector<16xf32>,
      %sub3A_664 = arith.subf %get3A_663, %scan3A_606#0 : vector<16xf32>
      %max3A = arith.constant 0.000000e+00 : f32
      %max3A_665 = vector.broadcast %max3A : f32 to vector<16xf32>
      %max3A_666 = arith.maximumf %sub3A_664, %max3A_665 : vector<16xf32>
      %swap3A_667 = arith.index_cast %add3A_662 : i32 to index
      %swap3A_668 = tpu.vector_load %arg6[%swap3A_667] {strides = array<i32>} : memref<33024xf32, #tpu.memory_space<vmem>>, vector<16xf32>,
      tpu.vector_store %arg6[%swap3A_667], %max3A_666 {strides = array<i32>} : memref<33024xf32, #tpu.memory_space<vmem>>, vector<16xf32>,
      %mul3A_669 = arith.constant 128 : i32
      %mul3A_670 = arith.muli %scan3A_658, %mul3A_669 : i32
      %add3A_671 = arith.constant 16 : i32
      %add3A_672 = arith.addi %mul3A_670, %add3A_671 : i32
      %get3A_673 = arith.index_cast %add3A_672 : i32 to index
      %get3A_674 = tpu.vector_load %arg5[%get3A_673] {strides = array<i32>} : memref<33024xf32, #tpu.memory_space<vmem>>, vector<16xf32>,
      %sub3A_675 = arith.subf %get3A_674, %scan3A_606#0 : vector<16xf32>
      %max3A_676 = arith.constant 0.000000e+00 : f32
      %max3A_677 = vector.broadcast %max3A_676 : f32 to vector<16xf32>
      %max3A_678 = arith.maximumf %sub3A_675, %max3A_677 : vector<16xf32>
      %swap3A_679 = arith.index_cast %add3A_672 : i32 to index
      %swap3A_680 = tpu.vector_load %arg6[%swap3A_679] {strides = array<i32>} : memref<33024xf32, #tpu.memory_space<vmem>>, vector<16xf32>,
      tpu.vector_store %arg6[%swap3A_679], %max3A_678 {strides = array<i32>} : memref<33024xf32, #tpu.memory_space<vmem>>, vector<16xf32>,
      %mul3A_681 = arith.constant 128 : i32
      %mul3A_682 = arith.muli %scan3A_658, %mul3A_681 : i32
      %add3A_683 = arith.constant 32 : i32
      %add3A_684 = arith.addi %mul3A_682, %add3A_683 : i32
      %get3A_685 = arith.index_cast %add3A_684 : i32 to index
      %get3A_686 = tpu.vector_load %arg5[%get3A_685] {strides = array<i32>} : memref<33024xf32, #tpu.memory_space<vmem>>, vector<16xf32>,
      %sub3A_687 = arith.subf %get3A_686, %scan3A_606#0 : vector<16xf32>
      %max3A_688 = arith.constant 0.000000e+00 : f32
      %max3A_689 = vector.broadcast %max3A_688 : f32 to vector<16xf32>
      %max3A_690 = arith.maximumf %sub3A_687, %max3A_689 : vector<16xf32>
      %swap3A_691 = arith.index_cast %add3A_684 : i32 to index
      %swap3A_692 = tpu.vector_load %arg6[%swap3A_691] {strides = array<i32>} : memref<33024xf32, #tpu.memory_space<vmem>>, vector<16xf32>,
      tpu.vector_store %arg6[%swap3A_691], %max3A_690 {strides = array<i32>} : memref<33024xf32, #tpu.memory_space<vmem>>, vector<16xf32>,
      %mul3A_693 = arith.constant 128 : i32
      %mul3A_694 = arith.muli %scan3A_658, %mul3A_693 : i32
      %add3A_695 = arith.constant 48 : i32
      %add3A_696 = arith.addi %mul3A_694, %add3A_695 : i32
      %get3A_697 = arith.index_cast %add3A_696 : i32 to index
      %get3A_698 = tpu.vector_load %arg5[%get3A_697] {strides = array<i32>} : memref<33024xf32, #tpu.memory_space<vmem>>, vector<16xf32>,
      %sub3A_699 = arith.subf %get3A_698, %scan3A_606#0 : vector<16xf32>
      %max3A_700 = arith.constant 0.000000e+00 : f32
      %max3A_701 = vector.broadcast %max3A_700 : f32 to vector<16xf32>
      %max3A_702 = arith.maximumf %sub3A_699, %max3A_701 : vector<16xf32>
      %swap3A_703 = arith.index_cast %add3A_696 : i32 to index
      %swap3A_704 = tpu.vector_load %arg6[%swap3A_703] {strides = array<i32>} : memref<33024xf32, #tpu.memory_space<vmem>>, vector<16xf32>,
      tpu.vector_store %arg6[%swap3A_703], %max3A_702 {strides = array<i32>} : memref<33024xf32, #tpu.memory_space<vmem>>, vector<16xf32>,
      %mul3A_705 = arith.constant 128 : i32
      %mul3A_706 = arith.muli %scan3A_658, %mul3A_705 : i32
      %add3A_707 = arith.constant 64 : i32
      %add3A_708 = arith.addi %mul3A_706, %add3A_707 : i32
      %get3A_709 = arith.index_cast %add3A_708 : i32 to index
      %get3A_710 = tpu.vector_load %arg5[%get3A_709] {strides = array<i32>} : memref<33024xf32, #tpu.memory_space<vmem>>, vector<16xf32>,
      %sub3A_711 = arith.subf %get3A_710, %scan3A_606#0 : vector<16xf32>
      %max3A_712 = arith.constant 0.000000e+00 : f32
      %max3A_713 = vector.broadcast %max3A_712 : f32 to vector<16xf32>
      %max3A_714 = arith.maximumf %sub3A_711, %max3A_713 : vector<16xf32>
      %swap3A_715 = arith.index_cast %add3A_708 : i32 to index
      %swap3A_716 = tpu.vector_load %arg6[%swap3A_715] {strides = array<i32>} : memref<33024xf32, #tpu.memory_space<vmem>>, vector<16xf32>,
      tpu.vector_store %arg6[%swap3A_715], %max3A_714 {strides = array<i32>} : memref<33024xf32, #tpu.memory_space<vmem>>, vector<16xf32>,
      %mul3A_717 = arith.constant 128 : i32
      %mul3A_718 = arith.muli %scan3A_658, %mul3A_717 : i32
      %add3A_719 = arith.constant 80 : i32
      %add3A_720 = arith.addi %mul3A_718, %add3A_719 : i32
      %get3A_721 = arith.index_cast %add3A_720 : i32 to index
      %get3A_722 = tpu.vector_load %arg5[%get3A_721] {strides = array<i32>} : memref<33024xf32, #tpu.memory_space<vmem>>, vector<16xf32>,
      %sub3A_723 = arith.subf %get3A_722, %scan3A_606#0 : vector<16xf32>
      %max3A_724 = arith.constant 0.000000e+00 : f32
      %max3A_725 = vector.broadcast %max3A_724 : f32 to vector<16xf32>
      %max3A_726 = arith.maximumf %sub3A_723, %max3A_725 : vector<16xf32>
      %swap3A_727 = arith.index_cast %add3A_720 : i32 to index
      %swap3A_728 = tpu.vector_load %arg6[%swap3A_727] {strides = array<i32>} : memref<33024xf32, #tpu.memory_space<vmem>>, vector<16xf32>,
      tpu.vector_store %arg6[%swap3A_727], %max3A_726 {strides = array<i32>} : memref<33024xf32, #tpu.memory_space<vmem>>, vector<16xf32>,
      %mul3A_729 = arith.constant 128 : i32
      %mul3A_730 = arith.muli %scan3A_658, %mul3A_729 : i32
      %add3A_731 = arith.constant 96 : i32
      %add3A_732 = arith.addi %mul3A_730, %add3A_731 : i32
      %get3A_733 = arith.index_cast %add3A_732 : i32 to index
      %get3A_734 = tpu.vector_load %arg5[%get3A_733] {strides = array<i32>} : memref<33024xf32, #tpu.memory_space<vmem>>, vector<16xf32>,
      %sub3A_735 = arith.subf %get3A_734, %scan3A_606#0 : vector<16xf32>
      %max3A_736 = arith.constant 0.000000e+00 : f32
      %max3A_737 = vector.broadcast %max3A_736 : f32 to vector<16xf32>
      %max3A_738 = arith.maximumf %sub3A_735, %max3A_737 : vector<16xf32>
      %swap3A_739 = arith.index_cast %add3A_732 : i32 to index
      %swap3A_740 = tpu.vector_load %arg6[%swap3A_739] {strides = array<i32>} : memref<33024xf32, #tpu.memory_space<vmem>>, vector<16xf32>,
      tpu.vector_store %arg6[%swap3A_739], %max3A_738 {strides = array<i32>} : memref<33024xf32, #tpu.memory_space<vmem>>, vector<16xf32>,
      %mul3A_741 = arith.constant 128 : i32
      %mul3A_742 = arith.muli %scan3A_658, %mul3A_741 : i32
      %add3A_743 = arith.constant 112 : i32
      %add3A_744 = arith.addi %mul3A_742, %add3A_743 : i32
      %get3A_745 = arith.index_cast %add3A_744 : i32 to index
      %get3A_746 = tpu.vector_load %arg5[%get3A_745] {strides = array<i32>} : memref<33024xf32, #tpu.memory_space<vmem>>, vector<16xf32>,
      %sub3A_747 = arith.subf %get3A_746, %scan3A_606#0 : vector<16xf32>
      %max3A_748 = arith.constant 0.000000e+00 : f32
      %max3A_749 = vector.broadcast %max3A_748 : f32 to vector<16xf32>
      %max3A_750 = arith.maximumf %sub3A_747, %max3A_749 : vector<16xf32>
      %swap3A_751 = arith.index_cast %add3A_744 : i32 to index
      %swap3A_752 = tpu.vector_load %arg6[%swap3A_751] {strides = array<i32>} : memref<33024xf32, #tpu.memory_space<vmem>>, vector<16xf32>,
      tpu.vector_store %arg6[%swap3A_751], %max3A_750 {strides = array<i32>} : memref<33024xf32, #tpu.memory_space<vmem>>, vector<16xf32>,
    }
    %scan3A_613 = arith.constant 256 : i32
    %add3A_614 = arith.constant 3 : i32
    %add3A_615 = arith.addi %mul3A_2, %add3A_614 : i32
    %dma_start3A_616 = arith.constant 0 : i32
    %dma_start3A_617 = tpu.memref_slice %arg6[%dma_start3A_616] : memref<33024xf32, #tpu.memory_space<vmem>> -> memref<16384xf32, #tpu.memory_space<vmem>>
    %dma_start3A_618 = arith.constant 0 : i32
    %dma_start3A_619 = tpu.memref_slice %arg3[%add3A_615, %dma_start3A_618] : memref<128x32768xf32, #tpu.memory_space<hbm>> -> memref<1x16384xf32, #tpu.memory_space<hbm>>
    %dma_start3A_620 = tpu.memref_squeeze %dma_start3A_619 : memref<1x16384xf32, #tpu.memory_space<hbm>> -> memref<16384xf32, #tpu.memory_space<hbm>>
    %dma_start3A_621 = arith.constant 0 : i32
    %dma_start3A_622 = tpu.memref_slice %arg3[%add3A_615, %dma_start3A_621] : memref<128x32768xf32, #tpu.memory_space<hbm>> -> memref<1x16384xf32, #tpu.memory_space<hbm>>
    %dma_start3A_623 = tpu.memref_squeeze %dma_start3A_622 : memref<1x16384xf32, #tpu.memory_space<hbm>> -> memref<16384xf32, #tpu.memory_space<hbm>>
    %dma_start3A_624 = arith.constant 0 : i32
    %dma_start3A_625 = tpu.memref_slice %arg6[%dma_start3A_624] : memref<33024xf32, #tpu.memory_space<vmem>> -> memref<16384xf32, #tpu.memory_space<vmem>>
    tpu.enqueue_dma source(%dma_start3A_625 : memref<16384xf32, #tpu.memory_space<vmem>>) target(%dma_start3A_623 : memref<16384xf32, #tpu.memory_space<hbm>>) target_semaphore(%arg13 : memref<!tpu.dma_semaphore, #tpu.memory_space<semaphore_mem>>)
    %add3A_626 = arith.constant 3 : i32
    %add3A_627 = arith.addi %mul3A_2, %add3A_626 : i32
    %dma_start3A_628 = arith.constant 16384 : i32
    %dma_start3A_629 = tpu.memref_slice %arg6[%dma_start3A_628] : memref<33024xf32, #tpu.memory_space<vmem>> -> memref<16384xf32, #tpu.memory_space<vmem>>
    %dma_start3A_630 = arith.constant 16384 : i32
    %dma_start3A_631 = tpu.memref_slice %arg3[%add3A_627, %dma_start3A_630] : memref<128x32768xf32, #tpu.memory_space<hbm>> -> memref<1x16384xf32, #tpu.memory_space<hbm>>
    %dma_start3A_632 = tpu.memref_squeeze %dma_start3A_631 : memref<1x16384xf32, #tpu.memory_space<hbm>> -> memref<16384xf32, #tpu.memory_space<hbm>>
    %dma_start3A_633 = arith.constant 16384 : i32
    %dma_start3A_634 = tpu.memref_slice %arg3[%add3A_627, %dma_start3A_633] : memref<128x32768xf32, #tpu.memory_space<hbm>> -> memref<1x16384xf32, #tpu.memory_space<hbm>>
    %dma_start3A_635 = tpu.memref_squeeze %dma_start3A_634 : memref<1x16384xf32, #tpu.memory_space<hbm>> -> memref<16384xf32, #tpu.memory_space<hbm>>
    %dma_start3A_636 = arith.constant 16384 : i32
    %dma_start3A_637 = tpu.memref_slice %arg6[%dma_start3A_636] : memref<33024xf32, #tpu.memory_space<vmem>> -> memref<16384xf32, #tpu.memory_space<vmem>>
    tpu.enqueue_dma source(%dma_start3A_637 : memref<16384xf32, #tpu.memory_space<vmem>>) target(%dma_start3A_635 : memref<16384xf32, #tpu.memory_space<hbm>>) target_semaphore(%arg14 : memref<!tpu.dma_semaphore, #tpu.memory_space<semaphore_mem>>)
    %dma_wait3A_638 = arith.constant 0 : i32
    %dma_wait3A_639 = tpu.memref_slice %arg6[%dma_wait3A_638] : memref<33024xf32, #tpu.memory_space<vmem>> -> memref<16384xf32, #tpu.memory_space<vmem>>
    %dma_wait3A_640 = arith.constant 0 : i32
    %dma_wait3A_641 = tpu.memref_slice %arg3[%add3A_615, %dma_wait3A_640] : memref<128x32768xf32, #tpu.memory_space<hbm>> -> memref<1x16384xf32, #tpu.memory_space<hbm>>
    %dma_wait3A_642 = tpu.memref_squeeze %dma_wait3A_641 : memref<1x16384xf32, #tpu.memory_space<hbm>> -> memref<16384xf32, #tpu.memory_space<hbm>>
    %dma_wait3A_643 = arith.constant 0 : i32
    %dma_wait3A_644 = tpu.memref_slice %arg3[%add3A_615, %dma_wait3A_643] : memref<128x32768xf32, #tpu.memory_space<hbm>> -> memref<1x16384xf32, #tpu.memory_space<hbm>>
    %dma_wait3A_645 = tpu.memref_squeeze %dma_wait3A_644 : memref<1x16384xf32, #tpu.memory_space<hbm>> -> memref<16384xf32, #tpu.memory_space<hbm>>
    %dma_wait3A_646 = arith.constant 0 : i32
    %dma_wait3A_647 = tpu.memref_slice %arg6[%dma_wait3A_646] : memref<33024xf32, #tpu.memory_space<vmem>> -> memref<16384xf32, #tpu.memory_space<vmem>>
    tpu.wait_dma2 semaphore(%arg13 : memref<!tpu.dma_semaphore, #tpu.memory_space<semaphore_mem>>) src(%dma_wait3A_647 : memref<16384xf32, #tpu.memory_space<vmem>>) dst(%dma_wait3A_645 : memref<16384xf32, #tpu.memory_space<hbm>>)
    %dma_wait3A_648 = arith.constant 16384 : i32
    %dma_wait3A_649 = tpu.memref_slice %arg6[%dma_wait3A_648] : memref<33024xf32, #tpu.memory_space<vmem>> -> memref<16384xf32, #tpu.memory_space<vmem>>
    %dma_wait3A_650 = arith.constant 16384 : i32
    %dma_wait3A_651 = tpu.memref_slice %arg3[%add3A_627, %dma_wait3A_650] : memref<128x32768xf32, #tpu.memory_space<hbm>> -> memref<1x16384xf32, #tpu.memory_space<hbm>>
    %dma_wait3A_652 = tpu.memref_squeeze %dma_wait3A_651 : memref<1x16384xf32, #tpu.memory_space<hbm>> -> memref<16384xf32, #tpu.memory_space<hbm>>
    %dma_wait3A_653 = arith.constant 16384 : i32
    %dma_wait3A_654 = tpu.memref_slice %arg3[%add3A_627, %dma_wait3A_653] : memref<128x32768xf32, #tpu.memory_space<hbm>> -> memref<1x16384xf32, #tpu.memory_space<hbm>>
    %dma_wait3A_655 = tpu.memref_squeeze %dma_wait3A_654 : memref<1x16384xf32, #tpu.memory_space<hbm>> -> memref<16384xf32, #tpu.memory_space<hbm>>
    %dma_wait3A_656 = arith.constant 16384 : i32
    %dma_wait3A_657 = tpu.memref_slice %arg6[%dma_wait3A_656] : memref<33024xf32, #tpu.memory_space<vmem>> -> memref<16384xf32, #tpu.memory_space<vmem>>
    tpu.wait_dma2 semaphore(%arg14 : memref<!tpu.dma_semaphore, #tpu.memory_space<semaphore_mem>>) src(%dma_wait3A_657 : memref<16384xf32, #tpu.memory_space<vmem>>) dst(%dma_wait3A_655 : memref<16384xf32, #tpu.memory_space<hbm>>)
    return
  }
}

</mosaic_0001>

<sc_bundles>
// kernel: kernel.3.cloned.1.call-start
scs
__scs_entry_jumppad:
0x0: {  	(pc) =	sbr.rel $0x88, $3  }
0x1: {  	(tag) =	ssettag $0x0;
	lr =	simm.s32 $0x1  }
0x2: {  	[smem:$0x3FA0] =	sst lr;
	_ =	strace $0xD0000000  }
0x3: {  	_ = 	snop  }
0x4: {  	_ = 	snop  }
0x5: {  	_ = 	snop  }
0x6: {  	_ = 	snop  }
0x7: {  	_ = 	snop  }
__scs_overlays_trampoline_lowered:
0x8: {  	[smem:$0x3FAF] =	sst s0  }
0x9: {  	[smem:$0x3FB0] =	sst s1  }
0xa: {  	[smem:$0x3FB1] =	sst s2  }
0xb: {  	[smem:$0x3FB2] =	sst s3  }
0xc: {  	[smem:$0x3FB3] =	sst s4  }
0xd: {  	[smem:$0x3FB4] =	sst s5  }
0xe: {  	[smem:$0x3FB5] =	sst s6  }
0xf: {  	[smem:$0x3FB6] =	sst s7  }
0x10: {  	[smem:$0x3FB7] =	sst s8  }
0x11: {  	[smem:$0x3FB8] =	sst s9;
	s0 =	simm.s32 @!p0 $0x0  }
0x12: {  	s1 =	sld [smem:$0x3F9E];
	s0 =	simm.s32 @p0 $0x1  }
0x13: {  	[smem:$0x3FB9] =	sst s0;
	s0 =	simm.s32 @!p1 $0x0  }
0x14: {  	s2 =	sld [smem:$0x3F9D];
	s0 =	simm.s32 @p1 $0x1  }
0x15: {  	[smem:$0x3FBA] =	sst s0;
	s0 =	simm.s32 @!p2 $0x0  }
0x16: {  	s3 =	sld [smem:$0x3FDB];
	s0 =	simm.s32 @p2 $0x1  }
0x17: {  	s4 =	simm.s32 $0x1BF5;
	[smem:$0x3FBC] =	sst s0  }
0x18: {  	s0 =	sld [smem:$0x3F9F];
	_ =	swait.ge [sflag:s4], $0x0  }
0x19: {  	s7 =	sld [smem:$0x3FA0]  }
0x1a: {  	s8 =	sadd.s32 $0xFFFFE003, lr  }
0x1b: {  	s9 =	sadd.s32 $0xFFFFFEF7, lr;
	s5 =	simm.s32 $0xFFFFFFFF;
	p2 =	slt.u32 s8, $0xFFFFF086  }
0x1c: {  	p1 =	slt.u32 s9, $0xF7A;
	s5 =	simm.s32 @!p2 $0x0  }
0x1d: {  	s5 =	simm.s32 @p1 $0x1;
	p0 =	seq.s32 s7, s2  }
0x1e: {  	s7 =	smul.u32 @!p0 $0xF7A, s2;
	p2 =	seq.s32 @!p0 s5, $0x0  }
0x1f: {  	s9 =	smul.u32 $0xF7A, s1;
	s8 =	simm.s32 @!p0 $0x1BF5;
	p2 =	por !p2, p0  }
0x20: {  	[sflag:s8] =	ssyncset.s32 @!p0 $0xFFFFF086;
	s6 =	sadd.s32 @!p0 s3, s7;
	s7 =	simm.s32 @!p0 $0x108  }
0x21: {  	s3 =	sadd.s32 s3, s9;
	s6 =	sadd.s32 @!p0 $0x88, s6;
	s7 =	simm.s32 @p2 $0x1082  }
0x22: {  	[simem:s7], [sflag:s8] =	dma.local @!p0 [hbm:s6], $0xF7A  }
0x23: {  	s9 =	sor.u32 $0xD0000000, s2;
	s6 =	simm.s32 $0x108;
	_ =	swait.ge @!p0 [sflag:s8], $0x0  }
0x24: {  	s3 =	sadd.s32 $0x88, s3;
	s6 =	simm.s32 @!p1 $0x1082;
	[sflag:s4] =	ssyncset.s32 $0xFFFFF086  }
0x25: {  	[simem:s6], [sflag:s4] =	dma.local [hbm:s3], $0xF7A  }
0x26: {  	[smem:$0x3FA0] =	sst s1;
	(tag) =	ssettag s2;
	_ =	strace s9  }
0x27: {  	s1 =	sld [smem:$0x3FB0]  }
0x28: {  	s2 =	sld [smem:$0x3FB1]  }
0x29: {  	s4 =	sld [smem:$0x3FB3]  }
0x2a: {  	p0 =	seq.s32 s5, $0x0;
	s5 =	sld [smem:$0x3FB4]  }
0x2b: {  	s6 =	sld [smem:$0x3FB5]  }
0x2c: {  	s7 =	sld [smem:$0x3FB6]  }
0x2d: {  	s3 =	simm.s32 $0x108;
	s8 =	sld [smem:$0x3FB7]  }
0x2e: {  	s3 =	simm.s32 @!p0 $0x1082;
	s9 =	sld [smem:$0x3FB8]  }
0x2f: {  	lr =	sadd.s32 s0, s3;
	s0 =	sld [smem:$0x3FAF]  }
0x30: {  	s3 =	sld [smem:$0x3FB2]  }
0x31: {  	[smem:$0x3FBB] =	sst s10  }
0x32: {  	s10 =	sld [smem:$0x3FB9];
	_ =	sdelay $0x3  }
0x33: {  	p0 =	seq.s32 s10, $0x1;
	s10 =	sld [smem:$0x3FBB];
	_ =	sdelay $0x3  }
0x34: {  	[smem:$0x3FBB] =	sst s10  }
0x35: {  	s10 =	sld [smem:$0x3FBA];
	_ =	sdelay $0x3  }
0x36: {  	p1 =	seq.s32 s10, $0x1;
	s10 =	sld [smem:$0x3FBB];
	_ =	sdelay $0x3  }
0x37: {  	[smem:$0x3FBB] =	sst s10  }
0x38: {  	s10 =	sld [smem:$0x3FBC]  }
0x39: {  	_ = 	snop;
	(pc) =	sbr.ind lr, $3  }
0x3a: {  	_ = 	snop  }
0x3b: {  	_ = 	snop  }
0x3c: {  	p2 =	seq.s32 s10, $0x1;
	s10 =	sld [smem:$0x3FBB]  }
0x3d: {  	_ =	shalt  }
0x3e: {  	_ =	shalt  }
0x3f: {  	_ =	shalt  }
0x40: {  	_ =	shalt  }
0x41: {  	_ =	shalt  }
0x42: {  	_ =	shalt  }
0x43: {  	_ =	shalt  }
0x44: {  	_ =	shalt  }
0x45: {  	_ =	shalt  }
0x46: {  	_ =	shalt  }
0x47: {  	_ =	shalt  }
0x48: {  	_ =	shalt  }
0x49: {  	_ =	shalt  }
0x4a: {  	_ =	shalt  }
0x4b: {  	_ =	shalt  }
0x4c: {  	_ =	shalt  }
0x4d: {  	_ =	shalt  }
0x4e: {  	_ =	shalt  }
0x4f: {  	_ =	shalt  }
0x50: {  	_ =	shalt  }
0x51: {  	_ =	shalt  }
0x52: {  	_ =	shalt  }
0x53: {  	_ =	shalt  }
0x54: {  	_ =	shalt  }
0x55: {  	_ =	shalt  }
0x56: {  	_ =	shalt  }
0x57: {  	_ =	shalt  }
0x58: {  	_ =	shalt  }
0x59: {  	_ =	shalt  }
0x5a: {  	_ =	shalt  }
0x5b: {  	_ =	shalt  }
0x5c: {  	_ =	shalt  }
0x5d: {  	_ =	shalt  }
0x5e: {  	_ =	shalt  }
0x5f: {  	_ =	shalt  }
0x60: {  	_ =	shalt  }
0x61: {  	_ =	shalt  }
0x62: {  	_ =	shalt  }
0x63: {  	_ =	shalt  }
0x64: {  	_ =	shalt  }
0x65: {  	_ =	shalt  }
0x66: {  	_ =	shalt  }
0x67: {  	_ =	shalt  }
0x68: {  	_ =	shalt  }
0x69: {  	_ =	shalt  }
0x6a: {  	_ =	shalt  }
0x6b: {  	_ =	shalt  }
0x6c: {  	_ =	shalt  }
0x6d: {  	_ =	shalt  }
0x6e: {  	_ =	shalt  }
0x6f: {  	_ =	shalt  }
0x70: {  	_ =	shalt  }
0x71: {  	_ =	shalt  }
0x72: {  	_ =	shalt  }
0x73: {  	_ =	shalt  }
0x74: {  	_ =	shalt  }
0x75: {  	_ =	shalt  }
0x76: {  	_ =	shalt  }
0x77: {  	_ =	shalt  }
0x78: {  	_ =	shalt  }
0x79: {  	_ =	shalt  }
0x7a: {  	_ =	shalt  }
0x7b: {  	_ =	shalt  }
0x7c: {  	_ =	shalt  }
0x7d: {  	_ =	shalt  }
0x7e: {  	_ =	shalt  }
0x7f: {  	_ =	shalt  }
0x80: {  	_ =	shalt  }
0x81: {  	_ =	shalt  }
0x82: {  	_ =	shalt  }
0x83: {  	_ =	shalt  }
0x84: {  	_ =	shalt  }
0x85: {  	_ =	shalt  }
0x86: {  	_ =	shalt  }
0x87: {  	_ =	shalt  }
.Lfunc_end0:
.L_simem_size_0:
called_computation_lowered:
.L_overlay_start_0:
0x88: {  	s2 =	sld [smem:$0x3FD9]  }
0x89: {  	s3 =	sld [smem:$0x3FFE];
	_ =	sdelay $0x1  }
0x8a: {  	s1 =	srdreg.scid  }
0x8b: {  	s0 =	sand.u32 $0x1, s1  }
0x8c: {  	s18 =	sshll.u32 s0, $0xA;
	s2 =	sadd.s32 s3, s2  }
0x8d: {  	s2 =	sadd.s32 s2, s18  }
0x8e: {  	[smem:$0x3FC7] =	sst s2  }
0x8f: {  	_ = 	snop  }
0x90: {  	s2 =	sld [smem:$0x3FC9]  }
0x91: {  	s19 =	sld [smem:$0x3FD0];
	(tm) =	ssettm $0x1  }
0x92: {  	s4 =	sld [smem:$0x3FFB];
	_ =	sdelay $0x3  }
0x93: {  	_ =	strace s4  }
0x94: {  	s4 =	sld [smem:$0x3FFC];
	_ =	sdelay $0x3  }
0x95: {  	_ =	strace s4  }
0x96: {  	s4 =	sld [smem:$0x3FFD];
	_ =	sdelay $0x3  }
0x97: {  	_ =	strace s4  }
0x98: {  	_ =	strace $0x8FFFFFFF  }
0x99: {  	s20 =	sld [smem:$0x3FDB];
	_ =	sdelay $0x1  }
0x9a: {  	s5 =	simm.s32 $_scs_section_size  }
0x9b: {  	s6 =	simm.s32 $_size__tile_overlayer_lowered;
	s7 =	simm.s32 $_tile_overlayer_lowered  }
0x9c: {  	s23 =	simm.s32 $0x1BFF;
	s22 =	sshll.u32 s7, $0x1;
	s4 =	sadd.s32 s5, s20  }
0x9d: {  	s8 =	simm.s32 $0x0;
	s21 =	sshll.u32 s6, $0x1;
	s6 =	sadd.s32 s22, s4  }
0x9e: {  	[timem:s8], [sflag:s23] =	dma.local [hbm:s6], s21  }
0x9f: {  	_ =	swait.ge [sflag:s23], s21  }
0xa0: {  	s5 =	ssub.s32 $0x0, s21;
	[sflag:s23] =	ssyncset.done $0x0  }
0xa1: {  	[sflag:s23] =	ssyncadd.s32 s5;
	_ =	sdelay $0x1  }
0xa2: {  	s24 =	simm.s32 $0x1B8B  }
0xa3: {  	_ =	swait.ge [sflag:s24], $0x1  }
0xa4: {  	[sflag:s24] =	ssyncset.done $0x0  }
0xa5: {  	s25 =	simm.s32 $0x1B8E;
	[sflag:s24] =	ssyncadd.s32 $0xFFFFFFFF  }
0xa6: {  	s26 =	simm.s32 $execute0_lowered;
	[smem:$0x3FD2] =	sst s25  }
0xa7: {  	s5 =	sshll.u32 s26, $0x1;
	_ =	strace $0x80000046;
	[dreg:$0x1] =	wrdreg $0xFFFFFFFF  }
0xa8: {  	s28 =	simm.s32 $_size_execute0_lowered;
	s4 =	sadd.s32 s4, s5;
	[dreg:$0x0] =	wrdreg $0x0  }
0xa9: {  	s5 =	sshll.u32 s28, $0x1;
	[dreg:$0x2] =	wrdreg s4  }
0xaa: {  	[dreg:$0x3] =	wrdreg s5  }
0xab: {  	[dreg:$0x4] =	wrdreg $0xC0  }
0xac: {  	_ =	task [dreg:s8], $0x5FFFF  }
0xad: {  	[dreg:$0x1] =	wrdreg $0xFFFFFFFF  }
0xae: {  	[dreg:$0x0] =	wrdreg $0x60  }
0xaf: {  	[dreg:$0x2] =	wrdreg s2  }
0xb0: {  	[dreg:$0x3] =	wrdreg s19  }
0xb1: {  	[dreg:$0x4] =	wrdreg $0x9  }
0xb2: {  	_ =	task.clear_ibuf [dreg:s8], $0x5FFFF;
	_ =	strace $0x90000046  }
0xb3: {  	s29 =	simm.s32 $0x9;
	_ =	strace $0x80000048  }
0xb4: {  	_ =	swait.ge [sflag:s29], $0x1  }
0xb5: {  	[sflag:s29] =	ssyncadd.s32 $0xFFFFFFFF  }
0xb6: {  	_ =	strace $0x90000048  }
0xb7: {  	_ =	sfence  }
0xb8: {  	s30 =	sld [smem:$0x0];
	_ =	sdelay $0x2  }
0xb9: {  	s31 =	sshll.u32 s1, $0xD;
	s1 =	sshrl.u32 s1, $0x2  }
0xba: {  	s3 =	sand.u32 $0x4000, s31;
	s1 =	sadd.s32 s1, s30  }
0xbb: {  	s0 =	sor.u32 s3, s0;
	s1 =	sshll.u32 s1, $0x11  }
0xbc: {  	s0 =	sor.u32 s1, s0  }
0xbd: {  	s0 =	sadd.s32 $0x8F2B, s0  }
0xbe: {  	[sflag:s0] =	ssyncadd.remote.s32 $0x1  }
0xbf: {  	_ =	sfence.sel $0xFFFF  }
0xc0: {  	[dreg:$0x0] =	wrdreg $0xFFFFFFFF;
	(pc) =	sbr.abs _section_cstart, $3  }
0xc1: {  	[dreg:$0x1] =	wrdreg $0xFFFFFFFF  }
0xc2: {  	_ =	task.clear_ibuf [dreg:s8], $0x2FFFF;
	_ =	strace $0x9FFFFFFF  }
0xc3: {  	(tm) =	ssettm $0x7FFFFFFF  }
tec
execute0_lowered:
.L_overlay_start_1:
0x0: {  	(tag) =	ssettag $0x1  }
0x1: {  	s0 =	rddreg [dreg:$0x0]  }
0x2: {  	s1 =	rddreg [dreg:$0x1];
	s3 =	srdreg.scid;
	s2 =	simm.s32 $0x0  }
0x3: {  	s6 =	stileid.u32;
	s20 =	simm.s32 $0x400;
	s28 =	simm.s32 $0x80  }
0x4: {  	s29 =	simm.s32 $0x10200;
	s30 =	simm.s32 $0x14200;
	s3 =	sand.u32 $0x1, s3  }
0x5: {  	s31 =	simm.s32 $0x3;
	[smem:$0x7FF] =	sst s2;
	s4 =	ssub.s32 $0x2, s3  }
0x6: {  	s6 =	sshll.u32 s6, $0xF;
	s3 =	sshll.u32 s3, $0x6;
	s5 =	sshrl.u32 s4, $0x1  }
0x7: {  	_ =	strace $0x80000047;
	s3 =	sor.u32 s3, s6;
	s4 =	ssub.s32 s4, s5  }
0x8: {  	s21 =	sadd.s32 s0, s3;
	s22 =	sor.u32 $0x4000, s3;
	s6 =	sor.u32 $0x10, s3  }
0x9: {  	s12 =	sor.u32 $0x4010, s3;
	s15 =	sor.u32 $0x20, s3;
	s25 =	sor.u32 $0x4020, s3  }
0xa: {  	s26 =	sor.u32 $0x30, s3;
	[dreg:$0x3] =	wrdreg s21;
	s7 =	sadd.s32 s0, s22  }
0xb: {  	s23 =	sadd.s32 s0, s6;
	s24 =	sadd.s32 s0, s12;
	s8 =	sadd.s32 s1, s22  }
0xc: {  	s9 =	sadd.s32 s0, s15;
	s10 =	sadd.s32 s0, s25;
	s11 =	sadd.s32 s1, s6  }
0xd: {  	s12 =	sadd.s32 s1, s12;
	s13 =	sadd.s32 s0, s26;
	s15 =	sadd.s32 s1, s15  }
0xe: {  	s16 =	sadd.s32 s1, s25;
	s17 =	sadd.s32 s1, s26;
	s19 =	smax.u32 s4, $0x1  }
0xf: {  	s22 =	simm.s32 $0x1;
	s26 =	simm.s32 $0x18B00;
	[dreg:$0x4] =	wrdreg s7  }
0x10: {  	s21 =	simm.s32 $0x6;
	s25 =	simm.s32 $0x0;
	[dreg:$0x5] =	wrdreg s23  }
0x11: {  	[dreg:$0x6] =	wrdreg s24;
	s7 =	sadd.s32 s1, s3;
	s3 =	sor.u32 $0x4030, s3  }
0x12: {  	v0 =	vimm.s32 $0x0;
	s23 =	simm.s32 $0x2;
	s24 =	simm.s32 $0x8100;
	s14 =	sadd.s32 s0, s3  }
0x13: {  	v1 =	vlaneseq.u32;
	v2 =	vimm.s32 $0x800;
	v3 =	vimm.f32 $0.0e+00;
	s18 =	sadd.s32 s1, s3;
	s0 =	simm.s32 $0x4;
	s1 =	simm.s32 $0x5  }
.LBB2_1:
0x14: {  	s3 =	rddreg [dreg:$0x3]  }
0x15: {  	[tilespmem:s2], [sflag:$0x1] =	stream.strided.gather [hbm4b:s3+s28], $0x4000, s20, s28, $0x38;
	[tilespmem:$0x19380] =	vst v63  }
0x16: {  	s6 =	rddreg [dreg:$0x4];
	s4 =	simm.s32 $0x4000  }
0x17: {  	v4 =	vimm.f32 $-3.000000010e+38;
	[tilespmem:s4], [sflag:$0x2] =	stream.strided.gather [hbm4b:s6+s28], $0x4000, s20, s28, $0x38;
	[tilespmem:$0x19380] =	vst v63  }
0x18: {  	[tilespmem:$0x8000] =	vst v4  }
0x19: {  	[tilespmem:$0x10100] =	vst v4  }
0x1a: {  	[tilespmem:$0x8010] =	vst v4  }
0x1b: {  	[tilespmem:$0x10110] =	vst v4  }
0x1c: {  	[tilespmem:$0x8020] =	vst v4  }
0x1d: {  	[tilespmem:$0x10120] =	vst v4  }
0x1e: {  	[tilespmem:$0x8030] =	vst v4  }
0x1f: {  	[tilespmem:$0x10130] =	vst v4  }
0x20: {  	[tilespmem:$0x8040] =	vst v4  }
0x21: {  	[tilespmem:$0x10140] =	vst v4  }
0x22: {  	[tilespmem:$0x8050] =	vst v4  }
0x23: {  	[tilespmem:$0x10150] =	vst v4  }
0x24: {  	[tilespmem:$0x8060] =	vst v4  }
0x25: {  	[tilespmem:$0x10160] =	vst v4  }
0x26: {  	[tilespmem:$0x8070] =	vst v4  }
0x27: {  	[tilespmem:$0x10170] =	vst v4  }
0x28: {  	[tilespmem:$0x8080] =	vst v4  }
0x29: {  	[tilespmem:$0x10180] =	vst v4  }
0x2a: {  	[tilespmem:$0x8090] =	vst v4  }
0x2b: {  	[tilespmem:$0x10190] =	vst v4  }
0x2c: {  	[tilespmem:$0x80A0] =	vst v4  }
0x2d: {  	[tilespmem:$0x101A0] =	vst v4  }
0x2e: {  	[tilespmem:$0x80B0] =	vst v4  }
0x2f: {  	[tilespmem:$0x101B0] =	vst v4  }
0x30: {  	[tilespmem:$0x80C0] =	vst v4  }
0x31: {  	[tilespmem:$0x101C0] =	vst v4  }
0x32: {  	[tilespmem:$0x80D0] =	vst v4  }
0x33: {  	[tilespmem:$0x101D0] =	vst v4  }
0x34: {  	[tilespmem:$0x80E0] =	vst v4  }
0x35: {  	[tilespmem:$0x101E0] =	vst v4  }
0x36: {  	[tilespmem:$0x80F0] =	vst v4  }
0x37: {  	[tilespmem:$0x101F0] =	vst v4  }
0x38: {  	_ =	swait.ge [sflag:s22], $0x4000  }
0x39: {  	[sflag:s22] =	ssyncset.done $0x0  }
0x3a: {  	[sflag:s22] =	ssyncadd.s32 $0xFFFFC000  }
0x3b: {  	_ =	swait.ge [sflag:s23], $0x4000  }
0x3c: {  	[sflag:s23] =	ssyncset.done $0x0  }
0x3d: {  	s4 =	rddreg [dreg:$0x5];
	[sflag:s23] =	ssyncadd.s32 $0xFFFFC000  }
0x3e: {  	[tilespmem:s24], [sflag:$0x3] =	stream.strided.gather [hbm4b:s4+s28], $0x4000, s20, s28, $0x38;
	[tilespmem:$0x19380] =	vst v63  }
0x3f: {  	s6 =	simm.s32 $0xC100;
	s5 =	rddreg [dreg:$0x6]  }
0x40: {  	[tilespmem:s6], [sflag:$0x4] =	stream.strided.gather [hbm4b:s5+s28], $0x4000, s20, s28, $0x38;
	[tilespmem:$0x19380] =	vst v63  }
0x41: {  	v5 =	vld [tilespmem:s28+$0xFFFFFF90]  }
0x42: {  	v6 =	vld [tilespmem:s28+$0xFFFFFF80]  }
0x43: {  	v7 =	vld [tilespmem:s28+$0xFFFFFFA0]  }
0x44: {  	v9 =	vld [tilespmem:s28+$0xFFFFFFB0]  }
0x45: {  	v8 =	vld [tilespmem:s28+$0xFFFFFFC0]  }
0x46: {  	v10 =	vld [tilespmem:s28+$0xFFFFFFD0]  }
0x47: {  	v11 =	vld [tilespmem:s28+$0xFFFFFFE0]  }
0x48: {  	v12 =	vld [tilespmem:s28+$0xFFFFFFF0]  }
0x49: {  	v13 =	vld [tilespmem:s28+$0x0]  }
0x4a: {  	v14 =	vld [tilespmem:s28+$0x10]  }
0x4b: {  	v15 =	vld [tilespmem:s28+$0x20]  }
0x4c: {  	v16 =	vld [tilespmem:s28+$0x30]  }
0x4d: {  	v17 =	vld [tilespmem:s28+$0x40]  }
0x4e: {  	v18 =	vld [tilespmem:s28+$0x50]  }
0x4f: {  	v19 =	vld [tilespmem:s28+$0x60]  }
0x50: {  	s3 =	simm.s32 $0x0;
	s4 =	simm.s32 $0x40;
	s5 =	simm.s32 $0x80;
	v20 =	vld [tilespmem:s28+$0x70]  }
.LBB2_2:
0x51: {  	p0 =	sne.s32 s4, $0x1FC0  }
0x52: {  	v5 =	vmax.f32 v6, v5;
	v6 =	vmax.f32 v7, v9  }
0x53: {  	v5 =	vmax.f32 v5, v6  }
0x54: {  	v7 =	vmax.f32 v11, v12;
	v6 =	vmax.f32 v8, v10;
	v8 =	vmax.f32 v13, v14  }
0x55: {  	v9 =	vmax.f32 v15, v16;
	v10 =	vmax.f32 v17, v18;
	v11 =	vmax.f32 v19, v20  }
0x56: {  	v6 =	vmax.f32 v6, v7;
	v7 =	vmax.f32 v8, v9;
	v8 =	vmax.f32 v10, v11  }
0x57: {  	v5 =	vmax.f32 v5, v6;
	v6 =	vmax.f32 v7, v8  }
0x58: {  	s6 =	sshra.s32 s3, $0x2;
	s3 =	smov.u32 s4;
	v5 =	vmax.f32 v5, v6  }
0x59: {  	s5 =	sadd.s32 $0x100, s5;
	[tilespmem:s6+$0x18300] =	vst v5;
	v4 =	vmax.f32 v4, v5  }
0x5a: {  	v5 =	vld [tilespmem:s5+$0xFFFFFF90]  }
0x5b: {  	v6 =	vld [tilespmem:s5+$0xFFFFFF80]  }
0x5c: {  	v7 =	vld [tilespmem:s5+$0xFFFFFFA0]  }
0x5d: {  	v9 =	vld [tilespmem:s5+$0xFFFFFFB0]  }
0x5e: {  	v8 =	vld [tilespmem:s5+$0xFFFFFFC0]  }
0x5f: {  	v10 =	vld [tilespmem:s5+$0xFFFFFFD0]  }
0x60: {  	v11 =	vld [tilespmem:s5+$0xFFFFFFE0]  }
0x61: {  	v12 =	vld [tilespmem:s5+$0xFFFFFFF0]  }
0x62: {  	v13 =	vld [tilespmem:s5+$0x0]  }
0x63: {  	v14 =	vld [tilespmem:s5+$0x10]  }
0x64: {  	v15 =	vld [tilespmem:s5+$0x20]  }
.Ltmp0:
0x65: {  	v16 =	vld [tilespmem:s5+$0x30];
	(pc) =	sbr.rel @p0 .LBB2_2-.Ltmp0, $4  }
0x66: {  	v17 =	vld [tilespmem:s5+$0x40]  }
0x67: {  	v18 =	vld [tilespmem:s5+$0x50]  }
0x68: {  	v19 =	vld [tilespmem:s5+$0x60]  }
0x69: {  	s4 =	sadd.s32 $0x40, s4;
	v20 =	vld [tilespmem:s5+$0x70]  }
0x6a: {  	_ =	sdelay $0x1  }
0x6b: {  	v5 =	vmax.f32 v6, v5;
	v6 =	vmax.f32 v7, v9;
	v7 =	vmax.f32 v11, v12  }
0x6c: {  	v9 =	vmax.f32 v15, v16;
	v5 =	vmax.f32 v5, v6;
	v6 =	vmax.f32 v8, v10  }
0x6d: {  	v8 =	vmax.f32 v13, v14;
	v10 =	vmax.f32 v17, v18;
	v11 =	vmax.f32 v19, v20  }
0x6e: {  	v6 =	vmax.f32 v6, v7;
	v7 =	vmax.f32 v8, v9;
	v8 =	vmax.f32 v10, v11  }
0x6f: {  	v5 =	vmax.f32 v5, v6;
	v6 =	vmax.f32 v7, v8  }
0x70: {  	v6 =	vmax.f32 v5, v6  }
0x71: {  	v4 =	vmax.f32 v4, v6  }
0x72: {  	(xrf0) =	vmax.scan.msk.f32 $0xffff, v4;
	_ =	sdelay $0x5  }
0x73: {  	v5, _, _ =	vpop (xrf0)  }
0x74: {  	(v2sf) =	vpush v5, $0xF;
	_ =	sdelay $0xe  }
0x75: {  	s4 =	spop (v2sf)  }
0x76: {  	s3 =	sshra.s32 s3, $0x2;
	s5 =	sadd.f32 $-1.000000000e+00, s4  }
0x77: {  	[tilespmem:s3+$0x18300] =	vst v6;
	s4 =	simm.s32 $0x18300  }
0x78: {  	v7 =	vimm.s32 $0x0;
	s3 =	simm.s32 $0x0;
	v6 =	vimm.s32 $0x0;
	v8 =	vld [tilespmem:s4+$0x0];
	v4 =	vmov s5;
	s5 =	simm.s32 $0x10  }
.LBB2_4:
0x79: {  	p0 =	sne.s32 s5, $0x7F0;
	_ =	sdelay $0x3  }
0x7a: {  	vm0 =	vgt.f32 v8, v4  }
0x7b: {  	v8 =	vsel vm0, $0x1, v0;
	v9 =	vmpcnt.ones.xlane vm0  }
0x7c: {  	(xrf0) =	vadd.scan.msk.s32 $0xffff, v8  }
0x7d: {  	v7 =	vadd.s32 v7, v9;
	_ =	sdelay $0x3  }
0x7e: {  	v8 =	vsel vm0, $0xFFFFFFFF, v0  }
0x7f: {  	v8 =	vadd.s32 v8, v6;
	v6 =	vmov v7;
	v9, _, _ =	vpop (xrf0)  }
0x80: {  	v8 =	vadd.s32 v9, v8;
	_ =	sdelay $0x1  }
.Ltmp1:
0x81: {  	(pc) =	sbr.rel @p0 .LBB2_4-.Ltmp1, $4  }
0x82: {  	_ = 	snop  }
0x83: {  	v9 =	vor.u32 s3, v1;
	s3 =	smov.u32 s5  }
0x84: {  	s4 =	sadd.s32 $0x10, s4;
	[tilespmem:v8+s26+$0x0] =	vst.idx.msk vm0, v9  }
0x85: {  	s5 =	sadd.s32 $0x10, s5;
	v8 =	vld [tilespmem:s4+$0x0]  }
0x86: {  	_ =	sdelay $0x3  }
0x87: {  	vm0 =	vgt.f32 v8, v4  }
0x88: {  	v8 =	vmpcnt.ones.xlane vm0;
	_ =	sdelay $0x1  }
0x89: {  	v9 =	vsel vm0, $0x1, v0;
	v7 =	vadd.s32 v7, v8  }
0x8a: {  	(xrf0) =	vadd.scan.msk.s32 $0xffff, v9;
	v7 =	vxor.u32 $0x80000000, v7  }
0x8b: {  	(xrf0) =	vmax.scan.msk.u32 $0xffff, v7;
	_ =	sdelay $0x4  }
0x8c: {  	v7, _, _ =	vpop (xrf0)  }
0x8d: {  	v61, _, _ =	vpop (xrf0)  }
0x8e: {  	(v2sf) =	vpush v61, $0xF;
	_ =	sdelay $0xe  }
0x8f: {  	v62 =	vsel vm0, $0xFFFFFFFF, v0;
	s4 =	spop (v2sf)  }
0x90: {  	v6 =	vadd.s32 v62, v6;
	s5 =	sxor.u32 $0x80000000, s4;
	s4 =	sadd.s32 $0x8000000F, s4  }
0x91: {  	v63 =	vor.u32 s3, v1;
	v6 =	vadd.s32 v7, v6;
	s3 =	sshrl.u32 s4, $0x4  }
0x92: {  	v7 =	vadd.s32 s5, v1;
	p0 =	seq.s32 s3, $0x0  }
.Ltmp2:
0x93: {  	_ = 	snop;
	(pc) =	sbr.rel @p0 .LBB2_9-.Ltmp2, $3  }
0x94: {  	_ =	sdelay $0x1  }
0x95: {  	[tilespmem:v6+s26+$0x0] =	vst.idx.msk vm0, v63;
	s4 =	simm.s32 $0x18B00  }
0x96: {  	s5 =	simm.s32 $0x10280;
	[tilespmem:v7+s4+$0x0] =	vst.idx.msk $0xffff, v2  }
0x97: {  	v6 =	vld [tilespmem:s4+$0x0];
	_ =	sdelay $0x4  }
0x98: {  	v7 =	vshll.u32 v6, $0x4  }
0x99: {  	v6 =	vand.u32 $0xF, v6;
	v8 =	vand.u32 $0xFFFFFF00, v7  }
0x9a: {  	v8 =	vor.u32 v6, v8;
	_ =	sdelay $0x4  }
0x9b: {  	v9 =	vld.idx.msk [tilespmem:v8+s2+$0x0], $0xffff  }
0x9c: {  	v10 =	vor.u32 $0x10, v8;
	_ =	sdelay $0x3  }
0x9d: {  	[tilespmem:s5+$0xFFFFFF80] =	vst v9  }
0x9e: {  	v9 =	vld.idx.msk [tilespmem:v10+s2+$0x0], $0xffff  }
0x9f: {  	v52 =	vor.u32 $0x20, v8;
	_ =	sdelay $0x3  }
0xa0: {  	[tilespmem:s5+$0xFFFFFF90] =	vst v9  }
0xa1: {  	v9 =	vld.idx.msk [tilespmem:v52+s2+$0x0], $0xffff  }
0xa2: {  	v53 =	vor.u32 $0x30, v8;
	_ =	sdelay $0x3  }
0xa3: {  	[tilespmem:s5+$0xFFFFFFA0] =	vst v9  }
0xa4: {  	v9 =	vld.idx.msk [tilespmem:v53+s2+$0x0], $0xffff  }
0xa5: {  	v54 =	vor.u32 $0x40, v8;
	_ =	sdelay $0x3  }
0xa6: {  	[tilespmem:s5+$0xFFFFFFB0] =	vst v9  }
0xa7: {  	v9 =	vld.idx.msk [tilespmem:v54+s2+$0x0], $0xffff  }
0xa8: {  	v55 =	vor.u32 $0x50, v8;
	_ =	sdelay $0x3  }
0xa9: {  	[tilespmem:s5+$0xFFFFFFC0] =	vst v9  }
0xaa: {  	v9 =	vld.idx.msk [tilespmem:v55+s2+$0x0], $0xffff  }
0xab: {  	v56 =	vor.u32 $0x60, v8;
	_ =	sdelay $0x3  }
0xac: {  	[tilespmem:s5+$0xFFFFFFD0] =	vst v9  }
0xad: {  	v9 =	vld.idx.msk [tilespmem:v56+s2+$0x0], $0xffff  }
0xae: {  	v57 =	vor.u32 $0x70, v8;
	_ =	sdelay $0x3  }
0xaf: {  	[tilespmem:s5+$0xFFFFFFE0] =	vst v9  }
0xb0: {  	v9 =	vld.idx.msk [tilespmem:v57+s2+$0x0], $0xffff  }
0xb1: {  	v58 =	vor.u32 $0x80, v8;
	_ =	sdelay $0x3  }
0xb2: {  	[tilespmem:s5+$0xFFFFFFF0] =	vst v9  }
0xb3: {  	v9 =	vld.idx.msk [tilespmem:v58+s2+$0x0], $0xffff  }
0xb4: {  	v59 =	vor.u32 $0x90, v8;
	_ =	sdelay $0x3  }
0xb5: {  	[tilespmem:s5+$0x0] =	vst v9  }
0xb6: {  	v9 =	vld.idx.msk [tilespmem:v59+s2+$0x0], $0xffff  }
0xb7: {  	v60 =	vor.u32 $0xA0, v8;
	_ =	sdelay $0x3  }
0xb8: {  	[tilespmem:s5+$0x10] =	vst v9  }
0xb9: {  	v9 =	vld.idx.msk [tilespmem:v60+s2+$0x0], $0xffff  }
0xba: {  	v61 =	vor.u32 $0xB0, v8;
	_ =	sdelay $0x3  }
0xbb: {  	[tilespmem:s5+$0x20] =	vst v9  }
0xbc: {  	v9 =	vld.idx.msk [tilespmem:v61+s2+$0x0], $0xffff  }
0xbd: {  	v62 =	vor.u32 $0xC0, v8;
	_ =	sdelay $0x3  }
0xbe: {  	[tilespmem:s5+$0x30] =	vst v9  }
0xbf: {  	v9 =	vld.idx.msk [tilespmem:v62+s2+$0x0], $0xffff  }
0xc0: {  	v63 =	vor.u32 $0xD0, v8;
	_ =	sdelay $0x3  }
0xc1: {  	[tilespmem:s5+$0x40] =	vst v9  }
0xc2: {  	v9 =	vld.idx.msk [tilespmem:v63+s2+$0x0], $0xffff  }
0xc3: {  	v8 =	vor.u32 $0xE0, v8;
	_ =	sdelay $0x3  }
0xc4: {  	[tilespmem:s5+$0x50] =	vst v9  }
0xc5: {  	v6 =	vor.u32 v7, v6;
	v7 =	vld.idx.msk [tilespmem:v8+s2+$0x0], $0xffff  }
0xc6: {  	p1 =	sne.s32 s3, $0x1;
	v6 =	vor.u32 $0xF0, v6  }
.Ltmp3:
0xc7: {  	_ = 	snop;
	(pc) =	sbr.rel @!p1 .LBB2_8-.Ltmp3, $3  }
0xc8: {  	_ =	sdelay $0x1  }
0xc9: {  	[tilespmem:s5+$0x60] =	vst v7  }
0xca: {  	s6 =	sadd.s32 $0xFFFFFFFF, s3;
	v6 =	vld.idx.msk [tilespmem:v6+s2+$0x0], $0xffff  }
.LBB2_7:
0xcb: {  	_ =	sdelay $0x3  }
0xcc: {  	p1 =	sne.s32 s6, $0x1;
	s4 =	sadd.s32 $0x10, s4;
	[tilespmem:s5+$0x70] =	vst v6;
	s5 =	sadd.s32 $0x100, s5  }
0xcd: {  	s6 =	sadd.s32 $0xFFFFFFFF, s6;
	v6 =	vld [tilespmem:s4+$0x0];
	_ =	sdelay $0x4  }
0xce: {  	v8 =	vshll.u32 v6, $0x4  }
0xcf: {  	v6 =	vand.u32 $0xF, v6;
	v7 =	vand.u32 $0xFFFFFF00, v8  }
0xd0: {  	v7 =	vor.u32 v6, v7;
	v6 =	vor.u32 v8, v6;
	_ =	sdelay $0x4  }
0xd1: {  	v8 =	vld.idx.msk [tilespmem:v7+s2+$0x0], $0xffff;
	_ =	sdelay $0x1  }
0xd2: {  	v9 =	vor.u32 $0x10, v7;
	_ =	sdelay $0x3  }
0xd3: {  	[tilespmem:s5+$0xFFFFFF80] =	vst v8  }
0xd4: {  	v8 =	vld.idx.msk [tilespmem:v9+s2+$0x0], $0xffff;
	_ =	sdelay $0x1  }
0xd5: {  	v9 =	vor.u32 $0x20, v7;
	_ =	sdelay $0x3  }
0xd6: {  	[tilespmem:s5+$0xFFFFFF90] =	vst v8  }
0xd7: {  	v8 =	vld.idx.msk [tilespmem:v9+s2+$0x0], $0xffff;
	_ =	sdelay $0x1  }
0xd8: {  	v9 =	vor.u32 $0x30, v7;
	_ =	sdelay $0x3  }
0xd9: {  	[tilespmem:s5+$0xFFFFFFA0] =	vst v8  }
0xda: {  	v8 =	vld.idx.msk [tilespmem:v9+s2+$0x0], $0xffff;
	_ =	sdelay $0x1  }
0xdb: {  	v9 =	vor.u32 $0x40, v7;
	_ =	sdelay $0x3  }
0xdc: {  	[tilespmem:s5+$0xFFFFFFB0] =	vst v8  }
0xdd: {  	v8 =	vld.idx.msk [tilespmem:v9+s2+$0x0], $0xffff;
	_ =	sdelay $0x1  }
0xde: {  	v9 =	vor.u32 $0x50, v7;
	_ =	sdelay $0x3  }
0xdf: {  	[tilespmem:s5+$0xFFFFFFC0] =	vst v8  }
0xe0: {  	v8 =	vld.idx.msk [tilespmem:v9+s2+$0x0], $0xffff;
	_ =	sdelay $0x1  }
0xe1: {  	v9 =	vor.u32 $0x60, v7;
	_ =	sdelay $0x3  }
0xe2: {  	[tilespmem:s5+$0xFFFFFFD0] =	vst v8  }
0xe3: {  	v8 =	vld.idx.msk [tilespmem:v9+s2+$0x0], $0xffff;
	_ =	sdelay $0x1  }
0xe4: {  	v9 =	vor.u32 $0x70, v7;
	_ =	sdelay $0x3  }
0xe5: {  	[tilespmem:s5+$0xFFFFFFE0] =	vst v8  }
0xe6: {  	v8 =	vld.idx.msk [tilespmem:v9+s2+$0x0], $0xffff;
	_ =	sdelay $0x1  }
0xe7: {  	v9 =	vor.u32 $0x80, v7;
	_ =	sdelay $0x3  }
0xe8: {  	[tilespmem:s5+$0xFFFFFFF0] =	vst v8  }
0xe9: {  	v8 =	vld.idx.msk [tilespmem:v9+s2+$0x0], $0xffff;
	_ =	sdelay $0x1  }
0xea: {  	v9 =	vor.u32 $0x90, v7;
	_ =	sdelay $0x3  }
0xeb: {  	[tilespmem:s5+$0x0] =	vst v8  }
0xec: {  	v8 =	vld.idx.msk [tilespmem:v9+s2+$0x0], $0xffff;
	_ =	sdelay $0x1  }
0xed: {  	v9 =	vor.u32 $0xA0, v7;
	_ =	sdelay $0x3  }
0xee: {  	[tilespmem:s5+$0x10] =	vst v8  }
0xef: {  	v8 =	vld.idx.msk [tilespmem:v9+s2+$0x0], $0xffff;
	_ =	sdelay $0x1  }
0xf0: {  	v9 =	vor.u32 $0xB0, v7;
	_ =	sdelay $0x3  }
0xf1: {  	[tilespmem:s5+$0x20] =	vst v8  }
0xf2: {  	v8 =	vld.idx.msk [tilespmem:v9+s2+$0x0], $0xffff;
	_ =	sdelay $0x1  }
0xf3: {  	v9 =	vor.u32 $0xC0, v7;
	_ =	sdelay $0x3  }
0xf4: {  	[tilespmem:s5+$0x30] =	vst v8  }
0xf5: {  	v8 =	vld.idx.msk [tilespmem:v9+s2+$0x0], $0xffff;
	_ =	sdelay $0x1  }
0xf6: {  	v9 =	vor.u32 $0xD0, v7;
	_ =	sdelay $0x3  }
0xf7: {  	[tilespmem:s5+$0x40] =	vst v8  }
0xf8: {  	v8 =	vld.idx.msk [tilespmem:v9+s2+$0x0], $0xffff;
	_ =	sdelay $0x1  }
0xf9: {  	v7 =	vor.u32 $0xE0, v7;
	_ =	sdelay $0x3  }
0xfa: {  	[tilespmem:s5+$0x50] =	vst v8  }
0xfb: {  	v7 =	vld.idx.msk [tilespmem:v7+s2+$0x0], $0xffff;
	_ =	sdelay $0x1  }
0xfc: {  	v6 =	vor.u32 $0xF0, v6  }
.Ltmp4:
0xfd: {  	(pc) =	sbr.rel @p1 .LBB2_7-.Ltmp4, $3  }
0xfe: {  	_ =	sdelay $0x1  }
0xff: {  	[tilespmem:s5+$0x60] =	vst v7  }
0x100: {  	v6 =	vld.idx.msk [tilespmem:v6+s2+$0x0], $0xffff  }
.LBB2_8:
0x101: {  	_ =	sdelay $0x3  }
0x102: {  	[tilespmem:s5+$0x70] =	vst v6  }
.LBB2_9:
.Ltmp5:
0x103: {  	v5 =	vadd.f32 $0.0e+00, v5;
	(pc) =	sbr.rel .LBB2_10-.Ltmp5, $3  }
0x104: {  	_ =	sdelay $0x1  }
0x105: {  	s3 =	sshll.u32 s3, $0x1  }
0x106: {  	s4 =	simm.s32 $0x0;
	s3 =	smax.u32 s3, $0x1;
	v6 =	vbroadcast v5, $0xF;
	v5 =	vmov v4  }
.LBB2_11:
0x107: {  	v8 =	vimm.f32 $0.0e+00  }
.LBB2_17:
0x108: {  	(xrf2) =	vadd.scan.msk.f32 $0xffff, v7  }
0x109: {  	(xrf2) =	vadd.scan.msk.f32 $0xffff, v8;
	_ =	sdelay $0x8  }
0x10a: {  	v7, _, _ =	vpop (xrf2)  }
0x10b: {  	v8, _, _ =	vpop (xrf2)  }
0x10c: {  	v8 =	vadd.f32 $0.0e+00, v8;
	_ =	sdelay $0x1  }
0x10d: {  	v8 =	vbroadcast v8, $0xF;
	_ =	sdelay $0x1  }
0x10e: {  	v9 =	vmax.f32 v8, $1.000000000e+00  }
0x10f: {  	(erf) = vrcp.f32 v9;
	_ =	sdelay $0x3  }
0x110: {  	v7 =	vadd.f32 $0.0e+00, v7;
	_ =	sdelay $0x1  }
0x111: {  	v7 =	vbroadcast v7, $0xF;
	v63 =	vmul.f32 v8, v4;
	_ =	sdelay $0x1  }
0x112: {  	v9 =	vsub.f32 v7, v63;
	v7 =	vadd.f32 $-1.000000000e+00, v7  }
0x113: {  	v10 =	vpop (erf)  }
0x114: {  	vm0 =	vge.f32 v9, $1.000000000e+00;
	v7 =	vmul.f32 v10, v7  }
0x115: {  	s4 =	sadd.s32 $0x1, s4;
	v5 =	vsel vm0, v4, v5  }
0x116: {  	p1 =	sne.s32 s4, $0xC;
	vm1 =	vgt.f32 v8, $5.000000000e-01;
	v7 =	vmax.f32 v5, v7  }
.Ltmp6:
0x117: {  	v6 =	vsel vm0, v6, v4;
	v5 =	vsel vm1, v7, v5;
	(pc) =	sbr.rel @!p1 .LBB2_18-.Ltmp6, $2  }
0x118: {  	v4 =	vadd.f32 v5, v6;
	_ =	sdelay $0x1  }
0x119: {  	v4 =	vmul.f32 $5.000000000e-01, v4;
	_ =	sdelay $0x1  }
.LBB2_10:
.Ltmp7:
0x11a: {  	(pc) =	sbr.rel @p0 .LBB2_11-.Ltmp7, $2  }
0x11b: {  	_ =	sdelay $0x2  }
0x11c: {  	s5 =	simm.s32 $0x10240;
	v7 =	vimm.f32 $0.0e+00  }
0x11d: {  	p2 =	sne.s32 s3, $0x1  }
.Ltmp8:
0x11e: {  	_ = 	snop;
	(pc) =	sbr.rel @!p2 .LBB2_13-.Ltmp8, $2  }
0x11f: {  	_ =	sdelay $0x2  }
0x120: {  	v8 =	vld [tilespmem:s5+$0xFFFFFFC0];
	s6 =	sadd.s32 $0xFFFFFFFF, s3;
	p1 =	por $0x0, $0x0  }
0x121: {  	_ = 	snop  }
0x122: {  	v9 =	vld [tilespmem:s5+$0xFFFFFFD0];
	_ =	sdelay $0x1  }
0x123: {  	v10 =	vld [tilespmem:s5+$0xFFFFFFE0]  }
0x124: {  	vm0 =	vgt.f32 v8, v4  }
0x125: {  	v11 =	vld [tilespmem:s5+$0xFFFFFFF0];
	v8 =	vnsel vm0, $0x0, v8;
	v12 =	vsel vm0, $0x3F800000, v3  }
0x126: {  	vm11 =	vgt.f32 v9, v4;
	v8 =	vadd.f32 v8, v7;
	v12 =	vadd.f32 v12, v7  }
0x127: {  	v13 =	vld [tilespmem:s5+$0x0];
	v9 =	vnsel vm11, $0x0, v9;
	v14 =	vsel vm11, $0x3F800000, v3  }
0x128: {  	vm12 =	vgt.f32 v10, v4;
	v8 =	vadd.f32 v9, v8;
	v9 =	vadd.f32 v14, v12  }
0x129: {  	v10 =	vnsel vm12, $0x0, v10;
	v14 =	vld [tilespmem:s5+$0x10];
	v12 =	vsel vm12, $0x3F800000, v3  }
0x12a: {  	p2 =	sne.s32 s6, $0x1;
	vm13 =	vgt.f32 v11, v4;
	v8 =	vadd.f32 v10, v8;
	v10 =	vadd.f32 v12, v9  }
.Ltmp9:
0x12b: {  	v11 =	vnsel vm13, $0x0, v11;
	v12 =	vsel vm13, $0x3F800000, v3;
	v9 =	vld [tilespmem:s5+$0x20];
	(pc) =	sbr.rel @!p2 .LBB2_16-.Ltmp9, $4  }
0x12c: {  	vm14 =	vgt.f32 v13, v4;
	v8 =	vadd.f32 v11, v8;
	v12 =	vadd.f32 v12, v10  }
0x12d: {  	v11 =	vnsel vm14, $0x0, v13;
	v10 =	vld [tilespmem:s5+$0x30];
	v13 =	vsel vm14, $0x3F800000, v3  }
0x12e: {  	s5 =	sadd.s32 $0x80, s5;
	vm15 =	vgt.f32 v14, v4;
	v11 =	vadd.f32 v11, v8;
	v12 =	vadd.f32 v13, v12  }
0x12f: {  	s6 =	sadd.s32 $0xFFFFFFFF, s6;
	p1 =	por $0x1, $0x1;
	v8 =	vld [tilespmem:s5+$0xFFFFFFC0];
	v13 =	vnsel vm15, $0x0, v14;
	v14 =	vsel vm15, $0x3F800000, v3  }
.LBB2_15:
0x130: {  	p2 =	sne.s32 s6, $0x1;
	v11 =	vadd.f32 v13, v11;
	v12 =	vadd.f32 v14, v12;
	vm0 =	vgt.f32 v9, v4  }
0x131: {  	v13 =	vld [tilespmem:s5+$0xFFFFFFD0];
	v9 =	vnsel vm0, $0x0, v9;
	v14 =	vsel vm0, $0x3F800000, v3  }
0x132: {  	v9 =	vadd.f32 v9, v11;
	v11 =	vadd.f32 v14, v12;
	vm0 =	vgt.f32 v10, v4  }
0x133: {  	v12 =	vld [tilespmem:s5+$0xFFFFFFE0];
	v10 =	vnsel vm0, $0x0, v10;
	v14 =	vsel vm0, $0x3F800000, v3  }
0x134: {  	vm0 =	vgt.f32 v8, v4;
	v9 =	vadd.f32 v10, v9;
	v10 =	vadd.f32 v14, v11  }
0x135: {  	v8 =	vnsel vm0, $0x0, v8;
	v11 =	vsel vm0, $0x3F800000, v3;
	v14 =	vld [tilespmem:s5+$0xFFFFFFF0]  }
0x136: {  	v8 =	vadd.f32 v8, v9;
	v9 =	vadd.f32 v11, v10;
	vm0 =	vgt.f32 v13, v4  }
0x137: {  	v10 =	vnsel vm0, $0x0, v13;
	v11 =	vsel vm0, $0x3F800000, v3;
	v13 =	vld [tilespmem:s5+$0x0]  }
0x138: {  	v8 =	vadd.f32 v10, v8;
	v9 =	vadd.f32 v11, v9;
	vm0 =	vgt.f32 v12, v4  }
0x139: {  	v10 =	vnsel vm0, $0x0, v12;
	v11 =	vsel vm0, $0x3F800000, v3;
	v15 =	vld [tilespmem:s5+$0x10]  }
0x13a: {  	v8 =	vadd.f32 v10, v8;
	v10 =	vadd.f32 v11, v9;
	vm0 =	vgt.f32 v14, v4  }
.Ltmp10:
0x13b: {  	v11 =	vnsel vm0, $0x0, v14;
	v12 =	vsel vm0, $0x3F800000, v3;
	v9 =	vld [tilespmem:s5+$0x20];
	(pc) =	sbr.rel @p2 .LBB2_15-.Ltmp10, $4  }
0x13c: {  	v8 =	vadd.f32 v11, v8;
	v12 =	vadd.f32 v12, v10;
	vm0 =	vgt.f32 v13, v4  }
0x13d: {  	v11 =	vnsel vm0, $0x0, v13;
	v13 =	vsel vm0, $0x3F800000, v3;
	v10 =	vld [tilespmem:s5+$0x30]  }
0x13e: {  	s5 =	sadd.s32 $0x80, s5;
	v11 =	vadd.f32 v11, v8;
	v12 =	vadd.f32 v13, v12;
	vm0 =	vgt.f32 v15, v4  }
0x13f: {  	s6 =	sadd.s32 $0xFFFFFFFF, s6;
	v8 =	vld [tilespmem:s5+$0xFFFFFFC0];
	v13 =	vnsel vm0, $0x0, v15;
	v14 =	vsel vm0, $0x3F800000, v3  }
.LBB2_16:
0x140: {  	v11 =	vadd.f32 @p1 v13, v11;
	vm0 =	vgt.f32 @p1 v9, v4  }
0x141: {  	v12 =	vadd.f32 @p1 v14, v12;
	v9 =	vnsel @p1 vm0, $0x0, v9  }
0x142: {  	v59 =	vld [tilespmem:s5+$0xFFFFFFD0];
	v13 =	vsel @p1 vm0, $0x3F800000, v3;
	v9 =	vadd.f32 @p1 v9, v11;
	vm0 =	vgt.f32 @p1 v10, v4  }
0x143: {  	v11 =	vadd.f32 @p1 v13, v12;
	v10 =	vnsel @p1 vm0, $0x0, v10  }
0x144: {  	v60 =	vld [tilespmem:s5+$0xFFFFFFE0];
	v12 =	vsel @p1 vm0, $0x3F800000, v3;
	v9 =	vadd.f32 @p1 v10, v9  }
0x145: {  	vm8 =	vgt.f32 v8, v4;
	v10 =	vadd.f32 @p1 v12, v11  }
0x146: {  	v61 =	vld [tilespmem:s5+$0xFFFFFFF0];
	v8 =	vnsel vm8, $0x0, v8;
	v11 =	vsel vm8, $0x3F800000, v3;
	v9 =	vpsel p1, v9, v7  }
0x147: {  	vm9 =	vgt.f32 v59, v4;
	v7 =	vpsel p1, v10, v7;
	v8 =	vadd.f32 v8, v9  }
0x148: {  	v7 =	vadd.f32 v11, v7;
	v9 =	vnsel vm9, $0x0, v59;
	v11 =	vld [tilespmem:s5+$0x0]  }
0x149: {  	vm10 =	vgt.f32 v60, v4;
	v10 =	vsel vm9, $0x3F800000, v3;
	v8 =	vadd.f32 v9, v8  }
0x14a: {  	v62 =	vld [tilespmem:s5+$0x10];
	v7 =	vadd.f32 v10, v7;
	v9 =	vnsel vm10, $0x0, v60  }
0x14b: {  	vm11 =	vgt.f32 v61, v4;
	v10 =	vsel vm10, $0x3F800000, v3;
	v8 =	vadd.f32 v9, v8  }
0x14c: {  	v63 =	vld [tilespmem:s5+$0x20];
	v7 =	vadd.f32 v10, v7;
	v9 =	vnsel vm11, $0x0, v61  }
0x14d: {  	v10 =	vsel vm11, $0x3F800000, v3;
	vm12 =	vgt.f32 v11, v4;
	v8 =	vadd.f32 v9, v8  }
0x14e: {  	v7 =	vadd.f32 v10, v7;
	v9 =	vnsel vm12, $0x0, v11;
	v11 =	vld [tilespmem:s5+$0x30]  }
0x14f: {  	vm13 =	vgt.f32 v62, v4;
	v10 =	vsel vm12, $0x3F800000, v3;
	v8 =	vadd.f32 v9, v8  }
0x150: {  	v7 =	vadd.f32 v10, v7;
	v9 =	vnsel vm13, $0x0, v62  }
0x151: {  	vm14 =	vgt.f32 v63, v4;
	v10 =	vsel vm13, $0x3F800000, v3;
	v8 =	vadd.f32 v9, v8  }
.Ltmp11:
0x152: {  	v7 =	vadd.f32 v10, v7;
	v9 =	vnsel vm14, $0x0, v63;
	(pc) =	sbr.rel .LBB2_17-.Ltmp11, $4  }
0x153: {  	v10 =	vsel vm14, $0x3F800000, v3;
	vm15 =	vgt.f32 v11, v4;
	v8 =	vadd.f32 v9, v8  }
0x154: {  	v9 =	vadd.f32 v10, v7;
	v7 =	vnsel vm15, $0x0, v11  }
0x155: {  	v10 =	vsel vm15, $0x3F800000, v3;
	v7 =	vadd.f32 v7, v8  }
0x156: {  	v8 =	vadd.f32 v10, v9  }
.LBB2_13:
.Ltmp12:
0x157: {  	(pc) =	sbr.rel .LBB2_16-.Ltmp12, $2  }
0x158: {  	_ =	sdelay $0x2  }
0x159: {  	_ = 	snop  }
.LBB2_18:
0x15a: {  	s4 =	simm.s32 $0x0  }
0x15b: {  	v4 =	vld [tilespmem:s4+$0x70]  }
0x15c: {  	v7 =	vld [tilespmem:s4+$0x0]  }
0x15d: {  	v10 =	vld [tilespmem:s4+$0x10]  }
0x15e: {  	v9 =	vld [tilespmem:s4+$0x20]  }
0x15f: {  	v8 =	vld [tilespmem:s4+$0x30]  }
0x160: {  	v6 =	vld [tilespmem:s4+$0x40];
	v12 =	vsub.f32 v4, v5  }
0x161: {  	v4 =	vld [tilespmem:s4+$0x50];
	v11 =	vsub.f32 v7, v5  }
0x162: {  	s3 =	simm.s32 $0x80;
	s5 =	simm.s32 $0x400;
	v10 =	vsub.f32 v10, v5;
	v7 =	vld [tilespmem:s4+$0x60];
	v12 =	vmax.f32 v12, $0.0e+00  }
.LBB2_19:
0x163: {  	p0 =	sne.s32 s5, $0x1FE00;
	v13 =	vld [tilespmem:s3+$0x70];
	v11 =	vmax.f32 v11, $0.0e+00;
	v9 =	vsub.f32 v9, v5;
	[tilespmem:s4+$0x10270] =	vst v12  }
0x164: {  	v12 =	vld [tilespmem:s3+$0x0];
	[tilespmem:s4+$0x10200] =	vst v11;
	v10 =	vmax.f32 v10, $0.0e+00;
	v8 =	vsub.f32 v8, v5  }
0x165: {  	v14 =	vld [tilespmem:s3+$0x10];
	[tilespmem:s4+$0x10210] =	vst v10;
	v10 =	vmax.f32 v9, $0.0e+00;
	v6 =	vsub.f32 v6, v5  }
.Ltmp13:
0x166: {  	v9 =	vld [tilespmem:s3+$0x20];
	[tilespmem:s4+$0x10220] =	vst v10;
	v10 =	vmax.f32 v8, $0.0e+00;
	v4 =	vsub.f32 v4, v5;
	(pc) =	sbr.rel @p0 .LBB2_19-.Ltmp13, $4  }
0x167: {  	v8 =	vld [tilespmem:s3+$0x30];
	[tilespmem:s4+$0x10230] =	vst v10;
	v10 =	vmax.f32 v6, $0.0e+00;
	v7 =	vsub.f32 v7, v5  }
0x168: {  	v6 =	vld [tilespmem:s3+$0x40];
	v13 =	vsub.f32 v13, v5;
	[tilespmem:s4+$0x10240] =	vst v10;
	v10 =	vmax.f32 v4, $0.0e+00  }
0x169: {  	v11 =	vsub.f32 v12, v5;
	v4 =	vld [tilespmem:s3+$0x50];
	[tilespmem:s4+$0x10250] =	vst v10;
	v15 =	vmax.f32 v7, $0.0e+00  }
0x16a: {  	v10 =	vsub.f32 v14, v5;
	v7 =	vld [tilespmem:s3+$0x60];
	v12 =	vmax.f32 v13, $0.0e+00;
	[tilespmem:s4+$0x10260] =	vst v15;
	s4 =	smov.u32 s3;
	s3 =	sshra.s32 s5, $0x2;
	s5 =	sadd.s32 $0x200, s5  }
0x16b: {  	v13 =	vld [tilespmem:s3+$0x70];
	[tilespmem:s4+$0x10270] =	vst v12;
	v11 =	vmax.f32 v11, $0.0e+00;
	v9 =	vsub.f32 v9, v5  }
0x16c: {  	v12 =	vld [tilespmem:s3+$0x0];
	[tilespmem:s4+$0x10200] =	vst v11;
	v10 =	vmax.f32 v10, $0.0e+00;
	v8 =	vsub.f32 v8, v5  }
0x16d: {  	v11 =	vld [tilespmem:s3+$0x10];
	[tilespmem:s4+$0x10210] =	vst v10;
	v9 =	vmax.f32 v9, $0.0e+00;
	v6 =	vsub.f32 v6, v5  }
0x16e: {  	v10 =	vld [tilespmem:s3+$0x20];
	[tilespmem:s4+$0x10220] =	vst v9;
	v8 =	vmax.f32 v8, $0.0e+00  }
0x16f: {  	v4 =	vsub.f32 v4, v5;
	v9 =	vld [tilespmem:s3+$0x30];
	[tilespmem:s4+$0x10230] =	vst v8;
	v6 =	vmax.f32 v6, $0.0e+00  }
0x170: {  	v8 =	vld [tilespmem:s3+$0x40];
	[tilespmem:s4+$0x10240] =	vst v6;
	v6 =	vsub.f32 v7, v5  }
0x171: {  	v4 =	vmax.f32 v4, $0.0e+00;
	v13 =	vsub.f32 v13, v5  }
0x172: {  	v7 =	vld [tilespmem:s3+$0x50];
	[tilespmem:s4+$0x10250] =	vst v4;
	v4 =	vsub.f32 v12, v5;
	v6 =	vmax.f32 v6, $0.0e+00  }
0x173: {  	v12 =	vld [tilespmem:s3+$0x60];
	v11 =	vsub.f32 v11, v5;
	v13 =	vmax.f32 v13, $0.0e+00;
	[tilespmem:s4+$0x10260] =	vst v6  }
0x174: {  	v4 =	vmax.f32 v4, $0.0e+00;
	v6 =	vsub.f32 v10, v5;
	[tilespmem:s3+$0x10270] =	vst v13  }
0x175: {  	[tilespmem:s3+$0x10200] =	vst v4;
	v4 =	vmax.f32 v11, $0.0e+00;
	v9 =	vsub.f32 v9, v5  }
0x176: {  	[tilespmem:s3+$0x10210] =	vst v4;
	v4 =	vmax.f32 v6, $0.0e+00;
	v6 =	vsub.f32 v8, v5  }
0x177: {  	[tilespmem:s3+$0x10220] =	vst v4;
	v4 =	vmax.f32 v9, $0.0e+00;
	v7 =	vsub.f32 v7, v5  }
0x178: {  	[tilespmem:s3+$0x10230] =	vst v4;
	v4 =	vmax.f32 v6, $0.0e+00;
	v5 =	vsub.f32 v12, v5  }
0x179: {  	[tilespmem:s3+$0x10240] =	vst v4;
	v4 =	vmax.f32 v7, $0.0e+00  }
0x17a: {  	[tilespmem:s3+$0x10250] =	vst v4;
	v4 =	vmax.f32 v5, $0.0e+00  }
0x17b: {  	[tilespmem:s3+$0x10260] =	vst v4  }
0x17c: {  	[hbm4b:s7+s28] =	stream.strided.scatter [tilespmem:s29], [sflag:$0x5], $0x4000, s20, s28, $0x38;
	[tilespmem:$0x19380] =	vst v63  }
0x17d: {  	_ = 	snop  }
0x17e: {  	[hbm4b:s8+s28] =	stream.strided.scatter [tilespmem:s30], [sflag:$0x6], $0x4000, s20, s28, $0x38;
	[tilespmem:$0x19380] =	vst v63  }
0x17f: {  	_ =	swait.ge [sflag:s31], $0x4000  }
0x180: {  	[sflag:s31] =	ssyncset.done $0x0  }
0x181: {  	[sflag:s31] =	ssyncadd.s32 $0xFFFFC000  }
0x182: {  	_ =	swait.ge [sflag:s0], $0x4000  }
0x183: {  	[sflag:s0] =	ssyncset.done $0x0  }
0x184: {  	s3 =	simm.s32 $0x0;
	[sflag:s0] =	ssyncadd.s32 $0xFFFFC000  }
0x185: {  	[tilespmem:s3], [sflag:$0x1] =	stream.strided.gather [hbm4b:s9+s28], $0x4000, s20, s28, $0x38;
	[tilespmem:$0x19380] =	vst v63  }
0x186: {  	s6 =	simm.s32 $0x4000;
	s4 =	simm.s32 $0x8180  }
0x187: {  	[tilespmem:s6], [sflag:$0x2] =	stream.strided.gather [hbm4b:s10+s28], $0x4000, s20, s28, $0x38;
	[tilespmem:$0x19380] =	vst v63  }
0x188: {  	v5 =	vld [tilespmem:s4+$0xFFFFFF90]  }
0x189: {  	v6 =	vld [tilespmem:s4+$0xFFFFFF80]  }
0x18a: {  	v7 =	vld [tilespmem:s4+$0xFFFFFFA0]  }
0x18b: {  	v9 =	vld [tilespmem:s4+$0xFFFFFFB0]  }
0x18c: {  	v8 =	vld [tilespmem:s4+$0xFFFFFFC0]  }
0x18d: {  	v10 =	vld [tilespmem:s4+$0xFFFFFFD0]  }
0x18e: {  	v11 =	vld [tilespmem:s4+$0xFFFFFFE0]  }
0x18f: {  	v12 =	vld [tilespmem:s4+$0xFFFFFFF0]  }
0x190: {  	v13 =	vld [tilespmem:s4+$0x0]  }
0x191: {  	v14 =	vld [tilespmem:s4+$0x10]  }
0x192: {  	v15 =	vld [tilespmem:s4+$0x20]  }
0x193: {  	v16 =	vld [tilespmem:s4+$0x30]  }
0x194: {  	v17 =	vld [tilespmem:s4+$0x40]  }
0x195: {  	v18 =	vld [tilespmem:s4+$0x50]  }
0x196: {  	v19 =	vld [tilespmem:s4+$0x60]  }
0x197: {  	s5 =	simm.s32 $0x40;
	v4 =	vimm.f32 $-3.000000010e+38;
	v20 =	vld [tilespmem:s4+$0x70]  }
.LBB2_21:
0x198: {  	p0 =	sne.s32 s5, $0x1FC0  }
0x199: {  	v5 =	vmax.f32 v6, v5;
	v6 =	vmax.f32 v7, v9  }
0x19a: {  	v5 =	vmax.f32 v5, v6  }
0x19b: {  	v7 =	vmax.f32 v11, v12;
	v6 =	vmax.f32 v8, v10;
	v8 =	vmax.f32 v13, v14  }
0x19c: {  	v9 =	vmax.f32 v15, v16;
	v10 =	vmax.f32 v17, v18;
	v11 =	vmax.f32 v19, v20  }
0x19d: {  	v6 =	vmax.f32 v6, v7;
	v7 =	vmax.f32 v8, v9;
	v8 =	vmax.f32 v10, v11  }
0x19e: {  	v5 =	vmax.f32 v5, v6;
	v6 =	vmax.f32 v7, v8  }
0x19f: {  	s6 =	sshra.s32 s3, $0x2;
	s3 =	smov.u32 s5;
	v5 =	vmax.f32 v5, v6  }
0x1a0: {  	s4 =	sadd.s32 $0x100, s4;
	[tilespmem:s6+$0x18300] =	vst v5;
	v4 =	vmax.f32 v4, v5  }
0x1a1: {  	v5 =	vld [tilespmem:s4+$0xFFFFFF90]  }
0x1a2: {  	v6 =	vld [tilespmem:s4+$0xFFFFFF80]  }
0x1a3: {  	v7 =	vld [tilespmem:s4+$0xFFFFFFA0]  }
0x1a4: {  	v9 =	vld [tilespmem:s4+$0xFFFFFFB0]  }
0x1a5: {  	v8 =	vld [tilespmem:s4+$0xFFFFFFC0]  }
0x1a6: {  	v10 =	vld [tilespmem:s4+$0xFFFFFFD0]  }
0x1a7: {  	v11 =	vld [tilespmem:s4+$0xFFFFFFE0]  }
0x1a8: {  	v12 =	vld [tilespmem:s4+$0xFFFFFFF0]  }
0x1a9: {  	v13 =	vld [tilespmem:s4+$0x0]  }
0x1aa: {  	v14 =	vld [tilespmem:s4+$0x10]  }
0x1ab: {  	v15 =	vld [tilespmem:s4+$0x20]  }
.Ltmp14:
0x1ac: {  	v16 =	vld [tilespmem:s4+$0x30];
	(pc) =	sbr.rel @p0 .LBB2_21-.Ltmp14, $4  }
0x1ad: {  	v17 =	vld [tilespmem:s4+$0x40]  }
0x1ae: {  	v18 =	vld [tilespmem:s4+$0x50]  }
0x1af: {  	v19 =	vld [tilespmem:s4+$0x60]  }
0x1b0: {  	s5 =	sadd.s32 $0x40, s5;
	v20 =	vld [tilespmem:s4+$0x70]  }
0x1b1: {  	_ =	sdelay $0x1  }
0x1b2: {  	v5 =	vmax.f32 v6, v5;
	v6 =	vmax.f32 v7, v9;
	v7 =	vmax.f32 v11, v12  }
0x1b3: {  	v9 =	vmax.f32 v15, v16;
	v5 =	vmax.f32 v5, v6;
	v6 =	vmax.f32 v8, v10  }
0x1b4: {  	v8 =	vmax.f32 v13, v14;
	v10 =	vmax.f32 v17, v18;
	v11 =	vmax.f32 v19, v20  }
0x1b5: {  	v6 =	vmax.f32 v6, v7;
	v7 =	vmax.f32 v8, v9;
	v8 =	vmax.f32 v10, v11  }
0x1b6: {  	v5 =	vmax.f32 v5, v6;
	v6 =	vmax.f32 v7, v8  }
0x1b7: {  	v6 =	vmax.f32 v5, v6  }
0x1b8: {  	v4 =	vmax.f32 v4, v6  }
0x1b9: {  	(xrf0) =	vmax.scan.msk.f32 $0xffff, v4;
	_ =	sdelay $0x5  }
0x1ba: {  	v5, _, _ =	vpop (xrf0)  }
0x1bb: {  	(v2sf) =	vpush v5, $0xF;
	_ =	sdelay $0xe  }
0x1bc: {  	s4 =	spop (v2sf)  }
0x1bd: {  	s3 =	sshra.s32 s3, $0x2;
	s5 =	sadd.f32 $-1.000000000e+00, s4  }
0x1be: {  	[tilespmem:s3+$0x18300] =	vst v6;
	s4 =	simm.s32 $0x18300  }
0x1bf: {  	v7 =	vimm.s32 $0x0;
	s3 =	simm.s32 $0x0;
	v6 =	vimm.s32 $0x0;
	v8 =	vld [tilespmem:s4+$0x0];
	v4 =	vmov s5;
	s5 =	simm.s32 $0x10  }
.LBB2_23:
0x1c0: {  	p0 =	sne.s32 s5, $0x7F0;
	_ =	sdelay $0x3  }
0x1c1: {  	vm0 =	vgt.f32 v8, v4  }
0x1c2: {  	v8 =	vsel vm0, $0x1, v0;
	v9 =	vmpcnt.ones.xlane vm0  }
0x1c3: {  	(xrf0) =	vadd.scan.msk.s32 $0xffff, v8  }
0x1c4: {  	v7 =	vadd.s32 v7, v9;
	_ =	sdelay $0x3  }
0x1c5: {  	v8 =	vsel vm0, $0xFFFFFFFF, v0  }
0x1c6: {  	v8 =	vadd.s32 v8, v6;
	v6 =	vmov v7;
	v9, _, _ =	vpop (xrf0)  }
0x1c7: {  	v8 =	vadd.s32 v9, v8;
	_ =	sdelay $0x1  }
.Ltmp15:
0x1c8: {  	(pc) =	sbr.rel @p0 .LBB2_23-.Ltmp15, $4  }
0x1c9: {  	_ = 	snop  }
0x1ca: {  	v9 =	vor.u32 s3, v1;
	s3 =	smov.u32 s5  }
0x1cb: {  	s4 =	sadd.s32 $0x10, s4;
	[tilespmem:v8+s26+$0x0] =	vst.idx.msk vm0, v9  }
0x1cc: {  	s5 =	sadd.s32 $0x10, s5;
	v8 =	vld [tilespmem:s4+$0x0]  }
0x1cd: {  	_ =	sdelay $0x3  }
0x1ce: {  	vm0 =	vgt.f32 v8, v4  }
0x1cf: {  	v8 =	vmpcnt.ones.xlane vm0;
	_ =	sdelay $0x1  }
0x1d0: {  	v9 =	vsel vm0, $0x1, v0;
	v7 =	vadd.s32 v7, v8  }
0x1d1: {  	(xrf0) =	vadd.scan.msk.s32 $0xffff, v9;
	v7 =	vxor.u32 $0x80000000, v7  }
0x1d2: {  	(xrf0) =	vmax.scan.msk.u32 $0xffff, v7;
	_ =	sdelay $0x4  }
0x1d3: {  	v7, _, _ =	vpop (xrf0)  }
0x1d4: {  	v61, _, _ =	vpop (xrf0)  }
0x1d5: {  	(v2sf) =	vpush v61, $0xF;
	_ =	sdelay $0xd  }
0x1d6: {  	v62 =	vsel vm0, $0xFFFFFFFF, v0  }
0x1d7: {  	v6 =	vadd.s32 v62, v6;
	s4 =	spop (v2sf)  }
0x1d8: {  	v6 =	vadd.s32 v7, v6;
	s5 =	sxor.u32 $0x80000000, s4  }
0x1d9: {  	v7 =	vadd.s32 s5, v1;
	_ =	sdelay $0x2  }
0x1da: {  	v63 =	vor.u32 s3, v1  }
0x1db: {  	s3 =	simm.s32 $0x18B00;
	[tilespmem:v6+s26+$0x0] =	vst.idx.msk vm0, v63;
	s4 =	sadd.s32 $0x8000000F, s4  }
0x1dc: {  	s4 =	sshrl.u32 s4, $0x4;
	[tilespmem:v7+s3+$0x0] =	vst.idx.msk $0xffff, v2  }
0x1dd: {  	p0 =	seq.s32 s4, $0x0;
	_ =	swait.ge [sflag:s1], $0x4000  }
.Ltmp16:
0x1de: {  	[sflag:s1] =	ssyncset.done $0x0;
	(pc) =	sbr.rel @p0 .LBB2_28-.Ltmp16, $4  }
0x1df: {  	[sflag:s1] =	ssyncadd.s32 $0xFFFFC000  }
0x1e0: {  	_ =	swait.ge [sflag:s21], $0x4000  }
0x1e1: {  	[sflag:s21] =	ssyncset.done $0x0  }
0x1e2: {  	s5 =	simm.s32 $0x10280;
	[sflag:s21] =	ssyncadd.s32 $0xFFFFC000  }
0x1e3: {  	v6 =	vld [tilespmem:s3+$0x0];
	_ =	sdelay $0x4  }
0x1e4: {  	v7 =	vshll.u32 v6, $0x4  }
0x1e5: {  	v6 =	vand.u32 $0xF, v6;
	v8 =	vand.u32 $0xFFFFFF00, v7  }
0x1e6: {  	v8 =	vor.u32 v6, v8;
	_ =	sdelay $0x4  }
0x1e7: {  	v9 =	vld.idx.msk [tilespmem:v8+s24+$0x0], $0xffff  }
0x1e8: {  	v10 =	vor.u32 $0x10, v8;
	_ =	sdelay $0x3  }
0x1e9: {  	[tilespmem:s5+$0xFFFFFF80] =	vst v9  }
0x1ea: {  	v9 =	vld.idx.msk [tilespmem:v10+s24+$0x0], $0xffff  }
0x1eb: {  	v52 =	vor.u32 $0x20, v8;
	_ =	sdelay $0x3  }
0x1ec: {  	[tilespmem:s5+$0xFFFFFF90] =	vst v9  }
0x1ed: {  	v9 =	vld.idx.msk [tilespmem:v52+s24+$0x0], $0xffff  }
0x1ee: {  	v53 =	vor.u32 $0x30, v8;
	_ =	sdelay $0x3  }
0x1ef: {  	[tilespmem:s5+$0xFFFFFFA0] =	vst v9  }
0x1f0: {  	v9 =	vld.idx.msk [tilespmem:v53+s24+$0x0], $0xffff  }
0x1f1: {  	v54 =	vor.u32 $0x40, v8;
	_ =	sdelay $0x3  }
0x1f2: {  	[tilespmem:s5+$0xFFFFFFB0] =	vst v9  }
0x1f3: {  	v9 =	vld.idx.msk [tilespmem:v54+s24+$0x0], $0xffff  }
0x1f4: {  	v55 =	vor.u32 $0x50, v8;
	_ =	sdelay $0x3  }
0x1f5: {  	[tilespmem:s5+$0xFFFFFFC0] =	vst v9  }
0x1f6: {  	v9 =	vld.idx.msk [tilespmem:v55+s24+$0x0], $0xffff  }
0x1f7: {  	v56 =	vor.u32 $0x60, v8;
	_ =	sdelay $0x3  }
0x1f8: {  	[tilespmem:s5+$0xFFFFFFD0] =	vst v9  }
0x1f9: {  	v9 =	vld.idx.msk [tilespmem:v56+s24+$0x0], $0xffff  }
0x1fa: {  	v57 =	vor.u32 $0x70, v8;
	_ =	sdelay $0x3  }
0x1fb: {  	[tilespmem:s5+$0xFFFFFFE0] =	vst v9  }
0x1fc: {  	v9 =	vld.idx.msk [tilespmem:v57+s24+$0x0], $0xffff  }
0x1fd: {  	v58 =	vor.u32 $0x80, v8;
	_ =	sdelay $0x3  }
0x1fe: {  	[tilespmem:s5+$0xFFFFFFF0] =	vst v9  }
0x1ff: {  	v9 =	vld.idx.msk [tilespmem:v58+s24+$0x0], $0xffff  }
0x200: {  	v59 =	vor.u32 $0x90, v8;
	_ =	sdelay $0x3  }
0x201: {  	[tilespmem:s5+$0x0] =	vst v9  }
0x202: {  	v9 =	vld.idx.msk [tilespmem:v59+s24+$0x0], $0xffff  }
0x203: {  	v60 =	vor.u32 $0xA0, v8;
	_ =	sdelay $0x3  }
0x204: {  	[tilespmem:s5+$0x10] =	vst v9  }
0x205: {  	v9 =	vld.idx.msk [tilespmem:v60+s24+$0x0], $0xffff  }
0x206: {  	v61 =	vor.u32 $0xB0, v8;
	_ =	sdelay $0x3  }
0x207: {  	[tilespmem:s5+$0x20] =	vst v9  }
0x208: {  	v9 =	vld.idx.msk [tilespmem:v61+s24+$0x0], $0xffff  }
0x209: {  	v62 =	vor.u32 $0xC0, v8;
	_ =	sdelay $0x3  }
0x20a: {  	[tilespmem:s5+$0x30] =	vst v9  }
0x20b: {  	v9 =	vld.idx.msk [tilespmem:v62+s24+$0x0], $0xffff  }
0x20c: {  	v63 =	vor.u32 $0xD0, v8;
	_ =	sdelay $0x3  }
0x20d: {  	[tilespmem:s5+$0x40] =	vst v9  }
0x20e: {  	v9 =	vld.idx.msk [tilespmem:v63+s24+$0x0], $0xffff  }
0x20f: {  	v8 =	vor.u32 $0xE0, v8;
	_ =	sdelay $0x3  }
0x210: {  	[tilespmem:s5+$0x50] =	vst v9  }
0x211: {  	v6 =	vor.u32 v7, v6;
	v7 =	vld.idx.msk [tilespmem:v8+s24+$0x0], $0xffff  }
0x212: {  	p1 =	sne.s32 s4, $0x1;
	v6 =	vor.u32 $0xF0, v6  }
.Ltmp17:
0x213: {  	_ = 	snop;
	(pc) =	sbr.rel @!p1 .LBB2_27-.Ltmp17, $3  }
0x214: {  	_ =	sdelay $0x1  }
0x215: {  	[tilespmem:s5+$0x60] =	vst v7  }
0x216: {  	s6 =	sadd.s32 $0xFFFFFFFF, s4;
	v6 =	vld.idx.msk [tilespmem:v6+s24+$0x0], $0xffff  }
.LBB2_26:
0x217: {  	_ =	sdelay $0x3  }
0x218: {  	p1 =	sne.s32 s6, $0x1;
	s3 =	sadd.s32 $0x10, s3;
	[tilespmem:s5+$0x70] =	vst v6;
	s5 =	sadd.s32 $0x100, s5  }
0x219: {  	s6 =	sadd.s32 $0xFFFFFFFF, s6;
	v6 =	vld [tilespmem:s3+$0x0];
	_ =	sdelay $0x4  }
0x21a: {  	v8 =	vshll.u32 v6, $0x4  }
0x21b: {  	v6 =	vand.u32 $0xF, v6;
	v7 =	vand.u32 $0xFFFFFF00, v8  }
0x21c: {  	v7 =	vor.u32 v6, v7;
	v6 =	vor.u32 v8, v6;
	_ =	sdelay $0x4  }
0x21d: {  	v8 =	vld.idx.msk [tilespmem:v7+s24+$0x0], $0xffff;
	_ =	sdelay $0x1  }
0x21e: {  	v9 =	vor.u32 $0x10, v7;
	_ =	sdelay $0x3  }
0x21f: {  	[tilespmem:s5+$0xFFFFFF80] =	vst v8  }
0x220: {  	v8 =	vld.idx.msk [tilespmem:v9+s24+$0x0], $0xffff;
	_ =	sdelay $0x1  }
0x221: {  	v9 =	vor.u32 $0x20, v7;
	_ =	sdelay $0x3  }
0x222: {  	[tilespmem:s5+$0xFFFFFF90] =	vst v8  }
0x223: {  	v8 =	vld.idx.msk [tilespmem:v9+s24+$0x0], $0xffff;
	_ =	sdelay $0x1  }
0x224: {  	v9 =	vor.u32 $0x30, v7;
	_ =	sdelay $0x3  }
0x225: {  	[tilespmem:s5+$0xFFFFFFA0] =	vst v8  }
0x226: {  	v8 =	vld.idx.msk [tilespmem:v9+s24+$0x0], $0xffff;
	_ =	sdelay $0x1  }
0x227: {  	v9 =	vor.u32 $0x40, v7;
	_ =	sdelay $0x3  }
0x228: {  	[tilespmem:s5+$0xFFFFFFB0] =	vst v8  }
0x229: {  	v8 =	vld.idx.msk [tilespmem:v9+s24+$0x0], $0xffff;
	_ =	sdelay $0x1  }
0x22a: {  	v9 =	vor.u32 $0x50, v7;
	_ =	sdelay $0x3  }
0x22b: {  	[tilespmem:s5+$0xFFFFFFC0] =	vst v8  }
0x22c: {  	v8 =	vld.idx.msk [tilespmem:v9+s24+$0x0], $0xffff;
	_ =	sdelay $0x1  }
0x22d: {  	v9 =	vor.u32 $0x60, v7;
	_ =	sdelay $0x3  }
0x22e: {  	[tilespmem:s5+$0xFFFFFFD0] =	vst v8  }
0x22f: {  	v8 =	vld.idx.msk [tilespmem:v9+s24+$0x0], $0xffff;
	_ =	sdelay $0x1  }
0x230: {  	v9 =	vor.u32 $0x70, v7;
	_ =	sdelay $0x3  }
0x231: {  	[tilespmem:s5+$0xFFFFFFE0] =	vst v8  }
0x232: {  	v8 =	vld.idx.msk [tilespmem:v9+s24+$0x0], $0xffff;
	_ =	sdelay $0x1  }
0x233: {  	v9 =	vor.u32 $0x80, v7;
	_ =	sdelay $0x3  }
0x234: {  	[tilespmem:s5+$0xFFFFFFF0] =	vst v8  }
0x235: {  	v8 =	vld.idx.msk [tilespmem:v9+s24+$0x0], $0xffff;
	_ =	sdelay $0x1  }
0x236: {  	v9 =	vor.u32 $0x90, v7;
	_ =	sdelay $0x3  }
0x237: {  	[tilespmem:s5+$0x0] =	vst v8  }
0x238: {  	v8 =	vld.idx.msk [tilespmem:v9+s24+$0x0], $0xffff;
	_ =	sdelay $0x1  }
0x239: {  	v9 =	vor.u32 $0xA0, v7;
	_ =	sdelay $0x3  }
0x23a: {  	[tilespmem:s5+$0x10] =	vst v8  }
0x23b: {  	v8 =	vld.idx.msk [tilespmem:v9+s24+$0x0], $0xffff;
	_ =	sdelay $0x1  }
0x23c: {  	v9 =	vor.u32 $0xB0, v7;
	_ =	sdelay $0x3  }
0x23d: {  	[tilespmem:s5+$0x20] =	vst v8  }
0x23e: {  	v8 =	vld.idx.msk [tilespmem:v9+s24+$0x0], $0xffff;
	_ =	sdelay $0x1  }
0x23f: {  	v9 =	vor.u32 $0xC0, v7;
	_ =	sdelay $0x3  }
0x240: {  	[tilespmem:s5+$0x30] =	vst v8  }
0x241: {  	v8 =	vld.idx.msk [tilespmem:v9+s24+$0x0], $0xffff;
	_ =	sdelay $0x1  }
0x242: {  	v9 =	vor.u32 $0xD0, v7;
	_ =	sdelay $0x3  }
0x243: {  	[tilespmem:s5+$0x40] =	vst v8  }
0x244: {  	v8 =	vld.idx.msk [tilespmem:v9+s24+$0x0], $0xffff;
	_ =	sdelay $0x1  }
0x245: {  	v7 =	vor.u32 $0xE0, v7;
	_ =	sdelay $0x3  }
0x246: {  	[tilespmem:s5+$0x50] =	vst v8  }
0x247: {  	v7 =	vld.idx.msk [tilespmem:v7+s24+$0x0], $0xffff;
	_ =	sdelay $0x1  }
0x248: {  	v6 =	vor.u32 $0xF0, v6  }
.Ltmp18:
0x249: {  	(pc) =	sbr.rel @p1 .LBB2_26-.Ltmp18, $3  }
0x24a: {  	_ =	sdelay $0x1  }
0x24b: {  	[tilespmem:s5+$0x60] =	vst v7  }
0x24c: {  	v6 =	vld.idx.msk [tilespmem:v6+s24+$0x0], $0xffff  }
.LBB2_27:
0x24d: {  	_ =	sdelay $0x3  }
0x24e: {  	[tilespmem:s5+$0x70] =	vst v6  }
.LBB2_28:
.Ltmp19:
0x24f: {  	v5 =	vadd.f32 $0.0e+00, v5;
	(pc) =	sbr.rel .LBB2_29-.Ltmp19, $3  }
0x250: {  	_ =	sdelay $0x1  }
0x251: {  	s3 =	sshll.u32 s4, $0x1  }
0x252: {  	s4 =	simm.s32 $0x0;
	s3 =	smax.u32 s3, $0x1;
	v6 =	vbroadcast v5, $0xF;
	v5 =	vmov v4  }
.LBB2_30:
0x253: {  	v8 =	vimm.f32 $0.0e+00  }
.LBB2_36:
0x254: {  	(xrf2) =	vadd.scan.msk.f32 $0xffff, v7  }
0x255: {  	(xrf2) =	vadd.scan.msk.f32 $0xffff, v8;
	_ =	sdelay $0x8  }
0x256: {  	v7, _, _ =	vpop (xrf2)  }
0x257: {  	v8, _, _ =	vpop (xrf2)  }
0x258: {  	v8 =	vadd.f32 $0.0e+00, v8;
	_ =	sdelay $0x1  }
0x259: {  	v8 =	vbroadcast v8, $0xF;
	_ =	sdelay $0x1  }
0x25a: {  	v9 =	vmax.f32 v8, $1.000000000e+00  }
0x25b: {  	(erf) = vrcp.f32 v9;
	_ =	sdelay $0x3  }
0x25c: {  	v7 =	vadd.f32 $0.0e+00, v7;
	_ =	sdelay $0x1  }
0x25d: {  	v7 =	vbroadcast v7, $0xF;
	v63 =	vmul.f32 v8, v4;
	_ =	sdelay $0x1  }
0x25e: {  	v9 =	vsub.f32 v7, v63;
	v7 =	vadd.f32 $-1.000000000e+00, v7  }
0x25f: {  	v10 =	vpop (erf)  }
0x260: {  	vm0 =	vge.f32 v9, $1.000000000e+00;
	v7 =	vmul.f32 v10, v7  }
0x261: {  	s4 =	sadd.s32 $0x1, s4;
	v5 =	vsel vm0, v4, v5  }
0x262: {  	p1 =	sne.s32 s4, $0xC;
	vm1 =	vgt.f32 v8, $5.000000000e-01;
	v7 =	vmax.f32 v5, v7  }
.Ltmp20:
0x263: {  	v6 =	vsel vm0, v6, v4;
	v5 =	vsel vm1, v7, v5;
	(pc) =	sbr.rel @!p1 .LBB2_37-.Ltmp20, $2  }
0x264: {  	v4 =	vadd.f32 v5, v6;
	_ =	sdelay $0x1  }
0x265: {  	v4 =	vmul.f32 $5.000000000e-01, v4;
	_ =	sdelay $0x1  }
.LBB2_29:
.Ltmp21:
0x266: {  	(pc) =	sbr.rel @p0 .LBB2_30-.Ltmp21, $2  }
0x267: {  	_ =	sdelay $0x2  }
0x268: {  	s5 =	simm.s32 $0x10240;
	v7 =	vimm.f32 $0.0e+00  }
0x269: {  	p2 =	sne.s32 s3, $0x1  }
.Ltmp22:
0x26a: {  	_ = 	snop;
	(pc) =	sbr.rel @!p2 .LBB2_32-.Ltmp22, $2  }
0x26b: {  	_ =	sdelay $0x2  }
0x26c: {  	v8 =	vld [tilespmem:s5+$0xFFFFFFC0];
	s6 =	sadd.s32 $0xFFFFFFFF, s3;
	p1 =	por $0x0, $0x0  }
0x26d: {  	_ = 	snop  }
0x26e: {  	v9 =	vld [tilespmem:s5+$0xFFFFFFD0];
	_ =	sdelay $0x1  }
0x26f: {  	v10 =	vld [tilespmem:s5+$0xFFFFFFE0]  }
0x270: {  	vm0 =	vgt.f32 v8, v4  }
0x271: {  	v11 =	vld [tilespmem:s5+$0xFFFFFFF0];
	v8 =	vnsel vm0, $0x0, v8;
	v12 =	vsel vm0, $0x3F800000, v3  }
0x272: {  	vm11 =	vgt.f32 v9, v4;
	v8 =	vadd.f32 v8, v7;
	v12 =	vadd.f32 v12, v7  }
0x273: {  	v13 =	vld [tilespmem:s5+$0x0];
	v9 =	vnsel vm11, $0x0, v9;
	v14 =	vsel vm11, $0x3F800000, v3  }
0x274: {  	vm12 =	vgt.f32 v10, v4;
	v8 =	vadd.f32 v9, v8;
	v9 =	vadd.f32 v14, v12  }
0x275: {  	v10 =	vnsel vm12, $0x0, v10;
	v14 =	vld [tilespmem:s5+$0x10];
	v12 =	vsel vm12, $0x3F800000, v3  }
0x276: {  	p2 =	sne.s32 s6, $0x1;
	vm13 =	vgt.f32 v11, v4;
	v8 =	vadd.f32 v10, v8;
	v10 =	vadd.f32 v12, v9  }
.Ltmp23:
0x277: {  	v11 =	vnsel vm13, $0x0, v11;
	v12 =	vsel vm13, $0x3F800000, v3;
	v9 =	vld [tilespmem:s5+$0x20];
	(pc) =	sbr.rel @!p2 .LBB2_35-.Ltmp23, $4  }
0x278: {  	vm14 =	vgt.f32 v13, v4;
	v8 =	vadd.f32 v11, v8;
	v12 =	vadd.f32 v12, v10  }
0x279: {  	v11 =	vnsel vm14, $0x0, v13;
	v10 =	vld [tilespmem:s5+$0x30];
	v13 =	vsel vm14, $0x3F800000, v3  }
0x27a: {  	s5 =	sadd.s32 $0x80, s5;
	vm15 =	vgt.f32 v14, v4;
	v11 =	vadd.f32 v11, v8;
	v12 =	vadd.f32 v13, v12  }
0x27b: {  	s6 =	sadd.s32 $0xFFFFFFFF, s6;
	p1 =	por $0x1, $0x1;
	v8 =	vld [tilespmem:s5+$0xFFFFFFC0];
	v13 =	vnsel vm15, $0x0, v14;
	v14 =	vsel vm15, $0x3F800000, v3  }
.LBB2_34:
0x27c: {  	p2 =	sne.s32 s6, $0x1;
	v11 =	vadd.f32 v13, v11;
	v12 =	vadd.f32 v14, v12;
	vm0 =	vgt.f32 v9, v4  }
0x27d: {  	v13 =	vld [tilespmem:s5+$0xFFFFFFD0];
	v9 =	vnsel vm0, $0x0, v9;
	v14 =	vsel vm0, $0x3F800000, v3  }
0x27e: {  	v9 =	vadd.f32 v9, v11;
	v11 =	vadd.f32 v14, v12;
	vm0 =	vgt.f32 v10, v4  }
0x27f: {  	v12 =	vld [tilespmem:s5+$0xFFFFFFE0];
	v10 =	vnsel vm0, $0x0, v10;
	v14 =	vsel vm0, $0x3F800000, v3  }
0x280: {  	vm0 =	vgt.f32 v8, v4;
	v9 =	vadd.f32 v10, v9;
	v10 =	vadd.f32 v14, v11  }
0x281: {  	v8 =	vnsel vm0, $0x0, v8;
	v11 =	vsel vm0, $0x3F800000, v3;
	v14 =	vld [tilespmem:s5+$0xFFFFFFF0]  }
0x282: {  	v8 =	vadd.f32 v8, v9;
	v9 =	vadd.f32 v11, v10;
	vm0 =	vgt.f32 v13, v4  }
0x283: {  	v10 =	vnsel vm0, $0x0, v13;
	v11 =	vsel vm0, $0x3F800000, v3;
	v13 =	vld [tilespmem:s5+$0x0]  }
0x284: {  	v8 =	vadd.f32 v10, v8;
	v9 =	vadd.f32 v11, v9;
	vm0 =	vgt.f32 v12, v4  }
0x285: {  	v10 =	vnsel vm0, $0x0, v12;
	v11 =	vsel vm0, $0x3F800000, v3;
	v15 =	vld [tilespmem:s5+$0x10]  }
0x286: {  	v8 =	vadd.f32 v10, v8;
	v10 =	vadd.f32 v11, v9;
	vm0 =	vgt.f32 v14, v4  }
.Ltmp24:
0x287: {  	v11 =	vnsel vm0, $0x0, v14;
	v12 =	vsel vm0, $0x3F800000, v3;
	v9 =	vld [tilespmem:s5+$0x20];
	(pc) =	sbr.rel @p2 .LBB2_34-.Ltmp24, $4  }
0x288: {  	v8 =	vadd.f32 v11, v8;
	v12 =	vadd.f32 v12, v10;
	vm0 =	vgt.f32 v13, v4  }
0x289: {  	v11 =	vnsel vm0, $0x0, v13;
	v13 =	vsel vm0, $0x3F800000, v3;
	v10 =	vld [tilespmem:s5+$0x30]  }
0x28a: {  	s5 =	sadd.s32 $0x80, s5;
	v11 =	vadd.f32 v11, v8;
	v12 =	vadd.f32 v13, v12;
	vm0 =	vgt.f32 v15, v4  }
0x28b: {  	s6 =	sadd.s32 $0xFFFFFFFF, s6;
	v8 =	vld [tilespmem:s5+$0xFFFFFFC0];
	v13 =	vnsel vm0, $0x0, v15;
	v14 =	vsel vm0, $0x3F800000, v3  }
.LBB2_35:
0x28c: {  	v11 =	vadd.f32 @p1 v13, v11;
	vm0 =	vgt.f32 @p1 v9, v4  }
0x28d: {  	v12 =	vadd.f32 @p1 v14, v12;
	v9 =	vnsel @p1 vm0, $0x0, v9  }
0x28e: {  	v59 =	vld [tilespmem:s5+$0xFFFFFFD0];
	v13 =	vsel @p1 vm0, $0x3F800000, v3;
	v9 =	vadd.f32 @p1 v9, v11;
	vm0 =	vgt.f32 @p1 v10, v4  }
0x28f: {  	v11 =	vadd.f32 @p1 v13, v12;
	v10 =	vnsel @p1 vm0, $0x0, v10  }
0x290: {  	v60 =	vld [tilespmem:s5+$0xFFFFFFE0];
	v12 =	vsel @p1 vm0, $0x3F800000, v3;
	v9 =	vadd.f32 @p1 v10, v9  }
0x291: {  	vm8 =	vgt.f32 v8, v4;
	v10 =	vadd.f32 @p1 v12, v11  }
0x292: {  	v61 =	vld [tilespmem:s5+$0xFFFFFFF0];
	v8 =	vnsel vm8, $0x0, v8;
	v11 =	vsel vm8, $0x3F800000, v3;
	v9 =	vpsel p1, v9, v7  }
0x293: {  	vm9 =	vgt.f32 v59, v4;
	v7 =	vpsel p1, v10, v7;
	v8 =	vadd.f32 v8, v9  }
0x294: {  	v7 =	vadd.f32 v11, v7;
	v9 =	vnsel vm9, $0x0, v59;
	v11 =	vld [tilespmem:s5+$0x0]  }
0x295: {  	vm10 =	vgt.f32 v60, v4;
	v10 =	vsel vm9, $0x3F800000, v3;
	v8 =	vadd.f32 v9, v8  }
0x296: {  	v62 =	vld [tilespmem:s5+$0x10];
	v7 =	vadd.f32 v10, v7;
	v9 =	vnsel vm10, $0x0, v60  }
0x297: {  	vm11 =	vgt.f32 v61, v4;
	v10 =	vsel vm10, $0x3F800000, v3;
	v8 =	vadd.f32 v9, v8  }
0x298: {  	v63 =	vld [tilespmem:s5+$0x20];
	v7 =	vadd.f32 v10, v7;
	v9 =	vnsel vm11, $0x0, v61  }
0x299: {  	v10 =	vsel vm11, $0x3F800000, v3;
	vm12 =	vgt.f32 v11, v4;
	v8 =	vadd.f32 v9, v8  }
0x29a: {  	v7 =	vadd.f32 v10, v7;
	v9 =	vnsel vm12, $0x0, v11;
	v11 =	vld [tilespmem:s5+$0x30]  }
0x29b: {  	vm13 =	vgt.f32 v62, v4;
	v10 =	vsel vm12, $0x3F800000, v3;
	v8 =	vadd.f32 v9, v8  }
0x29c: {  	v7 =	vadd.f32 v10, v7;
	v9 =	vnsel vm13, $0x0, v62  }
0x29d: {  	vm14 =	vgt.f32 v63, v4;
	v10 =	vsel vm13, $0x3F800000, v3;
	v8 =	vadd.f32 v9, v8  }
.Ltmp25:
0x29e: {  	v7 =	vadd.f32 v10, v7;
	v9 =	vnsel vm14, $0x0, v63;
	(pc) =	sbr.rel .LBB2_36-.Ltmp25, $4  }
0x29f: {  	v10 =	vsel vm14, $0x3F800000, v3;
	vm15 =	vgt.f32 v11, v4;
	v8 =	vadd.f32 v9, v8  }
0x2a0: {  	v9 =	vadd.f32 v10, v7;
	v7 =	vnsel vm15, $0x0, v11  }
0x2a1: {  	v10 =	vsel vm15, $0x3F800000, v3;
	v7 =	vadd.f32 v7, v8  }
0x2a2: {  	v8 =	vadd.f32 v10, v9  }
.LBB2_32:
.Ltmp26:
0x2a3: {  	(pc) =	sbr.rel .LBB2_35-.Ltmp26, $2  }
0x2a4: {  	_ =	sdelay $0x2  }
0x2a5: {  	_ = 	snop  }
.LBB2_37:
0x2a6: {  	s4 =	simm.s32 $0x0  }
0x2a7: {  	v4 =	vld [tilespmem:s4+$0x8170]  }
0x2a8: {  	v7 =	vld [tilespmem:s4+$0x8100]  }
0x2a9: {  	v10 =	vld [tilespmem:s4+$0x8110]  }
0x2aa: {  	v9 =	vld [tilespmem:s4+$0x8120]  }
0x2ab: {  	v8 =	vld [tilespmem:s4+$0x8130]  }
0x2ac: {  	v6 =	vld [tilespmem:s4+$0x8140];
	v12 =	vsub.f32 v4, v5  }
0x2ad: {  	v4 =	vld [tilespmem:s4+$0x8150];
	v11 =	vsub.f32 v7, v5  }
0x2ae: {  	s3 =	simm.s32 $0x80;
	s5 =	simm.s32 $0x400;
	v10 =	vsub.f32 v10, v5;
	v7 =	vld [tilespmem:s4+$0x8160];
	v12 =	vmax.f32 v12, $0.0e+00  }
.LBB2_38:
0x2af: {  	p0 =	sne.s32 s5, $0x1FE00;
	v13 =	vld [tilespmem:s3+$0x8170];
	v11 =	vmax.f32 v11, $0.0e+00;
	v9 =	vsub.f32 v9, v5;
	[tilespmem:s4+$0x10270] =	vst v12  }
0x2b0: {  	v12 =	vld [tilespmem:s3+$0x8100];
	[tilespmem:s4+$0x10200] =	vst v11;
	v10 =	vmax.f32 v10, $0.0e+00;
	v8 =	vsub.f32 v8, v5  }
0x2b1: {  	v14 =	vld [tilespmem:s3+$0x8110];
	[tilespmem:s4+$0x10210] =	vst v10;
	v10 =	vmax.f32 v9, $0.0e+00;
	v6 =	vsub.f32 v6, v5  }
.Ltmp27:
0x2b2: {  	v9 =	vld [tilespmem:s3+$0x8120];
	[tilespmem:s4+$0x10220] =	vst v10;
	v10 =	vmax.f32 v8, $0.0e+00;
	v4 =	vsub.f32 v4, v5;
	(pc) =	sbr.rel @p0 .LBB2_38-.Ltmp27, $4  }
0x2b3: {  	v8 =	vld [tilespmem:s3+$0x8130];
	[tilespmem:s4+$0x10230] =	vst v10;
	v10 =	vmax.f32 v6, $0.0e+00;
	v7 =	vsub.f32 v7, v5  }
0x2b4: {  	v6 =	vld [tilespmem:s3+$0x8140];
	v13 =	vsub.f32 v13, v5;
	[tilespmem:s4+$0x10240] =	vst v10;
	v10 =	vmax.f32 v4, $0.0e+00  }
0x2b5: {  	v11 =	vsub.f32 v12, v5;
	v4 =	vld [tilespmem:s3+$0x8150];
	[tilespmem:s4+$0x10250] =	vst v10;
	v15 =	vmax.f32 v7, $0.0e+00  }
0x2b6: {  	v10 =	vsub.f32 v14, v5;
	v7 =	vld [tilespmem:s3+$0x8160];
	v12 =	vmax.f32 v13, $0.0e+00;
	[tilespmem:s4+$0x10260] =	vst v15;
	s4 =	smov.u32 s3;
	s3 =	sshra.s32 s5, $0x2;
	s5 =	sadd.s32 $0x200, s5  }
0x2b7: {  	v13 =	vld [tilespmem:s3+$0x8170];
	[tilespmem:s4+$0x10270] =	vst v12;
	v11 =	vmax.f32 v11, $0.0e+00;
	v9 =	vsub.f32 v9, v5  }
0x2b8: {  	v12 =	vld [tilespmem:s3+$0x8100];
	[tilespmem:s4+$0x10200] =	vst v11;
	v10 =	vmax.f32 v10, $0.0e+00;
	v8 =	vsub.f32 v8, v5  }
0x2b9: {  	v11 =	vld [tilespmem:s3+$0x8110];
	[tilespmem:s4+$0x10210] =	vst v10;
	v9 =	vmax.f32 v9, $0.0e+00;
	v6 =	vsub.f32 v6, v5  }
0x2ba: {  	v10 =	vld [tilespmem:s3+$0x8120];
	[tilespmem:s4+$0x10220] =	vst v9;
	v8 =	vmax.f32 v8, $0.0e+00  }
0x2bb: {  	v4 =	vsub.f32 v4, v5;
	v9 =	vld [tilespmem:s3+$0x8130];
	[tilespmem:s4+$0x10230] =	vst v8;
	v6 =	vmax.f32 v6, $0.0e+00  }
0x2bc: {  	v8 =	vld [tilespmem:s3+$0x8140];
	[tilespmem:s4+$0x10240] =	vst v6;
	v6 =	vsub.f32 v7, v5  }
0x2bd: {  	v4 =	vmax.f32 v4, $0.0e+00;
	v13 =	vsub.f32 v13, v5  }
0x2be: {  	v7 =	vld [tilespmem:s3+$0x8150];
	[tilespmem:s4+$0x10250] =	vst v4;
	v4 =	vsub.f32 v12, v5;
	v6 =	vmax.f32 v6, $0.0e+00  }
0x2bf: {  	v12 =	vld [tilespmem:s3+$0x8160];
	v11 =	vsub.f32 v11, v5;
	v13 =	vmax.f32 v13, $0.0e+00;
	[tilespmem:s4+$0x10260] =	vst v6  }
0x2c0: {  	v4 =	vmax.f32 v4, $0.0e+00;
	v6 =	vsub.f32 v10, v5;
	[tilespmem:s3+$0x10270] =	vst v13  }
0x2c1: {  	[tilespmem:s3+$0x10200] =	vst v4;
	v4 =	vmax.f32 v11, $0.0e+00;
	v9 =	vsub.f32 v9, v5  }
0x2c2: {  	[tilespmem:s3+$0x10210] =	vst v4;
	v4 =	vmax.f32 v6, $0.0e+00;
	v6 =	vsub.f32 v8, v5  }
0x2c3: {  	[tilespmem:s3+$0x10220] =	vst v4;
	v4 =	vmax.f32 v9, $0.0e+00;
	v7 =	vsub.f32 v7, v5  }
0x2c4: {  	[tilespmem:s3+$0x10230] =	vst v4;
	v4 =	vmax.f32 v6, $0.0e+00;
	v5 =	vsub.f32 v12, v5  }
0x2c5: {  	[tilespmem:s3+$0x10240] =	vst v4;
	v4 =	vmax.f32 v7, $0.0e+00  }
0x2c6: {  	[tilespmem:s3+$0x10250] =	vst v4;
	v4 =	vmax.f32 v5, $0.0e+00  }
0x2c7: {  	[tilespmem:s3+$0x10260] =	vst v4;
	s3 =	simm.s32 $0x80  }
0x2c8: {  	[hbm4b:s11+s3] =	stream.strided.scatter [tilespmem:s29], [sflag:$0x5], $0x4000, s20, s3, $0x38;
	[tilespmem:$0x19380] =	vst v63  }
0x2c9: {  	_ = 	snop  }
0x2ca: {  	[hbm4b:s12+s3] =	stream.strided.scatter [tilespmem:s30], [sflag:$0x6], $0x4000, s20, s3, $0x38;
	[tilespmem:$0x19380] =	vst v63  }
0x2cb: {  	_ =	swait.ge [sflag:s22], $0x4000  }
0x2cc: {  	[sflag:s22] =	ssyncset.done $0x0  }
0x2cd: {  	[sflag:s22] =	ssyncadd.s32 $0xFFFFC000  }
0x2ce: {  	_ =	swait.ge [sflag:s23], $0x4000  }
0x2cf: {  	[sflag:s23] =	ssyncset.done $0x0  }
0x2d0: {  	[sflag:s23] =	ssyncadd.s32 $0xFFFFC000  }
0x2d1: {  	[tilespmem:s24], [sflag:$0x3] =	stream.strided.gather [hbm4b:s13+s3], $0x4000, s20, s3, $0x38;
	[tilespmem:$0x19380] =	vst v63  }
0x2d2: {  	s6 =	simm.s32 $0xC100  }
0x2d3: {  	[tilespmem:s6], [sflag:$0x4] =	stream.strided.gather [hbm4b:s14+s3], $0x4000, s20, s3, $0x38;
	[tilespmem:$0x19380] =	vst v63  }
0x2d4: {  	v5 =	vld [tilespmem:s3+$0xFFFFFF90]  }
0x2d5: {  	v6 =	vld [tilespmem:s3+$0xFFFFFF80]  }
0x2d6: {  	v7 =	vld [tilespmem:s3+$0xFFFFFFA0]  }
0x2d7: {  	v9 =	vld [tilespmem:s3+$0xFFFFFFB0]  }
0x2d8: {  	v8 =	vld [tilespmem:s3+$0xFFFFFFC0]  }
0x2d9: {  	v10 =	vld [tilespmem:s3+$0xFFFFFFD0]  }
0x2da: {  	v11 =	vld [tilespmem:s3+$0xFFFFFFE0]  }
0x2db: {  	v12 =	vld [tilespmem:s3+$0xFFFFFFF0]  }
0x2dc: {  	v13 =	vld [tilespmem:s3+$0x0]  }
0x2dd: {  	v14 =	vld [tilespmem:s3+$0x10]  }
0x2de: {  	v15 =	vld [tilespmem:s3+$0x20]  }
0x2df: {  	v16 =	vld [tilespmem:s3+$0x30]  }
0x2e0: {  	v17 =	vld [tilespmem:s3+$0x40]  }
0x2e1: {  	v18 =	vld [tilespmem:s3+$0x50]  }
0x2e2: {  	v19 =	vld [tilespmem:s3+$0x60]  }
0x2e3: {  	s5 =	simm.s32 $0x40;
	s4 =	simm.s32 $0x0;
	v4 =	vimm.f32 $-3.000000010e+38;
	v20 =	vld [tilespmem:s3+$0x70]  }
.LBB2_40:
0x2e4: {  	p0 =	sne.s32 s5, $0x1FC0  }
0x2e5: {  	v5 =	vmax.f32 v6, v5;
	v6 =	vmax.f32 v7, v9  }
0x2e6: {  	v5 =	vmax.f32 v5, v6  }
0x2e7: {  	v7 =	vmax.f32 v11, v12;
	v6 =	vmax.f32 v8, v10;
	v8 =	vmax.f32 v13, v14  }
0x2e8: {  	v9 =	vmax.f32 v15, v16;
	v10 =	vmax.f32 v17, v18;
	v11 =	vmax.f32 v19, v20  }
0x2e9: {  	v6 =	vmax.f32 v6, v7;
	v7 =	vmax.f32 v8, v9;
	v8 =	vmax.f32 v10, v11  }
0x2ea: {  	v5 =	vmax.f32 v5, v6;
	v6 =	vmax.f32 v7, v8  }
0x2eb: {  	s6 =	sshra.s32 s4, $0x2;
	s4 =	smov.u32 s5;
	v5 =	vmax.f32 v5, v6  }
0x2ec: {  	s3 =	sadd.s32 $0x100, s3;
	[tilespmem:s6+$0x18300] =	vst v5;
	v4 =	vmax.f32 v4, v5  }
0x2ed: {  	v5 =	vld [tilespmem:s3+$0xFFFFFF90]  }
0x2ee: {  	v6 =	vld [tilespmem:s3+$0xFFFFFF80]  }
0x2ef: {  	v7 =	vld [tilespmem:s3+$0xFFFFFFA0]  }
0x2f0: {  	v9 =	vld [tilespmem:s3+$0xFFFFFFB0]  }
0x2f1: {  	v8 =	vld [tilespmem:s3+$0xFFFFFFC0]  }
0x2f2: {  	v10 =	vld [tilespmem:s3+$0xFFFFFFD0]  }
0x2f3: {  	v11 =	vld [tilespmem:s3+$0xFFFFFFE0]  }
0x2f4: {  	v12 =	vld [tilespmem:s3+$0xFFFFFFF0]  }
0x2f5: {  	v13 =	vld [tilespmem:s3+$0x0]  }
0x2f6: {  	v14 =	vld [tilespmem:s3+$0x10]  }
0x2f7: {  	v15 =	vld [tilespmem:s3+$0x20]  }
.Ltmp28:
0x2f8: {  	v16 =	vld [tilespmem:s3+$0x30];
	(pc) =	sbr.rel @p0 .LBB2_40-.Ltmp28, $4  }
0x2f9: {  	v17 =	vld [tilespmem:s3+$0x40]  }
0x2fa: {  	v18 =	vld [tilespmem:s3+$0x50]  }
0x2fb: {  	v19 =	vld [tilespmem:s3+$0x60]  }
0x2fc: {  	s5 =	sadd.s32 $0x40, s5;
	v20 =	vld [tilespmem:s3+$0x70]  }
0x2fd: {  	_ =	sdelay $0x1  }
0x2fe: {  	v5 =	vmax.f32 v6, v5;
	v6 =	vmax.f32 v7, v9;
	v7 =	vmax.f32 v11, v12  }
0x2ff: {  	v9 =	vmax.f32 v15, v16;
	v5 =	vmax.f32 v5, v6;
	v6 =	vmax.f32 v8, v10  }
0x300: {  	v8 =	vmax.f32 v13, v14;
	v10 =	vmax.f32 v17, v18;
	v11 =	vmax.f32 v19, v20  }
0x301: {  	v6 =	vmax.f32 v6, v7;
	v7 =	vmax.f32 v8, v9;
	v8 =	vmax.f32 v10, v11  }
0x302: {  	v5 =	vmax.f32 v5, v6;
	v6 =	vmax.f32 v7, v8  }
0x303: {  	v6 =	vmax.f32 v5, v6  }
0x304: {  	v4 =	vmax.f32 v4, v6  }
0x305: {  	(xrf0) =	vmax.scan.msk.f32 $0xffff, v4;
	_ =	sdelay $0x5  }
0x306: {  	v5, _, _ =	vpop (xrf0)  }
0x307: {  	(v2sf) =	vpush v5, $0xF;
	_ =	sdelay $0xe  }
0x308: {  	s3 =	spop (v2sf)  }
0x309: {  	s4 =	sshra.s32 s4, $0x2;
	s3 =	sadd.f32 $-1.000000000e+00, s3  }
0x30a: {  	[tilespmem:s4+$0x18300] =	vst v6;
	s4 =	simm.s32 $0x18300  }
0x30b: {  	s5 =	simm.s32 $0x10;
	v7 =	vimm.s32 $0x0;
	v6 =	vimm.s32 $0x0;
	v8 =	vld [tilespmem:s4+$0x0];
	v4 =	vmov s3;
	s3 =	simm.s32 $0x0  }
.LBB2_42:
0x30c: {  	p0 =	sne.s32 s5, $0x7F0;
	_ =	sdelay $0x3  }
0x30d: {  	vm0 =	vgt.f32 v8, v4  }
0x30e: {  	v8 =	vsel vm0, $0x1, v0;
	v9 =	vmpcnt.ones.xlane vm0  }
0x30f: {  	(xrf0) =	vadd.scan.msk.s32 $0xffff, v8  }
0x310: {  	v7 =	vadd.s32 v7, v9;
	_ =	sdelay $0x3  }
0x311: {  	v8 =	vsel vm0, $0xFFFFFFFF, v0  }
0x312: {  	v8 =	vadd.s32 v8, v6;
	v6 =	vmov v7;
	v9, _, _ =	vpop (xrf0)  }
0x313: {  	v8 =	vadd.s32 v9, v8;
	_ =	sdelay $0x1  }
.Ltmp29:
0x314: {  	(pc) =	sbr.rel @p0 .LBB2_42-.Ltmp29, $4  }
0x315: {  	_ = 	snop  }
0x316: {  	v9 =	vor.u32 s3, v1;
	s3 =	smov.u32 s5  }
0x317: {  	s4 =	sadd.s32 $0x10, s4;
	[tilespmem:v8+s26+$0x0] =	vst.idx.msk vm0, v9  }
0x318: {  	s5 =	sadd.s32 $0x10, s5;
	v8 =	vld [tilespmem:s4+$0x0]  }
0x319: {  	_ =	sdelay $0x3  }
0x31a: {  	vm0 =	vgt.f32 v8, v4  }
0x31b: {  	v8 =	vmpcnt.ones.xlane vm0;
	_ =	sdelay $0x1  }
0x31c: {  	v9 =	vsel vm0, $0x1, v0;
	v7 =	vadd.s32 v7, v8  }
0x31d: {  	(xrf0) =	vadd.scan.msk.s32 $0xffff, v9;
	v7 =	vxor.u32 $0x80000000, v7  }
0x31e: {  	(xrf0) =	vmax.scan.msk.u32 $0xffff, v7;
	_ =	sdelay $0x4  }
0x31f: {  	v7, _, _ =	vpop (xrf0)  }
0x320: {  	v61, _, _ =	vpop (xrf0)  }
0x321: {  	(v2sf) =	vpush v61, $0xF;
	_ =	sdelay $0xd  }
0x322: {  	v62 =	vsel vm0, $0xFFFFFFFF, v0  }
0x323: {  	v6 =	vadd.s32 v62, v6;
	s4 =	spop (v2sf)  }
0x324: {  	v6 =	vadd.s32 v7, v6;
	s5 =	sxor.u32 $0x80000000, s4  }
0x325: {  	v7 =	vadd.s32 s5, v1;
	_ =	sdelay $0x2  }
0x326: {  	v63 =	vor.u32 s3, v1  }
0x327: {  	s3 =	simm.s32 $0x18B00;
	[tilespmem:v6+s26+$0x0] =	vst.idx.msk vm0, v63;
	s4 =	sadd.s32 $0x8000000F, s4  }
0x328: {  	s4 =	sshrl.u32 s4, $0x4;
	[tilespmem:v7+s3+$0x0] =	vst.idx.msk $0xffff, v2  }
0x329: {  	p0 =	seq.s32 s4, $0x0;
	_ =	swait.ge [sflag:s1], $0x4000  }
.Ltmp30:
0x32a: {  	[sflag:s1] =	ssyncset.done $0x0;
	(pc) =	sbr.rel @p0 .LBB2_47-.Ltmp30, $4  }
0x32b: {  	[sflag:s1] =	ssyncadd.s32 $0xFFFFC000  }
0x32c: {  	_ =	swait.ge [sflag:s21], $0x4000  }
0x32d: {  	[sflag:s21] =	ssyncset.done $0x0  }
0x32e: {  	s5 =	simm.s32 $0x10280;
	[sflag:s21] =	ssyncadd.s32 $0xFFFFC000  }
0x32f: {  	v6 =	vld [tilespmem:s3+$0x0];
	_ =	sdelay $0x4  }
0x330: {  	v7 =	vshll.u32 v6, $0x4  }
0x331: {  	v6 =	vand.u32 $0xF, v6;
	v8 =	vand.u32 $0xFFFFFF00, v7  }
0x332: {  	v8 =	vor.u32 v6, v8;
	_ =	sdelay $0x4  }
0x333: {  	v9 =	vld.idx.msk [tilespmem:v8+s2+$0x0], $0xffff  }
0x334: {  	v10 =	vor.u32 $0x10, v8;
	_ =	sdelay $0x3  }
0x335: {  	[tilespmem:s5+$0xFFFFFF80] =	vst v9  }
0x336: {  	v9 =	vld.idx.msk [tilespmem:v10+s2+$0x0], $0xffff  }
0x337: {  	v52 =	vor.u32 $0x20, v8;
	_ =	sdelay $0x3  }
0x338: {  	[tilespmem:s5+$0xFFFFFF90] =	vst v9  }
0x339: {  	v9 =	vld.idx.msk [tilespmem:v52+s2+$0x0], $0xffff  }
0x33a: {  	v53 =	vor.u32 $0x30, v8;
	_ =	sdelay $0x3  }
0x33b: {  	[tilespmem:s5+$0xFFFFFFA0] =	vst v9  }
0x33c: {  	v9 =	vld.idx.msk [tilespmem:v53+s2+$0x0], $0xffff  }
0x33d: {  	v54 =	vor.u32 $0x40, v8;
	_ =	sdelay $0x3  }
0x33e: {  	[tilespmem:s5+$0xFFFFFFB0] =	vst v9  }
0x33f: {  	v9 =	vld.idx.msk [tilespmem:v54+s2+$0x0], $0xffff  }
0x340: {  	v55 =	vor.u32 $0x50, v8;
	_ =	sdelay $0x3  }
0x341: {  	[tilespmem:s5+$0xFFFFFFC0] =	vst v9  }
0x342: {  	v9 =	vld.idx.msk [tilespmem:v55+s2+$0x0], $0xffff  }
0x343: {  	v56 =	vor.u32 $0x60, v8;
	_ =	sdelay $0x3  }
0x344: {  	[tilespmem:s5+$0xFFFFFFD0] =	vst v9  }
0x345: {  	v9 =	vld.idx.msk [tilespmem:v56+s2+$0x0], $0xffff  }
0x346: {  	v57 =	vor.u32 $0x70, v8;
	_ =	sdelay $0x3  }
0x347: {  	[tilespmem:s5+$0xFFFFFFE0] =	vst v9  }
0x348: {  	v9 =	vld.idx.msk [tilespmem:v57+s2+$0x0], $0xffff  }
0x349: {  	v58 =	vor.u32 $0x80, v8;
	_ =	sdelay $0x3  }
0x34a: {  	[tilespmem:s5+$0xFFFFFFF0] =	vst v9  }
0x34b: {  	v9 =	vld.idx.msk [tilespmem:v58+s2+$0x0], $0xffff  }
0x34c: {  	v59 =	vor.u32 $0x90, v8;
	_ =	sdelay $0x3  }
0x34d: {  	[tilespmem:s5+$0x0] =	vst v9  }
0x34e: {  	v9 =	vld.idx.msk [tilespmem:v59+s2+$0x0], $0xffff  }
0x34f: {  	v60 =	vor.u32 $0xA0, v8;
	_ =	sdelay $0x3  }
0x350: {  	[tilespmem:s5+$0x10] =	vst v9  }
0x351: {  	v9 =	vld.idx.msk [tilespmem:v60+s2+$0x0], $0xffff  }
0x352: {  	v61 =	vor.u32 $0xB0, v8;
	_ =	sdelay $0x3  }
0x353: {  	[tilespmem:s5+$0x20] =	vst v9  }
0x354: {  	v9 =	vld.idx.msk [tilespmem:v61+s2+$0x0], $0xffff  }
0x355: {  	v62 =	vor.u32 $0xC0, v8;
	_ =	sdelay $0x3  }
0x356: {  	[tilespmem:s5+$0x30] =	vst v9  }
0x357: {  	v9 =	vld.idx.msk [tilespmem:v62+s2+$0x0], $0xffff  }
0x358: {  	v63 =	vor.u32 $0xD0, v8;
	_ =	sdelay $0x3  }
0x359: {  	[tilespmem:s5+$0x40] =	vst v9  }
0x35a: {  	v9 =	vld.idx.msk [tilespmem:v63+s2+$0x0], $0xffff  }
0x35b: {  	v8 =	vor.u32 $0xE0, v8;
	_ =	sdelay $0x3  }
0x35c: {  	[tilespmem:s5+$0x50] =	vst v9  }
0x35d: {  	v6 =	vor.u32 v7, v6;
	v7 =	vld.idx.msk [tilespmem:v8+s2+$0x0], $0xffff  }
0x35e: {  	p1 =	sne.s32 s4, $0x1;
	v6 =	vor.u32 $0xF0, v6  }
.Ltmp31:
0x35f: {  	_ = 	snop;
	(pc) =	sbr.rel @!p1 .LBB2_46-.Ltmp31, $3  }
0x360: {  	_ =	sdelay $0x1  }
0x361: {  	[tilespmem:s5+$0x60] =	vst v7  }
0x362: {  	s6 =	sadd.s32 $0xFFFFFFFF, s4;
	v6 =	vld.idx.msk [tilespmem:v6+s2+$0x0], $0xffff  }
.LBB2_45:
0x363: {  	_ =	sdelay $0x3  }
0x364: {  	p1 =	sne.s32 s6, $0x1;
	s3 =	sadd.s32 $0x10, s3;
	[tilespmem:s5+$0x70] =	vst v6;
	s5 =	sadd.s32 $0x100, s5  }
0x365: {  	s6 =	sadd.s32 $0xFFFFFFFF, s6;
	v6 =	vld [tilespmem:s3+$0x0];
	_ =	sdelay $0x4  }
0x366: {  	v8 =	vshll.u32 v6, $0x4  }
0x367: {  	v6 =	vand.u32 $0xF, v6;
	v7 =	vand.u32 $0xFFFFFF00, v8  }
0x368: {  	v7 =	vor.u32 v6, v7;
	v6 =	vor.u32 v8, v6;
	_ =	sdelay $0x4  }
0x369: {  	v8 =	vld.idx.msk [tilespmem:v7+s2+$0x0], $0xffff;
	_ =	sdelay $0x1  }
0x36a: {  	v9 =	vor.u32 $0x10, v7;
	_ =	sdelay $0x3  }
0x36b: {  	[tilespmem:s5+$0xFFFFFF80] =	vst v8  }
0x36c: {  	v8 =	vld.idx.msk [tilespmem:v9+s2+$0x0], $0xffff;
	_ =	sdelay $0x1  }
0x36d: {  	v9 =	vor.u32 $0x20, v7;
	_ =	sdelay $0x3  }
0x36e: {  	[tilespmem:s5+$0xFFFFFF90] =	vst v8  }
0x36f: {  	v8 =	vld.idx.msk [tilespmem:v9+s2+$0x0], $0xffff;
	_ =	sdelay $0x1  }
0x370: {  	v9 =	vor.u32 $0x30, v7;
	_ =	sdelay $0x3  }
0x371: {  	[tilespmem:s5+$0xFFFFFFA0] =	vst v8  }
0x372: {  	v8 =	vld.idx.msk [tilespmem:v9+s2+$0x0], $0xffff;
	_ =	sdelay $0x1  }
0x373: {  	v9 =	vor.u32 $0x40, v7;
	_ =	sdelay $0x3  }
0x374: {  	[tilespmem:s5+$0xFFFFFFB0] =	vst v8  }
0x375: {  	v8 =	vld.idx.msk [tilespmem:v9+s2+$0x0], $0xffff;
	_ =	sdelay $0x1  }
0x376: {  	v9 =	vor.u32 $0x50, v7;
	_ =	sdelay $0x3  }
0x377: {  	[tilespmem:s5+$0xFFFFFFC0] =	vst v8  }
0x378: {  	v8 =	vld.idx.msk [tilespmem:v9+s2+$0x0], $0xffff;
	_ =	sdelay $0x1  }
0x379: {  	v9 =	vor.u32 $0x60, v7;
	_ =	sdelay $0x3  }
0x37a: {  	[tilespmem:s5+$0xFFFFFFD0] =	vst v8  }
0x37b: {  	v8 =	vld.idx.msk [tilespmem:v9+s2+$0x0], $0xffff;
	_ =	sdelay $0x1  }
0x37c: {  	v9 =	vor.u32 $0x70, v7;
	_ =	sdelay $0x3  }
0x37d: {  	[tilespmem:s5+$0xFFFFFFE0] =	vst v8  }
0x37e: {  	v8 =	vld.idx.msk [tilespmem:v9+s2+$0x0], $0xffff;
	_ =	sdelay $0x1  }
0x37f: {  	v9 =	vor.u32 $0x80, v7;
	_ =	sdelay $0x3  }
0x380: {  	[tilespmem:s5+$0xFFFFFFF0] =	vst v8  }
0x381: {  	v8 =	vld.idx.msk [tilespmem:v9+s2+$0x0], $0xffff;
	_ =	sdelay $0x1  }
0x382: {  	v9 =	vor.u32 $0x90, v7;
	_ =	sdelay $0x3  }
0x383: {  	[tilespmem:s5+$0x0] =	vst v8  }
0x384: {  	v8 =	vld.idx.msk [tilespmem:v9+s2+$0x0], $0xffff;
	_ =	sdelay $0x1  }
0x385: {  	v9 =	vor.u32 $0xA0, v7;
	_ =	sdelay $0x3  }
0x386: {  	[tilespmem:s5+$0x10] =	vst v8  }
0x387: {  	v8 =	vld.idx.msk [tilespmem:v9+s2+$0x0], $0xffff;
	_ =	sdelay $0x1  }
0x388: {  	v9 =	vor.u32 $0xB0, v7;
	_ =	sdelay $0x3  }
0x389: {  	[tilespmem:s5+$0x20] =	vst v8  }
0x38a: {  	v8 =	vld.idx.msk [tilespmem:v9+s2+$0x0], $0xffff;
	_ =	sdelay $0x1  }
0x38b: {  	v9 =	vor.u32 $0xC0, v7;
	_ =	sdelay $0x3  }
0x38c: {  	[tilespmem:s5+$0x30] =	vst v8  }
0x38d: {  	v8 =	vld.idx.msk [tilespmem:v9+s2+$0x0], $0xffff;
	_ =	sdelay $0x1  }
0x38e: {  	v9 =	vor.u32 $0xD0, v7;
	_ =	sdelay $0x3  }
0x38f: {  	[tilespmem:s5+$0x40] =	vst v8  }
0x390: {  	v8 =	vld.idx.msk [tilespmem:v9+s2+$0x0], $0xffff;
	_ =	sdelay $0x1  }
0x391: {  	v7 =	vor.u32 $0xE0, v7;
	_ =	sdelay $0x3  }
0x392: {  	[tilespmem:s5+$0x50] =	vst v8  }
0x393: {  	v7 =	vld.idx.msk [tilespmem:v7+s2+$0x0], $0xffff;
	_ =	sdelay $0x1  }
0x394: {  	v6 =	vor.u32 $0xF0, v6  }
.Ltmp32:
0x395: {  	(pc) =	sbr.rel @p1 .LBB2_45-.Ltmp32, $3  }
0x396: {  	_ =	sdelay $0x1  }
0x397: {  	[tilespmem:s5+$0x60] =	vst v7  }
0x398: {  	v6 =	vld.idx.msk [tilespmem:v6+s2+$0x0], $0xffff  }
.LBB2_46:
0x399: {  	_ =	sdelay $0x3  }
0x39a: {  	[tilespmem:s5+$0x70] =	vst v6  }
.LBB2_47:
.Ltmp33:
0x39b: {  	v5 =	vadd.f32 $0.0e+00, v5;
	(pc) =	sbr.rel .LBB2_48-.Ltmp33, $3  }
0x39c: {  	_ =	sdelay $0x1  }
0x39d: {  	s3 =	sshll.u32 s4, $0x1  }
0x39e: {  	s4 =	simm.s32 $0x0;
	s3 =	smax.u32 s3, $0x1;
	v6 =	vbroadcast v5, $0xF;
	v5 =	vmov v4  }
.LBB2_49:
0x39f: {  	v8 =	vimm.f32 $0.0e+00  }
.LBB2_55:
0x3a0: {  	(xrf2) =	vadd.scan.msk.f32 $0xffff, v7  }
0x3a1: {  	(xrf2) =	vadd.scan.msk.f32 $0xffff, v8;
	_ =	sdelay $0x8  }
0x3a2: {  	v7, _, _ =	vpop (xrf2)  }
0x3a3: {  	v8, _, _ =	vpop (xrf2)  }
0x3a4: {  	v8 =	vadd.f32 $0.0e+00, v8;
	_ =	sdelay $0x1  }
0x3a5: {  	v8 =	vbroadcast v8, $0xF;
	_ =	sdelay $0x1  }
0x3a6: {  	v9 =	vmax.f32 v8, $1.000000000e+00  }
0x3a7: {  	(erf) = vrcp.f32 v9;
	_ =	sdelay $0x3  }
0x3a8: {  	v7 =	vadd.f32 $0.0e+00, v7;
	_ =	sdelay $0x1  }
0x3a9: {  	v7 =	vbroadcast v7, $0xF;
	v63 =	vmul.f32 v8, v4;
	_ =	sdelay $0x1  }
0x3aa: {  	v9 =	vsub.f32 v7, v63;
	v7 =	vadd.f32 $-1.000000000e+00, v7  }
0x3ab: {  	v10 =	vpop (erf)  }
0x3ac: {  	vm0 =	vge.f32 v9, $1.000000000e+00;
	v7 =	vmul.f32 v10, v7  }
0x3ad: {  	s4 =	sadd.s32 $0x1, s4;
	v5 =	vsel vm0, v4, v5  }
0x3ae: {  	p1 =	sne.s32 s4, $0xC;
	vm1 =	vgt.f32 v8, $5.000000000e-01;
	v7 =	vmax.f32 v5, v7  }
.Ltmp34:
0x3af: {  	v6 =	vsel vm0, v6, v4;
	v5 =	vsel vm1, v7, v5;
	(pc) =	sbr.rel @!p1 .LBB2_56-.Ltmp34, $2  }
0x3b0: {  	v4 =	vadd.f32 v5, v6;
	_ =	sdelay $0x1  }
0x3b1: {  	v4 =	vmul.f32 $5.000000000e-01, v4;
	_ =	sdelay $0x1  }
.LBB2_48:
.Ltmp35:
0x3b2: {  	(pc) =	sbr.rel @p0 .LBB2_49-.Ltmp35, $2  }
0x3b3: {  	_ =	sdelay $0x2  }
0x3b4: {  	s5 =	simm.s32 $0x10240;
	v7 =	vimm.f32 $0.0e+00  }
0x3b5: {  	p2 =	sne.s32 s3, $0x1  }
.Ltmp36:
0x3b6: {  	_ = 	snop;
	(pc) =	sbr.rel @!p2 .LBB2_51-.Ltmp36, $2  }
0x3b7: {  	_ =	sdelay $0x2  }
0x3b8: {  	v8 =	vld [tilespmem:s5+$0xFFFFFFC0];
	s6 =	sadd.s32 $0xFFFFFFFF, s3;
	p1 =	por $0x0, $0x0  }
0x3b9: {  	_ = 	snop  }
0x3ba: {  	v9 =	vld [tilespmem:s5+$0xFFFFFFD0];
	_ =	sdelay $0x1  }
0x3bb: {  	v10 =	vld [tilespmem:s5+$0xFFFFFFE0]  }
0x3bc: {  	vm0 =	vgt.f32 v8, v4  }
0x3bd: {  	v11 =	vld [tilespmem:s5+$0xFFFFFFF0];
	v8 =	vnsel vm0, $0x0, v8;
	v12 =	vsel vm0, $0x3F800000, v3  }
0x3be: {  	vm11 =	vgt.f32 v9, v4;
	v8 =	vadd.f32 v8, v7;
	v12 =	vadd.f32 v12, v7  }
0x3bf: {  	v13 =	vld [tilespmem:s5+$0x0];
	v9 =	vnsel vm11, $0x0, v9;
	v14 =	vsel vm11, $0x3F800000, v3  }
0x3c0: {  	vm12 =	vgt.f32 v10, v4;
	v8 =	vadd.f32 v9, v8;
	v9 =	vadd.f32 v14, v12  }
0x3c1: {  	v10 =	vnsel vm12, $0x0, v10;
	v14 =	vld [tilespmem:s5+$0x10];
	v12 =	vsel vm12, $0x3F800000, v3  }
0x3c2: {  	p2 =	sne.s32 s6, $0x1;
	vm13 =	vgt.f32 v11, v4;
	v8 =	vadd.f32 v10, v8;
	v10 =	vadd.f32 v12, v9  }
.Ltmp37:
0x3c3: {  	v11 =	vnsel vm13, $0x0, v11;
	v12 =	vsel vm13, $0x3F800000, v3;
	v9 =	vld [tilespmem:s5+$0x20];
	(pc) =	sbr.rel @!p2 .LBB2_54-.Ltmp37, $4  }
0x3c4: {  	vm14 =	vgt.f32 v13, v4;
	v8 =	vadd.f32 v11, v8;
	v12 =	vadd.f32 v12, v10  }
0x3c5: {  	v11 =	vnsel vm14, $0x0, v13;
	v10 =	vld [tilespmem:s5+$0x30];
	v13 =	vsel vm14, $0x3F800000, v3  }
0x3c6: {  	s5 =	sadd.s32 $0x80, s5;
	vm15 =	vgt.f32 v14, v4;
	v11 =	vadd.f32 v11, v8;
	v12 =	vadd.f32 v13, v12  }
0x3c7: {  	s6 =	sadd.s32 $0xFFFFFFFF, s6;
	p1 =	por $0x1, $0x1;
	v8 =	vld [tilespmem:s5+$0xFFFFFFC0];
	v13 =	vnsel vm15, $0x0, v14;
	v14 =	vsel vm15, $0x3F800000, v3  }
.LBB2_53:
0x3c8: {  	p2 =	sne.s32 s6, $0x1;
	v11 =	vadd.f32 v13, v11;
	v12 =	vadd.f32 v14, v12;
	vm0 =	vgt.f32 v9, v4  }
0x3c9: {  	v13 =	vld [tilespmem:s5+$0xFFFFFFD0];
	v9 =	vnsel vm0, $0x0, v9;
	v14 =	vsel vm0, $0x3F800000, v3  }
0x3ca: {  	v9 =	vadd.f32 v9, v11;
	v11 =	vadd.f32 v14, v12;
	vm0 =	vgt.f32 v10, v4  }
0x3cb: {  	v12 =	vld [tilespmem:s5+$0xFFFFFFE0];
	v10 =	vnsel vm0, $0x0, v10;
	v14 =	vsel vm0, $0x3F800000, v3  }
0x3cc: {  	vm0 =	vgt.f32 v8, v4;
	v9 =	vadd.f32 v10, v9;
	v10 =	vadd.f32 v14, v11  }
0x3cd: {  	v8 =	vnsel vm0, $0x0, v8;
	v11 =	vsel vm0, $0x3F800000, v3;
	v14 =	vld [tilespmem:s5+$0xFFFFFFF0]  }
0x3ce: {  	v8 =	vadd.f32 v8, v9;
	v9 =	vadd.f32 v11, v10;
	vm0 =	vgt.f32 v13, v4  }
0x3cf: {  	v10 =	vnsel vm0, $0x0, v13;
	v11 =	vsel vm0, $0x3F800000, v3;
	v13 =	vld [tilespmem:s5+$0x0]  }
0x3d0: {  	v8 =	vadd.f32 v10, v8;
	v9 =	vadd.f32 v11, v9;
	vm0 =	vgt.f32 v12, v4  }
0x3d1: {  	v10 =	vnsel vm0, $0x0, v12;
	v11 =	vsel vm0, $0x3F800000, v3;
	v15 =	vld [tilespmem:s5+$0x10]  }
0x3d2: {  	v8 =	vadd.f32 v10, v8;
	v10 =	vadd.f32 v11, v9;
	vm0 =	vgt.f32 v14, v4  }
.Ltmp38:
0x3d3: {  	v11 =	vnsel vm0, $0x0, v14;
	v12 =	vsel vm0, $0x3F800000, v3;
	v9 =	vld [tilespmem:s5+$0x20];
	(pc) =	sbr.rel @p2 .LBB2_53-.Ltmp38, $4  }
0x3d4: {  	v8 =	vadd.f32 v11, v8;
	v12 =	vadd.f32 v12, v10;
	vm0 =	vgt.f32 v13, v4  }
0x3d5: {  	v11 =	vnsel vm0, $0x0, v13;
	v13 =	vsel vm0, $0x3F800000, v3;
	v10 =	vld [tilespmem:s5+$0x30]  }
0x3d6: {  	s5 =	sadd.s32 $0x80, s5;
	v11 =	vadd.f32 v11, v8;
	v12 =	vadd.f32 v13, v12;
	vm0 =	vgt.f32 v15, v4  }
0x3d7: {  	s6 =	sadd.s32 $0xFFFFFFFF, s6;
	v8 =	vld [tilespmem:s5+$0xFFFFFFC0];
	v13 =	vnsel vm0, $0x0, v15;
	v14 =	vsel vm0, $0x3F800000, v3  }
.LBB2_54:
0x3d8: {  	v11 =	vadd.f32 @p1 v13, v11;
	vm0 =	vgt.f32 @p1 v9, v4  }
0x3d9: {  	v12 =	vadd.f32 @p1 v14, v12;
	v9 =	vnsel @p1 vm0, $0x0, v9  }
0x3da: {  	v59 =	vld [tilespmem:s5+$0xFFFFFFD0];
	v13 =	vsel @p1 vm0, $0x3F800000, v3;
	v9 =	vadd.f32 @p1 v9, v11;
	vm0 =	vgt.f32 @p1 v10, v4  }
0x3db: {  	v11 =	vadd.f32 @p1 v13, v12;
	v10 =	vnsel @p1 vm0, $0x0, v10  }
0x3dc: {  	v60 =	vld [tilespmem:s5+$0xFFFFFFE0];
	v12 =	vsel @p1 vm0, $0x3F800000, v3;
	v9 =	vadd.f32 @p1 v10, v9  }
0x3dd: {  	vm8 =	vgt.f32 v8, v4;
	v10 =	vadd.f32 @p1 v12, v11  }
0x3de: {  	v61 =	vld [tilespmem:s5+$0xFFFFFFF0];
	v8 =	vnsel vm8, $0x0, v8;
	v11 =	vsel vm8, $0x3F800000, v3;
	v9 =	vpsel p1, v9, v7  }
0x3df: {  	vm9 =	vgt.f32 v59, v4;
	v7 =	vpsel p1, v10, v7;
	v8 =	vadd.f32 v8, v9  }
0x3e0: {  	v7 =	vadd.f32 v11, v7;
	v9 =	vnsel vm9, $0x0, v59;
	v11 =	vld [tilespmem:s5+$0x0]  }
0x3e1: {  	vm10 =	vgt.f32 v60, v4;
	v10 =	vsel vm9, $0x3F800000, v3;
	v8 =	vadd.f32 v9, v8  }
0x3e2: {  	v62 =	vld [tilespmem:s5+$0x10];
	v7 =	vadd.f32 v10, v7;
	v9 =	vnsel vm10, $0x0, v60  }
0x3e3: {  	vm11 =	vgt.f32 v61, v4;
	v10 =	vsel vm10, $0x3F800000, v3;
	v8 =	vadd.f32 v9, v8  }
0x3e4: {  	v63 =	vld [tilespmem:s5+$0x20];
	v7 =	vadd.f32 v10, v7;
	v9 =	vnsel vm11, $0x0, v61  }
0x3e5: {  	v10 =	vsel vm11, $0x3F800000, v3;
	vm12 =	vgt.f32 v11, v4;
	v8 =	vadd.f32 v9, v8  }
0x3e6: {  	v7 =	vadd.f32 v10, v7;
	v9 =	vnsel vm12, $0x0, v11;
	v11 =	vld [tilespmem:s5+$0x30]  }
0x3e7: {  	vm13 =	vgt.f32 v62, v4;
	v10 =	vsel vm12, $0x3F800000, v3;
	v8 =	vadd.f32 v9, v8  }
0x3e8: {  	v7 =	vadd.f32 v10, v7;
	v9 =	vnsel vm13, $0x0, v62  }
0x3e9: {  	vm14 =	vgt.f32 v63, v4;
	v10 =	vsel vm13, $0x3F800000, v3;
	v8 =	vadd.f32 v9, v8  }
.Ltmp39:
0x3ea: {  	v7 =	vadd.f32 v10, v7;
	v9 =	vnsel vm14, $0x0, v63;
	(pc) =	sbr.rel .LBB2_55-.Ltmp39, $4  }
0x3eb: {  	v10 =	vsel vm14, $0x3F800000, v3;
	vm15 =	vgt.f32 v11, v4;
	v8 =	vadd.f32 v9, v8  }
0x3ec: {  	v9 =	vadd.f32 v10, v7;
	v7 =	vnsel vm15, $0x0, v11  }
0x3ed: {  	v10 =	vsel vm15, $0x3F800000, v3;
	v7 =	vadd.f32 v7, v8  }
0x3ee: {  	v8 =	vadd.f32 v10, v9  }
.LBB2_51:
.Ltmp40:
0x3ef: {  	(pc) =	sbr.rel .LBB2_54-.Ltmp40, $2  }
0x3f0: {  	_ =	sdelay $0x2  }
0x3f1: {  	_ = 	snop  }
.LBB2_56:
0x3f2: {  	s4 =	simm.s32 $0x0  }
0x3f3: {  	v4 =	vld [tilespmem:s4+$0x70]  }
0x3f4: {  	v7 =	vld [tilespmem:s4+$0x0]  }
0x3f5: {  	v10 =	vld [tilespmem:s4+$0x10]  }
0x3f6: {  	v9 =	vld [tilespmem:s4+$0x20]  }
0x3f7: {  	v8 =	vld [tilespmem:s4+$0x30]  }
0x3f8: {  	v6 =	vld [tilespmem:s4+$0x40];
	v12 =	vsub.f32 v4, v5  }
0x3f9: {  	v4 =	vld [tilespmem:s4+$0x50];
	v11 =	vsub.f32 v7, v5  }
0x3fa: {  	s3 =	simm.s32 $0x80;
	s5 =	simm.s32 $0x400;
	v10 =	vsub.f32 v10, v5;
	v7 =	vld [tilespmem:s4+$0x60];
	v12 =	vmax.f32 v12, $0.0e+00  }
.LBB2_57:
0x3fb: {  	p0 =	sne.s32 s5, $0x1FE00;
	v13 =	vld [tilespmem:s3+$0x70];
	v11 =	vmax.f32 v11, $0.0e+00;
	v9 =	vsub.f32 v9, v5;
	[tilespmem:s4+$0x10270] =	vst v12  }
0x3fc: {  	v12 =	vld [tilespmem:s3+$0x0];
	[tilespmem:s4+$0x10200] =	vst v11;
	v10 =	vmax.f32 v10, $0.0e+00;
	v8 =	vsub.f32 v8, v5  }
0x3fd: {  	v14 =	vld [tilespmem:s3+$0x10];
	[tilespmem:s4+$0x10210] =	vst v10;
	v10 =	vmax.f32 v9, $0.0e+00;
	v6 =	vsub.f32 v6, v5  }
.Ltmp41:
0x3fe: {  	v9 =	vld [tilespmem:s3+$0x20];
	[tilespmem:s4+$0x10220] =	vst v10;
	v10 =	vmax.f32 v8, $0.0e+00;
	v4 =	vsub.f32 v4, v5;
	(pc) =	sbr.rel @p0 .LBB2_57-.Ltmp41, $4  }
0x3ff: {  	v8 =	vld [tilespmem:s3+$0x30];
	[tilespmem:s4+$0x10230] =	vst v10;
	v10 =	vmax.f32 v6, $0.0e+00;
	v7 =	vsub.f32 v7, v5  }
0x400: {  	v6 =	vld [tilespmem:s3+$0x40];
	v13 =	vsub.f32 v13, v5;
	[tilespmem:s4+$0x10240] =	vst v10;
	v10 =	vmax.f32 v4, $0.0e+00  }
0x401: {  	v11 =	vsub.f32 v12, v5;
	v4 =	vld [tilespmem:s3+$0x50];
	[tilespmem:s4+$0x10250] =	vst v10;
	v15 =	vmax.f32 v7, $0.0e+00  }
0x402: {  	v10 =	vsub.f32 v14, v5;
	v7 =	vld [tilespmem:s3+$0x60];
	v12 =	vmax.f32 v13, $0.0e+00;
	[tilespmem:s4+$0x10260] =	vst v15;
	s4 =	smov.u32 s3;
	s3 =	sshra.s32 s5, $0x2;
	s5 =	sadd.s32 $0x200, s5  }
0x403: {  	v13 =	vld [tilespmem:s3+$0x70];
	[tilespmem:s4+$0x10270] =	vst v12;
	v11 =	vmax.f32 v11, $0.0e+00;
	v9 =	vsub.f32 v9, v5  }
0x404: {  	v12 =	vld [tilespmem:s3+$0x0];
	[tilespmem:s4+$0x10200] =	vst v11;
	v10 =	vmax.f32 v10, $0.0e+00;
	v8 =	vsub.f32 v8, v5  }
0x405: {  	v11 =	vld [tilespmem:s3+$0x10];
	[tilespmem:s4+$0x10210] =	vst v10;
	v9 =	vmax.f32 v9, $0.0e+00;
	v6 =	vsub.f32 v6, v5  }
0x406: {  	v10 =	vld [tilespmem:s3+$0x20];
	[tilespmem:s4+$0x10220] =	vst v9;
	v8 =	vmax.f32 v8, $0.0e+00  }
0x407: {  	v4 =	vsub.f32 v4, v5;
	v9 =	vld [tilespmem:s3+$0x30];
	[tilespmem:s4+$0x10230] =	vst v8;
	v6 =	vmax.f32 v6, $0.0e+00  }
0x408: {  	v8 =	vld [tilespmem:s3+$0x40];
	[tilespmem:s4+$0x10240] =	vst v6;
	v6 =	vsub.f32 v7, v5  }
0x409: {  	v4 =	vmax.f32 v4, $0.0e+00;
	v13 =	vsub.f32 v13, v5  }
0x40a: {  	v7 =	vld [tilespmem:s3+$0x50];
	[tilespmem:s4+$0x10250] =	vst v4;
	v4 =	vsub.f32 v12, v5;
	v6 =	vmax.f32 v6, $0.0e+00  }
0x40b: {  	v12 =	vld [tilespmem:s3+$0x60];
	v11 =	vsub.f32 v11, v5;
	v13 =	vmax.f32 v13, $0.0e+00;
	[tilespmem:s4+$0x10260] =	vst v6  }
0x40c: {  	v4 =	vmax.f32 v4, $0.0e+00;
	v6 =	vsub.f32 v10, v5;
	[tilespmem:s3+$0x10270] =	vst v13  }
0x40d: {  	[tilespmem:s3+$0x10200] =	vst v4;
	v4 =	vmax.f32 v11, $0.0e+00;
	v9 =	vsub.f32 v9, v5  }
0x40e: {  	[tilespmem:s3+$0x10210] =	vst v4;
	v4 =	vmax.f32 v6, $0.0e+00;
	v6 =	vsub.f32 v8, v5  }
0x40f: {  	[tilespmem:s3+$0x10220] =	vst v4;
	v4 =	vmax.f32 v9, $0.0e+00;
	v7 =	vsub.f32 v7, v5  }
0x410: {  	[tilespmem:s3+$0x10230] =	vst v4;
	v4 =	vmax.f32 v6, $0.0e+00;
	v5 =	vsub.f32 v12, v5  }
0x411: {  	[tilespmem:s3+$0x10240] =	vst v4;
	v4 =	vmax.f32 v7, $0.0e+00  }
0x412: {  	[tilespmem:s3+$0x10250] =	vst v4;
	v4 =	vmax.f32 v5, $0.0e+00  }
0x413: {  	[tilespmem:s3+$0x10260] =	vst v4  }
0x414: {  	[hbm4b:s15+s28] =	stream.strided.scatter [tilespmem:s29], [sflag:$0x5], $0x4000, s20, s28, $0x38;
	[tilespmem:$0x19380] =	vst v63  }
0x415: {  	_ = 	snop  }
0x416: {  	[hbm4b:s16+s28] =	stream.strided.scatter [tilespmem:s30], [sflag:$0x6], $0x4000, s20, s28, $0x38;
	[tilespmem:$0x19380] =	vst v63  }
0x417: {  	_ =	swait.ge [sflag:s31], $0x4000  }
0x418: {  	[sflag:s31] =	ssyncset.done $0x0  }
0x419: {  	[sflag:s31] =	ssyncadd.s32 $0xFFFFC000  }
0x41a: {  	_ =	swait.ge [sflag:s0], $0x4000  }
0x41b: {  	[sflag:s0] =	ssyncset.done $0x0  }
0x41c: {  	s4 =	simm.s32 $0x8180;
	[sflag:s0] =	ssyncadd.s32 $0xFFFFC000  }
0x41d: {  	v5 =	vld [tilespmem:s4+$0xFFFFFF90]  }
0x41e: {  	v6 =	vld [tilespmem:s4+$0xFFFFFF80]  }
0x41f: {  	v7 =	vld [tilespmem:s4+$0xFFFFFFA0]  }
0x420: {  	v9 =	vld [tilespmem:s4+$0xFFFFFFB0]  }
0x421: {  	v8 =	vld [tilespmem:s4+$0xFFFFFFC0]  }
0x422: {  	v10 =	vld [tilespmem:s4+$0xFFFFFFD0]  }
0x423: {  	v11 =	vld [tilespmem:s4+$0xFFFFFFE0]  }
0x424: {  	v12 =	vld [tilespmem:s4+$0xFFFFFFF0]  }
0x425: {  	v13 =	vld [tilespmem:s4+$0x0]  }
0x426: {  	v14 =	vld [tilespmem:s4+$0x10]  }
0x427: {  	v15 =	vld [tilespmem:s4+$0x20]  }
0x428: {  	v16 =	vld [tilespmem:s4+$0x30]  }
0x429: {  	v17 =	vld [tilespmem:s4+$0x40]  }
0x42a: {  	v18 =	vld [tilespmem:s4+$0x50]  }
0x42b: {  	v19 =	vld [tilespmem:s4+$0x60]  }
0x42c: {  	s5 =	simm.s32 $0x40;
	v4 =	vimm.f32 $-3.000000010e+38;
	s3 =	simm.s32 $0x0;
	v20 =	vld [tilespmem:s4+$0x70]  }
.LBB2_59:
0x42d: {  	p0 =	sne.s32 s5, $0x1FC0  }
0x42e: {  	v5 =	vmax.f32 v6, v5;
	v6 =	vmax.f32 v7, v9  }
0x42f: {  	v5 =	vmax.f32 v5, v6  }
0x430: {  	v7 =	vmax.f32 v11, v12;
	v6 =	vmax.f32 v8, v10;
	v8 =	vmax.f32 v13, v14  }
0x431: {  	v9 =	vmax.f32 v15, v16;
	v10 =	vmax.f32 v17, v18;
	v11 =	vmax.f32 v19, v20  }
0x432: {  	v6 =	vmax.f32 v6, v7;
	v7 =	vmax.f32 v8, v9;
	v8 =	vmax.f32 v10, v11  }
0x433: {  	v5 =	vmax.f32 v5, v6;
	v6 =	vmax.f32 v7, v8  }
0x434: {  	s6 =	sshra.s32 s3, $0x2;
	s3 =	smov.u32 s5;
	v5 =	vmax.f32 v5, v6  }
0x435: {  	s4 =	sadd.s32 $0x100, s4;
	[tilespmem:s6+$0x18300] =	vst v5;
	v4 =	vmax.f32 v4, v5  }
0x436: {  	v5 =	vld [tilespmem:s4+$0xFFFFFF90]  }
0x437: {  	v6 =	vld [tilespmem:s4+$0xFFFFFF80]  }
0x438: {  	v7 =	vld [tilespmem:s4+$0xFFFFFFA0]  }
0x439: {  	v9 =	vld [tilespmem:s4+$0xFFFFFFB0]  }
0x43a: {  	v8 =	vld [tilespmem:s4+$0xFFFFFFC0]  }
0x43b: {  	v10 =	vld [tilespmem:s4+$0xFFFFFFD0]  }
0x43c: {  	v11 =	vld [tilespmem:s4+$0xFFFFFFE0]  }
0x43d: {  	v12 =	vld [tilespmem:s4+$0xFFFFFFF0]  }
0x43e: {  	v13 =	vld [tilespmem:s4+$0x0]  }
0x43f: {  	v14 =	vld [tilespmem:s4+$0x10]  }
0x440: {  	v15 =	vld [tilespmem:s4+$0x20]  }
.Ltmp42:
0x441: {  	v16 =	vld [tilespmem:s4+$0x30];
	(pc) =	sbr.rel @p0 .LBB2_59-.Ltmp42, $4  }
0x442: {  	v17 =	vld [tilespmem:s4+$0x40]  }
0x443: {  	v18 =	vld [tilespmem:s4+$0x50]  }
0x444: {  	v19 =	vld [tilespmem:s4+$0x60]  }
0x445: {  	s5 =	sadd.s32 $0x40, s5;
	v20 =	vld [tilespmem:s4+$0x70]  }
0x446: {  	_ =	sdelay $0x1  }
0x447: {  	v5 =	vmax.f32 v6, v5;
	v6 =	vmax.f32 v7, v9;
	v7 =	vmax.f32 v11, v12  }
0x448: {  	v9 =	vmax.f32 v15, v16;
	v5 =	vmax.f32 v5, v6;
	v6 =	vmax.f32 v8, v10  }
0x449: {  	v8 =	vmax.f32 v13, v14;
	v10 =	vmax.f32 v17, v18;
	v11 =	vmax.f32 v19, v20  }
0x44a: {  	v6 =	vmax.f32 v6, v7;
	v7 =	vmax.f32 v8, v9;
	v8 =	vmax.f32 v10, v11  }
0x44b: {  	v5 =	vmax.f32 v5, v6;
	v6 =	vmax.f32 v7, v8  }
0x44c: {  	v6 =	vmax.f32 v5, v6  }
0x44d: {  	v4 =	vmax.f32 v4, v6  }
0x44e: {  	(xrf0) =	vmax.scan.msk.f32 $0xffff, v4;
	_ =	sdelay $0x5  }
0x44f: {  	v5, _, _ =	vpop (xrf0)  }
0x450: {  	(v2sf) =	vpush v5, $0xF;
	_ =	sdelay $0xe  }
0x451: {  	s4 =	spop (v2sf)  }
0x452: {  	s3 =	sshra.s32 s3, $0x2;
	s5 =	sadd.f32 $-1.000000000e+00, s4  }
0x453: {  	[tilespmem:s3+$0x18300] =	vst v6;
	s4 =	simm.s32 $0x18300  }
0x454: {  	v7 =	vimm.s32 $0x0;
	s3 =	simm.s32 $0x0;
	v6 =	vimm.s32 $0x0;
	v8 =	vld [tilespmem:s4+$0x0];
	v4 =	vmov s5;
	s5 =	simm.s32 $0x10  }
.LBB2_61:
0x455: {  	p0 =	sne.s32 s5, $0x7F0;
	_ =	sdelay $0x3  }
0x456: {  	vm0 =	vgt.f32 v8, v4  }
0x457: {  	v8 =	vsel vm0, $0x1, v0;
	v9 =	vmpcnt.ones.xlane vm0  }
0x458: {  	(xrf0) =	vadd.scan.msk.s32 $0xffff, v8  }
0x459: {  	v7 =	vadd.s32 v7, v9;
	_ =	sdelay $0x3  }
0x45a: {  	v8 =	vsel vm0, $0xFFFFFFFF, v0  }
0x45b: {  	v8 =	vadd.s32 v8, v6;
	v6 =	vmov v7;
	v9, _, _ =	vpop (xrf0)  }
0x45c: {  	v8 =	vadd.s32 v9, v8;
	_ =	sdelay $0x1  }
.Ltmp43:
0x45d: {  	(pc) =	sbr.rel @p0 .LBB2_61-.Ltmp43, $4  }
0x45e: {  	_ = 	snop  }
0x45f: {  	v9 =	vor.u32 s3, v1;
	s3 =	smov.u32 s5  }
0x460: {  	s4 =	sadd.s32 $0x10, s4;
	[tilespmem:v8+s26+$0x0] =	vst.idx.msk vm0, v9  }
0x461: {  	s5 =	sadd.s32 $0x10, s5;
	v8 =	vld [tilespmem:s4+$0x0]  }
0x462: {  	_ =	sdelay $0x3  }
0x463: {  	vm0 =	vgt.f32 v8, v4  }
0x464: {  	v8 =	vmpcnt.ones.xlane vm0;
	_ =	sdelay $0x1  }
0x465: {  	v9 =	vsel vm0, $0x1, v0;
	v7 =	vadd.s32 v7, v8  }
0x466: {  	(xrf0) =	vadd.scan.msk.s32 $0xffff, v9;
	v7 =	vxor.u32 $0x80000000, v7  }
0x467: {  	(xrf0) =	vmax.scan.msk.u32 $0xffff, v7;
	_ =	sdelay $0x4  }
0x468: {  	v7, _, _ =	vpop (xrf0)  }
0x469: {  	v61, _, _ =	vpop (xrf0)  }
0x46a: {  	(v2sf) =	vpush v61, $0xF;
	_ =	sdelay $0xd  }
0x46b: {  	v62 =	vsel vm0, $0xFFFFFFFF, v0  }
0x46c: {  	v6 =	vadd.s32 v62, v6;
	s4 =	spop (v2sf)  }
0x46d: {  	v6 =	vadd.s32 v7, v6;
	s5 =	sxor.u32 $0x80000000, s4  }
0x46e: {  	v7 =	vadd.s32 s5, v1;
	_ =	sdelay $0x2  }
0x46f: {  	v63 =	vor.u32 s3, v1  }
0x470: {  	s3 =	simm.s32 $0x18B00;
	[tilespmem:v6+s26+$0x0] =	vst.idx.msk vm0, v63;
	s4 =	sadd.s32 $0x8000000F, s4  }
0x471: {  	s4 =	sshrl.u32 s4, $0x4;
	[tilespmem:v7+s3+$0x0] =	vst.idx.msk $0xffff, v2  }
0x472: {  	p0 =	seq.s32 s4, $0x0;
	_ =	swait.ge [sflag:s1], $0x4000  }
.Ltmp44:
0x473: {  	[sflag:s1] =	ssyncset.done $0x0;
	(pc) =	sbr.rel @p0 .LBB2_66-.Ltmp44, $4  }
0x474: {  	[sflag:s1] =	ssyncadd.s32 $0xFFFFC000  }
0x475: {  	_ =	swait.ge [sflag:s21], $0x4000  }
0x476: {  	[sflag:s21] =	ssyncset.done $0x0  }
0x477: {  	s5 =	simm.s32 $0x10280;
	[sflag:s21] =	ssyncadd.s32 $0xFFFFC000  }
0x478: {  	v6 =	vld [tilespmem:s3+$0x0];
	_ =	sdelay $0x4  }
0x479: {  	v7 =	vshll.u32 v6, $0x4  }
0x47a: {  	v6 =	vand.u32 $0xF, v6;
	v8 =	vand.u32 $0xFFFFFF00, v7  }
0x47b: {  	v8 =	vor.u32 v6, v8;
	_ =	sdelay $0x4  }
0x47c: {  	v9 =	vld.idx.msk [tilespmem:v8+s24+$0x0], $0xffff  }
0x47d: {  	v10 =	vor.u32 $0x10, v8;
	_ =	sdelay $0x3  }
0x47e: {  	[tilespmem:s5+$0xFFFFFF80] =	vst v9  }
0x47f: {  	v9 =	vld.idx.msk [tilespmem:v10+s24+$0x0], $0xffff  }
0x480: {  	v52 =	vor.u32 $0x20, v8;
	_ =	sdelay $0x3  }
0x481: {  	[tilespmem:s5+$0xFFFFFF90] =	vst v9  }
0x482: {  	v9 =	vld.idx.msk [tilespmem:v52+s24+$0x0], $0xffff  }
0x483: {  	v53 =	vor.u32 $0x30, v8;
	_ =	sdelay $0x3  }
0x484: {  	[tilespmem:s5+$0xFFFFFFA0] =	vst v9  }
0x485: {  	v9 =	vld.idx.msk [tilespmem:v53+s24+$0x0], $0xffff  }
0x486: {  	v54 =	vor.u32 $0x40, v8;
	_ =	sdelay $0x3  }
0x487: {  	[tilespmem:s5+$0xFFFFFFB0] =	vst v9  }
0x488: {  	v9 =	vld.idx.msk [tilespmem:v54+s24+$0x0], $0xffff  }
0x489: {  	v55 =	vor.u32 $0x50, v8;
	_ =	sdelay $0x3  }
0x48a: {  	[tilespmem:s5+$0xFFFFFFC0] =	vst v9  }
0x48b: {  	v9 =	vld.idx.msk [tilespmem:v55+s24+$0x0], $0xffff  }
0x48c: {  	v56 =	vor.u32 $0x60, v8;
	_ =	sdelay $0x3  }
0x48d: {  	[tilespmem:s5+$0xFFFFFFD0] =	vst v9  }
0x48e: {  	v9 =	vld.idx.msk [tilespmem:v56+s24+$0x0], $0xffff  }
0x48f: {  	v57 =	vor.u32 $0x70, v8;
	_ =	sdelay $0x3  }
0x490: {  	[tilespmem:s5+$0xFFFFFFE0] =	vst v9  }
0x491: {  	v9 =	vld.idx.msk [tilespmem:v57+s24+$0x0], $0xffff  }
0x492: {  	v58 =	vor.u32 $0x80, v8;
	_ =	sdelay $0x3  }
0x493: {  	[tilespmem:s5+$0xFFFFFFF0] =	vst v9  }
0x494: {  	v9 =	vld.idx.msk [tilespmem:v58+s24+$0x0], $0xffff  }
0x495: {  	v59 =	vor.u32 $0x90, v8;
	_ =	sdelay $0x3  }
0x496: {  	[tilespmem:s5+$0x0] =	vst v9  }
0x497: {  	v9 =	vld.idx.msk [tilespmem:v59+s24+$0x0], $0xffff  }
0x498: {  	v60 =	vor.u32 $0xA0, v8;
	_ =	sdelay $0x3  }
0x499: {  	[tilespmem:s5+$0x10] =	vst v9  }
0x49a: {  	v9 =	vld.idx.msk [tilespmem:v60+s24+$0x0], $0xffff  }
0x49b: {  	v61 =	vor.u32 $0xB0, v8;
	_ =	sdelay $0x3  }
0x49c: {  	[tilespmem:s5+$0x20] =	vst v9  }
0x49d: {  	v9 =	vld.idx.msk [tilespmem:v61+s24+$0x0], $0xffff  }
0x49e: {  	v62 =	vor.u32 $0xC0, v8;
	_ =	sdelay $0x3  }
0x49f: {  	[tilespmem:s5+$0x30] =	vst v9  }
0x4a0: {  	v9 =	vld.idx.msk [tilespmem:v62+s24+$0x0], $0xffff  }
0x4a1: {  	v63 =	vor.u32 $0xD0, v8;
	_ =	sdelay $0x3  }
0x4a2: {  	[tilespmem:s5+$0x40] =	vst v9  }
0x4a3: {  	v9 =	vld.idx.msk [tilespmem:v63+s24+$0x0], $0xffff  }
0x4a4: {  	v8 =	vor.u32 $0xE0, v8;
	_ =	sdelay $0x3  }
0x4a5: {  	[tilespmem:s5+$0x50] =	vst v9  }
0x4a6: {  	v6 =	vor.u32 v7, v6;
	v7 =	vld.idx.msk [tilespmem:v8+s24+$0x0], $0xffff  }
0x4a7: {  	p1 =	sne.s32 s4, $0x1;
	v6 =	vor.u32 $0xF0, v6  }
.Ltmp45:
0x4a8: {  	_ = 	snop;
	(pc) =	sbr.rel @!p1 .LBB2_65-.Ltmp45, $3  }
0x4a9: {  	_ =	sdelay $0x1  }
0x4aa: {  	[tilespmem:s5+$0x60] =	vst v7  }
0x4ab: {  	s6 =	sadd.s32 $0xFFFFFFFF, s4;
	v6 =	vld.idx.msk [tilespmem:v6+s24+$0x0], $0xffff  }
.LBB2_64:
0x4ac: {  	_ =	sdelay $0x3  }
0x4ad: {  	p1 =	sne.s32 s6, $0x1;
	s3 =	sadd.s32 $0x10, s3;
	[tilespmem:s5+$0x70] =	vst v6;
	s5 =	sadd.s32 $0x100, s5  }
0x4ae: {  	s6 =	sadd.s32 $0xFFFFFFFF, s6;
	v6 =	vld [tilespmem:s3+$0x0];
	_ =	sdelay $0x4  }
0x4af: {  	v8 =	vshll.u32 v6, $0x4  }
0x4b0: {  	v6 =	vand.u32 $0xF, v6;
	v7 =	vand.u32 $0xFFFFFF00, v8  }
0x4b1: {  	v7 =	vor.u32 v6, v7;
	v6 =	vor.u32 v8, v6;
	_ =	sdelay $0x4  }
0x4b2: {  	v8 =	vld.idx.msk [tilespmem:v7+s24+$0x0], $0xffff;
	_ =	sdelay $0x1  }
0x4b3: {  	v9 =	vor.u32 $0x10, v7;
	_ =	sdelay $0x3  }
0x4b4: {  	[tilespmem:s5+$0xFFFFFF80] =	vst v8  }
0x4b5: {  	v8 =	vld.idx.msk [tilespmem:v9+s24+$0x0], $0xffff;
	_ =	sdelay $0x1  }
0x4b6: {  	v9 =	vor.u32 $0x20, v7;
	_ =	sdelay $0x3  }
0x4b7: {  	[tilespmem:s5+$0xFFFFFF90] =	vst v8  }
0x4b8: {  	v8 =	vld.idx.msk [tilespmem:v9+s24+$0x0], $0xffff;
	_ =	sdelay $0x1  }
0x4b9: {  	v9 =	vor.u32 $0x30, v7;
	_ =	sdelay $0x3  }
0x4ba: {  	[tilespmem:s5+$0xFFFFFFA0] =	vst v8  }
0x4bb: {  	v8 =	vld.idx.msk [tilespmem:v9+s24+$0x0], $0xffff;
	_ =	sdelay $0x1  }
0x4bc: {  	v9 =	vor.u32 $0x40, v7;
	_ =	sdelay $0x3  }
0x4bd: {  	[tilespmem:s5+$0xFFFFFFB0] =	vst v8  }
0x4be: {  	v8 =	vld.idx.msk [tilespmem:v9+s24+$0x0], $0xffff;
	_ =	sdelay $0x1  }
0x4bf: {  	v9 =	vor.u32 $0x50, v7;
	_ =	sdelay $0x3  }
0x4c0: {  	[tilespmem:s5+$0xFFFFFFC0] =	vst v8  }
0x4c1: {  	v8 =	vld.idx.msk [tilespmem:v9+s24+$0x0], $0xffff;
	_ =	sdelay $0x1  }
0x4c2: {  	v9 =	vor.u32 $0x60, v7;
	_ =	sdelay $0x3  }
0x4c3: {  	[tilespmem:s5+$0xFFFFFFD0] =	vst v8  }
0x4c4: {  	v8 =	vld.idx.msk [tilespmem:v9+s24+$0x0], $0xffff;
	_ =	sdelay $0x1  }
0x4c5: {  	v9 =	vor.u32 $0x70, v7;
	_ =	sdelay $0x3  }
0x4c6: {  	[tilespmem:s5+$0xFFFFFFE0] =	vst v8  }
0x4c7: {  	v8 =	vld.idx.msk [tilespmem:v9+s24+$0x0], $0xffff;
	_ =	sdelay $0x1  }
0x4c8: {  	v9 =	vor.u32 $0x80, v7;
	_ =	sdelay $0x3  }
0x4c9: {  	[tilespmem:s5+$0xFFFFFFF0] =	vst v8  }
0x4ca: {  	v8 =	vld.idx.msk [tilespmem:v9+s24+$0x0], $0xffff;
	_ =	sdelay $0x1  }
0x4cb: {  	v9 =	vor.u32 $0x90, v7;
	_ =	sdelay $0x3  }
0x4cc: {  	[tilespmem:s5+$0x0] =	vst v8  }
0x4cd: {  	v8 =	vld.idx.msk [tilespmem:v9+s24+$0x0], $0xffff;
	_ =	sdelay $0x1  }
0x4ce: {  	v9 =	vor.u32 $0xA0, v7;
	_ =	sdelay $0x3  }
0x4cf: {  	[tilespmem:s5+$0x10] =	vst v8  }
0x4d0: {  	v8 =	vld.idx.msk [tilespmem:v9+s24+$0x0], $0xffff;
	_ =	sdelay $0x1  }
0x4d1: {  	v9 =	vor.u32 $0xB0, v7;
	_ =	sdelay $0x3  }
0x4d2: {  	[tilespmem:s5+$0x20] =	vst v8  }
0x4d3: {  	v8 =	vld.idx.msk [tilespmem:v9+s24+$0x0], $0xffff;
	_ =	sdelay $0x1  }
0x4d4: {  	v9 =	vor.u32 $0xC0, v7;
	_ =	sdelay $0x3  }
0x4d5: {  	[tilespmem:s5+$0x30] =	vst v8  }
0x4d6: {  	v8 =	vld.idx.msk [tilespmem:v9+s24+$0x0], $0xffff;
	_ =	sdelay $0x1  }
0x4d7: {  	v9 =	vor.u32 $0xD0, v7;
	_ =	sdelay $0x3  }
0x4d8: {  	[tilespmem:s5+$0x40] =	vst v8  }
0x4d9: {  	v8 =	vld.idx.msk [tilespmem:v9+s24+$0x0], $0xffff;
	_ =	sdelay $0x1  }
0x4da: {  	v7 =	vor.u32 $0xE0, v7;
	_ =	sdelay $0x3  }
0x4db: {  	[tilespmem:s5+$0x50] =	vst v8  }
0x4dc: {  	v7 =	vld.idx.msk [tilespmem:v7+s24+$0x0], $0xffff;
	_ =	sdelay $0x1  }
0x4dd: {  	v6 =	vor.u32 $0xF0, v6  }
.Ltmp46:
0x4de: {  	(pc) =	sbr.rel @p1 .LBB2_64-.Ltmp46, $3  }
0x4df: {  	_ =	sdelay $0x1  }
0x4e0: {  	[tilespmem:s5+$0x60] =	vst v7  }
0x4e1: {  	v6 =	vld.idx.msk [tilespmem:v6+s24+$0x0], $0xffff  }
.LBB2_65:
0x4e2: {  	_ =	sdelay $0x3  }
0x4e3: {  	[tilespmem:s5+$0x70] =	vst v6  }
.LBB2_66:
.Ltmp47:
0x4e4: {  	v5 =	vadd.f32 $0.0e+00, v5;
	(pc) =	sbr.rel .LBB2_67-.Ltmp47, $3  }
0x4e5: {  	_ =	sdelay $0x1  }
0x4e6: {  	s3 =	sshll.u32 s4, $0x1  }
0x4e7: {  	s4 =	simm.s32 $0x0;
	s3 =	smax.u32 s3, $0x1;
	v6 =	vbroadcast v5, $0xF;
	v5 =	vmov v4  }
.LBB2_68:
0x4e8: {  	v8 =	vimm.f32 $0.0e+00  }
.LBB2_74:
0x4e9: {  	(xrf2) =	vadd.scan.msk.f32 $0xffff, v7  }
0x4ea: {  	(xrf2) =	vadd.scan.msk.f32 $0xffff, v8;
	_ =	sdelay $0x8  }
0x4eb: {  	v7, _, _ =	vpop (xrf2)  }
0x4ec: {  	v8, _, _ =	vpop (xrf2)  }
0x4ed: {  	v8 =	vadd.f32 $0.0e+00, v8;
	_ =	sdelay $0x1  }
0x4ee: {  	v8 =	vbroadcast v8, $0xF;
	_ =	sdelay $0x1  }
0x4ef: {  	v9 =	vmax.f32 v8, $1.000000000e+00  }
0x4f0: {  	(erf) = vrcp.f32 v9;
	_ =	sdelay $0x3  }
0x4f1: {  	v7 =	vadd.f32 $0.0e+00, v7;
	_ =	sdelay $0x1  }
0x4f2: {  	v7 =	vbroadcast v7, $0xF;
	v63 =	vmul.f32 v8, v4;
	_ =	sdelay $0x1  }
0x4f3: {  	v9 =	vsub.f32 v7, v63;
	v7 =	vadd.f32 $-1.000000000e+00, v7  }
0x4f4: {  	v10 =	vpop (erf)  }
0x4f5: {  	vm0 =	vge.f32 v9, $1.000000000e+00;
	v7 =	vmul.f32 v10, v7  }
0x4f6: {  	s4 =	sadd.s32 $0x1, s4;
	v5 =	vsel vm0, v4, v5  }
0x4f7: {  	p1 =	sne.s32 s4, $0xC;
	vm1 =	vgt.f32 v8, $5.000000000e-01;
	v7 =	vmax.f32 v5, v7  }
.Ltmp48:
0x4f8: {  	v6 =	vsel vm0, v6, v4;
	v5 =	vsel vm1, v7, v5;
	(pc) =	sbr.rel @!p1 .LBB2_75-.Ltmp48, $2  }
0x4f9: {  	v4 =	vadd.f32 v5, v6;
	_ =	sdelay $0x1  }
0x4fa: {  	v4 =	vmul.f32 $5.000000000e-01, v4;
	_ =	sdelay $0x1  }
.LBB2_67:
.Ltmp49:
0x4fb: {  	(pc) =	sbr.rel @p0 .LBB2_68-.Ltmp49, $2  }
0x4fc: {  	_ =	sdelay $0x2  }
0x4fd: {  	s5 =	simm.s32 $0x10240;
	v7 =	vimm.f32 $0.0e+00  }
0x4fe: {  	p2 =	sne.s32 s3, $0x1  }
.Ltmp50:
0x4ff: {  	_ = 	snop;
	(pc) =	sbr.rel @!p2 .LBB2_70-.Ltmp50, $2  }
0x500: {  	_ =	sdelay $0x2  }
0x501: {  	v8 =	vld [tilespmem:s5+$0xFFFFFFC0];
	s6 =	sadd.s32 $0xFFFFFFFF, s3;
	p1 =	por $0x0, $0x0  }
0x502: {  	_ = 	snop  }
0x503: {  	v9 =	vld [tilespmem:s5+$0xFFFFFFD0];
	_ =	sdelay $0x1  }
0x504: {  	v10 =	vld [tilespmem:s5+$0xFFFFFFE0]  }
0x505: {  	vm0 =	vgt.f32 v8, v4  }
0x506: {  	v11 =	vld [tilespmem:s5+$0xFFFFFFF0];
	v8 =	vnsel vm0, $0x0, v8;
	v12 =	vsel vm0, $0x3F800000, v3  }
0x507: {  	vm11 =	vgt.f32 v9, v4;
	v8 =	vadd.f32 v8, v7;
	v12 =	vadd.f32 v12, v7  }
0x508: {  	v13 =	vld [tilespmem:s5+$0x0];
	v9 =	vnsel vm11, $0x0, v9;
	v14 =	vsel vm11, $0x3F800000, v3  }
0x509: {  	vm12 =	vgt.f32 v10, v4;
	v8 =	vadd.f32 v9, v8;
	v9 =	vadd.f32 v14, v12  }
0x50a: {  	v10 =	vnsel vm12, $0x0, v10;
	v14 =	vld [tilespmem:s5+$0x10];
	v12 =	vsel vm12, $0x3F800000, v3  }
0x50b: {  	p2 =	sne.s32 s6, $0x1;
	vm13 =	vgt.f32 v11, v4;
	v8 =	vadd.f32 v10, v8;
	v10 =	vadd.f32 v12, v9  }
.Ltmp51:
0x50c: {  	v11 =	vnsel vm13, $0x0, v11;
	v12 =	vsel vm13, $0x3F800000, v3;
	v9 =	vld [tilespmem:s5+$0x20];
	(pc) =	sbr.rel @!p2 .LBB2_73-.Ltmp51, $4  }
0x50d: {  	vm14 =	vgt.f32 v13, v4;
	v8 =	vadd.f32 v11, v8;
	v12 =	vadd.f32 v12, v10  }
0x50e: {  	v11 =	vnsel vm14, $0x0, v13;
	v10 =	vld [tilespmem:s5+$0x30];
	v13 =	vsel vm14, $0x3F800000, v3  }
0x50f: {  	s5 =	sadd.s32 $0x80, s5;
	vm15 =	vgt.f32 v14, v4;
	v11 =	vadd.f32 v11, v8;
	v12 =	vadd.f32 v13, v12  }
0x510: {  	s6 =	sadd.s32 $0xFFFFFFFF, s6;
	p1 =	por $0x1, $0x1;
	v8 =	vld [tilespmem:s5+$0xFFFFFFC0];
	v13 =	vnsel vm15, $0x0, v14;
	v14 =	vsel vm15, $0x3F800000, v3  }
.LBB2_72:
0x511: {  	p2 =	sne.s32 s6, $0x1;
	v11 =	vadd.f32 v13, v11;
	v12 =	vadd.f32 v14, v12;
	vm0 =	vgt.f32 v9, v4  }
0x512: {  	v13 =	vld [tilespmem:s5+$0xFFFFFFD0];
	v9 =	vnsel vm0, $0x0, v9;
	v14 =	vsel vm0, $0x3F800000, v3  }
0x513: {  	v9 =	vadd.f32 v9, v11;
	v11 =	vadd.f32 v14, v12;
	vm0 =	vgt.f32 v10, v4  }
0x514: {  	v12 =	vld [tilespmem:s5+$0xFFFFFFE0];
	v10 =	vnsel vm0, $0x0, v10;
	v14 =	vsel vm0, $0x3F800000, v3  }
0x515: {  	vm0 =	vgt.f32 v8, v4;
	v9 =	vadd.f32 v10, v9;
	v10 =	vadd.f32 v14, v11  }
0x516: {  	v8 =	vnsel vm0, $0x0, v8;
	v11 =	vsel vm0, $0x3F800000, v3;
	v14 =	vld [tilespmem:s5+$0xFFFFFFF0]  }
0x517: {  	v8 =	vadd.f32 v8, v9;
	v9 =	vadd.f32 v11, v10;
	vm0 =	vgt.f32 v13, v4  }
0x518: {  	v10 =	vnsel vm0, $0x0, v13;
	v11 =	vsel vm0, $0x3F800000, v3;
	v13 =	vld [tilespmem:s5+$0x0]  }
0x519: {  	v8 =	vadd.f32 v10, v8;
	v9 =	vadd.f32 v11, v9;
	vm0 =	vgt.f32 v12, v4  }
0x51a: {  	v10 =	vnsel vm0, $0x0, v12;
	v11 =	vsel vm0, $0x3F800000, v3;
	v15 =	vld [tilespmem:s5+$0x10]  }
0x51b: {  	v8 =	vadd.f32 v10, v8;
	v10 =	vadd.f32 v11, v9;
	vm0 =	vgt.f32 v14, v4  }
.Ltmp52:
0x51c: {  	v11 =	vnsel vm0, $0x0, v14;
	v12 =	vsel vm0, $0x3F800000, v3;
	v9 =	vld [tilespmem:s5+$0x20];
	(pc) =	sbr.rel @p2 .LBB2_72-.Ltmp52, $4  }
0x51d: {  	v8 =	vadd.f32 v11, v8;
	v12 =	vadd.f32 v12, v10;
	vm0 =	vgt.f32 v13, v4  }
0x51e: {  	v11 =	vnsel vm0, $0x0, v13;
	v13 =	vsel vm0, $0x3F800000, v3;
	v10 =	vld [tilespmem:s5+$0x30]  }
0x51f: {  	s5 =	sadd.s32 $0x80, s5;
	v11 =	vadd.f32 v11, v8;
	v12 =	vadd.f32 v13, v12;
	vm0 =	vgt.f32 v15, v4  }
0x520: {  	s6 =	sadd.s32 $0xFFFFFFFF, s6;
	v8 =	vld [tilespmem:s5+$0xFFFFFFC0];
	v13 =	vnsel vm0, $0x0, v15;
	v14 =	vsel vm0, $0x3F800000, v3  }
.LBB2_73:
0x521: {  	v11 =	vadd.f32 @p1 v13, v11;
	vm0 =	vgt.f32 @p1 v9, v4  }
0x522: {  	v12 =	vadd.f32 @p1 v14, v12;
	v9 =	vnsel @p1 vm0, $0x0, v9  }
0x523: {  	v59 =	vld [tilespmem:s5+$0xFFFFFFD0];
	v13 =	vsel @p1 vm0, $0x3F800000, v3;
	v9 =	vadd.f32 @p1 v9, v11;
	vm0 =	vgt.f32 @p1 v10, v4  }
0x524: {  	v11 =	vadd.f32 @p1 v13, v12;
	v10 =	vnsel @p1 vm0, $0x0, v10  }
0x525: {  	v60 =	vld [tilespmem:s5+$0xFFFFFFE0];
	v12 =	vsel @p1 vm0, $0x3F800000, v3;
	v9 =	vadd.f32 @p1 v10, v9  }
0x526: {  	vm8 =	vgt.f32 v8, v4;
	v10 =	vadd.f32 @p1 v12, v11  }
0x527: {  	v61 =	vld [tilespmem:s5+$0xFFFFFFF0];
	v8 =	vnsel vm8, $0x0, v8;
	v11 =	vsel vm8, $0x3F800000, v3;
	v9 =	vpsel p1, v9, v7  }
0x528: {  	vm9 =	vgt.f32 v59, v4;
	v7 =	vpsel p1, v10, v7;
	v8 =	vadd.f32 v8, v9  }
0x529: {  	v7 =	vadd.f32 v11, v7;
	v9 =	vnsel vm9, $0x0, v59;
	v11 =	vld [tilespmem:s5+$0x0]  }
0x52a: {  	vm10 =	vgt.f32 v60, v4;
	v10 =	vsel vm9, $0x3F800000, v3;
	v8 =	vadd.f32 v9, v8  }
0x52b: {  	v62 =	vld [tilespmem:s5+$0x10];
	v7 =	vadd.f32 v10, v7;
	v9 =	vnsel vm10, $0x0, v60  }
0x52c: {  	vm11 =	vgt.f32 v61, v4;
	v10 =	vsel vm10, $0x3F800000, v3;
	v8 =	vadd.f32 v9, v8  }
0x52d: {  	v63 =	vld [tilespmem:s5+$0x20];
	v7 =	vadd.f32 v10, v7;
	v9 =	vnsel vm11, $0x0, v61  }
0x52e: {  	v10 =	vsel vm11, $0x3F800000, v3;
	vm12 =	vgt.f32 v11, v4;
	v8 =	vadd.f32 v9, v8  }
0x52f: {  	v7 =	vadd.f32 v10, v7;
	v9 =	vnsel vm12, $0x0, v11;
	v11 =	vld [tilespmem:s5+$0x30]  }
0x530: {  	vm13 =	vgt.f32 v62, v4;
	v10 =	vsel vm12, $0x3F800000, v3;
	v8 =	vadd.f32 v9, v8  }
0x531: {  	v7 =	vadd.f32 v10, v7;
	v9 =	vnsel vm13, $0x0, v62  }
0x532: {  	vm14 =	vgt.f32 v63, v4;
	v10 =	vsel vm13, $0x3F800000, v3;
	v8 =	vadd.f32 v9, v8  }
.Ltmp53:
0x533: {  	v7 =	vadd.f32 v10, v7;
	v9 =	vnsel vm14, $0x0, v63;
	(pc) =	sbr.rel .LBB2_74-.Ltmp53, $4  }
0x534: {  	v10 =	vsel vm14, $0x3F800000, v3;
	vm15 =	vgt.f32 v11, v4;
	v8 =	vadd.f32 v9, v8  }
0x535: {  	v9 =	vadd.f32 v10, v7;
	v7 =	vnsel vm15, $0x0, v11  }
0x536: {  	v10 =	vsel vm15, $0x3F800000, v3;
	v7 =	vadd.f32 v7, v8  }
0x537: {  	v8 =	vadd.f32 v10, v9  }
.LBB2_70:
.Ltmp54:
0x538: {  	(pc) =	sbr.rel .LBB2_73-.Ltmp54, $2  }
0x539: {  	_ =	sdelay $0x2  }
0x53a: {  	_ = 	snop  }
.LBB2_75:
0x53b: {  	s4 =	simm.s32 $0x0  }
0x53c: {  	v4 =	vld [tilespmem:s4+$0x8170]  }
0x53d: {  	v7 =	vld [tilespmem:s4+$0x8100]  }
0x53e: {  	v10 =	vld [tilespmem:s4+$0x8110]  }
0x53f: {  	v9 =	vld [tilespmem:s4+$0x8120]  }
0x540: {  	v8 =	vld [tilespmem:s4+$0x8130]  }
0x541: {  	v6 =	vld [tilespmem:s4+$0x8140];
	v12 =	vsub.f32 v4, v5  }
0x542: {  	v4 =	vld [tilespmem:s4+$0x8150];
	v11 =	vsub.f32 v7, v5  }
0x543: {  	s3 =	simm.s32 $0x80;
	s5 =	simm.s32 $0x400;
	v10 =	vsub.f32 v10, v5;
	v7 =	vld [tilespmem:s4+$0x8160];
	v12 =	vmax.f32 v12, $0.0e+00  }
.LBB2_76:
0x544: {  	p0 =	sne.s32 s5, $0x1FE00;
	v13 =	vld [tilespmem:s3+$0x8170];
	v11 =	vmax.f32 v11, $0.0e+00;
	v9 =	vsub.f32 v9, v5;
	[tilespmem:s4+$0x10270] =	vst v12  }
0x545: {  	v12 =	vld [tilespmem:s3+$0x8100];
	[tilespmem:s4+$0x10200] =	vst v11;
	v10 =	vmax.f32 v10, $0.0e+00;
	v8 =	vsub.f32 v8, v5  }
0x546: {  	v14 =	vld [tilespmem:s3+$0x8110];
	[tilespmem:s4+$0x10210] =	vst v10;
	v10 =	vmax.f32 v9, $0.0e+00;
	v6 =	vsub.f32 v6, v5  }
.Ltmp55:
0x547: {  	v9 =	vld [tilespmem:s3+$0x8120];
	[tilespmem:s4+$0x10220] =	vst v10;
	v10 =	vmax.f32 v8, $0.0e+00;
	v4 =	vsub.f32 v4, v5;
	(pc) =	sbr.rel @p0 .LBB2_76-.Ltmp55, $4  }
0x548: {  	v8 =	vld [tilespmem:s3+$0x8130];
	[tilespmem:s4+$0x10230] =	vst v10;
	v10 =	vmax.f32 v6, $0.0e+00;
	v7 =	vsub.f32 v7, v5  }
0x549: {  	v6 =	vld [tilespmem:s3+$0x8140];
	v13 =	vsub.f32 v13, v5;
	[tilespmem:s4+$0x10240] =	vst v10;
	v10 =	vmax.f32 v4, $0.0e+00  }
0x54a: {  	v11 =	vsub.f32 v12, v5;
	v4 =	vld [tilespmem:s3+$0x8150];
	[tilespmem:s4+$0x10250] =	vst v10;
	v15 =	vmax.f32 v7, $0.0e+00  }
0x54b: {  	v10 =	vsub.f32 v14, v5;
	v7 =	vld [tilespmem:s3+$0x8160];
	v12 =	vmax.f32 v13, $0.0e+00;
	[tilespmem:s4+$0x10260] =	vst v15;
	s4 =	smov.u32 s3;
	s3 =	sshra.s32 s5, $0x2;
	s5 =	sadd.s32 $0x200, s5  }
0x54c: {  	v13 =	vld [tilespmem:s3+$0x8170];
	[tilespmem:s4+$0x10270] =	vst v12;
	v11 =	vmax.f32 v11, $0.0e+00;
	v9 =	vsub.f32 v9, v5  }
0x54d: {  	v12 =	vld [tilespmem:s3+$0x8100];
	[tilespmem:s4+$0x10200] =	vst v11;
	v10 =	vmax.f32 v10, $0.0e+00;
	v8 =	vsub.f32 v8, v5  }
0x54e: {  	v11 =	vld [tilespmem:s3+$0x8110];
	[tilespmem:s4+$0x10210] =	vst v10;
	v9 =	vmax.f32 v9, $0.0e+00;
	v6 =	vsub.f32 v6, v5  }
0x54f: {  	v10 =	vld [tilespmem:s3+$0x8120];
	[tilespmem:s4+$0x10220] =	vst v9;
	v8 =	vmax.f32 v8, $0.0e+00;
	v4 =	vsub.f32 v4, v5  }
0x550: {  	v9 =	vld [tilespmem:s3+$0x8130];
	[tilespmem:s4+$0x10230] =	vst v8;
	v6 =	vmax.f32 v6, $0.0e+00;
	v59 =	vsub.f32 v7, v5  }
0x551: {  	v8 =	vld [tilespmem:s3+$0x8140];
	[tilespmem:s4+$0x10240] =	vst v6;
	v4 =	vmax.f32 v4, $0.0e+00;
	v13 =	vsub.f32 v13, v5  }
0x552: {  	v60 =	vld [tilespmem:s3+$0x8150];
	[tilespmem:s4+$0x10250] =	vst v4;
	v4 =	vsub.f32 v12, v5;
	v6 =	vmax.f32 v59, $0.0e+00  }
0x553: {  	v61 =	vld [tilespmem:s3+$0x8160];
	v11 =	vsub.f32 v11, v5;
	v13 =	vmax.f32 v13, $0.0e+00;
	[tilespmem:s4+$0x10260] =	vst v6  }
0x554: {  	v4 =	vmax.f32 v4, $0.0e+00;
	v62 =	vsub.f32 v10, v5;
	[tilespmem:s3+$0x10270] =	vst v13  }
0x555: {  	[tilespmem:s3+$0x10200] =	vst v4;
	v4 =	vmax.f32 v11, $0.0e+00;
	v9 =	vsub.f32 v9, v5  }
0x556: {  	[tilespmem:s3+$0x10210] =	vst v4;
	v4 =	vmax.f32 v62, $0.0e+00;
	v63 =	vsub.f32 v8, v5  }
0x557: {  	[tilespmem:s3+$0x10220] =	vst v4;
	v4 =	vmax.f32 v9, $0.0e+00;
	v7 =	vsub.f32 v60, v5  }
0x558: {  	[tilespmem:s3+$0x10230] =	vst v4;
	v4 =	vmax.f32 v63, $0.0e+00;
	v5 =	vsub.f32 v61, v5  }
0x559: {  	[tilespmem:s3+$0x10240] =	vst v4;
	v4 =	vmax.f32 v7, $0.0e+00  }
0x55a: {  	[tilespmem:s3+$0x10250] =	vst v4;
	v4 =	vmax.f32 v5, $0.0e+00  }
0x55b: {  	[tilespmem:s3+$0x10260] =	vst v4  }
0x55c: {  	[hbm4b:s17+s28] =	stream.strided.scatter [tilespmem:s29], [sflag:$0x5], $0x4000, s20, s28, $0x38;
	[tilespmem:$0x19380] =	vst v63  }
0x55d: {  	s25 =	sadd.s32 $0x1, s25  }
0x55e: {  	[hbm4b:s18+s28] =	stream.strided.scatter [tilespmem:s30], [sflag:$0x6], $0x4000, s20, s28, $0x38;
	[tilespmem:$0x19380] =	vst v63  }
0x55f: {  	p0 =	sne.s32 s25, s19;
	_ =	swait.ge [sflag:s1], $0x4000  }
.Ltmp56:
0x560: {  	[sflag:s1] =	ssyncset.done $0x0;
	(pc) =	sbr.rel @p0 .LBB2_1-.Ltmp56, $4  }
0x561: {  	[sflag:s1] =	ssyncadd.s32 $0xFFFFC000  }
0x562: {  	_ =	swait.ge [sflag:s21], $0x4000  }
0x563: {  	[sflag:s21] =	ssyncset.done $0x0  }
0x564: {  	[sflag:s21] =	ssyncadd.s32 $0xFFFFC000  }
0x565: {  	_ =	sfence.sel $0x180000  }
0x566: {  	[bflag:$0x0] =	sbarrier.arrive $0xFFFF  }
0x567: {  	_ =	strace $0x90000047  }
0x568: {  	s0 =	stileid.u32;
	[bflag:$0x2] =	sbarrier.arrive $0xFFFF  }
0x569: {  	p0 =	sne.s32 s0, $0x0;
	s0 =	rddreg [dreg:$0x2]  }
0x56a: {  	s0 =	sadd.s32 @!p0 $0x100000, s0  }
0x56b: {  	[sflag:s0] =	ssyncadd.tile.s32 @!p0 $0x1;
	_ =	shalt  }
.Lfunc_end2:
_tile_overlayer_lowered:
.L_overlay_start_2:
0x56c: {  	(tag) =	ssettag $0x2  }
0x56d: {  	s0 =	rddreg [dreg:$0x0];
	s2 =	stileid.u32  }
0x56e: {  	s1 =	rddreg [dreg:$0x1];
	p0 =	sne.s32 s2, $0x0  }
0x56f: {  	s3 =	rddreg [dreg:$0x2];
	[bflag:$0x3] =	sbarrier.arrive $0xFFFF;
	s2 =	simm.s32 @!p0 $0x1C07  }
0x570: {  	[timem:s3], [sflag:s2] =	dma.local @!p0 [hbm:s0], s1  }
0x571: {  	s0 =	simm.s32 @!p0 $0x7  }
0x572: {  	_ =	swait.ge @!p0 [sflag:s0], s1  }
0x573: {  	s1 =	ssub.s32 @!p0 $0x0, s1;
	[sflag:s0] =	ssyncset.done @!p0 $0x0  }
0x574: {  	[sflag:s0] =	ssyncadd.s32 @!p0 s1  }
0x575: {  	[bflag:$0x3] =	sbarrier.arrive $0xFFFF  }
0x576: {  	_ =	shalt  }

</sc_bundles>
